<compile_context>
chip_gen: v7x
topology: tpu7x:2x2x1
jax: 0.10.2.dev20260603
libtpu: 0.0.44.dev20260713+nightly
codegen_flags: <defaults>
</compile_context>

<pallas_src>
import jax
import jax.numpy as jnp
from jax import lax
from jax.experimental import pallas as pl
from jax.experimental.pallas import tpu as pltpu, tpu_sc as plsc

N_NODE = 10000
D_IN = 128
D_OUT = 128
D_EDGE = 16
E = 320000

NC = 2
NS = 16
NW = NC * NS
EW = E // NW
CHUNK = 80
NCHUNK = EW // CHUNK
NPAD = 10240
RPT = NPAD // NS
ZROWS = 80
ZITER = RPT // ZROWS


NPAIR = (NCHUNK - 1) // 2


def _scx_body(xa, xp, src0, dst0, src1, dst1, src2, dst2,
              sx_out, accx, srcb0, dstb0, srcb1, dstb1,
              rows0, rows1, semg0, semg1, semi0, semi1, sem):
    c = lax.axis_index("c")
    s = lax.axis_index("s")
    wid = c * NS + s
    zero16 = jnp.zeros((16,), jnp.float32)
    r0 = s * RPT
    o0 = c * NPAD + s * RPT

    def _one_type(m, src_h, dst_h, x_h):
        def _fill(i, _):
            for j in range(D_IN // 16):
                rows0[i, pl.ds(j * 16, 16)] = zero16
            return 0

        lax.fori_loop(0, ZROWS, _fill, 0)

        @pl.loop(0, ZITER)
        def _zero(k):
            pltpu.async_copy(rows0, accx.at[pl.ds(r0 + k * ZROWS, ZROWS)],
                             sem)

        @pl.loop(0, ZITER)
        def _zero_drain(k):
            pltpu.make_async_copy(
                rows0, accx.at[pl.ds(r0, ZROWS)], sem).wait()

        plsc.subcore_barrier()

        base0 = wid * EW

        def _idx_load(j, srcb, dstb, semi):
            base = jnp.minimum(base0 + j * CHUNK, E - CHUNK)
            pltpu.async_copy(src_h.at[pl.ds(base, CHUNK)], srcb, semi)
            pltpu.async_copy(dst_h.at[pl.ds(base, CHUNK)], dstb, semi)

        def _wait_idx(srcb, dstb, semi):
            pltpu.make_async_copy(src_h.at[pl.ds(0, CHUNK)], srcb, semi).wait()
            pltpu.make_async_copy(dst_h.at[pl.ds(0, CHUNK)], dstb, semi).wait()

        def _scatter(dstb, rows, semg):
            pltpu.make_async_copy(x_h.at[srcb0], rows, semg).wait()
            pltpu.async_copy(rows, accx.at[dstb], sem, add=True).wait()

        _idx_load(0, srcb0, dstb0, semi0)
        _wait_idx(srcb0, dstb0, semi0)
        pltpu.async_copy(x_h.at[srcb0], rows0, semg0)
        _idx_load(1, srcb1, dstb1, semi1)

        @pl.loop(0, NPAIR)
        def _pair(p):
            _wait_idx(srcb1, dstb1, semi1)
            pltpu.async_copy(x_h.at[srcb1], rows1, semg1)
            _scatter(dstb0, rows0, semg0)
            _idx_load(2 * p + 2, srcb0, dstb0, semi0)
            _scatter(dstb1, rows1, semg1)
            _wait_idx(srcb0, dstb0, semi0)
            pltpu.async_copy(x_h.at[srcb0], rows0, semg0)
            _idx_load(2 * p + 3, srcb1, dstb1, semi1)

        _scatter(dstb0, rows0, semg0)
        _wait_idx(srcb1, dstb1, semi1)
        plsc.subcore_barrier()

        @pl.loop(0, ZITER // 2)
        def _dump(q):
            ra, rb = r0 + 2 * q * ZROWS, r0 + (2 * q + 1) * ZROWS
            oa, ob = o0 + 2 * q * ZROWS, o0 + (2 * q + 1) * ZROWS
            pltpu.async_copy(accx.at[pl.ds(ra, ZROWS)], rows0, semg0)
            pltpu.async_copy(accx.at[pl.ds(rb, ZROWS)], rows1, semg1)
            pltpu.make_async_copy(
                accx.at[pl.ds(ra, ZROWS)], rows0, semg0).wait()
            pltpu.async_copy(rows0, sx_out.at[m, pl.ds(oa, ZROWS)], semi0)
            pltpu.make_async_copy(
                accx.at[pl.ds(rb, ZROWS)], rows1, semg1).wait()
            pltpu.async_copy(rows1, sx_out.at[m, pl.ds(ob, ZROWS)], semi1)
            pltpu.make_async_copy(
                rows0, sx_out.at[m, pl.ds(oa, ZROWS)], semi0).wait()
            pltpu.make_async_copy(
                rows1, sx_out.at[m, pl.ds(ob, ZROWS)], semi1).wait()

        plsc.subcore_barrier()

    _one_type(0, src0, dst0, xa)
    _one_type(1, src1, dst1, xp)
    _one_type(2, src2, dst2, xp)


_scx_scatter = pl.kernel(
    _scx_body,
    out_type=jax.ShapeDtypeStruct((3, NC * NPAD, D_IN), jnp.float32),
    mesh=plsc.VectorSubcoreMesh(core_axis_name="c", subcore_axis_name="s"),
    scratch_types=[
        pltpu.VMEM_SHARED((NPAD, D_IN), jnp.float32),
        pltpu.VMEM((CHUNK,), jnp.int32),
        pltpu.VMEM((CHUNK,), jnp.int32),
        pltpu.VMEM((CHUNK,), jnp.int32),
        pltpu.VMEM((CHUNK,), jnp.int32),
        pltpu.VMEM((CHUNK, D_IN), jnp.float32),
        pltpu.VMEM((CHUNK, D_IN), jnp.float32),
        pltpu.SemaphoreType.DMA,
        pltpu.SemaphoreType.DMA,
        pltpu.SemaphoreType.DMA,
        pltpu.SemaphoreType.DMA,
        pltpu.SemaphoreType.DMA,
    ],
    name="hetero_gnn_scx",
)


def _sce_body(dst0, ef0, dst1, ef1, dst2, ef2,
              se_out, acce, dstb0, dstb1, efb16_0, efb16_1, efb0, efb1,
              seme0, seme1, sem):
    c = lax.axis_index("c")
    s = lax.axis_index("s")
    wid = c * NS + s
    zero16 = jnp.zeros((16,), jnp.float32)
    r0 = s * RPT
    o0 = c * NPAD + s * RPT

    def _one_type(m, dst_h, ef_h):
        def _fill(i, _):
            for j in range(D_IN // 16):
                efb0[i, pl.ds(j * 16, 16)] = zero16
                efb1[i, pl.ds(j * 16, 16)] = zero16
            return 0

        lax.fori_loop(0, ZROWS, _fill, 0)

        @pl.loop(0, ZITER)
        def _zero(k):
            pltpu.async_copy(efb0, acce.at[pl.ds(r0 + k * ZROWS, ZROWS)],
                             sem)

        @pl.loop(0, ZITER)
        def _zero_drain(k):
            pltpu.make_async_copy(
                efb0, acce.at[pl.ds(r0, ZROWS)], sem).wait()

        plsc.subcore_barrier()

        base0 = wid * EW

        def _load(j, dstb, efb16, seme):
            base = jnp.minimum(base0 + j * CHUNK, E - CHUNK)
            pltpu.async_copy(ef_h.at[pl.ds(base, CHUNK)], efb16, seme)
            pltpu.async_copy(dst_h.at[pl.ds(base, CHUNK)], dstb, seme)

        def _wait_load(dstb, efb16, seme):
            pltpu.make_async_copy(ef_h.at[pl.ds(0, CHUNK)], efb16, seme).wait()
            pltpu.make_async_copy(dst_h.at[pl.ds(0, CHUNK)], dstb, seme).wait()

        def _finish(dstb, efb16, efb, seme):
            _wait_load(dstb, efb16, seme)

            def _widen(i, _):
                efb[i, pl.ds(0, 16)] = efb16[i, :]
                return 0

            lax.fori_loop(0, CHUNK, _widen, 0, unroll=8)
            pltpu.async_copy(efb, acce.at[dstb], sem, add=True).wait()

        _load(0, dstb0, efb16_0, seme0)
        _load(1, dstb1, efb16_1, seme1)

        @pl.loop(0, NPAIR)
        def _pair(p):
            _finish(dstb0, efb16_0, efb0, seme0)
            _load(2 * p + 2, dstb0, efb16_0, seme0)
            _finish(dstb1, efb16_1, efb1, seme1)
            _load(2 * p + 3, dstb1, efb16_1, seme1)

        _finish(dstb0, efb16_0, efb0, seme0)
        _wait_load(dstb1, efb16_1, seme1)
        plsc.subcore_barrier()

        @pl.loop(0, ZITER // 2)
        def _dump(q):
            ra, rb = r0 + 2 * q * ZROWS, r0 + (2 * q + 1) * ZROWS
            oa, ob = o0 + 2 * q * ZROWS, o0 + (2 * q + 1) * ZROWS
            pltpu.async_copy(acce.at[pl.ds(ra, ZROWS)], efb0, seme0)
            pltpu.async_copy(acce.at[pl.ds(rb, ZROWS)], efb1, seme1)
            pltpu.make_async_copy(
                acce.at[pl.ds(ra, ZROWS)], efb0, seme0).wait()
            pltpu.async_copy(efb0, se_out.at[m, pl.ds(oa, ZROWS)], sem)
            pltpu.make_async_copy(
                acce.at[pl.ds(rb, ZROWS)], efb1, seme1).wait()
            pltpu.async_copy(efb1, se_out.at[m, pl.ds(ob, ZROWS)], sem)
            pltpu.make_async_copy(
                efb0, se_out.at[m, pl.ds(oa, ZROWS)], sem).wait()
            pltpu.make_async_copy(
                efb1, se_out.at[m, pl.ds(ob, ZROWS)], sem).wait()

        plsc.subcore_barrier()

    _one_type(0, dst0, ef0)
    _one_type(1, dst1, ef1)
    _one_type(2, dst2, ef2)


_sce_scatter = pl.kernel(
    _sce_body,
    out_type=jax.ShapeDtypeStruct((3, NC * NPAD, D_IN), jnp.float32),
    mesh=plsc.VectorSubcoreMesh(core_axis_name="c", subcore_axis_name="s"),
    scratch_types=[
        pltpu.VMEM_SHARED((NPAD, D_IN), jnp.float32),
        pltpu.VMEM((CHUNK,), jnp.int32),
        pltpu.VMEM((CHUNK,), jnp.int32),
        pltpu.VMEM((CHUNK, D_EDGE), jnp.float32),
        pltpu.VMEM((CHUNK, D_EDGE), jnp.float32),
        pltpu.VMEM((CHUNK, D_IN), jnp.float32),
        pltpu.VMEM((CHUNK, D_IN), jnp.float32),
        pltpu.SemaphoreType.DMA,
        pltpu.SemaphoreType.DMA,
        pltpu.SemaphoreType.DMA,
    ],
    name="hetero_gnn_sce",
)


def _tc_body(sx, se, xa, xp, wn, we, ws, ba, bp, outa, outp):
    f32 = jnp.float32
    acc = jnp.dot(sx[0, 0] + sx[0, 1], wn[0], preferred_element_type=f32)
    acc += jnp.dot(sx[1, 0] + sx[1, 1], wn[1], preferred_element_type=f32)
    acc += jnp.dot(se[0, 0, :, :D_EDGE] + se[0, 1, :, :D_EDGE], we[0],
                   preferred_element_type=f32)
    acc += jnp.dot(se[1, 0, :, :D_EDGE] + se[1, 1, :, :D_EDGE], we[1],
                   preferred_element_type=f32)
    acc += jnp.dot(xp[...], ws[0] + ws[1], preferred_element_type=f32)
    outp[...] = acc + bp[...]
    acc = jnp.dot(sx[2, 0] + sx[2, 1], wn[2], preferred_element_type=f32)
    acc += jnp.dot(se[2, 0, :, :D_EDGE] + se[2, 1, :, :D_EDGE], we[2],
                   preferred_element_type=f32)
    acc += jnp.dot(xa[...], ws[2], preferred_element_type=f32)
    outa[...] = acc + ba[...]


_BR = 1000


def _tc_combine(sx, se, xa, xp, wn, we, ws, ba, bp):
    nb = N_NODE // _BR
    return pl.pallas_call(
        _tc_body,
        grid=(nb,),
        in_specs=[
            pl.BlockSpec((3, NC, _BR, D_IN), lambda i: (0, 0, i, 0)),
            pl.BlockSpec((3, NC, _BR, D_IN), lambda i: (0, 0, i, 0)),
            pl.BlockSpec((_BR, D_IN), lambda i: (i, 0)),
            pl.BlockSpec((_BR, D_IN), lambda i: (i, 0)),
            pl.BlockSpec((3, D_IN, D_OUT), lambda i: (0, 0, 0)),
            pl.BlockSpec((3, D_EDGE, D_OUT), lambda i: (0, 0, 0)),
            pl.BlockSpec((3, D_IN, D_OUT), lambda i: (0, 0, 0)),
            pl.BlockSpec((1, D_OUT), lambda i: (0, 0)),
            pl.BlockSpec((1, D_OUT), lambda i: (0, 0)),
        ],
        out_specs=[
            pl.BlockSpec((_BR, D_OUT), lambda i: (i, 0)),
            pl.BlockSpec((_BR, D_OUT), lambda i: (i, 0)),
        ],
        out_shape=[
            jax.ShapeDtypeStruct((N_NODE, D_OUT), jnp.float32),
            jax.ShapeDtypeStruct((N_NODE, D_OUT), jnp.float32),
        ],
        name="hetero_gnn_tc_combine",
    )(sx, se, xa, xp, wn, we, ws, ba, bp)


def kernel(x_author, x_paper, edge_index_m0, edge_index_m1, edge_index_m2,
           edge_feat_m0, edge_feat_m1, edge_feat_m2,
           Wn0, Ws0, We0, b0, Wn1, Ws1, We1, b1, Wn2, Ws2, We2, b2):
    i32 = jnp.int32
    src0, dst0 = edge_index_m0[0].astype(i32), edge_index_m0[1].astype(i32)
    src1, dst1 = edge_index_m1[0].astype(i32), edge_index_m1[1].astype(i32)
    src2, dst2 = edge_index_m2[0].astype(i32), edge_index_m2[1].astype(i32)

    sx_p = _scx_scatter(x_author, x_paper, src0, dst0, src1, dst1, src2, dst2)
    se_p = _sce_scatter(dst0, edge_feat_m0, dst1, edge_feat_m1,
                        dst2, edge_feat_m2)
    sx = sx_p.reshape(3, NC, NPAD, D_IN)
    se = se_p.reshape(3, NC, NPAD, D_IN)

    wn = jnp.stack([Wn0, Wn1, Wn2])
    we = jnp.stack([We0, We1, We2])
    ws = jnp.stack([Ws0, Ws1, Ws2])
    ba = b2.reshape(1, D_OUT)
    bp = (b0 + b1).reshape(1, D_OUT)

    emb_author, emb_paper = _tc_combine(sx, se, x_author, x_paper,
                                        wn, we, ws, ba, bp)
    return (emb_author, emb_paper)

# --- scband reference (transcript-rebuilt; emitter-appended) ---
"""Pipeline reference for scband-hetero-gnnwrapper-conv-43903155699854 (READ-ONLY COPY).

The authoritative reference and input builder live on the scoring server;
editing this copy changes nothing except your own understanding.
"""

import jax, jax.numpy as jnp
import numpy as np

N_AUTHOR = 10000
N_PAPER = 10000
D_IN = 128
D_OUT = 128
D_EDGE = 16
E = 320000


def setup_inputs(seed: int = 0) -> dict:
    key = jax.random.key(seed)
    ks = jax.random.split(key, 24)
    inp = {}
    inp["x_author"] = jax.random.normal(ks[0], (N_AUTHOR, D_IN), dtype=jnp.float32)
    inp["x_paper"] = jax.random.normal(ks[1], (N_PAPER, D_IN), dtype=jnp.float32)
    # message type m0: author -> writes -> paper
    inp["edge_index_m0"] = jax.random.randint(ks[2], (2, E), 0, N_AUTHOR, dtype=jnp.int64)
    # message type m1: paper -> cites -> paper
    inp["edge_index_m1"] = jax.random.randint(ks[3], (2, E), 0, N_PAPER, dtype=jnp.int64)
    # message type m2: paper -> rev_writes -> author
    inp["edge_index_m2"] = jax.random.randint(ks[4], (2, E), 0, N_PAPER, dtype=jnp.int64)
    inp["edge_feat_m0"] = jax.random.normal(ks[5], (E, D_EDGE), dtype=jnp.float32)
    inp["edge_feat_m1"] = jax.random.normal(ks[6], (E, D_EDGE), dtype=jnp.float32)
    inp["edge_feat_m2"] = jax.random.normal(ks[7], (E, D_EDGE), dtype=jnp.float32)
    # per-message-type conv parameters (W_neigh, W_self, W_edge, bias)
    for i in range(3):
        inp[f"Wn{i}"] = jax.random.normal(ks[8 + 4 * i], (D_IN, D_OUT), dtype=jnp.float32) * 0.05
        inp[f"Ws{i}"] = jax.random.normal(ks[9 + 4 * i], (D_IN, D_OUT), dtype=jnp.float32) * 0.05
        inp[f"We{i}"] = jax.random.normal(ks[10 + 4 * i], (D_EDGE, D_OUT), dtype=jnp.float32) * 0.05
        inp[f"b{i}"] = jnp.zeros((D_OUT,), dtype=jnp.float32)
    return inp


def _conv(x_neigh, x_self, edge_index, edge_feat, Wn, Ws, We, b):
    # message = W_neigh * x[src] + W_edge * e; scatter-add to dst; plus self transform
    src = edge_index[0]
    dst = edge_index[1]
    msg = jnp.take(x_neigh, src, axis=0) @ Wn + edge_feat @ We
    agg = jax.ops.segment_sum(msg, dst, num_segments=x_self.shape[0])
    return agg + x_self @ Ws + b


def reference(x_author, x_paper, edge_index_m0, edge_index_m1, edge_index_m2,
              edge_feat_m0, edge_feat_m1, edge_feat_m2,
              Wn0, Ws0, We0, b0, Wn1, Ws1, We1, b1, Wn2, Ws2, We2, b2):
    # HeteroConv forward: run each per-message-type conv
    m0 = _conv(x_author, x_paper, edge_index_m0, edge_feat_m0, Wn0, Ws0, We0, b0)  # -> paper
    m1 = _conv(x_paper, x_paper, edge_index_m1, edge_feat_m1, Wn1, Ws1, We1, b1)   # -> paper
    m2 = _conv(x_paper, x_author, edge_index_m2, edge_feat_m2, Wn2, Ws2, We2, b2)  # -> author
    # aggregate per destination node type
    # author: single message type -> pass through
    emb_author = m2
    # paper: two message types -> stack + sum (aggr='add')
    emb_paper = jnp.stack([m0, m1], axis=-1).sum(axis=-1)
    return (emb_author, emb_paper)

if __name__ == "__main__":
    import jax
    _d = setup_inputs()
    print(jax.jit(kernel)(*tuple(_d.values())))

</pallas_src>

<mosaic_0001>
#map = affine_map<(d0, d1) -> (0, 0)>
#map1 = affine_map<(d0, d1) -> (0)>
#map2 = affine_map<(d0, d1) -> (0, 0, 0)>
module attributes {stable_mosaic.version = 14 : i64} {
  func.func @hetero_gnn_scx(%arg0: i32, %arg1: i32, %arg2: memref<10000x128xf32, #tpu.memory_space<hbm>>, %arg3: memref<10000x128xf32, #tpu.memory_space<hbm>>, %arg4: memref<320000xi32, #tpu.memory_space<hbm>>, %arg5: memref<320000xi32, #tpu.memory_space<hbm>>, %arg6: memref<320000xi32, #tpu.memory_space<hbm>>, %arg7: memref<320000xi32, #tpu.memory_space<hbm>>, %arg8: memref<320000xi32, #tpu.memory_space<hbm>>, %arg9: memref<320000xi32, #tpu.memory_space<hbm>>, %arg10: memref<3x20480x128xf32, #tpu.memory_space<hbm>>, %arg11: memref<10240x128xf32, #tpu.memory_space<vmem_shared>>, %arg12: memref<80xi32, #tpu.memory_space<vmem>>, %arg13: memref<80xi32, #tpu.memory_space<vmem>>, %arg14: memref<80xi32, #tpu.memory_space<vmem>>, %arg15: memref<80xi32, #tpu.memory_space<vmem>>, %arg16: memref<80x128xf32, #tpu.memory_space<vmem>>, %arg17: memref<80x128xf32, #tpu.memory_space<vmem>>, %arg18: memref<!tpu.dma_semaphore, #tpu.memory_space<semaphore_mem>>, %arg19: memref<!tpu.dma_semaphore, #tpu.memory_space<semaphore_mem>>, %arg20: memref<!tpu.dma_semaphore, #tpu.memory_space<semaphore_mem>>, %arg21: memref<!tpu.dma_semaphore, #tpu.memory_space<semaphore_mem>>, %arg22: memref<!tpu.dma_semaphore, #tpu.memory_space<semaphore_mem>>) attributes {dimension_semantics = [#tpu.dimension_semantics<core_parallel>, #tpu.dimension_semantics<subcore_parallel>], iteration_bounds = array<i64: 2, 16>, scalar_prefetch = 0 : i64, scratch_operands = 12 : i64, tpu.core_type = #tpu.core_type<sc_vector_subcore>, window_params = [{transform_indices = #map}, {transform_indices = #map}, {transform_indices = #map1}, {transform_indices = #map1}, {transform_indices = #map1}, {transform_indices = #map1}, {transform_indices = #map1}, {transform_indices = #map1}, {transform_indices = #map2}]} {
    %mul3A = arith.constant 16 : i32
    %mul3A_0 = arith.muli %arg0, %mul3A : i32
    %add3A = arith.addi %mul3A_0, %arg1 : i32
    %broadcast_in_dim3A = arith.constant 0.000000e+00 : f32
    %broadcast_in_dim3A_1 = vector.broadcast %broadcast_in_dim3A : f32 to vector<16xf32>
    %mul3A_2 = arith.constant 640 : i32
    %mul3A_3 = arith.muli %arg1, %mul3A_2 : i32
    %mul3A_4 = arith.constant 10240 : i32
    %mul3A_5 = arith.muli %arg0, %mul3A_4 : i32
    %mul3A_6 = arith.constant 640 : i32
    %mul3A_7 = arith.muli %arg1, %mul3A_6 : i32
    %add3A_8 = arith.addi %mul3A_5, %mul3A_7 : i32
    %scan3A = arith.constant 0 : i32
    %scan3A_9 = arith.constant 0 : i32
    %scan3A_10 = arith.constant 80 : i32
    %scan3A_11 = arith.addi %scan3A_9, %scan3A_10 : i32
    %scan3A_12 = arith.constant 1 : i32
    %scan3A_13 = scf.for %scan3A_232 = %scan3A_9 to %scan3A_11 step %scan3A_12 iter_args(%scan3A_233 = %scan3A) -> (i32)  : i32 {
      %swap3A = arith.index_cast %scan3A_232 : i32 to index
      %swap3A_234 = arith.constant 0 : index
      %swap3A_235 = tpu.vector_load %arg16[%swap3A, %swap3A_234] {strides = array<i32>} : memref<80x128xf32, #tpu.memory_space<vmem>>, vector<1x16xf32>,
      %swap3A_236 = vector.shape_cast %swap3A_235 : vector<1x16xf32> to vector<16xf32>
      %swap3A_237 = vector.shape_cast %broadcast_in_dim3A_1 : vector<16xf32> to vector<1x16xf32>
      tpu.vector_store %arg16[%swap3A, %swap3A_234], %swap3A_237 {strides = array<i32>} : memref<80x128xf32, #tpu.memory_space<vmem>>, vector<1x16xf32>,
      %swap3A_238 = arith.index_cast %scan3A_232 : i32 to index
      %swap3A_239 = arith.constant 16 : index
      %swap3A_240 = tpu.vector_load %arg16[%swap3A_238, %swap3A_239] {strides = array<i32>} : memref<80x128xf32, #tpu.memory_space<vmem>>, vector<1x16xf32>,
      %swap3A_241 = vector.shape_cast %swap3A_240 : vector<1x16xf32> to vector<16xf32>
      %swap3A_242 = vector.shape_cast %broadcast_in_dim3A_1 : vector<16xf32> to vector<1x16xf32>
      tpu.vector_store %arg16[%swap3A_238, %swap3A_239], %swap3A_242 {strides = array<i32>} : memref<80x128xf32, #tpu.memory_space<vmem>>, vector<1x16xf32>,
      %swap3A_243 = arith.index_cast %scan3A_232 : i32 to index
      %swap3A_244 = arith.constant 32 : index
      %swap3A_245 = tpu.vector_load %arg16[%swap3A_243, %swap3A_244] {strides = array<i32>} : memref<80x128xf32, #tpu.memory_space<vmem>>, vector<1x16xf32>,
      %swap3A_246 = vector.shape_cast %swap3A_245 : vector<1x16xf32> to vector<16xf32>
      %swap3A_247 = vector.shape_cast %broadcast_in_dim3A_1 : vector<16xf32> to vector<1x16xf32>
      tpu.vector_store %arg16[%swap3A_243, %swap3A_244], %swap3A_247 {strides = array<i32>} : memref<80x128xf32, #tpu.memory_space<vmem>>, vector<1x16xf32>,
      %swap3A_248 = arith.index_cast %scan3A_232 : i32 to index
      %swap3A_249 = arith.constant 48 : index
      %swap3A_250 = tpu.vector_load %arg16[%swap3A_248, %swap3A_249] {strides = array<i32>} : memref<80x128xf32, #tpu.memory_space<vmem>>, vector<1x16xf32>,
      %swap3A_251 = vector.shape_cast %swap3A_250 : vector<1x16xf32> to vector<16xf32>
      %swap3A_252 = vector.shape_cast %broadcast_in_dim3A_1 : vector<16xf32> to vector<1x16xf32>
      tpu.vector_store %arg16[%swap3A_248, %swap3A_249], %swap3A_252 {strides = array<i32>} : memref<80x128xf32, #tpu.memory_space<vmem>>, vector<1x16xf32>,
      %swap3A_253 = arith.index_cast %scan3A_232 : i32 to index
      %swap3A_254 = arith.constant 64 : index
      %swap3A_255 = tpu.vector_load %arg16[%swap3A_253, %swap3A_254] {strides = array<i32>} : memref<80x128xf32, #tpu.memory_space<vmem>>, vector<1x16xf32>,
      %swap3A_256 = vector.shape_cast %swap3A_255 : vector<1x16xf32> to vector<16xf32>
      %swap3A_257 = vector.shape_cast %broadcast_in_dim3A_1 : vector<16xf32> to vector<1x16xf32>
      tpu.vector_store %arg16[%swap3A_253, %swap3A_254], %swap3A_257 {strides = array<i32>} : memref<80x128xf32, #tpu.memory_space<vmem>>, vector<1x16xf32>,
      %swap3A_258 = arith.index_cast %scan3A_232 : i32 to index
      %swap3A_259 = arith.constant 80 : index
      %swap3A_260 = tpu.vector_load %arg16[%swap3A_258, %swap3A_259] {strides = array<i32>} : memref<80x128xf32, #tpu.memory_space<vmem>>, vector<1x16xf32>,
      %swap3A_261 = vector.shape_cast %swap3A_260 : vector<1x16xf32> to vector<16xf32>
      %swap3A_262 = vector.shape_cast %broadcast_in_dim3A_1 : vector<16xf32> to vector<1x16xf32>
      tpu.vector_store %arg16[%swap3A_258, %swap3A_259], %swap3A_262 {strides = array<i32>} : memref<80x128xf32, #tpu.memory_space<vmem>>, vector<1x16xf32>,
      %swap3A_263 = arith.index_cast %scan3A_232 : i32 to index
      %swap3A_264 = arith.constant 96 : index
      %swap3A_265 = tpu.vector_load %arg16[%swap3A_263, %swap3A_264] {strides = array<i32>} : memref<80x128xf32, #tpu.memory_space<vmem>>, vector<1x16xf32>,
      %swap3A_266 = vector.shape_cast %swap3A_265 : vector<1x16xf32> to vector<16xf32>
      %swap3A_267 = vector.shape_cast %broadcast_in_dim3A_1 : vector<16xf32> to vector<1x16xf32>
      tpu.vector_store %arg16[%swap3A_263, %swap3A_264], %swap3A_267 {strides = array<i32>} : memref<80x128xf32, #tpu.memory_space<vmem>>, vector<1x16xf32>,
      %swap3A_268 = arith.index_cast %scan3A_232 : i32 to index
      %swap3A_269 = arith.constant 112 : index
      %swap3A_270 = tpu.vector_load %arg16[%swap3A_268, %swap3A_269] {strides = array<i32>} : memref<80x128xf32, #tpu.memory_space<vmem>>, vector<1x16xf32>,
      %swap3A_271 = vector.shape_cast %swap3A_270 : vector<1x16xf32> to vector<16xf32>
      %swap3A_272 = vector.shape_cast %broadcast_in_dim3A_1 : vector<16xf32> to vector<1x16xf32>
      tpu.vector_store %arg16[%swap3A_268, %swap3A_269], %swap3A_272 {strides = array<i32>} : memref<80x128xf32, #tpu.memory_space<vmem>>, vector<1x16xf32>,
      %scan3A_273 = arith.constant 0 : i32
      scf.yield %scan3A_273 : i32
    }
    %scan3A_14 = arith.constant 80 : i32
    %scan3A_15 = arith.constant 0 : i32
    %scan3A_16 = arith.constant 8 : i32
    %scan3A_17 = arith.addi %scan3A_15, %scan3A_16 : i32
    %scan3A_18 = arith.constant 1 : i32
    scf.for %scan3A_232 = %scan3A_15 to %scan3A_17 step %scan3A_18  : i32 {
      %mul3A_233 = arith.constant 1 : i32
      %mul3A_234 = arith.muli %scan3A_232, %mul3A_233 : i32
      %add3A_235 = arith.constant 0 : i32
      %add3A_236 = arith.addi %add3A_235, %mul3A_234 : i32
      %mul3A_237 = arith.constant 80 : i32
      %mul3A_238 = arith.muli %add3A_236, %mul3A_237 : i32
      %add3A_239 = arith.addi %mul3A_3, %mul3A_238 : i32
      %dma_start3A_240 = arith.constant 0 : i32
      %dma_start3A_241 = tpu.memref_slice %arg11[%add3A_239, %dma_start3A_240] : memref<10240x128xf32, #tpu.memory_space<vmem_shared>> -> memref<80x128xf32, #tpu.memory_space<vmem_shared>>
      %dma_start3A_242 = arith.constant 0 : i32
      %dma_start3A_243 = tpu.memref_slice %arg11[%add3A_239, %dma_start3A_242] : memref<10240x128xf32, #tpu.memory_space<vmem_shared>> -> memref<80x128xf32, #tpu.memory_space<vmem_shared>>
      tpu.enqueue_dma source(%arg16 : memref<80x128xf32, #tpu.memory_space<vmem>>) target(%dma_start3A_243 : memref<80x128xf32, #tpu.memory_space<vmem_shared>>) target_semaphore(%arg22 : memref<!tpu.dma_semaphore, #tpu.memory_space<semaphore_mem>>)
    }
    %scan3A_19 = arith.constant 8 : i32
    %scan3A_20 = arith.constant 0 : i32
    %scan3A_21 = arith.constant 8 : i32
    %scan3A_22 = arith.addi %scan3A_20, %scan3A_21 : i32
    %scan3A_23 = arith.constant 1 : i32
    scf.for %scan3A_232 = %scan3A_20 to %scan3A_22 step %scan3A_23  : i32 {
      %mul3A_233 = arith.constant 1 : i32
      %mul3A_234 = arith.muli %scan3A_232, %mul3A_233 : i32
      %add3A_235 = arith.constant 0 : i32
      %add3A_236 = arith.addi %add3A_235, %mul3A_234 : i32
      %dma_wait3A_237 = arith.constant 0 : i32
      %dma_wait3A_238 = tpu.memref_slice %arg11[%mul3A_3, %dma_wait3A_237] : memref<10240x128xf32, #tpu.memory_space<vmem_shared>> -> memref<80x128xf32, #tpu.memory_space<vmem_shared>>
      %dma_wait3A_239 = arith.constant 0 : i32
      %dma_wait3A_240 = tpu.memref_slice %arg11[%mul3A_3, %dma_wait3A_239] : memref<10240x128xf32, #tpu.memory_space<vmem_shared>> -> memref<80x128xf32, #tpu.memory_space<vmem_shared>>
      tpu.wait_dma2 semaphore(%arg22 : memref<!tpu.dma_semaphore, #tpu.memory_space<semaphore_mem>>) src(%arg16 : memref<80x128xf32, #tpu.memory_space<vmem>>) dst(%dma_wait3A_240 : memref<80x128xf32, #tpu.memory_space<vmem_shared>>)
    }
    %scan3A_24 = arith.constant 8 : i32
    %barrier3A = arith.constant 0 : index
    tpu.barrier barrier_id(%barrier3A)
    %mul3A_25 = arith.constant 10000 : i32
    %mul3A_26 = arith.muli %add3A, %mul3A_25 : i32
    %add3A_27 = arith.constant 0 : i32
    %add3A_28 = arith.addi %mul3A_26, %add3A_27 : i32
    %min3A = arith.constant 319920 : i32
    %min3A_29 = arith.minsi %add3A_28, %min3A : i32
    %dma_start3A = tpu.memref_slice %arg4[%min3A_29] : memref<320000xi32, #tpu.memory_space<hbm>> -> memref<80xi32, #tpu.memory_space<hbm>>
    %dma_start3A_30 = tpu.memref_slice %arg4[%min3A_29] : memref<320000xi32, #tpu.memory_space<hbm>> -> memref<80xi32, #tpu.memory_space<hbm>>
    tpu.enqueue_dma source(%dma_start3A_30 : memref<80xi32, #tpu.memory_space<hbm>>) target(%arg12 : memref<80xi32, #tpu.memory_space<vmem>>) target_semaphore(%arg20 : memref<!tpu.dma_semaphore, #tpu.memory_space<semaphore_mem>>)
    %dma_start3A_31 = tpu.memref_slice %arg5[%min3A_29] : memref<320000xi32, #tpu.memory_space<hbm>> -> memref<80xi32, #tpu.memory_space<hbm>>
    %dma_start3A_32 = tpu.memref_slice %arg5[%min3A_29] : memref<320000xi32, #tpu.memory_space<hbm>> -> memref<80xi32, #tpu.memory_space<hbm>>
    tpu.enqueue_dma source(%dma_start3A_32 : memref<80xi32, #tpu.memory_space<hbm>>) target(%arg13 : memref<80xi32, #tpu.memory_space<vmem>>) target_semaphore(%arg20 : memref<!tpu.dma_semaphore, #tpu.memory_space<semaphore_mem>>)
    %dma_wait3A = arith.constant 0 : i32
    %dma_wait3A_33 = tpu.memref_slice %arg4[%dma_wait3A] : memref<320000xi32, #tpu.memory_space<hbm>> -> memref<80xi32, #tpu.memory_space<hbm>>
    %dma_wait3A_34 = arith.constant 0 : i32
    %dma_wait3A_35 = tpu.memref_slice %arg4[%dma_wait3A_34] : memref<320000xi32, #tpu.memory_space<hbm>> -> memref<80xi32, #tpu.memory_space<hbm>>
    tpu.wait_dma2 semaphore(%arg20 : memref<!tpu.dma_semaphore, #tpu.memory_space<semaphore_mem>>) src(%dma_wait3A_35 : memref<80xi32, #tpu.memory_space<hbm>>) dst(%arg12 : memref<80xi32, #tpu.memory_space<vmem>>)
    %dma_wait3A_36 = arith.constant 0 : i32
    %dma_wait3A_37 = tpu.memref_slice %arg5[%dma_wait3A_36] : memref<320000xi32, #tpu.memory_space<hbm>> -> memref<80xi32, #tpu.memory_space<hbm>>
    %dma_wait3A_38 = arith.constant 0 : i32
    %dma_wait3A_39 = tpu.memref_slice %arg5[%dma_wait3A_38] : memref<320000xi32, #tpu.memory_space<hbm>> -> memref<80xi32, #tpu.memory_space<hbm>>
    tpu.wait_dma2 semaphore(%arg20 : memref<!tpu.dma_semaphore, #tpu.memory_space<semaphore_mem>>) src(%dma_wait3A_39 : memref<80xi32, #tpu.memory_space<hbm>>) dst(%arg13 : memref<80xi32, #tpu.memory_space<vmem>>)
    %dma_start3A_40 = arith.constant 0 : i32
    %dma_start3A_41 = arith.constant 0 : i32
    %dma_start3A_42 = tpu.memref_slice %arg2[%dma_start3A_40, %dma_start3A_41] : memref<10000x128xf32, #tpu.memory_space<hbm>> -> memref<10000x128xf32, #tpu.memory_space<hbm>>
    tpu.enqueue_indirect_dma source(%dma_start3A_42 : memref<10000x128xf32, #tpu.memory_space<hbm>>) target(%arg16 : memref<80x128xf32, #tpu.memory_space<vmem>>) offsets(%arg12 : memref<80xi32, #tpu.memory_space<vmem>>) semaphore(%arg18 : memref<!tpu.dma_semaphore, #tpu.memory_space<semaphore_mem>>)
    %add3A_43 = arith.constant 80 : i32
    %add3A_44 = arith.addi %mul3A_26, %add3A_43 : i32
    %min3A_45 = arith.constant 319920 : i32
    %min3A_46 = arith.minsi %add3A_44, %min3A_45 : i32
    %dma_start3A_47 = tpu.memref_slice %arg4[%min3A_46] : memref<320000xi32, #tpu.memory_space<hbm>> -> memref<80xi32, #tpu.memory_space<hbm>>
    %dma_start3A_48 = tpu.memref_slice %arg4[%min3A_46] : memref<320000xi32, #tpu.memory_space<hbm>> -> memref<80xi32, #tpu.memory_space<hbm>>
    tpu.enqueue_dma source(%dma_start3A_48 : memref<80xi32, #tpu.memory_space<hbm>>) target(%arg14 : memref<80xi32, #tpu.memory_space<vmem>>) target_semaphore(%arg21 : memref<!tpu.dma_semaphore, #tpu.memory_space<semaphore_mem>>)
    %dma_start3A_49 = tpu.memref_slice %arg5[%min3A_46] : memref<320000xi32, #tpu.memory_space<hbm>> -> memref<80xi32, #tpu.memory_space<hbm>>
    %dma_start3A_50 = tpu.memref_slice %arg5[%min3A_46] : memref<320000xi32, #tpu.memory_space<hbm>> -> memref<80xi32, #tpu.memory_space<hbm>>
    tpu.enqueue_dma source(%dma_start3A_50 : memref<80xi32, #tpu.memory_space<hbm>>) target(%arg15 : memref<80xi32, #tpu.memory_space<vmem>>) target_semaphore(%arg21 : memref<!tpu.dma_semaphore, #tpu.memory_space<semaphore_mem>>)
    %scan3A_51 = arith.constant 0 : i32
    %scan3A_52 = arith.constant 62 : i32
    %scan3A_53 = arith.addi %scan3A_51, %scan3A_52 : i32
    %scan3A_54 = arith.constant 1 : i32
    scf.for %scan3A_232 = %scan3A_51 to %scan3A_53 step %scan3A_54  : i32 {
      %mul3A_233 = arith.constant 1 : i32
      %mul3A_234 = arith.muli %scan3A_232, %mul3A_233 : i32
      %add3A_235 = arith.constant 0 : i32
      %add3A_236 = arith.addi %add3A_235, %mul3A_234 : i32
      %dma_wait3A_237 = arith.constant 0 : i32
      %dma_wait3A_238 = tpu.memref_slice %arg4[%dma_wait3A_237] : memref<320000xi32, #tpu.memory_space<hbm>> -> memref<80xi32, #tpu.memory_space<hbm>>
      %dma_wait3A_239 = arith.constant 0 : i32
      %dma_wait3A_240 = tpu.memref_slice %arg4[%dma_wait3A_239] : memref<320000xi32, #tpu.memory_space<hbm>> -> memref<80xi32, #tpu.memory_space<hbm>>
      tpu.wait_dma2 semaphore(%arg21 : memref<!tpu.dma_semaphore, #tpu.memory_space<semaphore_mem>>) src(%dma_wait3A_240 : memref<80xi32, #tpu.memory_space<hbm>>) dst(%arg14 : memref<80xi32, #tpu.memory_space<vmem>>)
      %dma_wait3A_241 = arith.constant 0 : i32
      %dma_wait3A_242 = tpu.memref_slice %arg5[%dma_wait3A_241] : memref<320000xi32, #tpu.memory_space<hbm>> -> memref<80xi32, #tpu.memory_space<hbm>>
      %dma_wait3A_243 = arith.constant 0 : i32
      %dma_wait3A_244 = tpu.memref_slice %arg5[%dma_wait3A_243] : memref<320000xi32, #tpu.memory_space<hbm>> -> memref<80xi32, #tpu.memory_space<hbm>>
      tpu.wait_dma2 semaphore(%arg21 : memref<!tpu.dma_semaphore, #tpu.memory_space<semaphore_mem>>) src(%dma_wait3A_244 : memref<80xi32, #tpu.memory_space<hbm>>) dst(%arg15 : memref<80xi32, #tpu.memory_space<vmem>>)
      %dma_start3A_245 = arith.constant 0 : i32
      %dma_start3A_246 = arith.constant 0 : i32
      %dma_start3A_247 = tpu.memref_slice %arg2[%dma_start3A_245, %dma_start3A_246] : memref<10000x128xf32, #tpu.memory_space<hbm>> -> memref<10000x128xf32, #tpu.memory_space<hbm>>
      tpu.enqueue_indirect_dma source(%dma_start3A_247 : memref<10000x128xf32, #tpu.memory_space<hbm>>) target(%arg17 : memref<80x128xf32, #tpu.memory_space<vmem>>) offsets(%arg14 : memref<80xi32, #tpu.memory_space<vmem>>) semaphore(%arg19 : memref<!tpu.dma_semaphore, #tpu.memory_space<semaphore_mem>>)
      %dma_wait3A_248 = arith.constant 0 : i32
      %dma_wait3A_249 = arith.constant 0 : i32
      %dma_wait3A_250 = tpu.memref_slice %arg2[%dma_wait3A_248, %dma_wait3A_249] : memref<10000x128xf32, #tpu.memory_space<hbm>> -> memref<10000x128xf32, #tpu.memory_space<hbm>>
      tpu.wait_indirect_dma semaphore(%arg18 : memref<!tpu.dma_semaphore, #tpu.memory_space<semaphore_mem>>) src(%dma_wait3A_250 : memref<10000x128xf32, #tpu.memory_space<hbm>>) dst(%arg16 : memref<80x128xf32, #tpu.memory_space<vmem>>)
      %dma_start3A_251 = arith.constant 0 : i32
      %dma_start3A_252 = arith.constant 0 : i32
      %dma_start3A_253 = tpu.memref_slice %arg11[%dma_start3A_251, %dma_start3A_252] : memref<10240x128xf32, #tpu.memory_space<vmem_shared>> -> memref<10240x128xf32, #tpu.memory_space<vmem_shared>>
      tpu.enqueue_indirect_dma source(%arg16 : memref<80x128xf32, #tpu.memory_space<vmem>>) target(%dma_start3A_253 : memref<10240x128xf32, #tpu.memory_space<vmem_shared>>) offsets(%arg13 : memref<80xi32, #tpu.memory_space<vmem>>) semaphore(%arg22 : memref<!tpu.dma_semaphore, #tpu.memory_space<semaphore_mem>>) {add = true}
      %dma_wait3A_254 = arith.constant 0 : i32
      %dma_wait3A_255 = arith.constant 0 : i32
      %dma_wait3A_256 = tpu.memref_slice %arg11[%dma_wait3A_254, %dma_wait3A_255] : memref<10240x128xf32, #tpu.memory_space<vmem_shared>> -> memref<10240x128xf32, #tpu.memory_space<vmem_shared>>
      tpu.wait_indirect_dma semaphore(%arg22 : memref<!tpu.dma_semaphore, #tpu.memory_space<semaphore_mem>>) src(%arg16 : memref<80x128xf32, #tpu.memory_space<vmem>>) dst(%dma_wait3A_256 : memref<10240x128xf32, #tpu.memory_space<vmem_shared>>)
      %mul3A_257 = arith.constant 2 : i32
      %mul3A_258 = arith.muli %mul3A_257, %add3A_236 : i32
      %add3A_259 = arith.constant 2 : i32
      %add3A_260 = arith.addi %mul3A_258, %add3A_259 : i32
      %mul3A_261 = arith.constant 80 : i32
      %mul3A_262 = arith.muli %add3A_260, %mul3A_261 : i32
      %add3A_263 = arith.addi %mul3A_26, %mul3A_262 : i32
      %min3A_264 = arith.constant 319920 : i32
      %min3A_265 = arith.minsi %add3A_263, %min3A_264 : i32
      %dma_start3A_266 = tpu.memref_slice %arg4[%min3A_265] : memref<320000xi32, #tpu.memory_space<hbm>> -> memref<80xi32, #tpu.memory_space<hbm>>
      %dma_start3A_267 = tpu.memref_slice %arg4[%min3A_265] : memref<320000xi32, #tpu.memory_space<hbm>> -> memref<80xi32, #tpu.memory_space<hbm>>
      tpu.enqueue_dma source(%dma_start3A_267 : memref<80xi32, #tpu.memory_space<hbm>>) target(%arg12 : memref<80xi32, #tpu.memory_space<vmem>>) target_semaphore(%arg20 : memref<!tpu.dma_semaphore, #tpu.memory_space<semaphore_mem>>)
      %dma_start3A_268 = tpu.memref_slice %arg5[%min3A_265] : memref<320000xi32, #tpu.memory_space<hbm>> -> memref<80xi32, #tpu.memory_space<hbm>>
      %dma_start3A_269 = tpu.memref_slice %arg5[%min3A_265] : memref<320000xi32, #tpu.memory_space<hbm>> -> memref<80xi32, #tpu.memory_space<hbm>>
      tpu.enqueue_dma source(%dma_start3A_269 : memref<80xi32, #tpu.memory_space<hbm>>) target(%arg13 : memref<80xi32, #tpu.memory_space<vmem>>) target_semaphore(%arg20 : memref<!tpu.dma_semaphore, #tpu.memory_space<semaphore_mem>>)
      %dma_wait3A_270 = arith.constant 0 : i32
      %dma_wait3A_271 = arith.constant 0 : i32
      %dma_wait3A_272 = tpu.memref_slice %arg2[%dma_wait3A_270, %dma_wait3A_271] : memref<10000x128xf32, #tpu.memory_space<hbm>> -> memref<10000x128xf32, #tpu.memory_space<hbm>>
      tpu.wait_indirect_dma semaphore(%arg19 : memref<!tpu.dma_semaphore, #tpu.memory_space<semaphore_mem>>) src(%dma_wait3A_272 : memref<10000x128xf32, #tpu.memory_space<hbm>>) dst(%arg17 : memref<80x128xf32, #tpu.memory_space<vmem>>)
      %dma_start3A_273 = arith.constant 0 : i32
      %dma_start3A_274 = arith.constant 0 : i32
      %dma_start3A_275 = tpu.memref_slice %arg11[%dma_start3A_273, %dma_start3A_274] : memref<10240x128xf32, #tpu.memory_space<vmem_shared>> -> memref<10240x128xf32, #tpu.memory_space<vmem_shared>>
      tpu.enqueue_indirect_dma source(%arg17 : memref<80x128xf32, #tpu.memory_space<vmem>>) target(%dma_start3A_275 : memref<10240x128xf32, #tpu.memory_space<vmem_shared>>) offsets(%arg15 : memref<80xi32, #tpu.memory_space<vmem>>) semaphore(%arg22 : memref<!tpu.dma_semaphore, #tpu.memory_space<semaphore_mem>>) {add = true}
      %dma_wait3A_276 = arith.constant 0 : i32
      %dma_wait3A_277 = arith.constant 0 : i32
      %dma_wait3A_278 = tpu.memref_slice %arg11[%dma_wait3A_276, %dma_wait3A_277] : memref<10240x128xf32, #tpu.memory_space<vmem_shared>> -> memref<10240x128xf32, #tpu.memory_space<vmem_shared>>
      tpu.wait_indirect_dma semaphore(%arg22 : memref<!tpu.dma_semaphore, #tpu.memory_space<semaphore_mem>>) src(%arg17 : memref<80x128xf32, #tpu.memory_space<vmem>>) dst(%dma_wait3A_278 : memref<10240x128xf32, #tpu.memory_space<vmem_shared>>)
      %dma_wait3A_279 = arith.constant 0 : i32
      %dma_wait3A_280 = tpu.memref_slice %arg4[%dma_wait3A_279] : memref<320000xi32, #tpu.memory_space<hbm>> -> memref<80xi32, #tpu.memory_space<hbm>>
      %dma_wait3A_281 = arith.constant 0 : i32
      %dma_wait3A_282 = tpu.memref_slice %arg4[%dma_wait3A_281] : memref<320000xi32, #tpu.memory_space<hbm>> -> memref<80xi32, #tpu.memory_space<hbm>>
      tpu.wait_dma2 semaphore(%arg20 : memref<!tpu.dma_semaphore, #tpu.memory_space<semaphore_mem>>) src(%dma_wait3A_282 : memref<80xi32, #tpu.memory_space<hbm>>) dst(%arg12 : memref<80xi32, #tpu.memory_space<vmem>>)
      %dma_wait3A_283 = arith.constant 0 : i32
      %dma_wait3A_284 = tpu.memref_slice %arg5[%dma_wait3A_283] : memref<320000xi32, #tpu.memory_space<hbm>> -> memref<80xi32, #tpu.memory_space<hbm>>
      %dma_wait3A_285 = arith.constant 0 : i32
      %dma_wait3A_286 = tpu.memref_slice %arg5[%dma_wait3A_285] : memref<320000xi32, #tpu.memory_space<hbm>> -> memref<80xi32, #tpu.memory_space<hbm>>
      tpu.wait_dma2 semaphore(%arg20 : memref<!tpu.dma_semaphore, #tpu.memory_space<semaphore_mem>>) src(%dma_wait3A_286 : memref<80xi32, #tpu.memory_space<hbm>>) dst(%arg13 : memref<80xi32, #tpu.memory_space<vmem>>)
      %dma_start3A_287 = arith.constant 0 : i32
      %dma_start3A_288 = arith.constant 0 : i32
      %dma_start3A_289 = tpu.memref_slice %arg2[%dma_start3A_287, %dma_start3A_288] : memref<10000x128xf32, #tpu.memory_space<hbm>> -> memref<10000x128xf32, #tpu.memory_space<hbm>>
      tpu.enqueue_indirect_dma source(%dma_start3A_289 : memref<10000x128xf32, #tpu.memory_space<hbm>>) target(%arg16 : memref<80x128xf32, #tpu.memory_space<vmem>>) offsets(%arg12 : memref<80xi32, #tpu.memory_space<vmem>>) semaphore(%arg18 : memref<!tpu.dma_semaphore, #tpu.memory_space<semaphore_mem>>)
      %mul3A_290 = arith.constant 2 : i32
      %mul3A_291 = arith.muli %mul3A_290, %add3A_236 : i32
      %add3A_292 = arith.constant 3 : i32
      %add3A_293 = arith.addi %mul3A_291, %add3A_292 : i32
      %mul3A_294 = arith.constant 80 : i32
      %mul3A_295 = arith.muli %add3A_293, %mul3A_294 : i32
      %add3A_296 = arith.addi %mul3A_26, %mul3A_295 : i32
      %min3A_297 = arith.constant 319920 : i32
      %min3A_298 = arith.minsi %add3A_296, %min3A_297 : i32
      %dma_start3A_299 = tpu.memref_slice %arg4[%min3A_298] : memref<320000xi32, #tpu.memory_space<hbm>> -> memref<80xi32, #tpu.memory_space<hbm>>
      %dma_start3A_300 = tpu.memref_slice %arg4[%min3A_298] : memref<320000xi32, #tpu.memory_space<hbm>> -> memref<80xi32, #tpu.memory_space<hbm>>
      tpu.enqueue_dma source(%dma_start3A_300 : memref<80xi32, #tpu.memory_space<hbm>>) target(%arg14 : memref<80xi32, #tpu.memory_space<vmem>>) target_semaphore(%arg21 : memref<!tpu.dma_semaphore, #tpu.memory_space<semaphore_mem>>)
      %dma_start3A_301 = tpu.memref_slice %arg5[%min3A_298] : memref<320000xi32, #tpu.memory_space<hbm>> -> memref<80xi32, #tpu.memory_space<hbm>>
      %dma_start3A_302 = tpu.memref_slice %arg5[%min3A_298] : memref<320000xi32, #tpu.memory_space<hbm>> -> memref<80xi32, #tpu.memory_space<hbm>>
      tpu.enqueue_dma source(%dma_start3A_302 : memref<80xi32, #tpu.memory_space<hbm>>) target(%arg15 : memref<80xi32, #tpu.memory_space<vmem>>) target_semaphore(%arg21 : memref<!tpu.dma_semaphore, #tpu.memory_space<semaphore_mem>>)
    }
    %scan3A_55 = arith.constant 62 : i32
    %dma_wait3A_56 = arith.constant 0 : i32
    %dma_wait3A_57 = arith.constant 0 : i32
    %dma_wait3A_58 = tpu.memref_slice %arg2[%dma_wait3A_56, %dma_wait3A_57] : memref<10000x128xf32, #tpu.memory_space<hbm>> -> memref<10000x128xf32, #tpu.memory_space<hbm>>
    tpu.wait_indirect_dma semaphore(%arg18 : memref<!tpu.dma_semaphore, #tpu.memory_space<semaphore_mem>>) src(%dma_wait3A_58 : memref<10000x128xf32, #tpu.memory_space<hbm>>) dst(%arg16 : memref<80x128xf32, #tpu.memory_space<vmem>>)
    %dma_start3A_59 = arith.constant 0 : i32
    %dma_start3A_60 = arith.constant 0 : i32
    %dma_start3A_61 = tpu.memref_slice %arg11[%dma_start3A_59, %dma_start3A_60] : memref<10240x128xf32, #tpu.memory_space<vmem_shared>> -> memref<10240x128xf32, #tpu.memory_space<vmem_shared>>
    tpu.enqueue_indirect_dma source(%arg16 : memref<80x128xf32, #tpu.memory_space<vmem>>) target(%dma_start3A_61 : memref<10240x128xf32, #tpu.memory_space<vmem_shared>>) offsets(%arg13 : memref<80xi32, #tpu.memory_space<vmem>>) semaphore(%arg22 : memref<!tpu.dma_semaphore, #tpu.memory_space<semaphore_mem>>) {add = true}
    %dma_wait3A_62 = arith.constant 0 : i32
    %dma_wait3A_63 = arith.constant 0 : i32
    %dma_wait3A_64 = tpu.memref_slice %arg11[%dma_wait3A_62, %dma_wait3A_63] : memref<10240x128xf32, #tpu.memory_space<vmem_shared>> -> memref<10240x128xf32, #tpu.memory_space<vmem_shared>>
    tpu.wait_indirect_dma semaphore(%arg22 : memref<!tpu.dma_semaphore, #tpu.memory_space<semaphore_mem>>) src(%arg16 : memref<80x128xf32, #tpu.memory_space<vmem>>) dst(%dma_wait3A_64 : memref<10240x128xf32, #tpu.memory_space<vmem_shared>>)
    %dma_wait3A_65 = arith.constant 0 : i32
    %dma_wait3A_66 = tpu.memref_slice %arg4[%dma_wait3A_65] : memref<320000xi32, #tpu.memory_space<hbm>> -> memref<80xi32, #tpu.memory_space<hbm>>
    %dma_wait3A_67 = arith.constant 0 : i32
    %dma_wait3A_68 = tpu.memref_slice %arg4[%dma_wait3A_67] : memref<320000xi32, #tpu.memory_space<hbm>> -> memref<80xi32, #tpu.memory_space<hbm>>
    tpu.wait_dma2 semaphore(%arg21 : memref<!tpu.dma_semaphore, #tpu.memory_space<semaphore_mem>>) src(%dma_wait3A_68 : memref<80xi32, #tpu.memory_space<hbm>>) dst(%arg14 : memref<80xi32, #tpu.memory_space<vmem>>)
    %dma_wait3A_69 = arith.constant 0 : i32
    %dma_wait3A_70 = tpu.memref_slice %arg5[%dma_wait3A_69] : memref<320000xi32, #tpu.memory_space<hbm>> -> memref<80xi32, #tpu.memory_space<hbm>>
    %dma_wait3A_71 = arith.constant 0 : i32
    %dma_wait3A_72 = tpu.memref_slice %arg5[%dma_wait3A_71] : memref<320000xi32, #tpu.memory_space<hbm>> -> memref<80xi32, #tpu.memory_space<hbm>>
    tpu.wait_dma2 semaphore(%arg21 : memref<!tpu.dma_semaphore, #tpu.memory_space<semaphore_mem>>) src(%dma_wait3A_72 : memref<80xi32, #tpu.memory_space<hbm>>) dst(%arg15 : memref<80xi32, #tpu.memory_space<vmem>>)
    %barrier3A_73 = arith.constant 0 : index
    tpu.barrier barrier_id(%barrier3A_73)
    %scan3A_74 = arith.constant 0 : i32
    %scan3A_75 = arith.constant 4 : i32
    %scan3A_76 = arith.addi %scan3A_74, %scan3A_75 : i32
    %scan3A_77 = arith.constant 1 : i32
    scf.for %scan3A_232 = %scan3A_74 to %scan3A_76 step %scan3A_77  : i32 {
      %mul3A_233 = arith.constant 1 : i32
      %mul3A_234 = arith.muli %scan3A_232, %mul3A_233 : i32
      %add3A_235 = arith.constant 0 : i32
      %add3A_236 = arith.addi %add3A_235, %mul3A_234 : i32
      %mul3A_237 = arith.constant 2 : i32
      %mul3A_238 = arith.muli %mul3A_237, %add3A_236 : i32
      %mul3A_239 = arith.constant 80 : i32
      %mul3A_240 = arith.muli %mul3A_238, %mul3A_239 : i32
      %add3A_241 = arith.addi %mul3A_3, %mul3A_240 : i32
      %mul3A_242 = arith.constant 2 : i32
      %mul3A_243 = arith.muli %mul3A_242, %add3A_236 : i32
      %add3A_244 = arith.constant 1 : i32
      %add3A_245 = arith.addi %mul3A_243, %add3A_244 : i32
      %mul3A_246 = arith.constant 80 : i32
      %mul3A_247 = arith.muli %add3A_245, %mul3A_246 : i32
      %add3A_248 = arith.addi %mul3A_3, %mul3A_247 : i32
      %mul3A_249 = arith.constant 2 : i32
      %mul3A_250 = arith.muli %mul3A_249, %add3A_236 : i32
      %mul3A_251 = arith.constant 80 : i32
      %mul3A_252 = arith.muli %mul3A_250, %mul3A_251 : i32
      %add3A_253 = arith.addi %add3A_8, %mul3A_252 : i32
      %mul3A_254 = arith.constant 2 : i32
      %mul3A_255 = arith.muli %mul3A_254, %add3A_236 : i32
      %add3A_256 = arith.constant 1 : i32
      %add3A_257 = arith.addi %mul3A_255, %add3A_256 : i32
      %mul3A_258 = arith.constant 80 : i32
      %mul3A_259 = arith.muli %add3A_257, %mul3A_258 : i32
      %add3A_260 = arith.addi %add3A_8, %mul3A_259 : i32
      %dma_start3A_261 = arith.constant 0 : i32
      %dma_start3A_262 = tpu.memref_slice %arg11[%add3A_241, %dma_start3A_261] : memref<10240x128xf32, #tpu.memory_space<vmem_shared>> -> memref<80x128xf32, #tpu.memory_space<vmem_shared>>
      %dma_start3A_263 = arith.constant 0 : i32
      %dma_start3A_264 = tpu.memref_slice %arg11[%add3A_241, %dma_start3A_263] : memref<10240x128xf32, #tpu.memory_space<vmem_shared>> -> memref<80x128xf32, #tpu.memory_space<vmem_shared>>
      tpu.enqueue_dma source(%dma_start3A_264 : memref<80x128xf32, #tpu.memory_space<vmem_shared>>) target(%arg16 : memref<80x128xf32, #tpu.memory_space<vmem>>) target_semaphore(%arg18 : memref<!tpu.dma_semaphore, #tpu.memory_space<semaphore_mem>>)
      %dma_start3A_265 = arith.constant 0 : i32
      %dma_start3A_266 = tpu.memref_slice %arg11[%add3A_248, %dma_start3A_265] : memref<10240x128xf32, #tpu.memory_space<vmem_shared>> -> memref<80x128xf32, #tpu.memory_space<vmem_shared>>
      %dma_start3A_267 = arith.constant 0 : i32
      %dma_start3A_268 = tpu.memref_slice %arg11[%add3A_248, %dma_start3A_267] : memref<10240x128xf32, #tpu.memory_space<vmem_shared>> -> memref<80x128xf32, #tpu.memory_space<vmem_shared>>
      tpu.enqueue_dma source(%dma_start3A_268 : memref<80x128xf32, #tpu.memory_space<vmem_shared>>) target(%arg17 : memref<80x128xf32, #tpu.memory_space<vmem>>) target_semaphore(%arg19 : memref<!tpu.dma_semaphore, #tpu.memory_space<semaphore_mem>>)
      %dma_wait3A_269 = arith.constant 0 : i32
      %dma_wait3A_270 = tpu.memref_slice %arg11[%add3A_241, %dma_wait3A_269] : memref<10240x128xf32, #tpu.memory_space<vmem_shared>> -> memref<80x128xf32, #tpu.memory_space<vmem_shared>>
      %dma_wait3A_271 = arith.constant 0 : i32
      %dma_wait3A_272 = tpu.memref_slice %arg11[%add3A_241, %dma_wait3A_271] : memref<10240x128xf32, #tpu.memory_space<vmem_shared>> -> memref<80x128xf32, #tpu.memory_space<vmem_shared>>
      tpu.wait_dma2 semaphore(%arg18 : memref<!tpu.dma_semaphore, #tpu.memory_space<semaphore_mem>>) src(%dma_wait3A_272 : memref<80x128xf32, #tpu.memory_space<vmem_shared>>) dst(%arg16 : memref<80x128xf32, #tpu.memory_space<vmem>>)
      %dma_start3A_273 = arith.constant 0 : i32
      %dma_start3A_274 = arith.constant 0 : i32
      %dma_start3A_275 = tpu.memref_slice %arg10[%dma_start3A_273, %add3A_253, %dma_start3A_274] : memref<3x20480x128xf32, #tpu.memory_space<hbm>> -> memref<1x80x128xf32, #tpu.memory_space<hbm>>
      %dma_start3A_276 = tpu.memref_squeeze %dma_start3A_275 : memref<1x80x128xf32, #tpu.memory_space<hbm>> -> memref<80x128xf32, #tpu.memory_space<hbm>>
      %dma_start3A_277 = arith.constant 0 : i32
      %dma_start3A_278 = tpu.memref_slice %arg10[%dma_start3A_273, %add3A_253, %dma_start3A_277] : memref<3x20480x128xf32, #tpu.memory_space<hbm>> -> memref<1x80x128xf32, #tpu.memory_space<hbm>>
      %dma_start3A_279 = tpu.memref_squeeze %dma_start3A_278 : memref<1x80x128xf32, #tpu.memory_space<hbm>> -> memref<80x128xf32, #tpu.memory_space<hbm>>
      tpu.enqueue_dma source(%arg16 : memref<80x128xf32, #tpu.memory_space<vmem>>) target(%dma_start3A_279 : memref<80x128xf32, #tpu.memory_space<hbm>>) target_semaphore(%arg20 : memref<!tpu.dma_semaphore, #tpu.memory_space<semaphore_mem>>)
      %dma_wait3A_280 = arith.constant 0 : i32
      %dma_wait3A_281 = tpu.memref_slice %arg11[%add3A_248, %dma_wait3A_280] : memref<10240x128xf32, #tpu.memory_space<vmem_shared>> -> memref<80x128xf32, #tpu.memory_space<vmem_shared>>
      %dma_wait3A_282 = arith.constant 0 : i32
      %dma_wait3A_283 = tpu.memref_slice %arg11[%add3A_248, %dma_wait3A_282] : memref<10240x128xf32, #tpu.memory_space<vmem_shared>> -> memref<80x128xf32, #tpu.memory_space<vmem_shared>>
      tpu.wait_dma2 semaphore(%arg19 : memref<!tpu.dma_semaphore, #tpu.memory_space<semaphore_mem>>) src(%dma_wait3A_283 : memref<80x128xf32, #tpu.memory_space<vmem_shared>>) dst(%arg17 : memref<80x128xf32, #tpu.memory_space<vmem>>)
      %dma_start3A_284 = arith.constant 0 : i32
      %dma_start3A_285 = arith.constant 0 : i32
      %dma_start3A_286 = tpu.memref_slice %arg10[%dma_start3A_284, %add3A_260, %dma_start3A_285] : memref<3x20480x128xf32, #tpu.memory_space<hbm>> -> memref<1x80x128xf32, #tpu.memory_space<hbm>>
      %dma_start3A_287 = tpu.memref_squeeze %dma_start3A_286 : memref<1x80x128xf32, #tpu.memory_space<hbm>> -> memref<80x128xf32, #tpu.memory_space<hbm>>
      %dma_start3A_288 = arith.constant 0 : i32
      %dma_start3A_289 = tpu.memref_slice %arg10[%dma_start3A_284, %add3A_260, %dma_start3A_288] : memref<3x20480x128xf32, #tpu.memory_space<hbm>> -> memref<1x80x128xf32, #tpu.memory_space<hbm>>
      %dma_start3A_290 = tpu.memref_squeeze %dma_start3A_289 : memref<1x80x128xf32, #tpu.memory_space<hbm>> -> memref<80x128xf32, #tpu.memory_space<hbm>>
      tpu.enqueue_dma source(%arg17 : memref<80x128xf32, #tpu.memory_space<vmem>>) target(%dma_start3A_290 : memref<80x128xf32, #tpu.memory_space<hbm>>) target_semaphore(%arg21 : memref<!tpu.dma_semaphore, #tpu.memory_space<semaphore_mem>>)
      %dma_wait3A_291 = arith.constant 0 : i32
      %dma_wait3A_292 = arith.constant 0 : i32
      %dma_wait3A_293 = tpu.memref_slice %arg10[%dma_wait3A_291, %add3A_253, %dma_wait3A_292] : memref<3x20480x128xf32, #tpu.memory_space<hbm>> -> memref<1x80x128xf32, #tpu.memory_space<hbm>>
      %dma_wait3A_294 = tpu.memref_squeeze %dma_wait3A_293 : memref<1x80x128xf32, #tpu.memory_space<hbm>> -> memref<80x128xf32, #tpu.memory_space<hbm>>
      %dma_wait3A_295 = arith.constant 0 : i32
      %dma_wait3A_296 = tpu.memref_slice %arg10[%dma_wait3A_291, %add3A_253, %dma_wait3A_295] : memref<3x20480x128xf32, #tpu.memory_space<hbm>> -> memref<1x80x128xf32, #tpu.memory_space<hbm>>
      %dma_wait3A_297 = tpu.memref_squeeze %dma_wait3A_296 : memref<1x80x128xf32, #tpu.memory_space<hbm>> -> memref<80x128xf32, #tpu.memory_space<hbm>>
      tpu.wait_dma2 semaphore(%arg20 : memref<!tpu.dma_semaphore, #tpu.memory_space<semaphore_mem>>) src(%arg16 : memref<80x128xf32, #tpu.memory_space<vmem>>) dst(%dma_wait3A_297 : memref<80x128xf32, #tpu.memory_space<hbm>>)
      %dma_wait3A_298 = arith.constant 0 : i32
      %dma_wait3A_299 = arith.constant 0 : i32
      %dma_wait3A_300 = tpu.memref_slice %arg10[%dma_wait3A_298, %add3A_260, %dma_wait3A_299] : memref<3x20480x128xf32, #tpu.memory_space<hbm>> -> memref<1x80x128xf32, #tpu.memory_space<hbm>>
      %dma_wait3A_301 = tpu.memref_squeeze %dma_wait3A_300 : memref<1x80x128xf32, #tpu.memory_space<hbm>> -> memref<80x128xf32, #tpu.memory_space<hbm>>
      %dma_wait3A_302 = arith.constant 0 : i32
      %dma_wait3A_303 = tpu.memref_slice %arg10[%dma_wait3A_298, %add3A_260, %dma_wait3A_302] : memref<3x20480x128xf32, #tpu.memory_space<hbm>> -> memref<1x80x128xf32, #tpu.memory_space<hbm>>
      %dma_wait3A_304 = tpu.memref_squeeze %dma_wait3A_303 : memref<1x80x128xf32, #tpu.memory_space<hbm>> -> memref<80x128xf32, #tpu.memory_space<hbm>>
      tpu.wait_dma2 semaphore(%arg21 : memref<!tpu.dma_semaphore, #tpu.memory_space<semaphore_mem>>) src(%arg17 : memref<80x128xf32, #tpu.memory_space<vmem>>) dst(%dma_wait3A_304 : memref<80x128xf32, #tpu.memory_space<hbm>>)
    }
    %scan3A_78 = arith.constant 4 : i32
    %barrier3A_79 = arith.constant 0 : index
    tpu.barrier barrier_id(%barrier3A_79)
    %scan3A_80 = arith.constant 0 : i32
    %scan3A_81 = arith.constant 0 : i32
    %scan3A_82 = arith.constant 80 : i32
    %scan3A_83 = arith.addi %scan3A_81, %scan3A_82 : i32
    %scan3A_84 = arith.constant 1 : i32
    %scan3A_85 = scf.for %scan3A_232 = %scan3A_81 to %scan3A_83 step %scan3A_84 iter_args(%scan3A_233 = %scan3A_80) -> (i32)  : i32 {
      %swap3A = arith.index_cast %scan3A_232 : i32 to index
      %swap3A_234 = arith.constant 0 : index
      %swap3A_235 = tpu.vector_load %arg16[%swap3A, %swap3A_234] {strides = array<i32>} : memref<80x128xf32, #tpu.memory_space<vmem>>, vector<1x16xf32>,
      %swap3A_236 = vector.shape_cast %swap3A_235 : vector<1x16xf32> to vector<16xf32>
      %swap3A_237 = vector.shape_cast %broadcast_in_dim3A_1 : vector<16xf32> to vector<1x16xf32>
      tpu.vector_store %arg16[%swap3A, %swap3A_234], %swap3A_237 {strides = array<i32>} : memref<80x128xf32, #tpu.memory_space<vmem>>, vector<1x16xf32>,
      %swap3A_238 = arith.index_cast %scan3A_232 : i32 to index
      %swap3A_239 = arith.constant 16 : index
      %swap3A_240 = tpu.vector_load %arg16[%swap3A_238, %swap3A_239] {strides = array<i32>} : memref<80x128xf32, #tpu.memory_space<vmem>>, vector<1x16xf32>,
      %swap3A_241 = vector.shape_cast %swap3A_240 : vector<1x16xf32> to vector<16xf32>
      %swap3A_242 = vector.shape_cast %broadcast_in_dim3A_1 : vector<16xf32> to vector<1x16xf32>
      tpu.vector_store %arg16[%swap3A_238, %swap3A_239], %swap3A_242 {strides = array<i32>} : memref<80x128xf32, #tpu.memory_space<vmem>>, vector<1x16xf32>,
      %swap3A_243 = arith.index_cast %scan3A_232 : i32 to index
      %swap3A_244 = arith.constant 32 : index
      %swap3A_245 = tpu.vector_load %arg16[%swap3A_243, %swap3A_244] {strides = array<i32>} : memref<80x128xf32, #tpu.memory_space<vmem>>, vector<1x16xf32>,
      %swap3A_246 = vector.shape_cast %swap3A_245 : vector<1x16xf32> to vector<16xf32>
      %swap3A_247 = vector.shape_cast %broadcast_in_dim3A_1 : vector<16xf32> to vector<1x16xf32>
      tpu.vector_store %arg16[%swap3A_243, %swap3A_244], %swap3A_247 {strides = array<i32>} : memref<80x128xf32, #tpu.memory_space<vmem>>, vector<1x16xf32>,
      %swap3A_248 = arith.index_cast %scan3A_232 : i32 to index
      %swap3A_249 = arith.constant 48 : index
      %swap3A_250 = tpu.vector_load %arg16[%swap3A_248, %swap3A_249] {strides = array<i32>} : memref<80x128xf32, #tpu.memory_space<vmem>>, vector<1x16xf32>,
      %swap3A_251 = vector.shape_cast %swap3A_250 : vector<1x16xf32> to vector<16xf32>
      %swap3A_252 = vector.shape_cast %broadcast_in_dim3A_1 : vector<16xf32> to vector<1x16xf32>
      tpu.vector_store %arg16[%swap3A_248, %swap3A_249], %swap3A_252 {strides = array<i32>} : memref<80x128xf32, #tpu.memory_space<vmem>>, vector<1x16xf32>,
      %swap3A_253 = arith.index_cast %scan3A_232 : i32 to index
      %swap3A_254 = arith.constant 64 : index
      %swap3A_255 = tpu.vector_load %arg16[%swap3A_253, %swap3A_254] {strides = array<i32>} : memref<80x128xf32, #tpu.memory_space<vmem>>, vector<1x16xf32>,
      %swap3A_256 = vector.shape_cast %swap3A_255 : vector<1x16xf32> to vector<16xf32>
      %swap3A_257 = vector.shape_cast %broadcast_in_dim3A_1 : vector<16xf32> to vector<1x16xf32>
      tpu.vector_store %arg16[%swap3A_253, %swap3A_254], %swap3A_257 {strides = array<i32>} : memref<80x128xf32, #tpu.memory_space<vmem>>, vector<1x16xf32>,
      %swap3A_258 = arith.index_cast %scan3A_232 : i32 to index
      %swap3A_259 = arith.constant 80 : index
      %swap3A_260 = tpu.vector_load %arg16[%swap3A_258, %swap3A_259] {strides = array<i32>} : memref<80x128xf32, #tpu.memory_space<vmem>>, vector<1x16xf32>,
      %swap3A_261 = vector.shape_cast %swap3A_260 : vector<1x16xf32> to vector<16xf32>
      %swap3A_262 = vector.shape_cast %broadcast_in_dim3A_1 : vector<16xf32> to vector<1x16xf32>
      tpu.vector_store %arg16[%swap3A_258, %swap3A_259], %swap3A_262 {strides = array<i32>} : memref<80x128xf32, #tpu.memory_space<vmem>>, vector<1x16xf32>,
      %swap3A_263 = arith.index_cast %scan3A_232 : i32 to index
      %swap3A_264 = arith.constant 96 : index
      %swap3A_265 = tpu.vector_load %arg16[%swap3A_263, %swap3A_264] {strides = array<i32>} : memref<80x128xf32, #tpu.memory_space<vmem>>, vector<1x16xf32>,
      %swap3A_266 = vector.shape_cast %swap3A_265 : vector<1x16xf32> to vector<16xf32>
      %swap3A_267 = vector.shape_cast %broadcast_in_dim3A_1 : vector<16xf32> to vector<1x16xf32>
      tpu.vector_store %arg16[%swap3A_263, %swap3A_264], %swap3A_267 {strides = array<i32>} : memref<80x128xf32, #tpu.memory_space<vmem>>, vector<1x16xf32>,
      %swap3A_268 = arith.index_cast %scan3A_232 : i32 to index
      %swap3A_269 = arith.constant 112 : index
      %swap3A_270 = tpu.vector_load %arg16[%swap3A_268, %swap3A_269] {strides = array<i32>} : memref<80x128xf32, #tpu.memory_space<vmem>>, vector<1x16xf32>,
      %swap3A_271 = vector.shape_cast %swap3A_270 : vector<1x16xf32> to vector<16xf32>
      %swap3A_272 = vector.shape_cast %broadcast_in_dim3A_1 : vector<16xf32> to vector<1x16xf32>
      tpu.vector_store %arg16[%swap3A_268, %swap3A_269], %swap3A_272 {strides = array<i32>} : memref<80x128xf32, #tpu.memory_space<vmem>>, vector<1x16xf32>,
      %scan3A_273 = arith.constant 0 : i32
      scf.yield %scan3A_273 : i32
    }
    %scan3A_86 = arith.constant 80 : i32
    %scan3A_87 = arith.constant 0 : i32
    %scan3A_88 = arith.constant 8 : i32
    %scan3A_89 = arith.addi %scan3A_87, %scan3A_88 : i32
    %scan3A_90 = arith.constant 1 : i32
    scf.for %scan3A_232 = %scan3A_87 to %scan3A_89 step %scan3A_90  : i32 {
      %mul3A_233 = arith.constant 1 : i32
      %mul3A_234 = arith.muli %scan3A_232, %mul3A_233 : i32
      %add3A_235 = arith.constant 0 : i32
      %add3A_236 = arith.addi %add3A_235, %mul3A_234 : i32
      %mul3A_237 = arith.constant 80 : i32
      %mul3A_238 = arith.muli %add3A_236, %mul3A_237 : i32
      %add3A_239 = arith.addi %mul3A_3, %mul3A_238 : i32
      %dma_start3A_240 = arith.constant 0 : i32
      %dma_start3A_241 = tpu.memref_slice %arg11[%add3A_239, %dma_start3A_240] : memref<10240x128xf32, #tpu.memory_space<vmem_shared>> -> memref<80x128xf32, #tpu.memory_space<vmem_shared>>
      %dma_start3A_242 = arith.constant 0 : i32
      %dma_start3A_243 = tpu.memref_slice %arg11[%add3A_239, %dma_start3A_242] : memref<10240x128xf32, #tpu.memory_space<vmem_shared>> -> memref<80x128xf32, #tpu.memory_space<vmem_shared>>
      tpu.enqueue_dma source(%arg16 : memref<80x128xf32, #tpu.memory_space<vmem>>) target(%dma_start3A_243 : memref<80x128xf32, #tpu.memory_space<vmem_shared>>) target_semaphore(%arg22 : memref<!tpu.dma_semaphore, #tpu.memory_space<semaphore_mem>>)
    }
    %scan3A_91 = arith.constant 8 : i32
    %scan3A_92 = arith.constant 0 : i32
    %scan3A_93 = arith.constant 8 : i32
    %scan3A_94 = arith.addi %scan3A_92, %scan3A_93 : i32
    %scan3A_95 = arith.constant 1 : i32
    scf.for %scan3A_232 = %scan3A_92 to %scan3A_94 step %scan3A_95  : i32 {
      %mul3A_233 = arith.constant 1 : i32
      %mul3A_234 = arith.muli %scan3A_232, %mul3A_233 : i32
      %add3A_235 = arith.constant 0 : i32
      %add3A_236 = arith.addi %add3A_235, %mul3A_234 : i32
      %dma_wait3A_237 = arith.constant 0 : i32
      %dma_wait3A_238 = tpu.memref_slice %arg11[%mul3A_3, %dma_wait3A_237] : memref<10240x128xf32, #tpu.memory_space<vmem_shared>> -> memref<80x128xf32, #tpu.memory_space<vmem_shared>>
      %dma_wait3A_239 = arith.constant 0 : i32
      %dma_wait3A_240 = tpu.memref_slice %arg11[%mul3A_3, %dma_wait3A_239] : memref<10240x128xf32, #tpu.memory_space<vmem_shared>> -> memref<80x128xf32, #tpu.memory_space<vmem_shared>>
      tpu.wait_dma2 semaphore(%arg22 : memref<!tpu.dma_semaphore, #tpu.memory_space<semaphore_mem>>) src(%arg16 : memref<80x128xf32, #tpu.memory_space<vmem>>) dst(%dma_wait3A_240 : memref<80x128xf32, #tpu.memory_space<vmem_shared>>)
    }
    %scan3A_96 = arith.constant 8 : i32
    %barrier3A_97 = arith.constant 0 : index
    tpu.barrier barrier_id(%barrier3A_97)
    %mul3A_98 = arith.constant 10000 : i32
    %mul3A_99 = arith.muli %add3A, %mul3A_98 : i32
    %add3A_100 = arith.constant 0 : i32
    %add3A_101 = arith.addi %mul3A_99, %add3A_100 : i32
    %min3A_102 = arith.constant 319920 : i32
    %min3A_103 = arith.minsi %add3A_101, %min3A_102 : i32
    %dma_start3A_104 = tpu.memref_slice %arg6[%min3A_103] : memref<320000xi32, #tpu.memory_space<hbm>> -> memref<80xi32, #tpu.memory_space<hbm>>
    %dma_start3A_105 = tpu.memref_slice %arg6[%min3A_103] : memref<320000xi32, #tpu.memory_space<hbm>> -> memref<80xi32, #tpu.memory_space<hbm>>
    tpu.enqueue_dma source(%dma_start3A_105 : memref<80xi32, #tpu.memory_space<hbm>>) target(%arg12 : memref<80xi32, #tpu.memory_space<vmem>>) target_semaphore(%arg20 : memref<!tpu.dma_semaphore, #tpu.memory_space<semaphore_mem>>)
    %dma_start3A_106 = tpu.memref_slice %arg7[%min3A_103] : memref<320000xi32, #tpu.memory_space<hbm>> -> memref<80xi32, #tpu.memory_space<hbm>>
    %dma_start3A_107 = tpu.memref_slice %arg7[%min3A_103] : memref<320000xi32, #tpu.memory_space<hbm>> -> memref<80xi32, #tpu.memory_space<hbm>>
    tpu.enqueue_dma source(%dma_start3A_107 : memref<80xi32, #tpu.memory_space<hbm>>) target(%arg13 : memref<80xi32, #tpu.memory_space<vmem>>) target_semaphore(%arg20 : memref<!tpu.dma_semaphore, #tpu.memory_space<semaphore_mem>>)
    %dma_wait3A_108 = arith.constant 0 : i32
    %dma_wait3A_109 = tpu.memref_slice %arg6[%dma_wait3A_108] : memref<320000xi32, #tpu.memory_space<hbm>> -> memref<80xi32, #tpu.memory_space<hbm>>
    %dma_wait3A_110 = arith.constant 0 : i32
    %dma_wait3A_111 = tpu.memref_slice %arg6[%dma_wait3A_110] : memref<320000xi32, #tpu.memory_space<hbm>> -> memref<80xi32, #tpu.memory_space<hbm>>
    tpu.wait_dma2 semaphore(%arg20 : memref<!tpu.dma_semaphore, #tpu.memory_space<semaphore_mem>>) src(%dma_wait3A_111 : memref<80xi32, #tpu.memory_space<hbm>>) dst(%arg12 : memref<80xi32, #tpu.memory_space<vmem>>)
    %dma_wait3A_112 = arith.constant 0 : i32
    %dma_wait3A_113 = tpu.memref_slice %arg7[%dma_wait3A_112] : memref<320000xi32, #tpu.memory_space<hbm>> -> memref<80xi32, #tpu.memory_space<hbm>>
    %dma_wait3A_114 = arith.constant 0 : i32
    %dma_wait3A_115 = tpu.memref_slice %arg7[%dma_wait3A_114] : memref<320000xi32, #tpu.memory_space<hbm>> -> memref<80xi32, #tpu.memory_space<hbm>>
    tpu.wait_dma2 semaphore(%arg20 : memref<!tpu.dma_semaphore, #tpu.memory_space<semaphore_mem>>) src(%dma_wait3A_115 : memref<80xi32, #tpu.memory_space<hbm>>) dst(%arg13 : memref<80xi32, #tpu.memory_space<vmem>>)
    %dma_start3A_116 = arith.constant 0 : i32
    %dma_start3A_117 = arith.constant 0 : i32
    %dma_start3A_118 = tpu.memref_slice %arg3[%dma_start3A_116, %dma_start3A_117] : memref<10000x128xf32, #tpu.memory_space<hbm>> -> memref<10000x128xf32, #tpu.memory_space<hbm>>
    tpu.enqueue_indirect_dma source(%dma_start3A_118 : memref<10000x128xf32, #tpu.memory_space<hbm>>) target(%arg16 : memref<80x128xf32, #tpu.memory_space<vmem>>) offsets(%arg12 : memref<80xi32, #tpu.memory_space<vmem>>) semaphore(%arg18 : memref<!tpu.dma_semaphore, #tpu.memory_space<semaphore_mem>>)
    %add3A_119 = arith.constant 80 : i32
    %add3A_120 = arith.addi %mul3A_99, %add3A_119 : i32
    %min3A_121 = arith.constant 319920 : i32
    %min3A_122 = arith.minsi %add3A_120, %min3A_121 : i32
    %dma_start3A_123 = tpu.memref_slice %arg6[%min3A_122] : memref<320000xi32, #tpu.memory_space<hbm>> -> memref<80xi32, #tpu.memory_space<hbm>>
    %dma_start3A_124 = tpu.memref_slice %arg6[%min3A_122] : memref<320000xi32, #tpu.memory_space<hbm>> -> memref<80xi32, #tpu.memory_space<hbm>>
    tpu.enqueue_dma source(%dma_start3A_124 : memref<80xi32, #tpu.memory_space<hbm>>) target(%arg14 : memref<80xi32, #tpu.memory_space<vmem>>) target_semaphore(%arg21 : memref<!tpu.dma_semaphore, #tpu.memory_space<semaphore_mem>>)
    %dma_start3A_125 = tpu.memref_slice %arg7[%min3A_122] : memref<320000xi32, #tpu.memory_space<hbm>> -> memref<80xi32, #tpu.memory_space<hbm>>
    %dma_start3A_126 = tpu.memref_slice %arg7[%min3A_122] : memref<320000xi32, #tpu.memory_space<hbm>> -> memref<80xi32, #tpu.memory_space<hbm>>
    tpu.enqueue_dma source(%dma_start3A_126 : memref<80xi32, #tpu.memory_space<hbm>>) target(%arg15 : memref<80xi32, #tpu.memory_space<vmem>>) target_semaphore(%arg21 : memref<!tpu.dma_semaphore, #tpu.memory_space<semaphore_mem>>)
    %scan3A_127 = arith.constant 0 : i32
    %scan3A_128 = arith.constant 62 : i32
    %scan3A_129 = arith.addi %scan3A_127, %scan3A_128 : i32
    %scan3A_130 = arith.constant 1 : i32
    scf.for %scan3A_232 = %scan3A_127 to %scan3A_129 step %scan3A_130  : i32 {
      %mul3A_233 = arith.constant 1 : i32
      %mul3A_234 = arith.muli %scan3A_232, %mul3A_233 : i32
      %add3A_235 = arith.constant 0 : i32
      %add3A_236 = arith.addi %add3A_235, %mul3A_234 : i32
      %dma_wait3A_237 = arith.constant 0 : i32
      %dma_wait3A_238 = tpu.memref_slice %arg6[%dma_wait3A_237] : memref<320000xi32, #tpu.memory_space<hbm>> -> memref<80xi32, #tpu.memory_space<hbm>>
      %dma_wait3A_239 = arith.constant 0 : i32
      %dma_wait3A_240 = tpu.memref_slice %arg6[%dma_wait3A_239] : memref<320000xi32, #tpu.memory_space<hbm>> -> memref<80xi32, #tpu.memory_space<hbm>>
      tpu.wait_dma2 semaphore(%arg21 : memref<!tpu.dma_semaphore, #tpu.memory_space<semaphore_mem>>) src(%dma_wait3A_240 : memref<80xi32, #tpu.memory_space<hbm>>) dst(%arg14 : memref<80xi32, #tpu.memory_space<vmem>>)
      %dma_wait3A_241 = arith.constant 0 : i32
      %dma_wait3A_242 = tpu.memref_slice %arg7[%dma_wait3A_241] : memref<320000xi32, #tpu.memory_space<hbm>> -> memref<80xi32, #tpu.memory_space<hbm>>
      %dma_wait3A_243 = arith.constant 0 : i32
      %dma_wait3A_244 = tpu.memref_slice %arg7[%dma_wait3A_243] : memref<320000xi32, #tpu.memory_space<hbm>> -> memref<80xi32, #tpu.memory_space<hbm>>
      tpu.wait_dma2 semaphore(%arg21 : memref<!tpu.dma_semaphore, #tpu.memory_space<semaphore_mem>>) src(%dma_wait3A_244 : memref<80xi32, #tpu.memory_space<hbm>>) dst(%arg15 : memref<80xi32, #tpu.memory_space<vmem>>)
      %dma_start3A_245 = arith.constant 0 : i32
      %dma_start3A_246 = arith.constant 0 : i32
      %dma_start3A_247 = tpu.memref_slice %arg3[%dma_start3A_245, %dma_start3A_246] : memref<10000x128xf32, #tpu.memory_space<hbm>> -> memref<10000x128xf32, #tpu.memory_space<hbm>>
      tpu.enqueue_indirect_dma source(%dma_start3A_247 : memref<10000x128xf32, #tpu.memory_space<hbm>>) target(%arg17 : memref<80x128xf32, #tpu.memory_space<vmem>>) offsets(%arg14 : memref<80xi32, #tpu.memory_space<vmem>>) semaphore(%arg19 : memref<!tpu.dma_semaphore, #tpu.memory_space<semaphore_mem>>)
      %dma_wait3A_248 = arith.constant 0 : i32
      %dma_wait3A_249 = arith.constant 0 : i32
      %dma_wait3A_250 = tpu.memref_slice %arg3[%dma_wait3A_248, %dma_wait3A_249] : memref<10000x128xf32, #tpu.memory_space<hbm>> -> memref<10000x128xf32, #tpu.memory_space<hbm>>
      tpu.wait_indirect_dma semaphore(%arg18 : memref<!tpu.dma_semaphore, #tpu.memory_space<semaphore_mem>>) src(%dma_wait3A_250 : memref<10000x128xf32, #tpu.memory_space<hbm>>) dst(%arg16 : memref<80x128xf32, #tpu.memory_space<vmem>>)
      %dma_start3A_251 = arith.constant 0 : i32
      %dma_start3A_252 = arith.constant 0 : i32
      %dma_start3A_253 = tpu.memref_slice %arg11[%dma_start3A_251, %dma_start3A_252] : memref<10240x128xf32, #tpu.memory_space<vmem_shared>> -> memref<10240x128xf32, #tpu.memory_space<vmem_shared>>
      tpu.enqueue_indirect_dma source(%arg16 : memref<80x128xf32, #tpu.memory_space<vmem>>) target(%dma_start3A_253 : memref<10240x128xf32, #tpu.memory_space<vmem_shared>>) offsets(%arg13 : memref<80xi32, #tpu.memory_space<vmem>>) semaphore(%arg22 : memref<!tpu.dma_semaphore, #tpu.memory_space<semaphore_mem>>) {add = true}
      %dma_wait3A_254 = arith.constant 0 : i32
      %dma_wait3A_255 = arith.constant 0 : i32
      %dma_wait3A_256 = tpu.memref_slice %arg11[%dma_wait3A_254, %dma_wait3A_255] : memref<10240x128xf32, #tpu.memory_space<vmem_shared>> -> memref<10240x128xf32, #tpu.memory_space<vmem_shared>>
      tpu.wait_indirect_dma semaphore(%arg22 : memref<!tpu.dma_semaphore, #tpu.memory_space<semaphore_mem>>) src(%arg16 : memref<80x128xf32, #tpu.memory_space<vmem>>) dst(%dma_wait3A_256 : memref<10240x128xf32, #tpu.memory_space<vmem_shared>>)
      %mul3A_257 = arith.constant 2 : i32
      %mul3A_258 = arith.muli %mul3A_257, %add3A_236 : i32
      %add3A_259 = arith.constant 2 : i32
      %add3A_260 = arith.addi %mul3A_258, %add3A_259 : i32
      %mul3A_261 = arith.constant 80 : i32
      %mul3A_262 = arith.muli %add3A_260, %mul3A_261 : i32
      %add3A_263 = arith.addi %mul3A_99, %mul3A_262 : i32
      %min3A_264 = arith.constant 319920 : i32
      %min3A_265 = arith.minsi %add3A_263, %min3A_264 : i32
      %dma_start3A_266 = tpu.memref_slice %arg6[%min3A_265] : memref<320000xi32, #tpu.memory_space<hbm>> -> memref<80xi32, #tpu.memory_space<hbm>>
      %dma_start3A_267 = tpu.memref_slice %arg6[%min3A_265] : memref<320000xi32, #tpu.memory_space<hbm>> -> memref<80xi32, #tpu.memory_space<hbm>>
      tpu.enqueue_dma source(%dma_start3A_267 : memref<80xi32, #tpu.memory_space<hbm>>) target(%arg12 : memref<80xi32, #tpu.memory_space<vmem>>) target_semaphore(%arg20 : memref<!tpu.dma_semaphore, #tpu.memory_space<semaphore_mem>>)
      %dma_start3A_268 = tpu.memref_slice %arg7[%min3A_265] : memref<320000xi32, #tpu.memory_space<hbm>> -> memref<80xi32, #tpu.memory_space<hbm>>
      %dma_start3A_269 = tpu.memref_slice %arg7[%min3A_265] : memref<320000xi32, #tpu.memory_space<hbm>> -> memref<80xi32, #tpu.memory_space<hbm>>
      tpu.enqueue_dma source(%dma_start3A_269 : memref<80xi32, #tpu.memory_space<hbm>>) target(%arg13 : memref<80xi32, #tpu.memory_space<vmem>>) target_semaphore(%arg20 : memref<!tpu.dma_semaphore, #tpu.memory_space<semaphore_mem>>)
      %dma_wait3A_270 = arith.constant 0 : i32
      %dma_wait3A_271 = arith.constant 0 : i32
      %dma_wait3A_272 = tpu.memref_slice %arg3[%dma_wait3A_270, %dma_wait3A_271] : memref<10000x128xf32, #tpu.memory_space<hbm>> -> memref<10000x128xf32, #tpu.memory_space<hbm>>
      tpu.wait_indirect_dma semaphore(%arg19 : memref<!tpu.dma_semaphore, #tpu.memory_space<semaphore_mem>>) src(%dma_wait3A_272 : memref<10000x128xf32, #tpu.memory_space<hbm>>) dst(%arg17 : memref<80x128xf32, #tpu.memory_space<vmem>>)
      %dma_start3A_273 = arith.constant 0 : i32
      %dma_start3A_274 = arith.constant 0 : i32
      %dma_start3A_275 = tpu.memref_slice %arg11[%dma_start3A_273, %dma_start3A_274] : memref<10240x128xf32, #tpu.memory_space<vmem_shared>> -> memref<10240x128xf32, #tpu.memory_space<vmem_shared>>
      tpu.enqueue_indirect_dma source(%arg17 : memref<80x128xf32, #tpu.memory_space<vmem>>) target(%dma_start3A_275 : memref<10240x128xf32, #tpu.memory_space<vmem_shared>>) offsets(%arg15 : memref<80xi32, #tpu.memory_space<vmem>>) semaphore(%arg22 : memref<!tpu.dma_semaphore, #tpu.memory_space<semaphore_mem>>) {add = true}
      %dma_wait3A_276 = arith.constant 0 : i32
      %dma_wait3A_277 = arith.constant 0 : i32
      %dma_wait3A_278 = tpu.memref_slice %arg11[%dma_wait3A_276, %dma_wait3A_277] : memref<10240x128xf32, #tpu.memory_space<vmem_shared>> -> memref<10240x128xf32, #tpu.memory_space<vmem_shared>>
      tpu.wait_indirect_dma semaphore(%arg22 : memref<!tpu.dma_semaphore, #tpu.memory_space<semaphore_mem>>) src(%arg17 : memref<80x128xf32, #tpu.memory_space<vmem>>) dst(%dma_wait3A_278 : memref<10240x128xf32, #tpu.memory_space<vmem_shared>>)
      %dma_wait3A_279 = arith.constant 0 : i32
      %dma_wait3A_280 = tpu.memref_slice %arg6[%dma_wait3A_279] : memref<320000xi32, #tpu.memory_space<hbm>> -> memref<80xi32, #tpu.memory_space<hbm>>
      %dma_wait3A_281 = arith.constant 0 : i32
      %dma_wait3A_282 = tpu.memref_slice %arg6[%dma_wait3A_281] : memref<320000xi32, #tpu.memory_space<hbm>> -> memref<80xi32, #tpu.memory_space<hbm>>
      tpu.wait_dma2 semaphore(%arg20 : memref<!tpu.dma_semaphore, #tpu.memory_space<semaphore_mem>>) src(%dma_wait3A_282 : memref<80xi32, #tpu.memory_space<hbm>>) dst(%arg12 : memref<80xi32, #tpu.memory_space<vmem>>)
      %dma_wait3A_283 = arith.constant 0 : i32
      %dma_wait3A_284 = tpu.memref_slice %arg7[%dma_wait3A_283] : memref<320000xi32, #tpu.memory_space<hbm>> -> memref<80xi32, #tpu.memory_space<hbm>>
      %dma_wait3A_285 = arith.constant 0 : i32
      %dma_wait3A_286 = tpu.memref_slice %arg7[%dma_wait3A_285] : memref<320000xi32, #tpu.memory_space<hbm>> -> memref<80xi32, #tpu.memory_space<hbm>>
      tpu.wait_dma2 semaphore(%arg20 : memref<!tpu.dma_semaphore, #tpu.memory_space<semaphore_mem>>) src(%dma_wait3A_286 : memref<80xi32, #tpu.memory_space<hbm>>) dst(%arg13 : memref<80xi32, #tpu.memory_space<vmem>>)
      %dma_start3A_287 = arith.constant 0 : i32
      %dma_start3A_288 = arith.constant 0 : i32
      %dma_start3A_289 = tpu.memref_slice %arg3[%dma_start3A_287, %dma_start3A_288] : memref<10000x128xf32, #tpu.memory_space<hbm>> -> memref<10000x128xf32, #tpu.memory_space<hbm>>
      tpu.enqueue_indirect_dma source(%dma_start3A_289 : memref<10000x128xf32, #tpu.memory_space<hbm>>) target(%arg16 : memref<80x128xf32, #tpu.memory_space<vmem>>) offsets(%arg12 : memref<80xi32, #tpu.memory_space<vmem>>) semaphore(%arg18 : memref<!tpu.dma_semaphore, #tpu.memory_space<semaphore_mem>>)
      %mul3A_290 = arith.constant 2 : i32
      %mul3A_291 = arith.muli %mul3A_290, %add3A_236 : i32
      %add3A_292 = arith.constant 3 : i32
      %add3A_293 = arith.addi %mul3A_291, %add3A_292 : i32
      %mul3A_294 = arith.constant 80 : i32
      %mul3A_295 = arith.muli %add3A_293, %mul3A_294 : i32
      %add3A_296 = arith.addi %mul3A_99, %mul3A_295 : i32
      %min3A_297 = arith.constant 319920 : i32
      %min3A_298 = arith.minsi %add3A_296, %min3A_297 : i32
      %dma_start3A_299 = tpu.memref_slice %arg6[%min3A_298] : memref<320000xi32, #tpu.memory_space<hbm>> -> memref<80xi32, #tpu.memory_space<hbm>>
      %dma_start3A_300 = tpu.memref_slice %arg6[%min3A_298] : memref<320000xi32, #tpu.memory_space<hbm>> -> memref<80xi32, #tpu.memory_space<hbm>>
      tpu.enqueue_dma source(%dma_start3A_300 : memref<80xi32, #tpu.memory_space<hbm>>) target(%arg14 : memref<80xi32, #tpu.memory_space<vmem>>) target_semaphore(%arg21 : memref<!tpu.dma_semaphore, #tpu.memory_space<semaphore_mem>>)
      %dma_start3A_301 = tpu.memref_slice %arg7[%min3A_298] : memref<320000xi32, #tpu.memory_space<hbm>> -> memref<80xi32, #tpu.memory_space<hbm>>
      %dma_start3A_302 = tpu.memref_slice %arg7[%min3A_298] : memref<320000xi32, #tpu.memory_space<hbm>> -> memref<80xi32, #tpu.memory_space<hbm>>
      tpu.enqueue_dma source(%dma_start3A_302 : memref<80xi32, #tpu.memory_space<hbm>>) target(%arg15 : memref<80xi32, #tpu.memory_space<vmem>>) target_semaphore(%arg21 : memref<!tpu.dma_semaphore, #tpu.memory_space<semaphore_mem>>)
    }
    %scan3A_131 = arith.constant 62 : i32
    %dma_wait3A_132 = arith.constant 0 : i32
    %dma_wait3A_133 = arith.constant 0 : i32
    %dma_wait3A_134 = tpu.memref_slice %arg3[%dma_wait3A_132, %dma_wait3A_133] : memref<10000x128xf32, #tpu.memory_space<hbm>> -> memref<10000x128xf32, #tpu.memory_space<hbm>>
    tpu.wait_indirect_dma semaphore(%arg18 : memref<!tpu.dma_semaphore, #tpu.memory_space<semaphore_mem>>) src(%dma_wait3A_134 : memref<10000x128xf32, #tpu.memory_space<hbm>>) dst(%arg16 : memref<80x128xf32, #tpu.memory_space<vmem>>)
    %dma_start3A_135 = arith.constant 0 : i32
    %dma_start3A_136 = arith.constant 0 : i32
    %dma_start3A_137 = tpu.memref_slice %arg11[%dma_start3A_135, %dma_start3A_136] : memref<10240x128xf32, #tpu.memory_space<vmem_shared>> -> memref<10240x128xf32, #tpu.memory_space<vmem_shared>>
    tpu.enqueue_indirect_dma source(%arg16 : memref<80x128xf32, #tpu.memory_space<vmem>>) target(%dma_start3A_137 : memref<10240x128xf32, #tpu.memory_space<vmem_shared>>) offsets(%arg13 : memref<80xi32, #tpu.memory_space<vmem>>) semaphore(%arg22 : memref<!tpu.dma_semaphore, #tpu.memory_space<semaphore_mem>>) {add = true}
    %dma_wait3A_138 = arith.constant 0 : i32
    %dma_wait3A_139 = arith.constant 0 : i32
    %dma_wait3A_140 = tpu.memref_slice %arg11[%dma_wait3A_138, %dma_wait3A_139] : memref<10240x128xf32, #tpu.memory_space<vmem_shared>> -> memref<10240x128xf32, #tpu.memory_space<vmem_shared>>
    tpu.wait_indirect_dma semaphore(%arg22 : memref<!tpu.dma_semaphore, #tpu.memory_space<semaphore_mem>>) src(%arg16 : memref<80x128xf32, #tpu.memory_space<vmem>>) dst(%dma_wait3A_140 : memref<10240x128xf32, #tpu.memory_space<vmem_shared>>)
    %dma_wait3A_141 = arith.constant 0 : i32
    %dma_wait3A_142 = tpu.memref_slice %arg6[%dma_wait3A_141] : memref<320000xi32, #tpu.memory_space<hbm>> -> memref<80xi32, #tpu.memory_space<hbm>>
    %dma_wait3A_143 = arith.constant 0 : i32
    %dma_wait3A_144 = tpu.memref_slice %arg6[%dma_wait3A_143] : memref<320000xi32, #tpu.memory_space<hbm>> -> memref<80xi32, #tpu.memory_space<hbm>>
    tpu.wait_dma2 semaphore(%arg21 : memref<!tpu.dma_semaphore, #tpu.memory_space<semaphore_mem>>) src(%dma_wait3A_144 : memref<80xi32, #tpu.memory_space<hbm>>) dst(%arg14 : memref<80xi32, #tpu.memory_space<vmem>>)
    %dma_wait3A_145 = arith.constant 0 : i32
    %dma_wait3A_146 = tpu.memref_slice %arg7[%dma_wait3A_145] : memref<320000xi32, #tpu.memory_space<hbm>> -> memref<80xi32, #tpu.memory_space<hbm>>
    %dma_wait3A_147 = arith.constant 0 : i32
    %dma_wait3A_148 = tpu.memref_slice %arg7[%dma_wait3A_147] : memref<320000xi32, #tpu.memory_space<hbm>> -> memref<80xi32, #tpu.memory_space<hbm>>
    tpu.wait_dma2 semaphore(%arg21 : memref<!tpu.dma_semaphore, #tpu.memory_space<semaphore_mem>>) src(%dma_wait3A_148 : memref<80xi32, #tpu.memory_space<hbm>>) dst(%arg15 : memref<80xi32, #tpu.memory_space<vmem>>)
    %barrier3A_149 = arith.constant 0 : index
    tpu.barrier barrier_id(%barrier3A_149)
    %scan3A_150 = arith.constant 0 : i32
    %scan3A_151 = arith.constant 4 : i32
    %scan3A_152 = arith.addi %scan3A_150, %scan3A_151 : i32
    %scan3A_153 = arith.constant 1 : i32
    scf.for %scan3A_232 = %scan3A_150 to %scan3A_152 step %scan3A_153  : i32 {
      %mul3A_233 = arith.constant 1 : i32
      %mul3A_234 = arith.muli %scan3A_232, %mul3A_233 : i32
      %add3A_235 = arith.constant 0 : i32
      %add3A_236 = arith.addi %add3A_235, %mul3A_234 : i32
      %mul3A_237 = arith.constant 2 : i32
      %mul3A_238 = arith.muli %mul3A_237, %add3A_236 : i32
      %mul3A_239 = arith.constant 80 : i32
      %mul3A_240 = arith.muli %mul3A_238, %mul3A_239 : i32
      %add3A_241 = arith.addi %mul3A_3, %mul3A_240 : i32
      %mul3A_242 = arith.constant 2 : i32
      %mul3A_243 = arith.muli %mul3A_242, %add3A_236 : i32
      %add3A_244 = arith.constant 1 : i32
      %add3A_245 = arith.addi %mul3A_243, %add3A_244 : i32
      %mul3A_246 = arith.constant 80 : i32
      %mul3A_247 = arith.muli %add3A_245, %mul3A_246 : i32
      %add3A_248 = arith.addi %mul3A_3, %mul3A_247 : i32
      %mul3A_249 = arith.constant 2 : i32
      %mul3A_250 = arith.muli %mul3A_249, %add3A_236 : i32
      %mul3A_251 = arith.constant 80 : i32
      %mul3A_252 = arith.muli %mul3A_250, %mul3A_251 : i32
      %add3A_253 = arith.addi %add3A_8, %mul3A_252 : i32
      %mul3A_254 = arith.constant 2 : i32
      %mul3A_255 = arith.muli %mul3A_254, %add3A_236 : i32
      %add3A_256 = arith.constant 1 : i32
      %add3A_257 = arith.addi %mul3A_255, %add3A_256 : i32
      %mul3A_258 = arith.constant 80 : i32
      %mul3A_259 = arith.muli %add3A_257, %mul3A_258 : i32
      %add3A_260 = arith.addi %add3A_8, %mul3A_259 : i32
      %dma_start3A_261 = arith.constant 0 : i32
      %dma_start3A_262 = tpu.memref_slice %arg11[%add3A_241, %dma_start3A_261] : memref<10240x128xf32, #tpu.memory_space<vmem_shared>> -> memref<80x128xf32, #tpu.memory_space<vmem_shared>>
      %dma_start3A_263 = arith.constant 0 : i32
      %dma_start3A_264 = tpu.memref_slice %arg11[%add3A_241, %dma_start3A_263] : memref<10240x128xf32, #tpu.memory_space<vmem_shared>> -> memref<80x128xf32, #tpu.memory_space<vmem_shared>>
      tpu.enqueue_dma source(%dma_start3A_264 : memref<80x128xf32, #tpu.memory_space<vmem_shared>>) target(%arg16 : memref<80x128xf32, #tpu.memory_space<vmem>>) target_semaphore(%arg18 : memref<!tpu.dma_semaphore, #tpu.memory_space<semaphore_mem>>)
      %dma_start3A_265 = arith.constant 0 : i32
      %dma_start3A_266 = tpu.memref_slice %arg11[%add3A_248, %dma_start3A_265] : memref<10240x128xf32, #tpu.memory_space<vmem_shared>> -> memref<80x128xf32, #tpu.memory_space<vmem_shared>>
      %dma_start3A_267 = arith.constant 0 : i32
      %dma_start3A_268 = tpu.memref_slice %arg11[%add3A_248, %dma_start3A_267] : memref<10240x128xf32, #tpu.memory_space<vmem_shared>> -> memref<80x128xf32, #tpu.memory_space<vmem_shared>>
      tpu.enqueue_dma source(%dma_start3A_268 : memref<80x128xf32, #tpu.memory_space<vmem_shared>>) target(%arg17 : memref<80x128xf32, #tpu.memory_space<vmem>>) target_semaphore(%arg19 : memref<!tpu.dma_semaphore, #tpu.memory_space<semaphore_mem>>)
      %dma_wait3A_269 = arith.constant 0 : i32
      %dma_wait3A_270 = tpu.memref_slice %arg11[%add3A_241, %dma_wait3A_269] : memref<10240x128xf32, #tpu.memory_space<vmem_shared>> -> memref<80x128xf32, #tpu.memory_space<vmem_shared>>
      %dma_wait3A_271 = arith.constant 0 : i32
      %dma_wait3A_272 = tpu.memref_slice %arg11[%add3A_241, %dma_wait3A_271] : memref<10240x128xf32, #tpu.memory_space<vmem_shared>> -> memref<80x128xf32, #tpu.memory_space<vmem_shared>>
      tpu.wait_dma2 semaphore(%arg18 : memref<!tpu.dma_semaphore, #tpu.memory_space<semaphore_mem>>) src(%dma_wait3A_272 : memref<80x128xf32, #tpu.memory_space<vmem_shared>>) dst(%arg16 : memref<80x128xf32, #tpu.memory_space<vmem>>)
      %dma_start3A_273 = arith.constant 1 : i32
      %dma_start3A_274 = arith.constant 0 : i32
      %dma_start3A_275 = tpu.memref_slice %arg10[%dma_start3A_273, %add3A_253, %dma_start3A_274] : memref<3x20480x128xf32, #tpu.memory_space<hbm>> -> memref<1x80x128xf32, #tpu.memory_space<hbm>>
      %dma_start3A_276 = tpu.memref_squeeze %dma_start3A_275 : memref<1x80x128xf32, #tpu.memory_space<hbm>> -> memref<80x128xf32, #tpu.memory_space<hbm>>
      %dma_start3A_277 = arith.constant 0 : i32
      %dma_start3A_278 = tpu.memref_slice %arg10[%dma_start3A_273, %add3A_253, %dma_start3A_277] : memref<3x20480x128xf32, #tpu.memory_space<hbm>> -> memref<1x80x128xf32, #tpu.memory_space<hbm>>
      %dma_start3A_279 = tpu.memref_squeeze %dma_start3A_278 : memref<1x80x128xf32, #tpu.memory_space<hbm>> -> memref<80x128xf32, #tpu.memory_space<hbm>>
      tpu.enqueue_dma source(%arg16 : memref<80x128xf32, #tpu.memory_space<vmem>>) target(%dma_start3A_279 : memref<80x128xf32, #tpu.memory_space<hbm>>) target_semaphore(%arg20 : memref<!tpu.dma_semaphore, #tpu.memory_space<semaphore_mem>>)
      %dma_wait3A_280 = arith.constant 0 : i32
      %dma_wait3A_281 = tpu.memref_slice %arg11[%add3A_248, %dma_wait3A_280] : memref<10240x128xf32, #tpu.memory_space<vmem_shared>> -> memref<80x128xf32, #tpu.memory_space<vmem_shared>>
      %dma_wait3A_282 = arith.constant 0 : i32
      %dma_wait3A_283 = tpu.memref_slice %arg11[%add3A_248, %dma_wait3A_282] : memref<10240x128xf32, #tpu.memory_space<vmem_shared>> -> memref<80x128xf32, #tpu.memory_space<vmem_shared>>
      tpu.wait_dma2 semaphore(%arg19 : memref<!tpu.dma_semaphore, #tpu.memory_space<semaphore_mem>>) src(%dma_wait3A_283 : memref<80x128xf32, #tpu.memory_space<vmem_shared>>) dst(%arg17 : memref<80x128xf32, #tpu.memory_space<vmem>>)
      %dma_start3A_284 = arith.constant 1 : i32
      %dma_start3A_285 = arith.constant 0 : i32
      %dma_start3A_286 = tpu.memref_slice %arg10[%dma_start3A_284, %add3A_260, %dma_start3A_285] : memref<3x20480x128xf32, #tpu.memory_space<hbm>> -> memref<1x80x128xf32, #tpu.memory_space<hbm>>
      %dma_start3A_287 = tpu.memref_squeeze %dma_start3A_286 : memref<1x80x128xf32, #tpu.memory_space<hbm>> -> memref<80x128xf32, #tpu.memory_space<hbm>>
      %dma_start3A_288 = arith.constant 0 : i32
      %dma_start3A_289 = tpu.memref_slice %arg10[%dma_start3A_284, %add3A_260, %dma_start3A_288] : memref<3x20480x128xf32, #tpu.memory_space<hbm>> -> memref<1x80x128xf32, #tpu.memory_space<hbm>>
      %dma_start3A_290 = tpu.memref_squeeze %dma_start3A_289 : memref<1x80x128xf32, #tpu.memory_space<hbm>> -> memref<80x128xf32, #tpu.memory_space<hbm>>
      tpu.enqueue_dma source(%arg17 : memref<80x128xf32, #tpu.memory_space<vmem>>) target(%dma_start3A_290 : memref<80x128xf32, #tpu.memory_space<hbm>>) target_semaphore(%arg21 : memref<!tpu.dma_semaphore, #tpu.memory_space<semaphore_mem>>)
      %dma_wait3A_291 = arith.constant 1 : i32
      %dma_wait3A_292 = arith.constant 0 : i32
      %dma_wait3A_293 = tpu.memref_slice %arg10[%dma_wait3A_291, %add3A_253, %dma_wait3A_292] : memref<3x20480x128xf32, #tpu.memory_space<hbm>> -> memref<1x80x128xf32, #tpu.memory_space<hbm>>
      %dma_wait3A_294 = tpu.memref_squeeze %dma_wait3A_293 : memref<1x80x128xf32, #tpu.memory_space<hbm>> -> memref<80x128xf32, #tpu.memory_space<hbm>>
      %dma_wait3A_295 = arith.constant 0 : i32
      %dma_wait3A_296 = tpu.memref_slice %arg10[%dma_wait3A_291, %add3A_253, %dma_wait3A_295] : memref<3x20480x128xf32, #tpu.memory_space<hbm>> -> memref<1x80x128xf32, #tpu.memory_space<hbm>>
      %dma_wait3A_297 = tpu.memref_squeeze %dma_wait3A_296 : memref<1x80x128xf32, #tpu.memory_space<hbm>> -> memref<80x128xf32, #tpu.memory_space<hbm>>
      tpu.wait_dma2 semaphore(%arg20 : memref<!tpu.dma_semaphore, #tpu.memory_space<semaphore_mem>>) src(%arg16 : memref<80x128xf32, #tpu.memory_space<vmem>>) dst(%dma_wait3A_297 : memref<80x128xf32, #tpu.memory_space<hbm>>)
      %dma_wait3A_298 = arith.constant 1 : i32
      %dma_wait3A_299 = arith.constant 0 : i32
      %dma_wait3A_300 = tpu.memref_slice %arg10[%dma_wait3A_298, %add3A_260, %dma_wait3A_299] : memref<3x20480x128xf32, #tpu.memory_space<hbm>> -> memref<1x80x128xf32, #tpu.memory_space<hbm>>
      %dma_wait3A_301 = tpu.memref_squeeze %dma_wait3A_300 : memref<1x80x128xf32, #tpu.memory_space<hbm>> -> memref<80x128xf32, #tpu.memory_space<hbm>>
      %dma_wait3A_302 = arith.constant 0 : i32
      %dma_wait3A_303 = tpu.memref_slice %arg10[%dma_wait3A_298, %add3A_260, %dma_wait3A_302] : memref<3x20480x128xf32, #tpu.memory_space<hbm>> -> memref<1x80x128xf32, #tpu.memory_space<hbm>>
      %dma_wait3A_304 = tpu.memref_squeeze %dma_wait3A_303 : memref<1x80x128xf32, #tpu.memory_space<hbm>> -> memref<80x128xf32, #tpu.memory_space<hbm>>
      tpu.wait_dma2 semaphore(%arg21 : memref<!tpu.dma_semaphore, #tpu.memory_space<semaphore_mem>>) src(%arg17 : memref<80x128xf32, #tpu.memory_space<vmem>>) dst(%dma_wait3A_304 : memref<80x128xf32, #tpu.memory_space<hbm>>)
    }
    %scan3A_154 = arith.constant 4 : i32
    %barrier3A_155 = arith.constant 0 : index
    tpu.barrier barrier_id(%barrier3A_155)
    %scan3A_156 = arith.constant 0 : i32
    %scan3A_157 = arith.constant 0 : i32
    %scan3A_158 = arith.constant 80 : i32
    %scan3A_159 = arith.addi %scan3A_157, %scan3A_158 : i32
    %scan3A_160 = arith.constant 1 : i32
    %scan3A_161 = scf.for %scan3A_232 = %scan3A_157 to %scan3A_159 step %scan3A_160 iter_args(%scan3A_233 = %scan3A_156) -> (i32)  : i32 {
      %swap3A = arith.index_cast %scan3A_232 : i32 to index
      %swap3A_234 = arith.constant 0 : index
      %swap3A_235 = tpu.vector_load %arg16[%swap3A, %swap3A_234] {strides = array<i32>} : memref<80x128xf32, #tpu.memory_space<vmem>>, vector<1x16xf32>,
      %swap3A_236 = vector.shape_cast %swap3A_235 : vector<1x16xf32> to vector<16xf32>
      %swap3A_237 = vector.shape_cast %broadcast_in_dim3A_1 : vector<16xf32> to vector<1x16xf32>
      tpu.vector_store %arg16[%swap3A, %swap3A_234], %swap3A_237 {strides = array<i32>} : memref<80x128xf32, #tpu.memory_space<vmem>>, vector<1x16xf32>,
      %swap3A_238 = arith.index_cast %scan3A_232 : i32 to index
      %swap3A_239 = arith.constant 16 : index
      %swap3A_240 = tpu.vector_load %arg16[%swap3A_238, %swap3A_239] {strides = array<i32>} : memref<80x128xf32, #tpu.memory_space<vmem>>, vector<1x16xf32>,
      %swap3A_241 = vector.shape_cast %swap3A_240 : vector<1x16xf32> to vector<16xf32>
      %swap3A_242 = vector.shape_cast %broadcast_in_dim3A_1 : vector<16xf32> to vector<1x16xf32>
      tpu.vector_store %arg16[%swap3A_238, %swap3A_239], %swap3A_242 {strides = array<i32>} : memref<80x128xf32, #tpu.memory_space<vmem>>, vector<1x16xf32>,
      %swap3A_243 = arith.index_cast %scan3A_232 : i32 to index
      %swap3A_244 = arith.constant 32 : index
      %swap3A_245 = tpu.vector_load %arg16[%swap3A_243, %swap3A_244] {strides = array<i32>} : memref<80x128xf32, #tpu.memory_space<vmem>>, vector<1x16xf32>,
      %swap3A_246 = vector.shape_cast %swap3A_245 : vector<1x16xf32> to vector<16xf32>
      %swap3A_247 = vector.shape_cast %broadcast_in_dim3A_1 : vector<16xf32> to vector<1x16xf32>
      tpu.vector_store %arg16[%swap3A_243, %swap3A_244], %swap3A_247 {strides = array<i32>} : memref<80x128xf32, #tpu.memory_space<vmem>>, vector<1x16xf32>,
      %swap3A_248 = arith.index_cast %scan3A_232 : i32 to index
      %swap3A_249 = arith.constant 48 : index
      %swap3A_250 = tpu.vector_load %arg16[%swap3A_248, %swap3A_249] {strides = array<i32>} : memref<80x128xf32, #tpu.memory_space<vmem>>, vector<1x16xf32>,
      %swap3A_251 = vector.shape_cast %swap3A_250 : vector<1x16xf32> to vector<16xf32>
      %swap3A_252 = vector.shape_cast %broadcast_in_dim3A_1 : vector<16xf32> to vector<1x16xf32>
      tpu.vector_store %arg16[%swap3A_248, %swap3A_249], %swap3A_252 {strides = array<i32>} : memref<80x128xf32, #tpu.memory_space<vmem>>, vector<1x16xf32>,
      %swap3A_253 = arith.index_cast %scan3A_232 : i32 to index
      %swap3A_254 = arith.constant 64 : index
      %swap3A_255 = tpu.vector_load %arg16[%swap3A_253, %swap3A_254] {strides = array<i32>} : memref<80x128xf32, #tpu.memory_space<vmem>>, vector<1x16xf32>,
      %swap3A_256 = vector.shape_cast %swap3A_255 : vector<1x16xf32> to vector<16xf32>
      %swap3A_257 = vector.shape_cast %broadcast_in_dim3A_1 : vector<16xf32> to vector<1x16xf32>
      tpu.vector_store %arg16[%swap3A_253, %swap3A_254], %swap3A_257 {strides = array<i32>} : memref<80x128xf32, #tpu.memory_space<vmem>>, vector<1x16xf32>,
      %swap3A_258 = arith.index_cast %scan3A_232 : i32 to index
      %swap3A_259 = arith.constant 80 : index
      %swap3A_260 = tpu.vector_load %arg16[%swap3A_258, %swap3A_259] {strides = array<i32>} : memref<80x128xf32, #tpu.memory_space<vmem>>, vector<1x16xf32>,
      %swap3A_261 = vector.shape_cast %swap3A_260 : vector<1x16xf32> to vector<16xf32>
      %swap3A_262 = vector.shape_cast %broadcast_in_dim3A_1 : vector<16xf32> to vector<1x16xf32>
      tpu.vector_store %arg16[%swap3A_258, %swap3A_259], %swap3A_262 {strides = array<i32>} : memref<80x128xf32, #tpu.memory_space<vmem>>, vector<1x16xf32>,
      %swap3A_263 = arith.index_cast %scan3A_232 : i32 to index
      %swap3A_264 = arith.constant 96 : index
      %swap3A_265 = tpu.vector_load %arg16[%swap3A_263, %swap3A_264] {strides = array<i32>} : memref<80x128xf32, #tpu.memory_space<vmem>>, vector<1x16xf32>,
      %swap3A_266 = vector.shape_cast %swap3A_265 : vector<1x16xf32> to vector<16xf32>
      %swap3A_267 = vector.shape_cast %broadcast_in_dim3A_1 : vector<16xf32> to vector<1x16xf32>
      tpu.vector_store %arg16[%swap3A_263, %swap3A_264], %swap3A_267 {strides = array<i32>} : memref<80x128xf32, #tpu.memory_space<vmem>>, vector<1x16xf32>,
      %swap3A_268 = arith.index_cast %scan3A_232 : i32 to index
      %swap3A_269 = arith.constant 112 : index
      %swap3A_270 = tpu.vector_load %arg16[%swap3A_268, %swap3A_269] {strides = array<i32>} : memref<80x128xf32, #tpu.memory_space<vmem>>, vector<1x16xf32>,
      %swap3A_271 = vector.shape_cast %swap3A_270 : vector<1x16xf32> to vector<16xf32>
      %swap3A_272 = vector.shape_cast %broadcast_in_dim3A_1 : vector<16xf32> to vector<1x16xf32>
      tpu.vector_store %arg16[%swap3A_268, %swap3A_269], %swap3A_272 {strides = array<i32>} : memref<80x128xf32, #tpu.memory_space<vmem>>, vector<1x16xf32>,
      %scan3A_273 = arith.constant 0 : i32
      scf.yield %scan3A_273 : i32
    }
    %scan3A_162 = arith.constant 80 : i32
    %scan3A_163 = arith.constant 0 : i32
    %scan3A_164 = arith.constant 8 : i32
    %scan3A_165 = arith.addi %scan3A_163, %scan3A_164 : i32
    %scan3A_166 = arith.constant 1 : i32
    scf.for %scan3A_232 = %scan3A_163 to %scan3A_165 step %scan3A_166  : i32 {
      %mul3A_233 = arith.constant 1 : i32
      %mul3A_234 = arith.muli %scan3A_232, %mul3A_233 : i32
      %add3A_235 = arith.constant 0 : i32
      %add3A_236 = arith.addi %add3A_235, %mul3A_234 : i32
      %mul3A_237 = arith.constant 80 : i32
      %mul3A_238 = arith.muli %add3A_236, %mul3A_237 : i32
      %add3A_239 = arith.addi %mul3A_3, %mul3A_238 : i32
      %dma_start3A_240 = arith.constant 0 : i32
      %dma_start3A_241 = tpu.memref_slice %arg11[%add3A_239, %dma_start3A_240] : memref<10240x128xf32, #tpu.memory_space<vmem_shared>> -> memref<80x128xf32, #tpu.memory_space<vmem_shared>>
      %dma_start3A_242 = arith.constant 0 : i32
      %dma_start3A_243 = tpu.memref_slice %arg11[%add3A_239, %dma_start3A_242] : memref<10240x128xf32, #tpu.memory_space<vmem_shared>> -> memref<80x128xf32, #tpu.memory_space<vmem_shared>>
      tpu.enqueue_dma source(%arg16 : memref<80x128xf32, #tpu.memory_space<vmem>>) target(%dma_start3A_243 : memref<80x128xf32, #tpu.memory_space<vmem_shared>>) target_semaphore(%arg22 : memref<!tpu.dma_semaphore, #tpu.memory_space<semaphore_mem>>)
    }
    %scan3A_167 = arith.constant 8 : i32
    %scan3A_168 = arith.constant 0 : i32
    %scan3A_169 = arith.constant 8 : i32
    %scan3A_170 = arith.addi %scan3A_168, %scan3A_169 : i32
    %scan3A_171 = arith.constant 1 : i32
    scf.for %scan3A_232 = %scan3A_168 to %scan3A_170 step %scan3A_171  : i32 {
      %mul3A_233 = arith.constant 1 : i32
      %mul3A_234 = arith.muli %scan3A_232, %mul3A_233 : i32
      %add3A_235 = arith.constant 0 : i32
      %add3A_236 = arith.addi %add3A_235, %mul3A_234 : i32
      %dma_wait3A_237 = arith.constant 0 : i32
      %dma_wait3A_238 = tpu.memref_slice %arg11[%mul3A_3, %dma_wait3A_237] : memref<10240x128xf32, #tpu.memory_space<vmem_shared>> -> memref<80x128xf32, #tpu.memory_space<vmem_shared>>
      %dma_wait3A_239 = arith.constant 0 : i32
      %dma_wait3A_240 = tpu.memref_slice %arg11[%mul3A_3, %dma_wait3A_239] : memref<10240x128xf32, #tpu.memory_space<vmem_shared>> -> memref<80x128xf32, #tpu.memory_space<vmem_shared>>
      tpu.wait_dma2 semaphore(%arg22 : memref<!tpu.dma_semaphore, #tpu.memory_space<semaphore_mem>>) src(%arg16 : memref<80x128xf32, #tpu.memory_space<vmem>>) dst(%dma_wait3A_240 : memref<80x128xf32, #tpu.memory_space<vmem_shared>>)
    }
    %scan3A_172 = arith.constant 8 : i32
    %barrier3A_173 = arith.constant 0 : index
    tpu.barrier barrier_id(%barrier3A_173)
    %mul3A_174 = arith.constant 10000 : i32
    %mul3A_175 = arith.muli %add3A, %mul3A_174 : i32
    %add3A_176 = arith.constant 0 : i32
    %add3A_177 = arith.addi %mul3A_175, %add3A_176 : i32
    %min3A_178 = arith.constant 319920 : i32
    %min3A_179 = arith.minsi %add3A_177, %min3A_178 : i32
    %dma_start3A_180 = tpu.memref_slice %arg8[%min3A_179] : memref<320000xi32, #tpu.memory_space<hbm>> -> memref<80xi32, #tpu.memory_space<hbm>>
    %dma_start3A_181 = tpu.memref_slice %arg8[%min3A_179] : memref<320000xi32, #tpu.memory_space<hbm>> -> memref<80xi32, #tpu.memory_space<hbm>>
    tpu.enqueue_dma source(%dma_start3A_181 : memref<80xi32, #tpu.memory_space<hbm>>) target(%arg12 : memref<80xi32, #tpu.memory_space<vmem>>) target_semaphore(%arg20 : memref<!tpu.dma_semaphore, #tpu.memory_space<semaphore_mem>>)
    %dma_start3A_182 = tpu.memref_slice %arg9[%min3A_179] : memref<320000xi32, #tpu.memory_space<hbm>> -> memref<80xi32, #tpu.memory_space<hbm>>
    %dma_start3A_183 = tpu.memref_slice %arg9[%min3A_179] : memref<320000xi32, #tpu.memory_space<hbm>> -> memref<80xi32, #tpu.memory_space<hbm>>
    tpu.enqueue_dma source(%dma_start3A_183 : memref<80xi32, #tpu.memory_space<hbm>>) target(%arg13 : memref<80xi32, #tpu.memory_space<vmem>>) target_semaphore(%arg20 : memref<!tpu.dma_semaphore, #tpu.memory_space<semaphore_mem>>)
    %dma_wait3A_184 = arith.constant 0 : i32
    %dma_wait3A_185 = tpu.memref_slice %arg8[%dma_wait3A_184] : memref<320000xi32, #tpu.memory_space<hbm>> -> memref<80xi32, #tpu.memory_space<hbm>>
    %dma_wait3A_186 = arith.constant 0 : i32
    %dma_wait3A_187 = tpu.memref_slice %arg8[%dma_wait3A_186] : memref<320000xi32, #tpu.memory_space<hbm>> -> memref<80xi32, #tpu.memory_space<hbm>>
    tpu.wait_dma2 semaphore(%arg20 : memref<!tpu.dma_semaphore, #tpu.memory_space<semaphore_mem>>) src(%dma_wait3A_187 : memref<80xi32, #tpu.memory_space<hbm>>) dst(%arg12 : memref<80xi32, #tpu.memory_space<vmem>>)
    %dma_wait3A_188 = arith.constant 0 : i32
    %dma_wait3A_189 = tpu.memref_slice %arg9[%dma_wait3A_188] : memref<320000xi32, #tpu.memory_space<hbm>> -> memref<80xi32, #tpu.memory_space<hbm>>
    %dma_wait3A_190 = arith.constant 0 : i32
    %dma_wait3A_191 = tpu.memref_slice %arg9[%dma_wait3A_190] : memref<320000xi32, #tpu.memory_space<hbm>> -> memref<80xi32, #tpu.memory_space<hbm>>
    tpu.wait_dma2 semaphore(%arg20 : memref<!tpu.dma_semaphore, #tpu.memory_space<semaphore_mem>>) src(%dma_wait3A_191 : memref<80xi32, #tpu.memory_space<hbm>>) dst(%arg13 : memref<80xi32, #tpu.memory_space<vmem>>)
    %dma_start3A_192 = arith.constant 0 : i32
    %dma_start3A_193 = arith.constant 0 : i32
    %dma_start3A_194 = tpu.memref_slice %arg3[%dma_start3A_192, %dma_start3A_193] : memref<10000x128xf32, #tpu.memory_space<hbm>> -> memref<10000x128xf32, #tpu.memory_space<hbm>>
    tpu.enqueue_indirect_dma source(%dma_start3A_194 : memref<10000x128xf32, #tpu.memory_space<hbm>>) target(%arg16 : memref<80x128xf32, #tpu.memory_space<vmem>>) offsets(%arg12 : memref<80xi32, #tpu.memory_space<vmem>>) semaphore(%arg18 : memref<!tpu.dma_semaphore, #tpu.memory_space<semaphore_mem>>)
    %add3A_195 = arith.constant 80 : i32
    %add3A_196 = arith.addi %mul3A_175, %add3A_195 : i32
    %min3A_197 = arith.constant 319920 : i32
    %min3A_198 = arith.minsi %add3A_196, %min3A_197 : i32
    %dma_start3A_199 = tpu.memref_slice %arg8[%min3A_198] : memref<320000xi32, #tpu.memory_space<hbm>> -> memref<80xi32, #tpu.memory_space<hbm>>
    %dma_start3A_200 = tpu.memref_slice %arg8[%min3A_198] : memref<320000xi32, #tpu.memory_space<hbm>> -> memref<80xi32, #tpu.memory_space<hbm>>
    tpu.enqueue_dma source(%dma_start3A_200 : memref<80xi32, #tpu.memory_space<hbm>>) target(%arg14 : memref<80xi32, #tpu.memory_space<vmem>>) target_semaphore(%arg21 : memref<!tpu.dma_semaphore, #tpu.memory_space<semaphore_mem>>)
    %dma_start3A_201 = tpu.memref_slice %arg9[%min3A_198] : memref<320000xi32, #tpu.memory_space<hbm>> -> memref<80xi32, #tpu.memory_space<hbm>>
    %dma_start3A_202 = tpu.memref_slice %arg9[%min3A_198] : memref<320000xi32, #tpu.memory_space<hbm>> -> memref<80xi32, #tpu.memory_space<hbm>>
    tpu.enqueue_dma source(%dma_start3A_202 : memref<80xi32, #tpu.memory_space<hbm>>) target(%arg15 : memref<80xi32, #tpu.memory_space<vmem>>) target_semaphore(%arg21 : memref<!tpu.dma_semaphore, #tpu.memory_space<semaphore_mem>>)
    %scan3A_203 = arith.constant 0 : i32
    %scan3A_204 = arith.constant 62 : i32
    %scan3A_205 = arith.addi %scan3A_203, %scan3A_204 : i32
    %scan3A_206 = arith.constant 1 : i32
    scf.for %scan3A_232 = %scan3A_203 to %scan3A_205 step %scan3A_206  : i32 {
      %mul3A_233 = arith.constant 1 : i32
      %mul3A_234 = arith.muli %scan3A_232, %mul3A_233 : i32
      %add3A_235 = arith.constant 0 : i32
      %add3A_236 = arith.addi %add3A_235, %mul3A_234 : i32
      %dma_wait3A_237 = arith.constant 0 : i32
      %dma_wait3A_238 = tpu.memref_slice %arg8[%dma_wait3A_237] : memref<320000xi32, #tpu.memory_space<hbm>> -> memref<80xi32, #tpu.memory_space<hbm>>
      %dma_wait3A_239 = arith.constant 0 : i32
      %dma_wait3A_240 = tpu.memref_slice %arg8[%dma_wait3A_239] : memref<320000xi32, #tpu.memory_space<hbm>> -> memref<80xi32, #tpu.memory_space<hbm>>
      tpu.wait_dma2 semaphore(%arg21 : memref<!tpu.dma_semaphore, #tpu.memory_space<semaphore_mem>>) src(%dma_wait3A_240 : memref<80xi32, #tpu.memory_space<hbm>>) dst(%arg14 : memref<80xi32, #tpu.memory_space<vmem>>)
      %dma_wait3A_241 = arith.constant 0 : i32
      %dma_wait3A_242 = tpu.memref_slice %arg9[%dma_wait3A_241] : memref<320000xi32, #tpu.memory_space<hbm>> -> memref<80xi32, #tpu.memory_space<hbm>>
      %dma_wait3A_243 = arith.constant 0 : i32
      %dma_wait3A_244 = tpu.memref_slice %arg9[%dma_wait3A_243] : memref<320000xi32, #tpu.memory_space<hbm>> -> memref<80xi32, #tpu.memory_space<hbm>>
      tpu.wait_dma2 semaphore(%arg21 : memref<!tpu.dma_semaphore, #tpu.memory_space<semaphore_mem>>) src(%dma_wait3A_244 : memref<80xi32, #tpu.memory_space<hbm>>) dst(%arg15 : memref<80xi32, #tpu.memory_space<vmem>>)
      %dma_start3A_245 = arith.constant 0 : i32
      %dma_start3A_246 = arith.constant 0 : i32
      %dma_start3A_247 = tpu.memref_slice %arg3[%dma_start3A_245, %dma_start3A_246] : memref<10000x128xf32, #tpu.memory_space<hbm>> -> memref<10000x128xf32, #tpu.memory_space<hbm>>
      tpu.enqueue_indirect_dma source(%dma_start3A_247 : memref<10000x128xf32, #tpu.memory_space<hbm>>) target(%arg17 : memref<80x128xf32, #tpu.memory_space<vmem>>) offsets(%arg14 : memref<80xi32, #tpu.memory_space<vmem>>) semaphore(%arg19 : memref<!tpu.dma_semaphore, #tpu.memory_space<semaphore_mem>>)
      %dma_wait3A_248 = arith.constant 0 : i32
      %dma_wait3A_249 = arith.constant 0 : i32
      %dma_wait3A_250 = tpu.memref_slice %arg3[%dma_wait3A_248, %dma_wait3A_249] : memref<10000x128xf32, #tpu.memory_space<hbm>> -> memref<10000x128xf32, #tpu.memory_space<hbm>>
      tpu.wait_indirect_dma semaphore(%arg18 : memref<!tpu.dma_semaphore, #tpu.memory_space<semaphore_mem>>) src(%dma_wait3A_250 : memref<10000x128xf32, #tpu.memory_space<hbm>>) dst(%arg16 : memref<80x128xf32, #tpu.memory_space<vmem>>)
      %dma_start3A_251 = arith.constant 0 : i32
      %dma_start3A_252 = arith.constant 0 : i32
      %dma_start3A_253 = tpu.memref_slice %arg11[%dma_start3A_251, %dma_start3A_252] : memref<10240x128xf32, #tpu.memory_space<vmem_shared>> -> memref<10240x128xf32, #tpu.memory_space<vmem_shared>>
      tpu.enqueue_indirect_dma source(%arg16 : memref<80x128xf32, #tpu.memory_space<vmem>>) target(%dma_start3A_253 : memref<10240x128xf32, #tpu.memory_space<vmem_shared>>) offsets(%arg13 : memref<80xi32, #tpu.memory_space<vmem>>) semaphore(%arg22 : memref<!tpu.dma_semaphore, #tpu.memory_space<semaphore_mem>>) {add = true}
      %dma_wait3A_254 = arith.constant 0 : i32
      %dma_wait3A_255 = arith.constant 0 : i32
      %dma_wait3A_256 = tpu.memref_slice %arg11[%dma_wait3A_254, %dma_wait3A_255] : memref<10240x128xf32, #tpu.memory_space<vmem_shared>> -> memref<10240x128xf32, #tpu.memory_space<vmem_shared>>
      tpu.wait_indirect_dma semaphore(%arg22 : memref<!tpu.dma_semaphore, #tpu.memory_space<semaphore_mem>>) src(%arg16 : memref<80x128xf32, #tpu.memory_space<vmem>>) dst(%dma_wait3A_256 : memref<10240x128xf32, #tpu.memory_space<vmem_shared>>)
      %mul3A_257 = arith.constant 2 : i32
      %mul3A_258 = arith.muli %mul3A_257, %add3A_236 : i32
      %add3A_259 = arith.constant 2 : i32
      %add3A_260 = arith.addi %mul3A_258, %add3A_259 : i32
      %mul3A_261 = arith.constant 80 : i32
      %mul3A_262 = arith.muli %add3A_260, %mul3A_261 : i32
      %add3A_263 = arith.addi %mul3A_175, %mul3A_262 : i32
      %min3A_264 = arith.constant 319920 : i32
      %min3A_265 = arith.minsi %add3A_263, %min3A_264 : i32
      %dma_start3A_266 = tpu.memref_slice %arg8[%min3A_265] : memref<320000xi32, #tpu.memory_space<hbm>> -> memref<80xi32, #tpu.memory_space<hbm>>
      %dma_start3A_267 = tpu.memref_slice %arg8[%min3A_265] : memref<320000xi32, #tpu.memory_space<hbm>> -> memref<80xi32, #tpu.memory_space<hbm>>
      tpu.enqueue_dma source(%dma_start3A_267 : memref<80xi32, #tpu.memory_space<hbm>>) target(%arg12 : memref<80xi32, #tpu.memory_space<vmem>>) target_semaphore(%arg20 : memref<!tpu.dma_semaphore, #tpu.memory_space<semaphore_mem>>)
      %dma_start3A_268 = tpu.memref_slice %arg9[%min3A_265] : memref<320000xi32, #tpu.memory_space<hbm>> -> memref<80xi32, #tpu.memory_space<hbm>>
      %dma_start3A_269 = tpu.memref_slice %arg9[%min3A_265] : memref<320000xi32, #tpu.memory_space<hbm>> -> memref<80xi32, #tpu.memory_space<hbm>>
      tpu.enqueue_dma source(%dma_start3A_269 : memref<80xi32, #tpu.memory_space<hbm>>) target(%arg13 : memref<80xi32, #tpu.memory_space<vmem>>) target_semaphore(%arg20 : memref<!tpu.dma_semaphore, #tpu.memory_space<semaphore_mem>>)
      %dma_wait3A_270 = arith.constant 0 : i32
      %dma_wait3A_271 = arith.constant 0 : i32
      %dma_wait3A_272 = tpu.memref_slice %arg3[%dma_wait3A_270, %dma_wait3A_271] : memref<10000x128xf32, #tpu.memory_space<hbm>> -> memref<10000x128xf32, #tpu.memory_space<hbm>>
      tpu.wait_indirect_dma semaphore(%arg19 : memref<!tpu.dma_semaphore, #tpu.memory_space<semaphore_mem>>) src(%dma_wait3A_272 : memref<10000x128xf32, #tpu.memory_space<hbm>>) dst(%arg17 : memref<80x128xf32, #tpu.memory_space<vmem>>)
      %dma_start3A_273 = arith.constant 0 : i32
      %dma_start3A_274 = arith.constant 0 : i32
      %dma_start3A_275 = tpu.memref_slice %arg11[%dma_start3A_273, %dma_start3A_274] : memref<10240x128xf32, #tpu.memory_space<vmem_shared>> -> memref<10240x128xf32, #tpu.memory_space<vmem_shared>>
      tpu.enqueue_indirect_dma source(%arg17 : memref<80x128xf32, #tpu.memory_space<vmem>>) target(%dma_start3A_275 : memref<10240x128xf32, #tpu.memory_space<vmem_shared>>) offsets(%arg15 : memref<80xi32, #tpu.memory_space<vmem>>) semaphore(%arg22 : memref<!tpu.dma_semaphore, #tpu.memory_space<semaphore_mem>>) {add = true}
      %dma_wait3A_276 = arith.constant 0 : i32
      %dma_wait3A_277 = arith.constant 0 : i32
      %dma_wait3A_278 = tpu.memref_slice %arg11[%dma_wait3A_276, %dma_wait3A_277] : memref<10240x128xf32, #tpu.memory_space<vmem_shared>> -> memref<10240x128xf32, #tpu.memory_space<vmem_shared>>
      tpu.wait_indirect_dma semaphore(%arg22 : memref<!tpu.dma_semaphore, #tpu.memory_space<semaphore_mem>>) src(%arg17 : memref<80x128xf32, #tpu.memory_space<vmem>>) dst(%dma_wait3A_278 : memref<10240x128xf32, #tpu.memory_space<vmem_shared>>)
      %dma_wait3A_279 = arith.constant 0 : i32
      %dma_wait3A_280 = tpu.memref_slice %arg8[%dma_wait3A_279] : memref<320000xi32, #tpu.memory_space<hbm>> -> memref<80xi32, #tpu.memory_space<hbm>>
      %dma_wait3A_281 = arith.constant 0 : i32
      %dma_wait3A_282 = tpu.memref_slice %arg8[%dma_wait3A_281] : memref<320000xi32, #tpu.memory_space<hbm>> -> memref<80xi32, #tpu.memory_space<hbm>>
      tpu.wait_dma2 semaphore(%arg20 : memref<!tpu.dma_semaphore, #tpu.memory_space<semaphore_mem>>) src(%dma_wait3A_282 : memref<80xi32, #tpu.memory_space<hbm>>) dst(%arg12 : memref<80xi32, #tpu.memory_space<vmem>>)
      %dma_wait3A_283 = arith.constant 0 : i32
      %dma_wait3A_284 = tpu.memref_slice %arg9[%dma_wait3A_283] : memref<320000xi32, #tpu.memory_space<hbm>> -> memref<80xi32, #tpu.memory_space<hbm>>
      %dma_wait3A_285 = arith.constant 0 : i32
      %dma_wait3A_286 = tpu.memref_slice %arg9[%dma_wait3A_285] : memref<320000xi32, #tpu.memory_space<hbm>> -> memref<80xi32, #tpu.memory_space<hbm>>
      tpu.wait_dma2 semaphore(%arg20 : memref<!tpu.dma_semaphore, #tpu.memory_space<semaphore_mem>>) src(%dma_wait3A_286 : memref<80xi32, #tpu.memory_space<hbm>>) dst(%arg13 : memref<80xi32, #tpu.memory_space<vmem>>)
      %dma_start3A_287 = arith.constant 0 : i32
      %dma_start3A_288 = arith.constant 0 : i32
      %dma_start3A_289 = tpu.memref_slice %arg3[%dma_start3A_287, %dma_start3A_288] : memref<10000x128xf32, #tpu.memory_space<hbm>> -> memref<10000x128xf32, #tpu.memory_space<hbm>>
      tpu.enqueue_indirect_dma source(%dma_start3A_289 : memref<10000x128xf32, #tpu.memory_space<hbm>>) target(%arg16 : memref<80x128xf32, #tpu.memory_space<vmem>>) offsets(%arg12 : memref<80xi32, #tpu.memory_space<vmem>>) semaphore(%arg18 : memref<!tpu.dma_semaphore, #tpu.memory_space<semaphore_mem>>)
      %mul3A_290 = arith.constant 2 : i32
      %mul3A_291 = arith.muli %mul3A_290, %add3A_236 : i32
      %add3A_292 = arith.constant 3 : i32
      %add3A_293 = arith.addi %mul3A_291, %add3A_292 : i32
      %mul3A_294 = arith.constant 80 : i32
      %mul3A_295 = arith.muli %add3A_293, %mul3A_294 : i32
      %add3A_296 = arith.addi %mul3A_175, %mul3A_295 : i32
      %min3A_297 = arith.constant 319920 : i32
      %min3A_298 = arith.minsi %add3A_296, %min3A_297 : i32
      %dma_start3A_299 = tpu.memref_slice %arg8[%min3A_298] : memref<320000xi32, #tpu.memory_space<hbm>> -> memref<80xi32, #tpu.memory_space<hbm>>
      %dma_start3A_300 = tpu.memref_slice %arg8[%min3A_298] : memref<320000xi32, #tpu.memory_space<hbm>> -> memref<80xi32, #tpu.memory_space<hbm>>
      tpu.enqueue_dma source(%dma_start3A_300 : memref<80xi32, #tpu.memory_space<hbm>>) target(%arg14 : memref<80xi32, #tpu.memory_space<vmem>>) target_semaphore(%arg21 : memref<!tpu.dma_semaphore, #tpu.memory_space<semaphore_mem>>)
      %dma_start3A_301 = tpu.memref_slice %arg9[%min3A_298] : memref<320000xi32, #tpu.memory_space<hbm>> -> memref<80xi32, #tpu.memory_space<hbm>>
      %dma_start3A_302 = tpu.memref_slice %arg9[%min3A_298] : memref<320000xi32, #tpu.memory_space<hbm>> -> memref<80xi32, #tpu.memory_space<hbm>>
      tpu.enqueue_dma source(%dma_start3A_302 : memref<80xi32, #tpu.memory_space<hbm>>) target(%arg15 : memref<80xi32, #tpu.memory_space<vmem>>) target_semaphore(%arg21 : memref<!tpu.dma_semaphore, #tpu.memory_space<semaphore_mem>>)
    }
    %scan3A_207 = arith.constant 62 : i32
    %dma_wait3A_208 = arith.constant 0 : i32
    %dma_wait3A_209 = arith.constant 0 : i32
    %dma_wait3A_210 = tpu.memref_slice %arg3[%dma_wait3A_208, %dma_wait3A_209] : memref<10000x128xf32, #tpu.memory_space<hbm>> -> memref<10000x128xf32, #tpu.memory_space<hbm>>
    tpu.wait_indirect_dma semaphore(%arg18 : memref<!tpu.dma_semaphore, #tpu.memory_space<semaphore_mem>>) src(%dma_wait3A_210 : memref<10000x128xf32, #tpu.memory_space<hbm>>) dst(%arg16 : memref<80x128xf32, #tpu.memory_space<vmem>>)
    %dma_start3A_211 = arith.constant 0 : i32
    %dma_start3A_212 = arith.constant 0 : i32
    %dma_start3A_213 = tpu.memref_slice %arg11[%dma_start3A_211, %dma_start3A_212] : memref<10240x128xf32, #tpu.memory_space<vmem_shared>> -> memref<10240x128xf32, #tpu.memory_space<vmem_shared>>
    tpu.enqueue_indirect_dma source(%arg16 : memref<80x128xf32, #tpu.memory_space<vmem>>) target(%dma_start3A_213 : memref<10240x128xf32, #tpu.memory_space<vmem_shared>>) offsets(%arg13 : memref<80xi32, #tpu.memory_space<vmem>>) semaphore(%arg22 : memref<!tpu.dma_semaphore, #tpu.memory_space<semaphore_mem>>) {add = true}
    %dma_wait3A_214 = arith.constant 0 : i32
    %dma_wait3A_215 = arith.constant 0 : i32
    %dma_wait3A_216 = tpu.memref_slice %arg11[%dma_wait3A_214, %dma_wait3A_215] : memref<10240x128xf32, #tpu.memory_space<vmem_shared>> -> memref<10240x128xf32, #tpu.memory_space<vmem_shared>>
    tpu.wait_indirect_dma semaphore(%arg22 : memref<!tpu.dma_semaphore, #tpu.memory_space<semaphore_mem>>) src(%arg16 : memref<80x128xf32, #tpu.memory_space<vmem>>) dst(%dma_wait3A_216 : memref<10240x128xf32, #tpu.memory_space<vmem_shared>>)
    %dma_wait3A_217 = arith.constant 0 : i32
    %dma_wait3A_218 = tpu.memref_slice %arg8[%dma_wait3A_217] : memref<320000xi32, #tpu.memory_space<hbm>> -> memref<80xi32, #tpu.memory_space<hbm>>
    %dma_wait3A_219 = arith.constant 0 : i32
    %dma_wait3A_220 = tpu.memref_slice %arg8[%dma_wait3A_219] : memref<320000xi32, #tpu.memory_space<hbm>> -> memref<80xi32, #tpu.memory_space<hbm>>
    tpu.wait_dma2 semaphore(%arg21 : memref<!tpu.dma_semaphore, #tpu.memory_space<semaphore_mem>>) src(%dma_wait3A_220 : memref<80xi32, #tpu.memory_space<hbm>>) dst(%arg14 : memref<80xi32, #tpu.memory_space<vmem>>)
    %dma_wait3A_221 = arith.constant 0 : i32
    %dma_wait3A_222 = tpu.memref_slice %arg9[%dma_wait3A_221] : memref<320000xi32, #tpu.memory_space<hbm>> -> memref<80xi32, #tpu.memory_space<hbm>>
    %dma_wait3A_223 = arith.constant 0 : i32
    %dma_wait3A_224 = tpu.memref_slice %arg9[%dma_wait3A_223] : memref<320000xi32, #tpu.memory_space<hbm>> -> memref<80xi32, #tpu.memory_space<hbm>>
    tpu.wait_dma2 semaphore(%arg21 : memref<!tpu.dma_semaphore, #tpu.memory_space<semaphore_mem>>) src(%dma_wait3A_224 : memref<80xi32, #tpu.memory_space<hbm>>) dst(%arg15 : memref<80xi32, #tpu.memory_space<vmem>>)
    %barrier3A_225 = arith.constant 0 : index
    tpu.barrier barrier_id(%barrier3A_225)
    %scan3A_226 = arith.constant 0 : i32
    %scan3A_227 = arith.constant 4 : i32
    %scan3A_228 = arith.addi %scan3A_226, %scan3A_227 : i32
    %scan3A_229 = arith.constant 1 : i32
    scf.for %scan3A_232 = %scan3A_226 to %scan3A_228 step %scan3A_229  : i32 {
      %mul3A_233 = arith.constant 1 : i32
      %mul3A_234 = arith.muli %scan3A_232, %mul3A_233 : i32
      %add3A_235 = arith.constant 0 : i32
      %add3A_236 = arith.addi %add3A_235, %mul3A_234 : i32
      %mul3A_237 = arith.constant 2 : i32
      %mul3A_238 = arith.muli %mul3A_237, %add3A_236 : i32
      %mul3A_239 = arith.constant 80 : i32
      %mul3A_240 = arith.muli %mul3A_238, %mul3A_239 : i32
      %add3A_241 = arith.addi %mul3A_3, %mul3A_240 : i32
      %mul3A_242 = arith.constant 2 : i32
      %mul3A_243 = arith.muli %mul3A_242, %add3A_236 : i32
      %add3A_244 = arith.constant 1 : i32
      %add3A_245 = arith.addi %mul3A_243, %add3A_244 : i32
      %mul3A_246 = arith.constant 80 : i32
      %mul3A_247 = arith.muli %add3A_245, %mul3A_246 : i32
      %add3A_248 = arith.addi %mul3A_3, %mul3A_247 : i32
      %mul3A_249 = arith.constant 2 : i32
      %mul3A_250 = arith.muli %mul3A_249, %add3A_236 : i32
      %mul3A_251 = arith.constant 80 : i32
      %mul3A_252 = arith.muli %mul3A_250, %mul3A_251 : i32
      %add3A_253 = arith.addi %add3A_8, %mul3A_252 : i32
      %mul3A_254 = arith.constant 2 : i32
      %mul3A_255 = arith.muli %mul3A_254, %add3A_236 : i32
      %add3A_256 = arith.constant 1 : i32
      %add3A_257 = arith.addi %mul3A_255, %add3A_256 : i32
      %mul3A_258 = arith.constant 80 : i32
      %mul3A_259 = arith.muli %add3A_257, %mul3A_258 : i32
      %add3A_260 = arith.addi %add3A_8, %mul3A_259 : i32
      %dma_start3A_261 = arith.constant 0 : i32
      %dma_start3A_262 = tpu.memref_slice %arg11[%add3A_241, %dma_start3A_261] : memref<10240x128xf32, #tpu.memory_space<vmem_shared>> -> memref<80x128xf32, #tpu.memory_space<vmem_shared>>
      %dma_start3A_263 = arith.constant 0 : i32
      %dma_start3A_264 = tpu.memref_slice %arg11[%add3A_241, %dma_start3A_263] : memref<10240x128xf32, #tpu.memory_space<vmem_shared>> -> memref<80x128xf32, #tpu.memory_space<vmem_shared>>
      tpu.enqueue_dma source(%dma_start3A_264 : memref<80x128xf32, #tpu.memory_space<vmem_shared>>) target(%arg16 : memref<80x128xf32, #tpu.memory_space<vmem>>) target_semaphore(%arg18 : memref<!tpu.dma_semaphore, #tpu.memory_space<semaphore_mem>>)
      %dma_start3A_265 = arith.constant 0 : i32
      %dma_start3A_266 = tpu.memref_slice %arg11[%add3A_248, %dma_start3A_265] : memref<10240x128xf32, #tpu.memory_space<vmem_shared>> -> memref<80x128xf32, #tpu.memory_space<vmem_shared>>
      %dma_start3A_267 = arith.constant 0 : i32
      %dma_start3A_268 = tpu.memref_slice %arg11[%add3A_248, %dma_start3A_267] : memref<10240x128xf32, #tpu.memory_space<vmem_shared>> -> memref<80x128xf32, #tpu.memory_space<vmem_shared>>
      tpu.enqueue_dma source(%dma_start3A_268 : memref<80x128xf32, #tpu.memory_space<vmem_shared>>) target(%arg17 : memref<80x128xf32, #tpu.memory_space<vmem>>) target_semaphore(%arg19 : memref<!tpu.dma_semaphore, #tpu.memory_space<semaphore_mem>>)
      %dma_wait3A_269 = arith.constant 0 : i32
      %dma_wait3A_270 = tpu.memref_slice %arg11[%add3A_241, %dma_wait3A_269] : memref<10240x128xf32, #tpu.memory_space<vmem_shared>> -> memref<80x128xf32, #tpu.memory_space<vmem_shared>>
      %dma_wait3A_271 = arith.constant 0 : i32
      %dma_wait3A_272 = tpu.memref_slice %arg11[%add3A_241, %dma_wait3A_271] : memref<10240x128xf32, #tpu.memory_space<vmem_shared>> -> memref<80x128xf32, #tpu.memory_space<vmem_shared>>
      tpu.wait_dma2 semaphore(%arg18 : memref<!tpu.dma_semaphore, #tpu.memory_space<semaphore_mem>>) src(%dma_wait3A_272 : memref<80x128xf32, #tpu.memory_space<vmem_shared>>) dst(%arg16 : memref<80x128xf32, #tpu.memory_space<vmem>>)
      %dma_start3A_273 = arith.constant 2 : i32
      %dma_start3A_274 = arith.constant 0 : i32
      %dma_start3A_275 = tpu.memref_slice %arg10[%dma_start3A_273, %add3A_253, %dma_start3A_274] : memref<3x20480x128xf32, #tpu.memory_space<hbm>> -> memref<1x80x128xf32, #tpu.memory_space<hbm>>
      %dma_start3A_276 = tpu.memref_squeeze %dma_start3A_275 : memref<1x80x128xf32, #tpu.memory_space<hbm>> -> memref<80x128xf32, #tpu.memory_space<hbm>>
      %dma_start3A_277 = arith.constant 0 : i32
      %dma_start3A_278 = tpu.memref_slice %arg10[%dma_start3A_273, %add3A_253, %dma_start3A_277] : memref<3x20480x128xf32, #tpu.memory_space<hbm>> -> memref<1x80x128xf32, #tpu.memory_space<hbm>>
      %dma_start3A_279 = tpu.memref_squeeze %dma_start3A_278 : memref<1x80x128xf32, #tpu.memory_space<hbm>> -> memref<80x128xf32, #tpu.memory_space<hbm>>
      tpu.enqueue_dma source(%arg16 : memref<80x128xf32, #tpu.memory_space<vmem>>) target(%dma_start3A_279 : memref<80x128xf32, #tpu.memory_space<hbm>>) target_semaphore(%arg20 : memref<!tpu.dma_semaphore, #tpu.memory_space<semaphore_mem>>)
      %dma_wait3A_280 = arith.constant 0 : i32
      %dma_wait3A_281 = tpu.memref_slice %arg11[%add3A_248, %dma_wait3A_280] : memref<10240x128xf32, #tpu.memory_space<vmem_shared>> -> memref<80x128xf32, #tpu.memory_space<vmem_shared>>
      %dma_wait3A_282 = arith.constant 0 : i32
      %dma_wait3A_283 = tpu.memref_slice %arg11[%add3A_248, %dma_wait3A_282] : memref<10240x128xf32, #tpu.memory_space<vmem_shared>> -> memref<80x128xf32, #tpu.memory_space<vmem_shared>>
      tpu.wait_dma2 semaphore(%arg19 : memref<!tpu.dma_semaphore, #tpu.memory_space<semaphore_mem>>) src(%dma_wait3A_283 : memref<80x128xf32, #tpu.memory_space<vmem_shared>>) dst(%arg17 : memref<80x128xf32, #tpu.memory_space<vmem>>)
      %dma_start3A_284 = arith.constant 2 : i32
      %dma_start3A_285 = arith.constant 0 : i32
      %dma_start3A_286 = tpu.memref_slice %arg10[%dma_start3A_284, %add3A_260, %dma_start3A_285] : memref<3x20480x128xf32, #tpu.memory_space<hbm>> -> memref<1x80x128xf32, #tpu.memory_space<hbm>>
      %dma_start3A_287 = tpu.memref_squeeze %dma_start3A_286 : memref<1x80x128xf32, #tpu.memory_space<hbm>> -> memref<80x128xf32, #tpu.memory_space<hbm>>
      %dma_start3A_288 = arith.constant 0 : i32
      %dma_start3A_289 = tpu.memref_slice %arg10[%dma_start3A_284, %add3A_260, %dma_start3A_288] : memref<3x20480x128xf32, #tpu.memory_space<hbm>> -> memref<1x80x128xf32, #tpu.memory_space<hbm>>
      %dma_start3A_290 = tpu.memref_squeeze %dma_start3A_289 : memref<1x80x128xf32, #tpu.memory_space<hbm>> -> memref<80x128xf32, #tpu.memory_space<hbm>>
      tpu.enqueue_dma source(%arg17 : memref<80x128xf32, #tpu.memory_space<vmem>>) target(%dma_start3A_290 : memref<80x128xf32, #tpu.memory_space<hbm>>) target_semaphore(%arg21 : memref<!tpu.dma_semaphore, #tpu.memory_space<semaphore_mem>>)
      %dma_wait3A_291 = arith.constant 2 : i32
      %dma_wait3A_292 = arith.constant 0 : i32
      %dma_wait3A_293 = tpu.memref_slice %arg10[%dma_wait3A_291, %add3A_253, %dma_wait3A_292] : memref<3x20480x128xf32, #tpu.memory_space<hbm>> -> memref<1x80x128xf32, #tpu.memory_space<hbm>>
      %dma_wait3A_294 = tpu.memref_squeeze %dma_wait3A_293 : memref<1x80x128xf32, #tpu.memory_space<hbm>> -> memref<80x128xf32, #tpu.memory_space<hbm>>
      %dma_wait3A_295 = arith.constant 0 : i32
      %dma_wait3A_296 = tpu.memref_slice %arg10[%dma_wait3A_291, %add3A_253, %dma_wait3A_295] : memref<3x20480x128xf32, #tpu.memory_space<hbm>> -> memref<1x80x128xf32, #tpu.memory_space<hbm>>
      %dma_wait3A_297 = tpu.memref_squeeze %dma_wait3A_296 : memref<1x80x128xf32, #tpu.memory_space<hbm>> -> memref<80x128xf32, #tpu.memory_space<hbm>>
      tpu.wait_dma2 semaphore(%arg20 : memref<!tpu.dma_semaphore, #tpu.memory_space<semaphore_mem>>) src(%arg16 : memref<80x128xf32, #tpu.memory_space<vmem>>) dst(%dma_wait3A_297 : memref<80x128xf32, #tpu.memory_space<hbm>>)
      %dma_wait3A_298 = arith.constant 2 : i32
      %dma_wait3A_299 = arith.constant 0 : i32
      %dma_wait3A_300 = tpu.memref_slice %arg10[%dma_wait3A_298, %add3A_260, %dma_wait3A_299] : memref<3x20480x128xf32, #tpu.memory_space<hbm>> -> memref<1x80x128xf32, #tpu.memory_space<hbm>>
      %dma_wait3A_301 = tpu.memref_squeeze %dma_wait3A_300 : memref<1x80x128xf32, #tpu.memory_space<hbm>> -> memref<80x128xf32, #tpu.memory_space<hbm>>
      %dma_wait3A_302 = arith.constant 0 : i32
      %dma_wait3A_303 = tpu.memref_slice %arg10[%dma_wait3A_298, %add3A_260, %dma_wait3A_302] : memref<3x20480x128xf32, #tpu.memory_space<hbm>> -> memref<1x80x128xf32, #tpu.memory_space<hbm>>
      %dma_wait3A_304 = tpu.memref_squeeze %dma_wait3A_303 : memref<1x80x128xf32, #tpu.memory_space<hbm>> -> memref<80x128xf32, #tpu.memory_space<hbm>>
      tpu.wait_dma2 semaphore(%arg21 : memref<!tpu.dma_semaphore, #tpu.memory_space<semaphore_mem>>) src(%arg17 : memref<80x128xf32, #tpu.memory_space<vmem>>) dst(%dma_wait3A_304 : memref<80x128xf32, #tpu.memory_space<hbm>>)
    }
    %scan3A_230 = arith.constant 4 : i32
    %barrier3A_231 = arith.constant 0 : index
    tpu.barrier barrier_id(%barrier3A_231)
    return
  }
}

#map = affine_map<(d0, d1) -> (0)>
#map1 = affine_map<(d0, d1) -> (0, 0)>
#map2 = affine_map<(d0, d1) -> (0, 0, 0)>
module attributes {stable_mosaic.version = 14 : i64} {
  func.func @hetero_gnn_sce(%arg0: i32, %arg1: i32, %arg2: memref<320000xi32, #tpu.memory_space<hbm>>, %arg3: memref<320000x16xf32, #tpu.memory_space<hbm>>, %arg4: memref<320000xi32, #tpu.memory_space<hbm>>, %arg5: memref<320000x16xf32, #tpu.memory_space<hbm>>, %arg6: memref<320000xi32, #tpu.memory_space<hbm>>, %arg7: memref<320000x16xf32, #tpu.memory_space<hbm>>, %arg8: memref<3x20480x128xf32, #tpu.memory_space<hbm>>, %arg9: memref<10240x128xf32, #tpu.memory_space<vmem_shared>>, %arg10: memref<80xi32, #tpu.memory_space<vmem>>, %arg11: memref<80xi32, #tpu.memory_space<vmem>>, %arg12: memref<80x16xf32, #tpu.memory_space<vmem>>, %arg13: memref<80x16xf32, #tpu.memory_space<vmem>>, %arg14: memref<80x128xf32, #tpu.memory_space<vmem>>, %arg15: memref<80x128xf32, #tpu.memory_space<vmem>>, %arg16: memref<!tpu.dma_semaphore, #tpu.memory_space<semaphore_mem>>, %arg17: memref<!tpu.dma_semaphore, #tpu.memory_space<semaphore_mem>>, %arg18: memref<!tpu.dma_semaphore, #tpu.memory_space<semaphore_mem>>) attributes {dimension_semantics = [#tpu.dimension_semantics<core_parallel>, #tpu.dimension_semantics<subcore_parallel>], iteration_bounds = array<i64: 2, 16>, scalar_prefetch = 0 : i64, scratch_operands = 10 : i64, tpu.core_type = #tpu.core_type<sc_vector_subcore>, window_params = [{transform_indices = #map}, {transform_indices = #map1}, {transform_indices = #map}, {transform_indices = #map1}, {transform_indices = #map}, {transform_indices = #map1}, {transform_indices = #map2}]} {
    %mul3A = arith.constant 16 : i32
    %mul3A_0 = arith.muli %arg0, %mul3A : i32
    %add3A = arith.addi %mul3A_0, %arg1 : i32
    %broadcast_in_dim3A = arith.constant 0.000000e+00 : f32
    %broadcast_in_dim3A_1 = vector.broadcast %broadcast_in_dim3A : f32 to vector<16xf32>
    %mul3A_2 = arith.constant 640 : i32
    %mul3A_3 = arith.muli %arg1, %mul3A_2 : i32
    %mul3A_4 = arith.constant 10240 : i32
    %mul3A_5 = arith.muli %arg0, %mul3A_4 : i32
    %mul3A_6 = arith.constant 640 : i32
    %mul3A_7 = arith.muli %arg1, %mul3A_6 : i32
    %add3A_8 = arith.addi %mul3A_5, %mul3A_7 : i32
    %scan3A = arith.constant 0 : i32
    %scan3A_9 = arith.constant 0 : i32
    %scan3A_10 = arith.constant 80 : i32
    %scan3A_11 = arith.addi %scan3A_9, %scan3A_10 : i32
    %scan3A_12 = arith.constant 1 : i32
    %scan3A_13 = scf.for %scan3A_259 = %scan3A_9 to %scan3A_11 step %scan3A_12 iter_args(%scan3A_260 = %scan3A) -> (i32)  : i32 {
      %swap3A = arith.index_cast %scan3A_259 : i32 to index
      %swap3A_261 = arith.constant 0 : index
      %swap3A_262 = tpu.vector_load %arg14[%swap3A, %swap3A_261] {strides = array<i32>} : memref<80x128xf32, #tpu.memory_space<vmem>>, vector<1x16xf32>,
      %swap3A_263 = vector.shape_cast %swap3A_262 : vector<1x16xf32> to vector<16xf32>
      %swap3A_264 = vector.shape_cast %broadcast_in_dim3A_1 : vector<16xf32> to vector<1x16xf32>
      tpu.vector_store %arg14[%swap3A, %swap3A_261], %swap3A_264 {strides = array<i32>} : memref<80x128xf32, #tpu.memory_space<vmem>>, vector<1x16xf32>,
      %swap3A_265 = arith.index_cast %scan3A_259 : i32 to index
      %swap3A_266 = arith.constant 0 : index
      %swap3A_267 = tpu.vector_load %arg15[%swap3A_265, %swap3A_266] {strides = array<i32>} : memref<80x128xf32, #tpu.memory_space<vmem>>, vector<1x16xf32>,
      %swap3A_268 = vector.shape_cast %swap3A_267 : vector<1x16xf32> to vector<16xf32>
      %swap3A_269 = vector.shape_cast %broadcast_in_dim3A_1 : vector<16xf32> to vector<1x16xf32>
      tpu.vector_store %arg15[%swap3A_265, %swap3A_266], %swap3A_269 {strides = array<i32>} : memref<80x128xf32, #tpu.memory_space<vmem>>, vector<1x16xf32>,
      %swap3A_270 = arith.index_cast %scan3A_259 : i32 to index
      %swap3A_271 = arith.constant 16 : index
      %swap3A_272 = tpu.vector_load %arg14[%swap3A_270, %swap3A_271] {strides = array<i32>} : memref<80x128xf32, #tpu.memory_space<vmem>>, vector<1x16xf32>,
      %swap3A_273 = vector.shape_cast %swap3A_272 : vector<1x16xf32> to vector<16xf32>
      %swap3A_274 = vector.shape_cast %broadcast_in_dim3A_1 : vector<16xf32> to vector<1x16xf32>
      tpu.vector_store %arg14[%swap3A_270, %swap3A_271], %swap3A_274 {strides = array<i32>} : memref<80x128xf32, #tpu.memory_space<vmem>>, vector<1x16xf32>,
      %swap3A_275 = arith.index_cast %scan3A_259 : i32 to index
      %swap3A_276 = arith.constant 16 : index
      %swap3A_277 = tpu.vector_load %arg15[%swap3A_275, %swap3A_276] {strides = array<i32>} : memref<80x128xf32, #tpu.memory_space<vmem>>, vector<1x16xf32>,
      %swap3A_278 = vector.shape_cast %swap3A_277 : vector<1x16xf32> to vector<16xf32>
      %swap3A_279 = vector.shape_cast %broadcast_in_dim3A_1 : vector<16xf32> to vector<1x16xf32>
      tpu.vector_store %arg15[%swap3A_275, %swap3A_276], %swap3A_279 {strides = array<i32>} : memref<80x128xf32, #tpu.memory_space<vmem>>, vector<1x16xf32>,
      %swap3A_280 = arith.index_cast %scan3A_259 : i32 to index
      %swap3A_281 = arith.constant 32 : index
      %swap3A_282 = tpu.vector_load %arg14[%swap3A_280, %swap3A_281] {strides = array<i32>} : memref<80x128xf32, #tpu.memory_space<vmem>>, vector<1x16xf32>,
      %swap3A_283 = vector.shape_cast %swap3A_282 : vector<1x16xf32> to vector<16xf32>
      %swap3A_284 = vector.shape_cast %broadcast_in_dim3A_1 : vector<16xf32> to vector<1x16xf32>
      tpu.vector_store %arg14[%swap3A_280, %swap3A_281], %swap3A_284 {strides = array<i32>} : memref<80x128xf32, #tpu.memory_space<vmem>>, vector<1x16xf32>,
      %swap3A_285 = arith.index_cast %scan3A_259 : i32 to index
      %swap3A_286 = arith.constant 32 : index
      %swap3A_287 = tpu.vector_load %arg15[%swap3A_285, %swap3A_286] {strides = array<i32>} : memref<80x128xf32, #tpu.memory_space<vmem>>, vector<1x16xf32>,
      %swap3A_288 = vector.shape_cast %swap3A_287 : vector<1x16xf32> to vector<16xf32>
      %swap3A_289 = vector.shape_cast %broadcast_in_dim3A_1 : vector<16xf32> to vector<1x16xf32>
      tpu.vector_store %arg15[%swap3A_285, %swap3A_286], %swap3A_289 {strides = array<i32>} : memref<80x128xf32, #tpu.memory_space<vmem>>, vector<1x16xf32>,
      %swap3A_290 = arith.index_cast %scan3A_259 : i32 to index
      %swap3A_291 = arith.constant 48 : index
      %swap3A_292 = tpu.vector_load %arg14[%swap3A_290, %swap3A_291] {strides = array<i32>} : memref<80x128xf32, #tpu.memory_space<vmem>>, vector<1x16xf32>,
      %swap3A_293 = vector.shape_cast %swap3A_292 : vector<1x16xf32> to vector<16xf32>
      %swap3A_294 = vector.shape_cast %broadcast_in_dim3A_1 : vector<16xf32> to vector<1x16xf32>
      tpu.vector_store %arg14[%swap3A_290, %swap3A_291], %swap3A_294 {strides = array<i32>} : memref<80x128xf32, #tpu.memory_space<vmem>>, vector<1x16xf32>,
      %swap3A_295 = arith.index_cast %scan3A_259 : i32 to index
      %swap3A_296 = arith.constant 48 : index
      %swap3A_297 = tpu.vector_load %arg15[%swap3A_295, %swap3A_296] {strides = array<i32>} : memref<80x128xf32, #tpu.memory_space<vmem>>, vector<1x16xf32>,
      %swap3A_298 = vector.shape_cast %swap3A_297 : vector<1x16xf32> to vector<16xf32>
      %swap3A_299 = vector.shape_cast %broadcast_in_dim3A_1 : vector<16xf32> to vector<1x16xf32>
      tpu.vector_store %arg15[%swap3A_295, %swap3A_296], %swap3A_299 {strides = array<i32>} : memref<80x128xf32, #tpu.memory_space<vmem>>, vector<1x16xf32>,
      %swap3A_300 = arith.index_cast %scan3A_259 : i32 to index
      %swap3A_301 = arith.constant 64 : index
      %swap3A_302 = tpu.vector_load %arg14[%swap3A_300, %swap3A_301] {strides = array<i32>} : memref<80x128xf32, #tpu.memory_space<vmem>>, vector<1x16xf32>,
      %swap3A_303 = vector.shape_cast %swap3A_302 : vector<1x16xf32> to vector<16xf32>
      %swap3A_304 = vector.shape_cast %broadcast_in_dim3A_1 : vector<16xf32> to vector<1x16xf32>
      tpu.vector_store %arg14[%swap3A_300, %swap3A_301], %swap3A_304 {strides = array<i32>} : memref<80x128xf32, #tpu.memory_space<vmem>>, vector<1x16xf32>,
      %swap3A_305 = arith.index_cast %scan3A_259 : i32 to index
      %swap3A_306 = arith.constant 64 : index
      %swap3A_307 = tpu.vector_load %arg15[%swap3A_305, %swap3A_306] {strides = array<i32>} : memref<80x128xf32, #tpu.memory_space<vmem>>, vector<1x16xf32>,
      %swap3A_308 = vector.shape_cast %swap3A_307 : vector<1x16xf32> to vector<16xf32>
      %swap3A_309 = vector.shape_cast %broadcast_in_dim3A_1 : vector<16xf32> to vector<1x16xf32>
      tpu.vector_store %arg15[%swap3A_305, %swap3A_306], %swap3A_309 {strides = array<i32>} : memref<80x128xf32, #tpu.memory_space<vmem>>, vector<1x16xf32>,
      %swap3A_310 = arith.index_cast %scan3A_259 : i32 to index
      %swap3A_311 = arith.constant 80 : index
      %swap3A_312 = tpu.vector_load %arg14[%swap3A_310, %swap3A_311] {strides = array<i32>} : memref<80x128xf32, #tpu.memory_space<vmem>>, vector<1x16xf32>,
      %swap3A_313 = vector.shape_cast %swap3A_312 : vector<1x16xf32> to vector<16xf32>
      %swap3A_314 = vector.shape_cast %broadcast_in_dim3A_1 : vector<16xf32> to vector<1x16xf32>
      tpu.vector_store %arg14[%swap3A_310, %swap3A_311], %swap3A_314 {strides = array<i32>} : memref<80x128xf32, #tpu.memory_space<vmem>>, vector<1x16xf32>,
      %swap3A_315 = arith.index_cast %scan3A_259 : i32 to index
      %swap3A_316 = arith.constant 80 : index
      %swap3A_317 = tpu.vector_load %arg15[%swap3A_315, %swap3A_316] {strides = array<i32>} : memref<80x128xf32, #tpu.memory_space<vmem>>, vector<1x16xf32>,
      %swap3A_318 = vector.shape_cast %swap3A_317 : vector<1x16xf32> to vector<16xf32>
      %swap3A_319 = vector.shape_cast %broadcast_in_dim3A_1 : vector<16xf32> to vector<1x16xf32>
      tpu.vector_store %arg15[%swap3A_315, %swap3A_316], %swap3A_319 {strides = array<i32>} : memref<80x128xf32, #tpu.memory_space<vmem>>, vector<1x16xf32>,
      %swap3A_320 = arith.index_cast %scan3A_259 : i32 to index
      %swap3A_321 = arith.constant 96 : index
      %swap3A_322 = tpu.vector_load %arg14[%swap3A_320, %swap3A_321] {strides = array<i32>} : memref<80x128xf32, #tpu.memory_space<vmem>>, vector<1x16xf32>,
      %swap3A_323 = vector.shape_cast %swap3A_322 : vector<1x16xf32> to vector<16xf32>
      %swap3A_324 = vector.shape_cast %broadcast_in_dim3A_1 : vector<16xf32> to vector<1x16xf32>
      tpu.vector_store %arg14[%swap3A_320, %swap3A_321], %swap3A_324 {strides = array<i32>} : memref<80x128xf32, #tpu.memory_space<vmem>>, vector<1x16xf32>,
      %swap3A_325 = arith.index_cast %scan3A_259 : i32 to index
      %swap3A_326 = arith.constant 96 : index
      %swap3A_327 = tpu.vector_load %arg15[%swap3A_325, %swap3A_326] {strides = array<i32>} : memref<80x128xf32, #tpu.memory_space<vmem>>, vector<1x16xf32>,
      %swap3A_328 = vector.shape_cast %swap3A_327 : vector<1x16xf32> to vector<16xf32>
      %swap3A_329 = vector.shape_cast %broadcast_in_dim3A_1 : vector<16xf32> to vector<1x16xf32>
      tpu.vector_store %arg15[%swap3A_325, %swap3A_326], %swap3A_329 {strides = array<i32>} : memref<80x128xf32, #tpu.memory_space<vmem>>, vector<1x16xf32>,
      %swap3A_330 = arith.index_cast %scan3A_259 : i32 to index
      %swap3A_331 = arith.constant 112 : index
      %swap3A_332 = tpu.vector_load %arg14[%swap3A_330, %swap3A_331] {strides = array<i32>} : memref<80x128xf32, #tpu.memory_space<vmem>>, vector<1x16xf32>,
      %swap3A_333 = vector.shape_cast %swap3A_332 : vector<1x16xf32> to vector<16xf32>
      %swap3A_334 = vector.shape_cast %broadcast_in_dim3A_1 : vector<16xf32> to vector<1x16xf32>
      tpu.vector_store %arg14[%swap3A_330, %swap3A_331], %swap3A_334 {strides = array<i32>} : memref<80x128xf32, #tpu.memory_space<vmem>>, vector<1x16xf32>,
      %swap3A_335 = arith.index_cast %scan3A_259 : i32 to index
      %swap3A_336 = arith.constant 112 : index
      %swap3A_337 = tpu.vector_load %arg15[%swap3A_335, %swap3A_336] {strides = array<i32>} : memref<80x128xf32, #tpu.memory_space<vmem>>, vector<1x16xf32>,
      %swap3A_338 = vector.shape_cast %swap3A_337 : vector<1x16xf32> to vector<16xf32>
      %swap3A_339 = vector.shape_cast %broadcast_in_dim3A_1 : vector<16xf32> to vector<1x16xf32>
      tpu.vector_store %arg15[%swap3A_335, %swap3A_336], %swap3A_339 {strides = array<i32>} : memref<80x128xf32, #tpu.memory_space<vmem>>, vector<1x16xf32>,
      %scan3A_340 = arith.constant 0 : i32
      scf.yield %scan3A_340 : i32
    }
    %scan3A_14 = arith.constant 80 : i32
    %scan3A_15 = arith.constant 0 : i32
    %scan3A_16 = arith.constant 8 : i32
    %scan3A_17 = arith.addi %scan3A_15, %scan3A_16 : i32
    %scan3A_18 = arith.constant 1 : i32
    scf.for %scan3A_259 = %scan3A_15 to %scan3A_17 step %scan3A_18  : i32 {
      %mul3A_260 = arith.constant 1 : i32
      %mul3A_261 = arith.muli %scan3A_259, %mul3A_260 : i32
      %add3A_262 = arith.constant 0 : i32
      %add3A_263 = arith.addi %add3A_262, %mul3A_261 : i32
      %mul3A_264 = arith.constant 80 : i32
      %mul3A_265 = arith.muli %add3A_263, %mul3A_264 : i32
      %add3A_266 = arith.addi %mul3A_3, %mul3A_265 : i32
      %dma_start3A_267 = arith.constant 0 : i32
      %dma_start3A_268 = tpu.memref_slice %arg9[%add3A_266, %dma_start3A_267] : memref<10240x128xf32, #tpu.memory_space<vmem_shared>> -> memref<80x128xf32, #tpu.memory_space<vmem_shared>>
      %dma_start3A_269 = arith.constant 0 : i32
      %dma_start3A_270 = tpu.memref_slice %arg9[%add3A_266, %dma_start3A_269] : memref<10240x128xf32, #tpu.memory_space<vmem_shared>> -> memref<80x128xf32, #tpu.memory_space<vmem_shared>>
      tpu.enqueue_dma source(%arg14 : memref<80x128xf32, #tpu.memory_space<vmem>>) target(%dma_start3A_270 : memref<80x128xf32, #tpu.memory_space<vmem_shared>>) target_semaphore(%arg18 : memref<!tpu.dma_semaphore, #tpu.memory_space<semaphore_mem>>)
    }
    %scan3A_19 = arith.constant 8 : i32
    %scan3A_20 = arith.constant 0 : i32
    %scan3A_21 = arith.constant 8 : i32
    %scan3A_22 = arith.addi %scan3A_20, %scan3A_21 : i32
    %scan3A_23 = arith.constant 1 : i32
    scf.for %scan3A_259 = %scan3A_20 to %scan3A_22 step %scan3A_23  : i32 {
      %mul3A_260 = arith.constant 1 : i32
      %mul3A_261 = arith.muli %scan3A_259, %mul3A_260 : i32
      %add3A_262 = arith.constant 0 : i32
      %add3A_263 = arith.addi %add3A_262, %mul3A_261 : i32
      %dma_wait3A_264 = arith.constant 0 : i32
      %dma_wait3A_265 = tpu.memref_slice %arg9[%mul3A_3, %dma_wait3A_264] : memref<10240x128xf32, #tpu.memory_space<vmem_shared>> -> memref<80x128xf32, #tpu.memory_space<vmem_shared>>
      %dma_wait3A_266 = arith.constant 0 : i32
      %dma_wait3A_267 = tpu.memref_slice %arg9[%mul3A_3, %dma_wait3A_266] : memref<10240x128xf32, #tpu.memory_space<vmem_shared>> -> memref<80x128xf32, #tpu.memory_space<vmem_shared>>
      tpu.wait_dma2 semaphore(%arg18 : memref<!tpu.dma_semaphore, #tpu.memory_space<semaphore_mem>>) src(%arg14 : memref<80x128xf32, #tpu.memory_space<vmem>>) dst(%dma_wait3A_267 : memref<80x128xf32, #tpu.memory_space<vmem_shared>>)
    }
    %scan3A_24 = arith.constant 8 : i32
    %barrier3A = arith.constant 0 : index
    tpu.barrier barrier_id(%barrier3A)
    %mul3A_25 = arith.constant 10000 : i32
    %mul3A_26 = arith.muli %add3A, %mul3A_25 : i32
    %add3A_27 = arith.constant 0 : i32
    %add3A_28 = arith.addi %mul3A_26, %add3A_27 : i32
    %min3A = arith.constant 319920 : i32
    %min3A_29 = arith.minsi %add3A_28, %min3A : i32
    %dma_start3A = arith.constant 0 : i32
    %dma_start3A_30 = tpu.memref_slice %arg3[%min3A_29, %dma_start3A] : memref<320000x16xf32, #tpu.memory_space<hbm>> -> memref<80x16xf32, #tpu.memory_space<hbm>>
    %dma_start3A_31 = arith.constant 0 : i32
    %dma_start3A_32 = tpu.memref_slice %arg3[%min3A_29, %dma_start3A_31] : memref<320000x16xf32, #tpu.memory_space<hbm>> -> memref<80x16xf32, #tpu.memory_space<hbm>>
    tpu.enqueue_dma source(%dma_start3A_32 : memref<80x16xf32, #tpu.memory_space<hbm>>) target(%arg12 : memref<80x16xf32, #tpu.memory_space<vmem>>) target_semaphore(%arg16 : memref<!tpu.dma_semaphore, #tpu.memory_space<semaphore_mem>>)
    %dma_start3A_33 = tpu.memref_slice %arg2[%min3A_29] : memref<320000xi32, #tpu.memory_space<hbm>> -> memref<80xi32, #tpu.memory_space<hbm>>
    %dma_start3A_34 = tpu.memref_slice %arg2[%min3A_29] : memref<320000xi32, #tpu.memory_space<hbm>> -> memref<80xi32, #tpu.memory_space<hbm>>
    tpu.enqueue_dma source(%dma_start3A_34 : memref<80xi32, #tpu.memory_space<hbm>>) target(%arg10 : memref<80xi32, #tpu.memory_space<vmem>>) target_semaphore(%arg16 : memref<!tpu.dma_semaphore, #tpu.memory_space<semaphore_mem>>)
    %add3A_35 = arith.constant 80 : i32
    %add3A_36 = arith.addi %mul3A_26, %add3A_35 : i32
    %min3A_37 = arith.constant 319920 : i32
    %min3A_38 = arith.minsi %add3A_36, %min3A_37 : i32
    %dma_start3A_39 = arith.constant 0 : i32
    %dma_start3A_40 = tpu.memref_slice %arg3[%min3A_38, %dma_start3A_39] : memref<320000x16xf32, #tpu.memory_space<hbm>> -> memref<80x16xf32, #tpu.memory_space<hbm>>
    %dma_start3A_41 = arith.constant 0 : i32
    %dma_start3A_42 = tpu.memref_slice %arg3[%min3A_38, %dma_start3A_41] : memref<320000x16xf32, #tpu.memory_space<hbm>> -> memref<80x16xf32, #tpu.memory_space<hbm>>
    tpu.enqueue_dma source(%dma_start3A_42 : memref<80x16xf32, #tpu.memory_space<hbm>>) target(%arg13 : memref<80x16xf32, #tpu.memory_space<vmem>>) target_semaphore(%arg17 : memref<!tpu.dma_semaphore, #tpu.memory_space<semaphore_mem>>)
    %dma_start3A_43 = tpu.memref_slice %arg2[%min3A_38] : memref<320000xi32, #tpu.memory_space<hbm>> -> memref<80xi32, #tpu.memory_space<hbm>>
    %dma_start3A_44 = tpu.memref_slice %arg2[%min3A_38] : memref<320000xi32, #tpu.memory_space<hbm>> -> memref<80xi32, #tpu.memory_space<hbm>>
    tpu.enqueue_dma source(%dma_start3A_44 : memref<80xi32, #tpu.memory_space<hbm>>) target(%arg11 : memref<80xi32, #tpu.memory_space<vmem>>) target_semaphore(%arg17 : memref<!tpu.dma_semaphore, #tpu.memory_space<semaphore_mem>>)
    %scan3A_45 = arith.constant 0 : i32
    %scan3A_46 = arith.constant 62 : i32
    %scan3A_47 = arith.addi %scan3A_45, %scan3A_46 : i32
    %scan3A_48 = arith.constant 1 : i32
    scf.for %scan3A_259 = %scan3A_45 to %scan3A_47 step %scan3A_48  : i32 {
      %mul3A_260 = arith.constant 1 : i32
      %mul3A_261 = arith.muli %scan3A_259, %mul3A_260 : i32
      %add3A_262 = arith.constant 0 : i32
      %add3A_263 = arith.addi %add3A_262, %mul3A_261 : i32
      %dma_wait3A_264 = arith.constant 0 : i32
      %dma_wait3A_265 = arith.constant 0 : i32
      %dma_wait3A_266 = tpu.memref_slice %arg3[%dma_wait3A_264, %dma_wait3A_265] : memref<320000x16xf32, #tpu.memory_space<hbm>> -> memref<80x16xf32, #tpu.memory_space<hbm>>
      %dma_wait3A_267 = arith.constant 0 : i32
      %dma_wait3A_268 = arith.constant 0 : i32
      %dma_wait3A_269 = tpu.memref_slice %arg3[%dma_wait3A_267, %dma_wait3A_268] : memref<320000x16xf32, #tpu.memory_space<hbm>> -> memref<80x16xf32, #tpu.memory_space<hbm>>
      tpu.wait_dma2 semaphore(%arg16 : memref<!tpu.dma_semaphore, #tpu.memory_space<semaphore_mem>>) src(%dma_wait3A_269 : memref<80x16xf32, #tpu.memory_space<hbm>>) dst(%arg12 : memref<80x16xf32, #tpu.memory_space<vmem>>)
      %dma_wait3A_270 = arith.constant 0 : i32
      %dma_wait3A_271 = tpu.memref_slice %arg2[%dma_wait3A_270] : memref<320000xi32, #tpu.memory_space<hbm>> -> memref<80xi32, #tpu.memory_space<hbm>>
      %dma_wait3A_272 = arith.constant 0 : i32
      %dma_wait3A_273 = tpu.memref_slice %arg2[%dma_wait3A_272] : memref<320000xi32, #tpu.memory_space<hbm>> -> memref<80xi32, #tpu.memory_space<hbm>>
      tpu.wait_dma2 semaphore(%arg16 : memref<!tpu.dma_semaphore, #tpu.memory_space<semaphore_mem>>) src(%dma_wait3A_273 : memref<80xi32, #tpu.memory_space<hbm>>) dst(%arg10 : memref<80xi32, #tpu.memory_space<vmem>>)
      %scan3A_274 = arith.constant 0 : i32
      %scan3A_275 = arith.constant 0 : i32
      %scan3A_276 = arith.constant 80 : i32
      %scan3A_277 = arith.addi %scan3A_275, %scan3A_276 : i32
      %scan3A_278 = arith.constant 8 : i32
      %scan3A_279 = scf.for %scan3A_340 = %scan3A_275 to %scan3A_277 step %scan3A_278 iter_args(%scan3A_341 = %scan3A_274) -> (i32)  : i32 {
        %get3A = arith.index_cast %scan3A_340 : i32 to index
        %get3A_342 = arith.constant 0 : index
        %get3A_343 = tpu.vector_load %arg12[%get3A, %get3A_342] {strides = array<i32>} : memref<80x16xf32, #tpu.memory_space<vmem>>, vector<1x16xf32>,
        %get3A_344 = vector.shape_cast %get3A_343 : vector<1x16xf32> to vector<16xf32>
        %swap3A = arith.index_cast %scan3A_340 : i32 to index
        %swap3A_345 = arith.constant 0 : index
        %swap3A_346 = tpu.vector_load %arg14[%swap3A, %swap3A_345] {strides = array<i32>} : memref<80x128xf32, #tpu.memory_space<vmem>>, vector<1x16xf32>,
        %swap3A_347 = vector.shape_cast %swap3A_346 : vector<1x16xf32> to vector<16xf32>
        %swap3A_348 = vector.shape_cast %get3A_344 : vector<16xf32> to vector<1x16xf32>
        tpu.vector_store %arg14[%swap3A, %swap3A_345], %swap3A_348 {strides = array<i32>} : memref<80x128xf32, #tpu.memory_space<vmem>>, vector<1x16xf32>,
        %scan3A_349 = arith.constant 0 : i32
        %scan3A_350 = arith.constant 1 : i32
        %scan3A_351 = arith.addi %scan3A_340, %scan3A_350 : i32
        %get3A_352 = arith.index_cast %scan3A_351 : i32 to index
        %get3A_353 = arith.constant 0 : index
        %get3A_354 = tpu.vector_load %arg12[%get3A_352, %get3A_353] {strides = array<i32>} : memref<80x16xf32, #tpu.memory_space<vmem>>, vector<1x16xf32>,
        %get3A_355 = vector.shape_cast %get3A_354 : vector<1x16xf32> to vector<16xf32>
        %swap3A_356 = arith.index_cast %scan3A_351 : i32 to index
        %swap3A_357 = arith.constant 0 : index
        %swap3A_358 = tpu.vector_load %arg14[%swap3A_356, %swap3A_357] {strides = array<i32>} : memref<80x128xf32, #tpu.memory_space<vmem>>, vector<1x16xf32>,
        %swap3A_359 = vector.shape_cast %swap3A_358 : vector<1x16xf32> to vector<16xf32>
        %swap3A_360 = vector.shape_cast %get3A_355 : vector<16xf32> to vector<1x16xf32>
        tpu.vector_store %arg14[%swap3A_356, %swap3A_357], %swap3A_360 {strides = array<i32>} : memref<80x128xf32, #tpu.memory_space<vmem>>, vector<1x16xf32>,
        %scan3A_361 = arith.constant 0 : i32
        %scan3A_362 = arith.constant 2 : i32
        %scan3A_363 = arith.addi %scan3A_340, %scan3A_362 : i32
        %get3A_364 = arith.index_cast %scan3A_363 : i32 to index
        %get3A_365 = arith.constant 0 : index
        %get3A_366 = tpu.vector_load %arg12[%get3A_364, %get3A_365] {strides = array<i32>} : memref<80x16xf32, #tpu.memory_space<vmem>>, vector<1x16xf32>,
        %get3A_367 = vector.shape_cast %get3A_366 : vector<1x16xf32> to vector<16xf32>
        %swap3A_368 = arith.index_cast %scan3A_363 : i32 to index
        %swap3A_369 = arith.constant 0 : index
        %swap3A_370 = tpu.vector_load %arg14[%swap3A_368, %swap3A_369] {strides = array<i32>} : memref<80x128xf32, #tpu.memory_space<vmem>>, vector<1x16xf32>,
        %swap3A_371 = vector.shape_cast %swap3A_370 : vector<1x16xf32> to vector<16xf32>
        %swap3A_372 = vector.shape_cast %get3A_367 : vector<16xf32> to vector<1x16xf32>
        tpu.vector_store %arg14[%swap3A_368, %swap3A_369], %swap3A_372 {strides = array<i32>} : memref<80x128xf32, #tpu.memory_space<vmem>>, vector<1x16xf32>,
        %scan3A_373 = arith.constant 0 : i32
        %scan3A_374 = arith.constant 3 : i32
        %scan3A_375 = arith.addi %scan3A_340, %scan3A_374 : i32
        %get3A_376 = arith.index_cast %scan3A_375 : i32 to index
        %get3A_377 = arith.constant 0 : index
        %get3A_378 = tpu.vector_load %arg12[%get3A_376, %get3A_377] {strides = array<i32>} : memref<80x16xf32, #tpu.memory_space<vmem>>, vector<1x16xf32>,
        %get3A_379 = vector.shape_cast %get3A_378 : vector<1x16xf32> to vector<16xf32>
        %swap3A_380 = arith.index_cast %scan3A_375 : i32 to index
        %swap3A_381 = arith.constant 0 : index
        %swap3A_382 = tpu.vector_load %arg14[%swap3A_380, %swap3A_381] {strides = array<i32>} : memref<80x128xf32, #tpu.memory_space<vmem>>, vector<1x16xf32>,
        %swap3A_383 = vector.shape_cast %swap3A_382 : vector<1x16xf32> to vector<16xf32>
        %swap3A_384 = vector.shape_cast %get3A_379 : vector<16xf32> to vector<1x16xf32>
        tpu.vector_store %arg14[%swap3A_380, %swap3A_381], %swap3A_384 {strides = array<i32>} : memref<80x128xf32, #tpu.memory_space<vmem>>, vector<1x16xf32>,
        %scan3A_385 = arith.constant 0 : i32
        %scan3A_386 = arith.constant 4 : i32
        %scan3A_387 = arith.addi %scan3A_340, %scan3A_386 : i32
        %get3A_388 = arith.index_cast %scan3A_387 : i32 to index
        %get3A_389 = arith.constant 0 : index
        %get3A_390 = tpu.vector_load %arg12[%get3A_388, %get3A_389] {strides = array<i32>} : memref<80x16xf32, #tpu.memory_space<vmem>>, vector<1x16xf32>,
        %get3A_391 = vector.shape_cast %get3A_390 : vector<1x16xf32> to vector<16xf32>
        %swap3A_392 = arith.index_cast %scan3A_387 : i32 to index
        %swap3A_393 = arith.constant 0 : index
        %swap3A_394 = tpu.vector_load %arg14[%swap3A_392, %swap3A_393] {strides = array<i32>} : memref<80x128xf32, #tpu.memory_space<vmem>>, vector<1x16xf32>,
        %swap3A_395 = vector.shape_cast %swap3A_394 : vector<1x16xf32> to vector<16xf32>
        %swap3A_396 = vector.shape_cast %get3A_391 : vector<16xf32> to vector<1x16xf32>
        tpu.vector_store %arg14[%swap3A_392, %swap3A_393], %swap3A_396 {strides = array<i32>} : memref<80x128xf32, #tpu.memory_space<vmem>>, vector<1x16xf32>,
        %scan3A_397 = arith.constant 0 : i32
        %scan3A_398 = arith.constant 5 : i32
        %scan3A_399 = arith.addi %scan3A_340, %scan3A_398 : i32
        %get3A_400 = arith.index_cast %scan3A_399 : i32 to index
        %get3A_401 = arith.constant 0 : index
        %get3A_402 = tpu.vector_load %arg12[%get3A_400, %get3A_401] {strides = array<i32>} : memref<80x16xf32, #tpu.memory_space<vmem>>, vector<1x16xf32>,
        %get3A_403 = vector.shape_cast %get3A_402 : vector<1x16xf32> to vector<16xf32>
        %swap3A_404 = arith.index_cast %scan3A_399 : i32 to index
        %swap3A_405 = arith.constant 0 : index
        %swap3A_406 = tpu.vector_load %arg14[%swap3A_404, %swap3A_405] {strides = array<i32>} : memref<80x128xf32, #tpu.memory_space<vmem>>, vector<1x16xf32>,
        %swap3A_407 = vector.shape_cast %swap3A_406 : vector<1x16xf32> to vector<16xf32>
        %swap3A_408 = vector.shape_cast %get3A_403 : vector<16xf32> to vector<1x16xf32>
        tpu.vector_store %arg14[%swap3A_404, %swap3A_405], %swap3A_408 {strides = array<i32>} : memref<80x128xf32, #tpu.memory_space<vmem>>, vector<1x16xf32>,
        %scan3A_409 = arith.constant 0 : i32
        %scan3A_410 = arith.constant 6 : i32
        %scan3A_411 = arith.addi %scan3A_340, %scan3A_410 : i32
        %get3A_412 = arith.index_cast %scan3A_411 : i32 to index
        %get3A_413 = arith.constant 0 : index
        %get3A_414 = tpu.vector_load %arg12[%get3A_412, %get3A_413] {strides = array<i32>} : memref<80x16xf32, #tpu.memory_space<vmem>>, vector<1x16xf32>,
        %get3A_415 = vector.shape_cast %get3A_414 : vector<1x16xf32> to vector<16xf32>
        %swap3A_416 = arith.index_cast %scan3A_411 : i32 to index
        %swap3A_417 = arith.constant 0 : index
        %swap3A_418 = tpu.vector_load %arg14[%swap3A_416, %swap3A_417] {strides = array<i32>} : memref<80x128xf32, #tpu.memory_space<vmem>>, vector<1x16xf32>,
        %swap3A_419 = vector.shape_cast %swap3A_418 : vector<1x16xf32> to vector<16xf32>
        %swap3A_420 = vector.shape_cast %get3A_415 : vector<16xf32> to vector<1x16xf32>
        tpu.vector_store %arg14[%swap3A_416, %swap3A_417], %swap3A_420 {strides = array<i32>} : memref<80x128xf32, #tpu.memory_space<vmem>>, vector<1x16xf32>,
        %scan3A_421 = arith.constant 0 : i32
        %scan3A_422 = arith.constant 7 : i32
        %scan3A_423 = arith.addi %scan3A_340, %scan3A_422 : i32
        %get3A_424 = arith.index_cast %scan3A_423 : i32 to index
        %get3A_425 = arith.constant 0 : index
        %get3A_426 = tpu.vector_load %arg12[%get3A_424, %get3A_425] {strides = array<i32>} : memref<80x16xf32, #tpu.memory_space<vmem>>, vector<1x16xf32>,
        %get3A_427 = vector.shape_cast %get3A_426 : vector<1x16xf32> to vector<16xf32>
        %swap3A_428 = arith.index_cast %scan3A_423 : i32 to index
        %swap3A_429 = arith.constant 0 : index
        %swap3A_430 = tpu.vector_load %arg14[%swap3A_428, %swap3A_429] {strides = array<i32>} : memref<80x128xf32, #tpu.memory_space<vmem>>, vector<1x16xf32>,
        %swap3A_431 = vector.shape_cast %swap3A_430 : vector<1x16xf32> to vector<16xf32>
        %swap3A_432 = vector.shape_cast %get3A_427 : vector<16xf32> to vector<1x16xf32>
        tpu.vector_store %arg14[%swap3A_428, %swap3A_429], %swap3A_432 {strides = array<i32>} : memref<80x128xf32, #tpu.memory_space<vmem>>, vector<1x16xf32>,
        %scan3A_433 = arith.constant 0 : i32
        scf.yield %scan3A_433 : i32
      }
      %scan3A_280 = arith.constant 80 : i32
      %dma_start3A_281 = arith.constant 0 : i32
      %dma_start3A_282 = arith.constant 0 : i32
      %dma_start3A_283 = tpu.memref_slice %arg9[%dma_start3A_281, %dma_start3A_282] : memref<10240x128xf32, #tpu.memory_space<vmem_shared>> -> memref<10240x128xf32, #tpu.memory_space<vmem_shared>>
      tpu.enqueue_indirect_dma source(%arg14 : memref<80x128xf32, #tpu.memory_space<vmem>>) target(%dma_start3A_283 : memref<10240x128xf32, #tpu.memory_space<vmem_shared>>) offsets(%arg10 : memref<80xi32, #tpu.memory_space<vmem>>) semaphore(%arg18 : memref<!tpu.dma_semaphore, #tpu.memory_space<semaphore_mem>>) {add = true}
      %dma_wait3A_284 = arith.constant 0 : i32
      %dma_wait3A_285 = arith.constant 0 : i32
      %dma_wait3A_286 = tpu.memref_slice %arg9[%dma_wait3A_284, %dma_wait3A_285] : memref<10240x128xf32, #tpu.memory_space<vmem_shared>> -> memref<10240x128xf32, #tpu.memory_space<vmem_shared>>
      tpu.wait_indirect_dma semaphore(%arg18 : memref<!tpu.dma_semaphore, #tpu.memory_space<semaphore_mem>>) src(%arg14 : memref<80x128xf32, #tpu.memory_space<vmem>>) dst(%dma_wait3A_286 : memref<10240x128xf32, #tpu.memory_space<vmem_shared>>)
      %mul3A_287 = arith.constant 2 : i32
      %mul3A_288 = arith.muli %mul3A_287, %add3A_263 : i32
      %add3A_289 = arith.constant 2 : i32
      %add3A_290 = arith.addi %mul3A_288, %add3A_289 : i32
      %mul3A_291 = arith.constant 80 : i32
      %mul3A_292 = arith.muli %add3A_290, %mul3A_291 : i32
      %add3A_293 = arith.addi %mul3A_26, %mul3A_292 : i32
      %min3A_294 = arith.constant 319920 : i32
      %min3A_295 = arith.minsi %add3A_293, %min3A_294 : i32
      %dma_start3A_296 = arith.constant 0 : i32
      %dma_start3A_297 = tpu.memref_slice %arg3[%min3A_295, %dma_start3A_296] : memref<320000x16xf32, #tpu.memory_space<hbm>> -> memref<80x16xf32, #tpu.memory_space<hbm>>
      %dma_start3A_298 = arith.constant 0 : i32
      %dma_start3A_299 = tpu.memref_slice %arg3[%min3A_295, %dma_start3A_298] : memref<320000x16xf32, #tpu.memory_space<hbm>> -> memref<80x16xf32, #tpu.memory_space<hbm>>
      tpu.enqueue_dma source(%dma_start3A_299 : memref<80x16xf32, #tpu.memory_space<hbm>>) target(%arg12 : memref<80x16xf32, #tpu.memory_space<vmem>>) target_semaphore(%arg16 : memref<!tpu.dma_semaphore, #tpu.memory_space<semaphore_mem>>)
      %dma_start3A_300 = tpu.memref_slice %arg2[%min3A_295] : memref<320000xi32, #tpu.memory_space<hbm>> -> memref<80xi32, #tpu.memory_space<hbm>>
      %dma_start3A_301 = tpu.memref_slice %arg2[%min3A_295] : memref<320000xi32, #tpu.memory_space<hbm>> -> memref<80xi32, #tpu.memory_space<hbm>>
      tpu.enqueue_dma source(%dma_start3A_301 : memref<80xi32, #tpu.memory_space<hbm>>) target(%arg10 : memref<80xi32, #tpu.memory_space<vmem>>) target_semaphore(%arg16 : memref<!tpu.dma_semaphore, #tpu.memory_space<semaphore_mem>>)
      %dma_wait3A_302 = arith.constant 0 : i32
      %dma_wait3A_303 = arith.constant 0 : i32
      %dma_wait3A_304 = tpu.memref_slice %arg3[%dma_wait3A_302, %dma_wait3A_303] : memref<320000x16xf32, #tpu.memory_space<hbm>> -> memref<80x16xf32, #tpu.memory_space<hbm>>
      %dma_wait3A_305 = arith.constant 0 : i32
      %dma_wait3A_306 = arith.constant 0 : i32
      %dma_wait3A_307 = tpu.memref_slice %arg3[%dma_wait3A_305, %dma_wait3A_306] : memref<320000x16xf32, #tpu.memory_space<hbm>> -> memref<80x16xf32, #tpu.memory_space<hbm>>
      tpu.wait_dma2 semaphore(%arg17 : memref<!tpu.dma_semaphore, #tpu.memory_space<semaphore_mem>>) src(%dma_wait3A_307 : memref<80x16xf32, #tpu.memory_space<hbm>>) dst(%arg13 : memref<80x16xf32, #tpu.memory_space<vmem>>)
      %dma_wait3A_308 = arith.constant 0 : i32
      %dma_wait3A_309 = tpu.memref_slice %arg2[%dma_wait3A_308] : memref<320000xi32, #tpu.memory_space<hbm>> -> memref<80xi32, #tpu.memory_space<hbm>>
      %dma_wait3A_310 = arith.constant 0 : i32
      %dma_wait3A_311 = tpu.memref_slice %arg2[%dma_wait3A_310] : memref<320000xi32, #tpu.memory_space<hbm>> -> memref<80xi32, #tpu.memory_space<hbm>>
      tpu.wait_dma2 semaphore(%arg17 : memref<!tpu.dma_semaphore, #tpu.memory_space<semaphore_mem>>) src(%dma_wait3A_311 : memref<80xi32, #tpu.memory_space<hbm>>) dst(%arg11 : memref<80xi32, #tpu.memory_space<vmem>>)
      %scan3A_312 = arith.constant 0 : i32
      %scan3A_313 = arith.constant 0 : i32
      %scan3A_314 = arith.constant 80 : i32
      %scan3A_315 = arith.addi %scan3A_313, %scan3A_314 : i32
      %scan3A_316 = arith.constant 8 : i32
      %scan3A_317 = scf.for %scan3A_340 = %scan3A_313 to %scan3A_315 step %scan3A_316 iter_args(%scan3A_341 = %scan3A_312) -> (i32)  : i32 {
        %get3A = arith.index_cast %scan3A_340 : i32 to index
        %get3A_342 = arith.constant 0 : index
        %get3A_343 = tpu.vector_load %arg13[%get3A, %get3A_342] {strides = array<i32>} : memref<80x16xf32, #tpu.memory_space<vmem>>, vector<1x16xf32>,
        %get3A_344 = vector.shape_cast %get3A_343 : vector<1x16xf32> to vector<16xf32>
        %swap3A = arith.index_cast %scan3A_340 : i32 to index
        %swap3A_345 = arith.constant 0 : index
        %swap3A_346 = tpu.vector_load %arg15[%swap3A, %swap3A_345] {strides = array<i32>} : memref<80x128xf32, #tpu.memory_space<vmem>>, vector<1x16xf32>,
        %swap3A_347 = vector.shape_cast %swap3A_346 : vector<1x16xf32> to vector<16xf32>
        %swap3A_348 = vector.shape_cast %get3A_344 : vector<16xf32> to vector<1x16xf32>
        tpu.vector_store %arg15[%swap3A, %swap3A_345], %swap3A_348 {strides = array<i32>} : memref<80x128xf32, #tpu.memory_space<vmem>>, vector<1x16xf32>,
        %scan3A_349 = arith.constant 0 : i32
        %scan3A_350 = arith.constant 1 : i32
        %scan3A_351 = arith.addi %scan3A_340, %scan3A_350 : i32
        %get3A_352 = arith.index_cast %scan3A_351 : i32 to index
        %get3A_353 = arith.constant 0 : index
        %get3A_354 = tpu.vector_load %arg13[%get3A_352, %get3A_353] {strides = array<i32>} : memref<80x16xf32, #tpu.memory_space<vmem>>, vector<1x16xf32>,
        %get3A_355 = vector.shape_cast %get3A_354 : vector<1x16xf32> to vector<16xf32>
        %swap3A_356 = arith.index_cast %scan3A_351 : i32 to index
        %swap3A_357 = arith.constant 0 : index
        %swap3A_358 = tpu.vector_load %arg15[%swap3A_356, %swap3A_357] {strides = array<i32>} : memref<80x128xf32, #tpu.memory_space<vmem>>, vector<1x16xf32>,
        %swap3A_359 = vector.shape_cast %swap3A_358 : vector<1x16xf32> to vector<16xf32>
        %swap3A_360 = vector.shape_cast %get3A_355 : vector<16xf32> to vector<1x16xf32>
        tpu.vector_store %arg15[%swap3A_356, %swap3A_357], %swap3A_360 {strides = array<i32>} : memref<80x128xf32, #tpu.memory_space<vmem>>, vector<1x16xf32>,
        %scan3A_361 = arith.constant 0 : i32
        %scan3A_362 = arith.constant 2 : i32
        %scan3A_363 = arith.addi %scan3A_340, %scan3A_362 : i32
        %get3A_364 = arith.index_cast %scan3A_363 : i32 to index
        %get3A_365 = arith.constant 0 : index
        %get3A_366 = tpu.vector_load %arg13[%get3A_364, %get3A_365] {strides = array<i32>} : memref<80x16xf32, #tpu.memory_space<vmem>>, vector<1x16xf32>,
        %get3A_367 = vector.shape_cast %get3A_366 : vector<1x16xf32> to vector<16xf32>
        %swap3A_368 = arith.index_cast %scan3A_363 : i32 to index
        %swap3A_369 = arith.constant 0 : index
        %swap3A_370 = tpu.vector_load %arg15[%swap3A_368, %swap3A_369] {strides = array<i32>} : memref<80x128xf32, #tpu.memory_space<vmem>>, vector<1x16xf32>,
        %swap3A_371 = vector.shape_cast %swap3A_370 : vector<1x16xf32> to vector<16xf32>
        %swap3A_372 = vector.shape_cast %get3A_367 : vector<16xf32> to vector<1x16xf32>
        tpu.vector_store %arg15[%swap3A_368, %swap3A_369], %swap3A_372 {strides = array<i32>} : memref<80x128xf32, #tpu.memory_space<vmem>>, vector<1x16xf32>,
        %scan3A_373 = arith.constant 0 : i32
        %scan3A_374 = arith.constant 3 : i32
        %scan3A_375 = arith.addi %scan3A_340, %scan3A_374 : i32
        %get3A_376 = arith.index_cast %scan3A_375 : i32 to index
        %get3A_377 = arith.constant 0 : index
        %get3A_378 = tpu.vector_load %arg13[%get3A_376, %get3A_377] {strides = array<i32>} : memref<80x16xf32, #tpu.memory_space<vmem>>, vector<1x16xf32>,
        %get3A_379 = vector.shape_cast %get3A_378 : vector<1x16xf32> to vector<16xf32>
        %swap3A_380 = arith.index_cast %scan3A_375 : i32 to index
        %swap3A_381 = arith.constant 0 : index
        %swap3A_382 = tpu.vector_load %arg15[%swap3A_380, %swap3A_381] {strides = array<i32>} : memref<80x128xf32, #tpu.memory_space<vmem>>, vector<1x16xf32>,
        %swap3A_383 = vector.shape_cast %swap3A_382 : vector<1x16xf32> to vector<16xf32>
        %swap3A_384 = vector.shape_cast %get3A_379 : vector<16xf32> to vector<1x16xf32>
        tpu.vector_store %arg15[%swap3A_380, %swap3A_381], %swap3A_384 {strides = array<i32>} : memref<80x128xf32, #tpu.memory_space<vmem>>, vector<1x16xf32>,
        %scan3A_385 = arith.constant 0 : i32
        %scan3A_386 = arith.constant 4 : i32
        %scan3A_387 = arith.addi %scan3A_340, %scan3A_386 : i32
        %get3A_388 = arith.index_cast %scan3A_387 : i32 to index
        %get3A_389 = arith.constant 0 : index
        %get3A_390 = tpu.vector_load %arg13[%get3A_388, %get3A_389] {strides = array<i32>} : memref<80x16xf32, #tpu.memory_space<vmem>>, vector<1x16xf32>,
        %get3A_391 = vector.shape_cast %get3A_390 : vector<1x16xf32> to vector<16xf32>
        %swap3A_392 = arith.index_cast %scan3A_387 : i32 to index
        %swap3A_393 = arith.constant 0 : index
        %swap3A_394 = tpu.vector_load %arg15[%swap3A_392, %swap3A_393] {strides = array<i32>} : memref<80x128xf32, #tpu.memory_space<vmem>>, vector<1x16xf32>,
        %swap3A_395 = vector.shape_cast %swap3A_394 : vector<1x16xf32> to vector<16xf32>
        %swap3A_396 = vector.shape_cast %get3A_391 : vector<16xf32> to vector<1x16xf32>
        tpu.vector_store %arg15[%swap3A_392, %swap3A_393], %swap3A_396 {strides = array<i32>} : memref<80x128xf32, #tpu.memory_space<vmem>>, vector<1x16xf32>,
        %scan3A_397 = arith.constant 0 : i32
        %scan3A_398 = arith.constant 5 : i32
        %scan3A_399 = arith.addi %scan3A_340, %scan3A_398 : i32
        %get3A_400 = arith.index_cast %scan3A_399 : i32 to index
        %get3A_401 = arith.constant 0 : index
        %get3A_402 = tpu.vector_load %arg13[%get3A_400, %get3A_401] {strides = array<i32>} : memref<80x16xf32, #tpu.memory_space<vmem>>, vector<1x16xf32>,
        %get3A_403 = vector.shape_cast %get3A_402 : vector<1x16xf32> to vector<16xf32>
        %swap3A_404 = arith.index_cast %scan3A_399 : i32 to index
        %swap3A_405 = arith.constant 0 : index
        %swap3A_406 = tpu.vector_load %arg15[%swap3A_404, %swap3A_405] {strides = array<i32>} : memref<80x128xf32, #tpu.memory_space<vmem>>, vector<1x16xf32>,
        %swap3A_407 = vector.shape_cast %swap3A_406 : vector<1x16xf32> to vector<16xf32>
        %swap3A_408 = vector.shape_cast %get3A_403 : vector<16xf32> to vector<1x16xf32>
        tpu.vector_store %arg15[%swap3A_404, %swap3A_405], %swap3A_408 {strides = array<i32>} : memref<80x128xf32, #tpu.memory_space<vmem>>, vector<1x16xf32>,
        %scan3A_409 = arith.constant 0 : i32
        %scan3A_410 = arith.constant 6 : i32
        %scan3A_411 = arith.addi %scan3A_340, %scan3A_410 : i32
        %get3A_412 = arith.index_cast %scan3A_411 : i32 to index
        %get3A_413 = arith.constant 0 : index
        %get3A_414 = tpu.vector_load %arg13[%get3A_412, %get3A_413] {strides = array<i32>} : memref<80x16xf32, #tpu.memory_space<vmem>>, vector<1x16xf32>,
        %get3A_415 = vector.shape_cast %get3A_414 : vector<1x16xf32> to vector<16xf32>
        %swap3A_416 = arith.index_cast %scan3A_411 : i32 to index
        %swap3A_417 = arith.constant 0 : index
        %swap3A_418 = tpu.vector_load %arg15[%swap3A_416, %swap3A_417] {strides = array<i32>} : memref<80x128xf32, #tpu.memory_space<vmem>>, vector<1x16xf32>,
        %swap3A_419 = vector.shape_cast %swap3A_418 : vector<1x16xf32> to vector<16xf32>
        %swap3A_420 = vector.shape_cast %get3A_415 : vector<16xf32> to vector<1x16xf32>
        tpu.vector_store %arg15[%swap3A_416, %swap3A_417], %swap3A_420 {strides = array<i32>} : memref<80x128xf32, #tpu.memory_space<vmem>>, vector<1x16xf32>,
        %scan3A_421 = arith.constant 0 : i32
        %scan3A_422 = arith.constant 7 : i32
        %scan3A_423 = arith.addi %scan3A_340, %scan3A_422 : i32
        %get3A_424 = arith.index_cast %scan3A_423 : i32 to index
        %get3A_425 = arith.constant 0 : index
        %get3A_426 = tpu.vector_load %arg13[%get3A_424, %get3A_425] {strides = array<i32>} : memref<80x16xf32, #tpu.memory_space<vmem>>, vector<1x16xf32>,
        %get3A_427 = vector.shape_cast %get3A_426 : vector<1x16xf32> to vector<16xf32>
        %swap3A_428 = arith.index_cast %scan3A_423 : i32 to index
        %swap3A_429 = arith.constant 0 : index
        %swap3A_430 = tpu.vector_load %arg15[%swap3A_428, %swap3A_429] {strides = array<i32>} : memref<80x128xf32, #tpu.memory_space<vmem>>, vector<1x16xf32>,
        %swap3A_431 = vector.shape_cast %swap3A_430 : vector<1x16xf32> to vector<16xf32>
        %swap3A_432 = vector.shape_cast %get3A_427 : vector<16xf32> to vector<1x16xf32>
        tpu.vector_store %arg15[%swap3A_428, %swap3A_429], %swap3A_432 {strides = array<i32>} : memref<80x128xf32, #tpu.memory_space<vmem>>, vector<1x16xf32>,
        %scan3A_433 = arith.constant 0 : i32
        scf.yield %scan3A_433 : i32
      }
      %scan3A_318 = arith.constant 80 : i32
      %dma_start3A_319 = arith.constant 0 : i32
      %dma_start3A_320 = arith.constant 0 : i32
      %dma_start3A_321 = tpu.memref_slice %arg9[%dma_start3A_319, %dma_start3A_320] : memref<10240x128xf32, #tpu.memory_space<vmem_shared>> -> memref<10240x128xf32, #tpu.memory_space<vmem_shared>>
      tpu.enqueue_indirect_dma source(%arg15 : memref<80x128xf32, #tpu.memory_space<vmem>>) target(%dma_start3A_321 : memref<10240x128xf32, #tpu.memory_space<vmem_shared>>) offsets(%arg11 : memref<80xi32, #tpu.memory_space<vmem>>) semaphore(%arg18 : memref<!tpu.dma_semaphore, #tpu.memory_space<semaphore_mem>>) {add = true}
      %dma_wait3A_322 = arith.constant 0 : i32
      %dma_wait3A_323 = arith.constant 0 : i32
      %dma_wait3A_324 = tpu.memref_slice %arg9[%dma_wait3A_322, %dma_wait3A_323] : memref<10240x128xf32, #tpu.memory_space<vmem_shared>> -> memref<10240x128xf32, #tpu.memory_space<vmem_shared>>
      tpu.wait_indirect_dma semaphore(%arg18 : memref<!tpu.dma_semaphore, #tpu.memory_space<semaphore_mem>>) src(%arg15 : memref<80x128xf32, #tpu.memory_space<vmem>>) dst(%dma_wait3A_324 : memref<10240x128xf32, #tpu.memory_space<vmem_shared>>)
      %mul3A_325 = arith.constant 2 : i32
      %mul3A_326 = arith.muli %mul3A_325, %add3A_263 : i32
      %add3A_327 = arith.constant 3 : i32
      %add3A_328 = arith.addi %mul3A_326, %add3A_327 : i32
      %mul3A_329 = arith.constant 80 : i32
      %mul3A_330 = arith.muli %add3A_328, %mul3A_329 : i32
      %add3A_331 = arith.addi %mul3A_26, %mul3A_330 : i32
      %min3A_332 = arith.constant 319920 : i32
      %min3A_333 = arith.minsi %add3A_331, %min3A_332 : i32
      %dma_start3A_334 = arith.constant 0 : i32
      %dma_start3A_335 = tpu.memref_slice %arg3[%min3A_333, %dma_start3A_334] : memref<320000x16xf32, #tpu.memory_space<hbm>> -> memref<80x16xf32, #tpu.memory_space<hbm>>
      %dma_start3A_336 = arith.constant 0 : i32
      %dma_start3A_337 = tpu.memref_slice %arg3[%min3A_333, %dma_start3A_336] : memref<320000x16xf32, #tpu.memory_space<hbm>> -> memref<80x16xf32, #tpu.memory_space<hbm>>
      tpu.enqueue_dma source(%dma_start3A_337 : memref<80x16xf32, #tpu.memory_space<hbm>>) target(%arg13 : memref<80x16xf32, #tpu.memory_space<vmem>>) target_semaphore(%arg17 : memref<!tpu.dma_semaphore, #tpu.memory_space<semaphore_mem>>)
      %dma_start3A_338 = tpu.memref_slice %arg2[%min3A_333] : memref<320000xi32, #tpu.memory_space<hbm>> -> memref<80xi32, #tpu.memory_space<hbm>>
      %dma_start3A_339 = tpu.memref_slice %arg2[%min3A_333] : memref<320000xi32, #tpu.memory_space<hbm>> -> memref<80xi32, #tpu.memory_space<hbm>>
      tpu.enqueue_dma source(%dma_start3A_339 : memref<80xi32, #tpu.memory_space<hbm>>) target(%arg11 : memref<80xi32, #tpu.memory_space<vmem>>) target_semaphore(%arg17 : memref<!tpu.dma_semaphore, #tpu.memory_space<semaphore_mem>>)
    }
    %scan3A_49 = arith.constant 62 : i32
    %dma_wait3A = arith.constant 0 : i32
    %dma_wait3A_50 = arith.constant 0 : i32
    %dma_wait3A_51 = tpu.memref_slice %arg3[%dma_wait3A, %dma_wait3A_50] : memref<320000x16xf32, #tpu.memory_space<hbm>> -> memref<80x16xf32, #tpu.memory_space<hbm>>
    %dma_wait3A_52 = arith.constant 0 : i32
    %dma_wait3A_53 = arith.constant 0 : i32
    %dma_wait3A_54 = tpu.memref_slice %arg3[%dma_wait3A_52, %dma_wait3A_53] : memref<320000x16xf32, #tpu.memory_space<hbm>> -> memref<80x16xf32, #tpu.memory_space<hbm>>
    tpu.wait_dma2 semaphore(%arg16 : memref<!tpu.dma_semaphore, #tpu.memory_space<semaphore_mem>>) src(%dma_wait3A_54 : memref<80x16xf32, #tpu.memory_space<hbm>>) dst(%arg12 : memref<80x16xf32, #tpu.memory_space<vmem>>)
    %dma_wait3A_55 = arith.constant 0 : i32
    %dma_wait3A_56 = tpu.memref_slice %arg2[%dma_wait3A_55] : memref<320000xi32, #tpu.memory_space<hbm>> -> memref<80xi32, #tpu.memory_space<hbm>>
    %dma_wait3A_57 = arith.constant 0 : i32
    %dma_wait3A_58 = tpu.memref_slice %arg2[%dma_wait3A_57] : memref<320000xi32, #tpu.memory_space<hbm>> -> memref<80xi32, #tpu.memory_space<hbm>>
    tpu.wait_dma2 semaphore(%arg16 : memref<!tpu.dma_semaphore, #tpu.memory_space<semaphore_mem>>) src(%dma_wait3A_58 : memref<80xi32, #tpu.memory_space<hbm>>) dst(%arg10 : memref<80xi32, #tpu.memory_space<vmem>>)
    %scan3A_59 = arith.constant 0 : i32
    %scan3A_60 = arith.constant 0 : i32
    %scan3A_61 = arith.constant 80 : i32
    %scan3A_62 = arith.addi %scan3A_60, %scan3A_61 : i32
    %scan3A_63 = arith.constant 8 : i32
    %scan3A_64 = scf.for %scan3A_259 = %scan3A_60 to %scan3A_62 step %scan3A_63 iter_args(%scan3A_260 = %scan3A_59) -> (i32)  : i32 {
      %get3A = arith.index_cast %scan3A_259 : i32 to index
      %get3A_261 = arith.constant 0 : index
      %get3A_262 = tpu.vector_load %arg12[%get3A, %get3A_261] {strides = array<i32>} : memref<80x16xf32, #tpu.memory_space<vmem>>, vector<1x16xf32>,
      %get3A_263 = vector.shape_cast %get3A_262 : vector<1x16xf32> to vector<16xf32>
      %swap3A = arith.index_cast %scan3A_259 : i32 to index
      %swap3A_264 = arith.constant 0 : index
      %swap3A_265 = tpu.vector_load %arg14[%swap3A, %swap3A_264] {strides = array<i32>} : memref<80x128xf32, #tpu.memory_space<vmem>>, vector<1x16xf32>,
      %swap3A_266 = vector.shape_cast %swap3A_265 : vector<1x16xf32> to vector<16xf32>
      %swap3A_267 = vector.shape_cast %get3A_263 : vector<16xf32> to vector<1x16xf32>
      tpu.vector_store %arg14[%swap3A, %swap3A_264], %swap3A_267 {strides = array<i32>} : memref<80x128xf32, #tpu.memory_space<vmem>>, vector<1x16xf32>,
      %scan3A_268 = arith.constant 0 : i32
      %scan3A_269 = arith.constant 1 : i32
      %scan3A_270 = arith.addi %scan3A_259, %scan3A_269 : i32
      %get3A_271 = arith.index_cast %scan3A_270 : i32 to index
      %get3A_272 = arith.constant 0 : index
      %get3A_273 = tpu.vector_load %arg12[%get3A_271, %get3A_272] {strides = array<i32>} : memref<80x16xf32, #tpu.memory_space<vmem>>, vector<1x16xf32>,
      %get3A_274 = vector.shape_cast %get3A_273 : vector<1x16xf32> to vector<16xf32>
      %swap3A_275 = arith.index_cast %scan3A_270 : i32 to index
      %swap3A_276 = arith.constant 0 : index
      %swap3A_277 = tpu.vector_load %arg14[%swap3A_275, %swap3A_276] {strides = array<i32>} : memref<80x128xf32, #tpu.memory_space<vmem>>, vector<1x16xf32>,
      %swap3A_278 = vector.shape_cast %swap3A_277 : vector<1x16xf32> to vector<16xf32>
      %swap3A_279 = vector.shape_cast %get3A_274 : vector<16xf32> to vector<1x16xf32>
      tpu.vector_store %arg14[%swap3A_275, %swap3A_276], %swap3A_279 {strides = array<i32>} : memref<80x128xf32, #tpu.memory_space<vmem>>, vector<1x16xf32>,
      %scan3A_280 = arith.constant 0 : i32
      %scan3A_281 = arith.constant 2 : i32
      %scan3A_282 = arith.addi %scan3A_259, %scan3A_281 : i32
      %get3A_283 = arith.index_cast %scan3A_282 : i32 to index
      %get3A_284 = arith.constant 0 : index
      %get3A_285 = tpu.vector_load %arg12[%get3A_283, %get3A_284] {strides = array<i32>} : memref<80x16xf32, #tpu.memory_space<vmem>>, vector<1x16xf32>,
      %get3A_286 = vector.shape_cast %get3A_285 : vector<1x16xf32> to vector<16xf32>
      %swap3A_287 = arith.index_cast %scan3A_282 : i32 to index
      %swap3A_288 = arith.constant 0 : index
      %swap3A_289 = tpu.vector_load %arg14[%swap3A_287, %swap3A_288] {strides = array<i32>} : memref<80x128xf32, #tpu.memory_space<vmem>>, vector<1x16xf32>,
      %swap3A_290 = vector.shape_cast %swap3A_289 : vector<1x16xf32> to vector<16xf32>
      %swap3A_291 = vector.shape_cast %get3A_286 : vector<16xf32> to vector<1x16xf32>
      tpu.vector_store %arg14[%swap3A_287, %swap3A_288], %swap3A_291 {strides = array<i32>} : memref<80x128xf32, #tpu.memory_space<vmem>>, vector<1x16xf32>,
      %scan3A_292 = arith.constant 0 : i32
      %scan3A_293 = arith.constant 3 : i32
      %scan3A_294 = arith.addi %scan3A_259, %scan3A_293 : i32
      %get3A_295 = arith.index_cast %scan3A_294 : i32 to index
      %get3A_296 = arith.constant 0 : index
      %get3A_297 = tpu.vector_load %arg12[%get3A_295, %get3A_296] {strides = array<i32>} : memref<80x16xf32, #tpu.memory_space<vmem>>, vector<1x16xf32>,
      %get3A_298 = vector.shape_cast %get3A_297 : vector<1x16xf32> to vector<16xf32>
      %swap3A_299 = arith.index_cast %scan3A_294 : i32 to index
      %swap3A_300 = arith.constant 0 : index
      %swap3A_301 = tpu.vector_load %arg14[%swap3A_299, %swap3A_300] {strides = array<i32>} : memref<80x128xf32, #tpu.memory_space<vmem>>, vector<1x16xf32>,
      %swap3A_302 = vector.shape_cast %swap3A_301 : vector<1x16xf32> to vector<16xf32>
      %swap3A_303 = vector.shape_cast %get3A_298 : vector<16xf32> to vector<1x16xf32>
      tpu.vector_store %arg14[%swap3A_299, %swap3A_300], %swap3A_303 {strides = array<i32>} : memref<80x128xf32, #tpu.memory_space<vmem>>, vector<1x16xf32>,
      %scan3A_304 = arith.constant 0 : i32
      %scan3A_305 = arith.constant 4 : i32
      %scan3A_306 = arith.addi %scan3A_259, %scan3A_305 : i32
      %get3A_307 = arith.index_cast %scan3A_306 : i32 to index
      %get3A_308 = arith.constant 0 : index
      %get3A_309 = tpu.vector_load %arg12[%get3A_307, %get3A_308] {strides = array<i32>} : memref<80x16xf32, #tpu.memory_space<vmem>>, vector<1x16xf32>,
      %get3A_310 = vector.shape_cast %get3A_309 : vector<1x16xf32> to vector<16xf32>
      %swap3A_311 = arith.index_cast %scan3A_306 : i32 to index
      %swap3A_312 = arith.constant 0 : index
      %swap3A_313 = tpu.vector_load %arg14[%swap3A_311, %swap3A_312] {strides = array<i32>} : memref<80x128xf32, #tpu.memory_space<vmem>>, vector<1x16xf32>,
      %swap3A_314 = vector.shape_cast %swap3A_313 : vector<1x16xf32> to vector<16xf32>
      %swap3A_315 = vector.shape_cast %get3A_310 : vector<16xf32> to vector<1x16xf32>
      tpu.vector_store %arg14[%swap3A_311, %swap3A_312], %swap3A_315 {strides = array<i32>} : memref<80x128xf32, #tpu.memory_space<vmem>>, vector<1x16xf32>,
      %scan3A_316 = arith.constant 0 : i32
      %scan3A_317 = arith.constant 5 : i32
      %scan3A_318 = arith.addi %scan3A_259, %scan3A_317 : i32
      %get3A_319 = arith.index_cast %scan3A_318 : i32 to index
      %get3A_320 = arith.constant 0 : index
      %get3A_321 = tpu.vector_load %arg12[%get3A_319, %get3A_320] {strides = array<i32>} : memref<80x16xf32, #tpu.memory_space<vmem>>, vector<1x16xf32>,
      %get3A_322 = vector.shape_cast %get3A_321 : vector<1x16xf32> to vector<16xf32>
      %swap3A_323 = arith.index_cast %scan3A_318 : i32 to index
      %swap3A_324 = arith.constant 0 : index
      %swap3A_325 = tpu.vector_load %arg14[%swap3A_323, %swap3A_324] {strides = array<i32>} : memref<80x128xf32, #tpu.memory_space<vmem>>, vector<1x16xf32>,
      %swap3A_326 = vector.shape_cast %swap3A_325 : vector<1x16xf32> to vector<16xf32>
      %swap3A_327 = vector.shape_cast %get3A_322 : vector<16xf32> to vector<1x16xf32>
      tpu.vector_store %arg14[%swap3A_323, %swap3A_324], %swap3A_327 {strides = array<i32>} : memref<80x128xf32, #tpu.memory_space<vmem>>, vector<1x16xf32>,
      %scan3A_328 = arith.constant 0 : i32
      %scan3A_329 = arith.constant 6 : i32
      %scan3A_330 = arith.addi %scan3A_259, %scan3A_329 : i32
      %get3A_331 = arith.index_cast %scan3A_330 : i32 to index
      %get3A_332 = arith.constant 0 : index
      %get3A_333 = tpu.vector_load %arg12[%get3A_331, %get3A_332] {strides = array<i32>} : memref<80x16xf32, #tpu.memory_space<vmem>>, vector<1x16xf32>,
      %get3A_334 = vector.shape_cast %get3A_333 : vector<1x16xf32> to vector<16xf32>
      %swap3A_335 = arith.index_cast %scan3A_330 : i32 to index
      %swap3A_336 = arith.constant 0 : index
      %swap3A_337 = tpu.vector_load %arg14[%swap3A_335, %swap3A_336] {strides = array<i32>} : memref<80x128xf32, #tpu.memory_space<vmem>>, vector<1x16xf32>,
      %swap3A_338 = vector.shape_cast %swap3A_337 : vector<1x16xf32> to vector<16xf32>
      %swap3A_339 = vector.shape_cast %get3A_334 : vector<16xf32> to vector<1x16xf32>
      tpu.vector_store %arg14[%swap3A_335, %swap3A_336], %swap3A_339 {strides = array<i32>} : memref<80x128xf32, #tpu.memory_space<vmem>>, vector<1x16xf32>,
      %scan3A_340 = arith.constant 0 : i32
      %scan3A_341 = arith.constant 7 : i32
      %scan3A_342 = arith.addi %scan3A_259, %scan3A_341 : i32
      %get3A_343 = arith.index_cast %scan3A_342 : i32 to index
      %get3A_344 = arith.constant 0 : index
      %get3A_345 = tpu.vector_load %arg12[%get3A_343, %get3A_344] {strides = array<i32>} : memref<80x16xf32, #tpu.memory_space<vmem>>, vector<1x16xf32>,
      %get3A_346 = vector.shape_cast %get3A_345 : vector<1x16xf32> to vector<16xf32>
      %swap3A_347 = arith.index_cast %scan3A_342 : i32 to index
      %swap3A_348 = arith.constant 0 : index
      %swap3A_349 = tpu.vector_load %arg14[%swap3A_347, %swap3A_348] {strides = array<i32>} : memref<80x128xf32, #tpu.memory_space<vmem>>, vector<1x16xf32>,
      %swap3A_350 = vector.shape_cast %swap3A_349 : vector<1x16xf32> to vector<16xf32>
      %swap3A_351 = vector.shape_cast %get3A_346 : vector<16xf32> to vector<1x16xf32>
      tpu.vector_store %arg14[%swap3A_347, %swap3A_348], %swap3A_351 {strides = array<i32>} : memref<80x128xf32, #tpu.memory_space<vmem>>, vector<1x16xf32>,
      %scan3A_352 = arith.constant 0 : i32
      scf.yield %scan3A_352 : i32
    }
    %scan3A_65 = arith.constant 80 : i32
    %dma_start3A_66 = arith.constant 0 : i32
    %dma_start3A_67 = arith.constant 0 : i32
    %dma_start3A_68 = tpu.memref_slice %arg9[%dma_start3A_66, %dma_start3A_67] : memref<10240x128xf32, #tpu.memory_space<vmem_shared>> -> memref<10240x128xf32, #tpu.memory_space<vmem_shared>>
    tpu.enqueue_indirect_dma source(%arg14 : memref<80x128xf32, #tpu.memory_space<vmem>>) target(%dma_start3A_68 : memref<10240x128xf32, #tpu.memory_space<vmem_shared>>) offsets(%arg10 : memref<80xi32, #tpu.memory_space<vmem>>) semaphore(%arg18 : memref<!tpu.dma_semaphore, #tpu.memory_space<semaphore_mem>>) {add = true}
    %dma_wait3A_69 = arith.constant 0 : i32
    %dma_wait3A_70 = arith.constant 0 : i32
    %dma_wait3A_71 = tpu.memref_slice %arg9[%dma_wait3A_69, %dma_wait3A_70] : memref<10240x128xf32, #tpu.memory_space<vmem_shared>> -> memref<10240x128xf32, #tpu.memory_space<vmem_shared>>
    tpu.wait_indirect_dma semaphore(%arg18 : memref<!tpu.dma_semaphore, #tpu.memory_space<semaphore_mem>>) src(%arg14 : memref<80x128xf32, #tpu.memory_space<vmem>>) dst(%dma_wait3A_71 : memref<10240x128xf32, #tpu.memory_space<vmem_shared>>)
    %dma_wait3A_72 = arith.constant 0 : i32
    %dma_wait3A_73 = arith.constant 0 : i32
    %dma_wait3A_74 = tpu.memref_slice %arg3[%dma_wait3A_72, %dma_wait3A_73] : memref<320000x16xf32, #tpu.memory_space<hbm>> -> memref<80x16xf32, #tpu.memory_space<hbm>>
    %dma_wait3A_75 = arith.constant 0 : i32
    %dma_wait3A_76 = arith.constant 0 : i32
    %dma_wait3A_77 = tpu.memref_slice %arg3[%dma_wait3A_75, %dma_wait3A_76] : memref<320000x16xf32, #tpu.memory_space<hbm>> -> memref<80x16xf32, #tpu.memory_space<hbm>>
    tpu.wait_dma2 semaphore(%arg17 : memref<!tpu.dma_semaphore, #tpu.memory_space<semaphore_mem>>) src(%dma_wait3A_77 : memref<80x16xf32, #tpu.memory_space<hbm>>) dst(%arg13 : memref<80x16xf32, #tpu.memory_space<vmem>>)
    %dma_wait3A_78 = arith.constant 0 : i32
    %dma_wait3A_79 = tpu.memref_slice %arg2[%dma_wait3A_78] : memref<320000xi32, #tpu.memory_space<hbm>> -> memref<80xi32, #tpu.memory_space<hbm>>
    %dma_wait3A_80 = arith.constant 0 : i32
    %dma_wait3A_81 = tpu.memref_slice %arg2[%dma_wait3A_80] : memref<320000xi32, #tpu.memory_space<hbm>> -> memref<80xi32, #tpu.memory_space<hbm>>
    tpu.wait_dma2 semaphore(%arg17 : memref<!tpu.dma_semaphore, #tpu.memory_space<semaphore_mem>>) src(%dma_wait3A_81 : memref<80xi32, #tpu.memory_space<hbm>>) dst(%arg11 : memref<80xi32, #tpu.memory_space<vmem>>)
    %barrier3A_82 = arith.constant 0 : index
    tpu.barrier barrier_id(%barrier3A_82)
    %scan3A_83 = arith.constant 0 : i32
    %scan3A_84 = arith.constant 4 : i32
    %scan3A_85 = arith.addi %scan3A_83, %scan3A_84 : i32
    %scan3A_86 = arith.constant 1 : i32
    scf.for %scan3A_259 = %scan3A_83 to %scan3A_85 step %scan3A_86  : i32 {
      %mul3A_260 = arith.constant 1 : i32
      %mul3A_261 = arith.muli %scan3A_259, %mul3A_260 : i32
      %add3A_262 = arith.constant 0 : i32
      %add3A_263 = arith.addi %add3A_262, %mul3A_261 : i32
      %mul3A_264 = arith.constant 2 : i32
      %mul3A_265 = arith.muli %mul3A_264, %add3A_263 : i32
      %mul3A_266 = arith.constant 80 : i32
      %mul3A_267 = arith.muli %mul3A_265, %mul3A_266 : i32
      %add3A_268 = arith.addi %mul3A_3, %mul3A_267 : i32
      %mul3A_269 = arith.constant 2 : i32
      %mul3A_270 = arith.muli %mul3A_269, %add3A_263 : i32
      %add3A_271 = arith.constant 1 : i32
      %add3A_272 = arith.addi %mul3A_270, %add3A_271 : i32
      %mul3A_273 = arith.constant 80 : i32
      %mul3A_274 = arith.muli %add3A_272, %mul3A_273 : i32
      %add3A_275 = arith.addi %mul3A_3, %mul3A_274 : i32
      %mul3A_276 = arith.constant 2 : i32
      %mul3A_277 = arith.muli %mul3A_276, %add3A_263 : i32
      %mul3A_278 = arith.constant 80 : i32
      %mul3A_279 = arith.muli %mul3A_277, %mul3A_278 : i32
      %add3A_280 = arith.addi %add3A_8, %mul3A_279 : i32
      %mul3A_281 = arith.constant 2 : i32
      %mul3A_282 = arith.muli %mul3A_281, %add3A_263 : i32
      %add3A_283 = arith.constant 1 : i32
      %add3A_284 = arith.addi %mul3A_282, %add3A_283 : i32
      %mul3A_285 = arith.constant 80 : i32
      %mul3A_286 = arith.muli %add3A_284, %mul3A_285 : i32
      %add3A_287 = arith.addi %add3A_8, %mul3A_286 : i32
      %dma_start3A_288 = arith.constant 0 : i32
      %dma_start3A_289 = tpu.memref_slice %arg9[%add3A_268, %dma_start3A_288] : memref<10240x128xf32, #tpu.memory_space<vmem_shared>> -> memref<80x128xf32, #tpu.memory_space<vmem_shared>>
      %dma_start3A_290 = arith.constant 0 : i32
      %dma_start3A_291 = tpu.memref_slice %arg9[%add3A_268, %dma_start3A_290] : memref<10240x128xf32, #tpu.memory_space<vmem_shared>> -> memref<80x128xf32, #tpu.memory_space<vmem_shared>>
      tpu.enqueue_dma source(%dma_start3A_291 : memref<80x128xf32, #tpu.memory_space<vmem_shared>>) target(%arg14 : memref<80x128xf32, #tpu.memory_space<vmem>>) target_semaphore(%arg16 : memref<!tpu.dma_semaphore, #tpu.memory_space<semaphore_mem>>)
      %dma_start3A_292 = arith.constant 0 : i32
      %dma_start3A_293 = tpu.memref_slice %arg9[%add3A_275, %dma_start3A_292] : memref<10240x128xf32, #tpu.memory_space<vmem_shared>> -> memref<80x128xf32, #tpu.memory_space<vmem_shared>>
      %dma_start3A_294 = arith.constant 0 : i32
      %dma_start3A_295 = tpu.memref_slice %arg9[%add3A_275, %dma_start3A_294] : memref<10240x128xf32, #tpu.memory_space<vmem_shared>> -> memref<80x128xf32, #tpu.memory_space<vmem_shared>>
      tpu.enqueue_dma source(%dma_start3A_295 : memref<80x128xf32, #tpu.memory_space<vmem_shared>>) target(%arg15 : memref<80x128xf32, #tpu.memory_space<vmem>>) target_semaphore(%arg17 : memref<!tpu.dma_semaphore, #tpu.memory_space<semaphore_mem>>)
      %dma_wait3A_296 = arith.constant 0 : i32
      %dma_wait3A_297 = tpu.memref_slice %arg9[%add3A_268, %dma_wait3A_296] : memref<10240x128xf32, #tpu.memory_space<vmem_shared>> -> memref<80x128xf32, #tpu.memory_space<vmem_shared>>
      %dma_wait3A_298 = arith.constant 0 : i32
      %dma_wait3A_299 = tpu.memref_slice %arg9[%add3A_268, %dma_wait3A_298] : memref<10240x128xf32, #tpu.memory_space<vmem_shared>> -> memref<80x128xf32, #tpu.memory_space<vmem_shared>>
      tpu.wait_dma2 semaphore(%arg16 : memref<!tpu.dma_semaphore, #tpu.memory_space<semaphore_mem>>) src(%dma_wait3A_299 : memref<80x128xf32, #tpu.memory_space<vmem_shared>>) dst(%arg14 : memref<80x128xf32, #tpu.memory_space<vmem>>)
      %dma_start3A_300 = arith.constant 0 : i32
      %dma_start3A_301 = arith.constant 0 : i32
      %dma_start3A_302 = tpu.memref_slice %arg8[%dma_start3A_300, %add3A_280, %dma_start3A_301] : memref<3x20480x128xf32, #tpu.memory_space<hbm>> -> memref<1x80x128xf32, #tpu.memory_space<hbm>>
      %dma_start3A_303 = tpu.memref_squeeze %dma_start3A_302 : memref<1x80x128xf32, #tpu.memory_space<hbm>> -> memref<80x128xf32, #tpu.memory_space<hbm>>
      %dma_start3A_304 = arith.constant 0 : i32
      %dma_start3A_305 = tpu.memref_slice %arg8[%dma_start3A_300, %add3A_280, %dma_start3A_304] : memref<3x20480x128xf32, #tpu.memory_space<hbm>> -> memref<1x80x128xf32, #tpu.memory_space<hbm>>
      %dma_start3A_306 = tpu.memref_squeeze %dma_start3A_305 : memref<1x80x128xf32, #tpu.memory_space<hbm>> -> memref<80x128xf32, #tpu.memory_space<hbm>>
      tpu.enqueue_dma source(%arg14 : memref<80x128xf32, #tpu.memory_space<vmem>>) target(%dma_start3A_306 : memref<80x128xf32, #tpu.memory_space<hbm>>) target_semaphore(%arg18 : memref<!tpu.dma_semaphore, #tpu.memory_space<semaphore_mem>>)
      %dma_wait3A_307 = arith.constant 0 : i32
      %dma_wait3A_308 = tpu.memref_slice %arg9[%add3A_275, %dma_wait3A_307] : memref<10240x128xf32, #tpu.memory_space<vmem_shared>> -> memref<80x128xf32, #tpu.memory_space<vmem_shared>>
      %dma_wait3A_309 = arith.constant 0 : i32
      %dma_wait3A_310 = tpu.memref_slice %arg9[%add3A_275, %dma_wait3A_309] : memref<10240x128xf32, #tpu.memory_space<vmem_shared>> -> memref<80x128xf32, #tpu.memory_space<vmem_shared>>
      tpu.wait_dma2 semaphore(%arg17 : memref<!tpu.dma_semaphore, #tpu.memory_space<semaphore_mem>>) src(%dma_wait3A_310 : memref<80x128xf32, #tpu.memory_space<vmem_shared>>) dst(%arg15 : memref<80x128xf32, #tpu.memory_space<vmem>>)
      %dma_start3A_311 = arith.constant 0 : i32
      %dma_start3A_312 = arith.constant 0 : i32
      %dma_start3A_313 = tpu.memref_slice %arg8[%dma_start3A_311, %add3A_287, %dma_start3A_312] : memref<3x20480x128xf32, #tpu.memory_space<hbm>> -> memref<1x80x128xf32, #tpu.memory_space<hbm>>
      %dma_start3A_314 = tpu.memref_squeeze %dma_start3A_313 : memref<1x80x128xf32, #tpu.memory_space<hbm>> -> memref<80x128xf32, #tpu.memory_space<hbm>>
      %dma_start3A_315 = arith.constant 0 : i32
      %dma_start3A_316 = tpu.memref_slice %arg8[%dma_start3A_311, %add3A_287, %dma_start3A_315] : memref<3x20480x128xf32, #tpu.memory_space<hbm>> -> memref<1x80x128xf32, #tpu.memory_space<hbm>>
      %dma_start3A_317 = tpu.memref_squeeze %dma_start3A_316 : memref<1x80x128xf32, #tpu.memory_space<hbm>> -> memref<80x128xf32, #tpu.memory_space<hbm>>
      tpu.enqueue_dma source(%arg15 : memref<80x128xf32, #tpu.memory_space<vmem>>) target(%dma_start3A_317 : memref<80x128xf32, #tpu.memory_space<hbm>>) target_semaphore(%arg18 : memref<!tpu.dma_semaphore, #tpu.memory_space<semaphore_mem>>)
      %dma_wait3A_318 = arith.constant 0 : i32
      %dma_wait3A_319 = arith.constant 0 : i32
      %dma_wait3A_320 = tpu.memref_slice %arg8[%dma_wait3A_318, %add3A_280, %dma_wait3A_319] : memref<3x20480x128xf32, #tpu.memory_space<hbm>> -> memref<1x80x128xf32, #tpu.memory_space<hbm>>
      %dma_wait3A_321 = tpu.memref_squeeze %dma_wait3A_320 : memref<1x80x128xf32, #tpu.memory_space<hbm>> -> memref<80x128xf32, #tpu.memory_space<hbm>>
      %dma_wait3A_322 = arith.constant 0 : i32
      %dma_wait3A_323 = tpu.memref_slice %arg8[%dma_wait3A_318, %add3A_280, %dma_wait3A_322] : memref<3x20480x128xf32, #tpu.memory_space<hbm>> -> memref<1x80x128xf32, #tpu.memory_space<hbm>>
      %dma_wait3A_324 = tpu.memref_squeeze %dma_wait3A_323 : memref<1x80x128xf32, #tpu.memory_space<hbm>> -> memref<80x128xf32, #tpu.memory_space<hbm>>
      tpu.wait_dma2 semaphore(%arg18 : memref<!tpu.dma_semaphore, #tpu.memory_space<semaphore_mem>>) src(%arg14 : memref<80x128xf32, #tpu.memory_space<vmem>>) dst(%dma_wait3A_324 : memref<80x128xf32, #tpu.memory_space<hbm>>)
      %dma_wait3A_325 = arith.constant 0 : i32
      %dma_wait3A_326 = arith.constant 0 : i32
      %dma_wait3A_327 = tpu.memref_slice %arg8[%dma_wait3A_325, %add3A_287, %dma_wait3A_326] : memref<3x20480x128xf32, #tpu.memory_space<hbm>> -> memref<1x80x128xf32, #tpu.memory_space<hbm>>
      %dma_wait3A_328 = tpu.memref_squeeze %dma_wait3A_327 : memref<1x80x128xf32, #tpu.memory_space<hbm>> -> memref<80x128xf32, #tpu.memory_space<hbm>>
      %dma_wait3A_329 = arith.constant 0 : i32
      %dma_wait3A_330 = tpu.memref_slice %arg8[%dma_wait3A_325, %add3A_287, %dma_wait3A_329] : memref<3x20480x128xf32, #tpu.memory_space<hbm>> -> memref<1x80x128xf32, #tpu.memory_space<hbm>>
      %dma_wait3A_331 = tpu.memref_squeeze %dma_wait3A_330 : memref<1x80x128xf32, #tpu.memory_space<hbm>> -> memref<80x128xf32, #tpu.memory_space<hbm>>
      tpu.wait_dma2 semaphore(%arg18 : memref<!tpu.dma_semaphore, #tpu.memory_space<semaphore_mem>>) src(%arg15 : memref<80x128xf32, #tpu.memory_space<vmem>>) dst(%dma_wait3A_331 : memref<80x128xf32, #tpu.memory_space<hbm>>)
    }
    %scan3A_87 = arith.constant 4 : i32
    %barrier3A_88 = arith.constant 0 : index
    tpu.barrier barrier_id(%barrier3A_88)
    %scan3A_89 = arith.constant 0 : i32
    %scan3A_90 = arith.constant 0 : i32
    %scan3A_91 = arith.constant 80 : i32
    %scan3A_92 = arith.addi %scan3A_90, %scan3A_91 : i32
    %scan3A_93 = arith.constant 1 : i32
    %scan3A_94 = scf.for %scan3A_259 = %scan3A_90 to %scan3A_92 step %scan3A_93 iter_args(%scan3A_260 = %scan3A_89) -> (i32)  : i32 {
      %swap3A = arith.index_cast %scan3A_259 : i32 to index
      %swap3A_261 = arith.constant 0 : index
      %swap3A_262 = tpu.vector_load %arg14[%swap3A, %swap3A_261] {strides = array<i32>} : memref<80x128xf32, #tpu.memory_space<vmem>>, vector<1x16xf32>,
      %swap3A_263 = vector.shape_cast %swap3A_262 : vector<1x16xf32> to vector<16xf32>
      %swap3A_264 = vector.shape_cast %broadcast_in_dim3A_1 : vector<16xf32> to vector<1x16xf32>
      tpu.vector_store %arg14[%swap3A, %swap3A_261], %swap3A_264 {strides = array<i32>} : memref<80x128xf32, #tpu.memory_space<vmem>>, vector<1x16xf32>,
      %swap3A_265 = arith.index_cast %scan3A_259 : i32 to index
      %swap3A_266 = arith.constant 0 : index
      %swap3A_267 = tpu.vector_load %arg15[%swap3A_265, %swap3A_266] {strides = array<i32>} : memref<80x128xf32, #tpu.memory_space<vmem>>, vector<1x16xf32>,
      %swap3A_268 = vector.shape_cast %swap3A_267 : vector<1x16xf32> to vector<16xf32>
      %swap3A_269 = vector.shape_cast %broadcast_in_dim3A_1 : vector<16xf32> to vector<1x16xf32>
      tpu.vector_store %arg15[%swap3A_265, %swap3A_266], %swap3A_269 {strides = array<i32>} : memref<80x128xf32, #tpu.memory_space<vmem>>, vector<1x16xf32>,
      %swap3A_270 = arith.index_cast %scan3A_259 : i32 to index
      %swap3A_271 = arith.constant 16 : index
      %swap3A_272 = tpu.vector_load %arg14[%swap3A_270, %swap3A_271] {strides = array<i32>} : memref<80x128xf32, #tpu.memory_space<vmem>>, vector<1x16xf32>,
      %swap3A_273 = vector.shape_cast %swap3A_272 : vector<1x16xf32> to vector<16xf32>
      %swap3A_274 = vector.shape_cast %broadcast_in_dim3A_1 : vector<16xf32> to vector<1x16xf32>
      tpu.vector_store %arg14[%swap3A_270, %swap3A_271], %swap3A_274 {strides = array<i32>} : memref<80x128xf32, #tpu.memory_space<vmem>>, vector<1x16xf32>,
      %swap3A_275 = arith.index_cast %scan3A_259 : i32 to index
      %swap3A_276 = arith.constant 16 : index
      %swap3A_277 = tpu.vector_load %arg15[%swap3A_275, %swap3A_276] {strides = array<i32>} : memref<80x128xf32, #tpu.memory_space<vmem>>, vector<1x16xf32>,
      %swap3A_278 = vector.shape_cast %swap3A_277 : vector<1x16xf32> to vector<16xf32>
      %swap3A_279 = vector.shape_cast %broadcast_in_dim3A_1 : vector<16xf32> to vector<1x16xf32>
      tpu.vector_store %arg15[%swap3A_275, %swap3A_276], %swap3A_279 {strides = array<i32>} : memref<80x128xf32, #tpu.memory_space<vmem>>, vector<1x16xf32>,
      %swap3A_280 = arith.index_cast %scan3A_259 : i32 to index
      %swap3A_281 = arith.constant 32 : index
      %swap3A_282 = tpu.vector_load %arg14[%swap3A_280, %swap3A_281] {strides = array<i32>} : memref<80x128xf32, #tpu.memory_space<vmem>>, vector<1x16xf32>,
      %swap3A_283 = vector.shape_cast %swap3A_282 : vector<1x16xf32> to vector<16xf32>
      %swap3A_284 = vector.shape_cast %broadcast_in_dim3A_1 : vector<16xf32> to vector<1x16xf32>
      tpu.vector_store %arg14[%swap3A_280, %swap3A_281], %swap3A_284 {strides = array<i32>} : memref<80x128xf32, #tpu.memory_space<vmem>>, vector<1x16xf32>,
      %swap3A_285 = arith.index_cast %scan3A_259 : i32 to index
      %swap3A_286 = arith.constant 32 : index
      %swap3A_287 = tpu.vector_load %arg15[%swap3A_285, %swap3A_286] {strides = array<i32>} : memref<80x128xf32, #tpu.memory_space<vmem>>, vector<1x16xf32>,
      %swap3A_288 = vector.shape_cast %swap3A_287 : vector<1x16xf32> to vector<16xf32>
      %swap3A_289 = vector.shape_cast %broadcast_in_dim3A_1 : vector<16xf32> to vector<1x16xf32>
      tpu.vector_store %arg15[%swap3A_285, %swap3A_286], %swap3A_289 {strides = array<i32>} : memref<80x128xf32, #tpu.memory_space<vmem>>, vector<1x16xf32>,
      %swap3A_290 = arith.index_cast %scan3A_259 : i32 to index
      %swap3A_291 = arith.constant 48 : index
      %swap3A_292 = tpu.vector_load %arg14[%swap3A_290, %swap3A_291] {strides = array<i32>} : memref<80x128xf32, #tpu.memory_space<vmem>>, vector<1x16xf32>,
      %swap3A_293 = vector.shape_cast %swap3A_292 : vector<1x16xf32> to vector<16xf32>
      %swap3A_294 = vector.shape_cast %broadcast_in_dim3A_1 : vector<16xf32> to vector<1x16xf32>
      tpu.vector_store %arg14[%swap3A_290, %swap3A_291], %swap3A_294 {strides = array<i32>} : memref<80x128xf32, #tpu.memory_space<vmem>>, vector<1x16xf32>,
      %swap3A_295 = arith.index_cast %scan3A_259 : i32 to index
      %swap3A_296 = arith.constant 48 : index
      %swap3A_297 = tpu.vector_load %arg15[%swap3A_295, %swap3A_296] {strides = array<i32>} : memref<80x128xf32, #tpu.memory_space<vmem>>, vector<1x16xf32>,
      %swap3A_298 = vector.shape_cast %swap3A_297 : vector<1x16xf32> to vector<16xf32>
      %swap3A_299 = vector.shape_cast %broadcast_in_dim3A_1 : vector<16xf32> to vector<1x16xf32>
      tpu.vector_store %arg15[%swap3A_295, %swap3A_296], %swap3A_299 {strides = array<i32>} : memref<80x128xf32, #tpu.memory_space<vmem>>, vector<1x16xf32>,
      %swap3A_300 = arith.index_cast %scan3A_259 : i32 to index
      %swap3A_301 = arith.constant 64 : index
      %swap3A_302 = tpu.vector_load %arg14[%swap3A_300, %swap3A_301] {strides = array<i32>} : memref<80x128xf32, #tpu.memory_space<vmem>>, vector<1x16xf32>,
      %swap3A_303 = vector.shape_cast %swap3A_302 : vector<1x16xf32> to vector<16xf32>
      %swap3A_304 = vector.shape_cast %broadcast_in_dim3A_1 : vector<16xf32> to vector<1x16xf32>
      tpu.vector_store %arg14[%swap3A_300, %swap3A_301], %swap3A_304 {strides = array<i32>} : memref<80x128xf32, #tpu.memory_space<vmem>>, vector<1x16xf32>,
      %swap3A_305 = arith.index_cast %scan3A_259 : i32 to index
      %swap3A_306 = arith.constant 64 : index
      %swap3A_307 = tpu.vector_load %arg15[%swap3A_305, %swap3A_306] {strides = array<i32>} : memref<80x128xf32, #tpu.memory_space<vmem>>, vector<1x16xf32>,
      %swap3A_308 = vector.shape_cast %swap3A_307 : vector<1x16xf32> to vector<16xf32>
      %swap3A_309 = vector.shape_cast %broadcast_in_dim3A_1 : vector<16xf32> to vector<1x16xf32>
      tpu.vector_store %arg15[%swap3A_305, %swap3A_306], %swap3A_309 {strides = array<i32>} : memref<80x128xf32, #tpu.memory_space<vmem>>, vector<1x16xf32>,
      %swap3A_310 = arith.index_cast %scan3A_259 : i32 to index
      %swap3A_311 = arith.constant 80 : index
      %swap3A_312 = tpu.vector_load %arg14[%swap3A_310, %swap3A_311] {strides = array<i32>} : memref<80x128xf32, #tpu.memory_space<vmem>>, vector<1x16xf32>,
      %swap3A_313 = vector.shape_cast %swap3A_312 : vector<1x16xf32> to vector<16xf32>
      %swap3A_314 = vector.shape_cast %broadcast_in_dim3A_1 : vector<16xf32> to vector<1x16xf32>
      tpu.vector_store %arg14[%swap3A_310, %swap3A_311], %swap3A_314 {strides = array<i32>} : memref<80x128xf32, #tpu.memory_space<vmem>>, vector<1x16xf32>,
      %swap3A_315 = arith.index_cast %scan3A_259 : i32 to index
      %swap3A_316 = arith.constant 80 : index
      %swap3A_317 = tpu.vector_load %arg15[%swap3A_315, %swap3A_316] {strides = array<i32>} : memref<80x128xf32, #tpu.memory_space<vmem>>, vector<1x16xf32>,
      %swap3A_318 = vector.shape_cast %swap3A_317 : vector<1x16xf32> to vector<16xf32>
      %swap3A_319 = vector.shape_cast %broadcast_in_dim3A_1 : vector<16xf32> to vector<1x16xf32>
      tpu.vector_store %arg15[%swap3A_315, %swap3A_316], %swap3A_319 {strides = array<i32>} : memref<80x128xf32, #tpu.memory_space<vmem>>, vector<1x16xf32>,
      %swap3A_320 = arith.index_cast %scan3A_259 : i32 to index
      %swap3A_321 = arith.constant 96 : index
      %swap3A_322 = tpu.vector_load %arg14[%swap3A_320, %swap3A_321] {strides = array<i32>} : memref<80x128xf32, #tpu.memory_space<vmem>>, vector<1x16xf32>,
      %swap3A_323 = vector.shape_cast %swap3A_322 : vector<1x16xf32> to vector<16xf32>
      %swap3A_324 = vector.shape_cast %broadcast_in_dim3A_1 : vector<16xf32> to vector<1x16xf32>
      tpu.vector_store %arg14[%swap3A_320, %swap3A_321], %swap3A_324 {strides = array<i32>} : memref<80x128xf32, #tpu.memory_space<vmem>>, vector<1x16xf32>,
      %swap3A_325 = arith.index_cast %scan3A_259 : i32 to index
      %swap3A_326 = arith.constant 96 : index
      %swap3A_327 = tpu.vector_load %arg15[%swap3A_325, %swap3A_326] {strides = array<i32>} : memref<80x128xf32, #tpu.memory_space<vmem>>, vector<1x16xf32>,
      %swap3A_328 = vector.shape_cast %swap3A_327 : vector<1x16xf32> to vector<16xf32>
      %swap3A_329 = vector.shape_cast %broadcast_in_dim3A_1 : vector<16xf32> to vector<1x16xf32>
      tpu.vector_store %arg15[%swap3A_325, %swap3A_326], %swap3A_329 {strides = array<i32>} : memref<80x128xf32, #tpu.memory_space<vmem>>, vector<1x16xf32>,
      %swap3A_330 = arith.index_cast %scan3A_259 : i32 to index
      %swap3A_331 = arith.constant 112 : index
      %swap3A_332 = tpu.vector_load %arg14[%swap3A_330, %swap3A_331] {strides = array<i32>} : memref<80x128xf32, #tpu.memory_space<vmem>>, vector<1x16xf32>,
      %swap3A_333 = vector.shape_cast %swap3A_332 : vector<1x16xf32> to vector<16xf32>
      %swap3A_334 = vector.shape_cast %broadcast_in_dim3A_1 : vector<16xf32> to vector<1x16xf32>
      tpu.vector_store %arg14[%swap3A_330, %swap3A_331], %swap3A_334 {strides = array<i32>} : memref<80x128xf32, #tpu.memory_space<vmem>>, vector<1x16xf32>,
      %swap3A_335 = arith.index_cast %scan3A_259 : i32 to index
      %swap3A_336 = arith.constant 112 : index
      %swap3A_337 = tpu.vector_load %arg15[%swap3A_335, %swap3A_336] {strides = array<i32>} : memref<80x128xf32, #tpu.memory_space<vmem>>, vector<1x16xf32>,
      %swap3A_338 = vector.shape_cast %swap3A_337 : vector<1x16xf32> to vector<16xf32>
      %swap3A_339 = vector.shape_cast %broadcast_in_dim3A_1 : vector<16xf32> to vector<1x16xf32>
      tpu.vector_store %arg15[%swap3A_335, %swap3A_336], %swap3A_339 {strides = array<i32>} : memref<80x128xf32, #tpu.memory_space<vmem>>, vector<1x16xf32>,
      %scan3A_340 = arith.constant 0 : i32
      scf.yield %scan3A_340 : i32
    }
    %scan3A_95 = arith.constant 80 : i32
    %scan3A_96 = arith.constant 0 : i32
    %scan3A_97 = arith.constant 8 : i32
    %scan3A_98 = arith.addi %scan3A_96, %scan3A_97 : i32
    %scan3A_99 = arith.constant 1 : i32
    scf.for %scan3A_259 = %scan3A_96 to %scan3A_98 step %scan3A_99  : i32 {
      %mul3A_260 = arith.constant 1 : i32
      %mul3A_261 = arith.muli %scan3A_259, %mul3A_260 : i32
      %add3A_262 = arith.constant 0 : i32
      %add3A_263 = arith.addi %add3A_262, %mul3A_261 : i32
      %mul3A_264 = arith.constant 80 : i32
      %mul3A_265 = arith.muli %add3A_263, %mul3A_264 : i32
      %add3A_266 = arith.addi %mul3A_3, %mul3A_265 : i32
      %dma_start3A_267 = arith.constant 0 : i32
      %dma_start3A_268 = tpu.memref_slice %arg9[%add3A_266, %dma_start3A_267] : memref<10240x128xf32, #tpu.memory_space<vmem_shared>> -> memref<80x128xf32, #tpu.memory_space<vmem_shared>>
      %dma_start3A_269 = arith.constant 0 : i32
      %dma_start3A_270 = tpu.memref_slice %arg9[%add3A_266, %dma_start3A_269] : memref<10240x128xf32, #tpu.memory_space<vmem_shared>> -> memref<80x128xf32, #tpu.memory_space<vmem_shared>>
      tpu.enqueue_dma source(%arg14 : memref<80x128xf32, #tpu.memory_space<vmem>>) target(%dma_start3A_270 : memref<80x128xf32, #tpu.memory_space<vmem_shared>>) target_semaphore(%arg18 : memref<!tpu.dma_semaphore, #tpu.memory_space<semaphore_mem>>)
    }
    %scan3A_100 = arith.constant 8 : i32
    %scan3A_101 = arith.constant 0 : i32
    %scan3A_102 = arith.constant 8 : i32
    %scan3A_103 = arith.addi %scan3A_101, %scan3A_102 : i32
    %scan3A_104 = arith.constant 1 : i32
    scf.for %scan3A_259 = %scan3A_101 to %scan3A_103 step %scan3A_104  : i32 {
      %mul3A_260 = arith.constant 1 : i32
      %mul3A_261 = arith.muli %scan3A_259, %mul3A_260 : i32
      %add3A_262 = arith.constant 0 : i32
      %add3A_263 = arith.addi %add3A_262, %mul3A_261 : i32
      %dma_wait3A_264 = arith.constant 0 : i32
      %dma_wait3A_265 = tpu.memref_slice %arg9[%mul3A_3, %dma_wait3A_264] : memref<10240x128xf32, #tpu.memory_space<vmem_shared>> -> memref<80x128xf32, #tpu.memory_space<vmem_shared>>
      %dma_wait3A_266 = arith.constant 0 : i32
      %dma_wait3A_267 = tpu.memref_slice %arg9[%mul3A_3, %dma_wait3A_266] : memref<10240x128xf32, #tpu.memory_space<vmem_shared>> -> memref<80x128xf32, #tpu.memory_space<vmem_shared>>
      tpu.wait_dma2 semaphore(%arg18 : memref<!tpu.dma_semaphore, #tpu.memory_space<semaphore_mem>>) src(%arg14 : memref<80x128xf32, #tpu.memory_space<vmem>>) dst(%dma_wait3A_267 : memref<80x128xf32, #tpu.memory_space<vmem_shared>>)
    }
    %scan3A_105 = arith.constant 8 : i32
    %barrier3A_106 = arith.constant 0 : index
    tpu.barrier barrier_id(%barrier3A_106)
    %mul3A_107 = arith.constant 10000 : i32
    %mul3A_108 = arith.muli %add3A, %mul3A_107 : i32
    %add3A_109 = arith.constant 0 : i32
    %add3A_110 = arith.addi %mul3A_108, %add3A_109 : i32
    %min3A_111 = arith.constant 319920 : i32
    %min3A_112 = arith.minsi %add3A_110, %min3A_111 : i32
    %dma_start3A_113 = arith.constant 0 : i32
    %dma_start3A_114 = tpu.memref_slice %arg5[%min3A_112, %dma_start3A_113] : memref<320000x16xf32, #tpu.memory_space<hbm>> -> memref<80x16xf32, #tpu.memory_space<hbm>>
    %dma_start3A_115 = arith.constant 0 : i32
    %dma_start3A_116 = tpu.memref_slice %arg5[%min3A_112, %dma_start3A_115] : memref<320000x16xf32, #tpu.memory_space<hbm>> -> memref<80x16xf32, #tpu.memory_space<hbm>>
    tpu.enqueue_dma source(%dma_start3A_116 : memref<80x16xf32, #tpu.memory_space<hbm>>) target(%arg12 : memref<80x16xf32, #tpu.memory_space<vmem>>) target_semaphore(%arg16 : memref<!tpu.dma_semaphore, #tpu.memory_space<semaphore_mem>>)
    %dma_start3A_117 = tpu.memref_slice %arg4[%min3A_112] : memref<320000xi32, #tpu.memory_space<hbm>> -> memref<80xi32, #tpu.memory_space<hbm>>
    %dma_start3A_118 = tpu.memref_slice %arg4[%min3A_112] : memref<320000xi32, #tpu.memory_space<hbm>> -> memref<80xi32, #tpu.memory_space<hbm>>
    tpu.enqueue_dma source(%dma_start3A_118 : memref<80xi32, #tpu.memory_space<hbm>>) target(%arg10 : memref<80xi32, #tpu.memory_space<vmem>>) target_semaphore(%arg16 : memref<!tpu.dma_semaphore, #tpu.memory_space<semaphore_mem>>)
    %add3A_119 = arith.constant 80 : i32
    %add3A_120 = arith.addi %mul3A_108, %add3A_119 : i32
    %min3A_121 = arith.constant 319920 : i32
    %min3A_122 = arith.minsi %add3A_120, %min3A_121 : i32
    %dma_start3A_123 = arith.constant 0 : i32
    %dma_start3A_124 = tpu.memref_slice %arg5[%min3A_122, %dma_start3A_123] : memref<320000x16xf32, #tpu.memory_space<hbm>> -> memref<80x16xf32, #tpu.memory_space<hbm>>
    %dma_start3A_125 = arith.constant 0 : i32
    %dma_start3A_126 = tpu.memref_slice %arg5[%min3A_122, %dma_start3A_125] : memref<320000x16xf32, #tpu.memory_space<hbm>> -> memref<80x16xf32, #tpu.memory_space<hbm>>
    tpu.enqueue_dma source(%dma_start3A_126 : memref<80x16xf32, #tpu.memory_space<hbm>>) target(%arg13 : memref<80x16xf32, #tpu.memory_space<vmem>>) target_semaphore(%arg17 : memref<!tpu.dma_semaphore, #tpu.memory_space<semaphore_mem>>)
    %dma_start3A_127 = tpu.memref_slice %arg4[%min3A_122] : memref<320000xi32, #tpu.memory_space<hbm>> -> memref<80xi32, #tpu.memory_space<hbm>>
    %dma_start3A_128 = tpu.memref_slice %arg4[%min3A_122] : memref<320000xi32, #tpu.memory_space<hbm>> -> memref<80xi32, #tpu.memory_space<hbm>>
    tpu.enqueue_dma source(%dma_start3A_128 : memref<80xi32, #tpu.memory_space<hbm>>) target(%arg11 : memref<80xi32, #tpu.memory_space<vmem>>) target_semaphore(%arg17 : memref<!tpu.dma_semaphore, #tpu.memory_space<semaphore_mem>>)
    %scan3A_129 = arith.constant 0 : i32
    %scan3A_130 = arith.constant 62 : i32
    %scan3A_131 = arith.addi %scan3A_129, %scan3A_130 : i32
    %scan3A_132 = arith.constant 1 : i32
    scf.for %scan3A_259 = %scan3A_129 to %scan3A_131 step %scan3A_132  : i32 {
      %mul3A_260 = arith.constant 1 : i32
      %mul3A_261 = arith.muli %scan3A_259, %mul3A_260 : i32
      %add3A_262 = arith.constant 0 : i32
      %add3A_263 = arith.addi %add3A_262, %mul3A_261 : i32
      %dma_wait3A_264 = arith.constant 0 : i32
      %dma_wait3A_265 = arith.constant 0 : i32
      %dma_wait3A_266 = tpu.memref_slice %arg5[%dma_wait3A_264, %dma_wait3A_265] : memref<320000x16xf32, #tpu.memory_space<hbm>> -> memref<80x16xf32, #tpu.memory_space<hbm>>
      %dma_wait3A_267 = arith.constant 0 : i32
      %dma_wait3A_268 = arith.constant 0 : i32
      %dma_wait3A_269 = tpu.memref_slice %arg5[%dma_wait3A_267, %dma_wait3A_268] : memref<320000x16xf32, #tpu.memory_space<hbm>> -> memref<80x16xf32, #tpu.memory_space<hbm>>
      tpu.wait_dma2 semaphore(%arg16 : memref<!tpu.dma_semaphore, #tpu.memory_space<semaphore_mem>>) src(%dma_wait3A_269 : memref<80x16xf32, #tpu.memory_space<hbm>>) dst(%arg12 : memref<80x16xf32, #tpu.memory_space<vmem>>)
      %dma_wait3A_270 = arith.constant 0 : i32
      %dma_wait3A_271 = tpu.memref_slice %arg4[%dma_wait3A_270] : memref<320000xi32, #tpu.memory_space<hbm>> -> memref<80xi32, #tpu.memory_space<hbm>>
      %dma_wait3A_272 = arith.constant 0 : i32
      %dma_wait3A_273 = tpu.memref_slice %arg4[%dma_wait3A_272] : memref<320000xi32, #tpu.memory_space<hbm>> -> memref<80xi32, #tpu.memory_space<hbm>>
      tpu.wait_dma2 semaphore(%arg16 : memref<!tpu.dma_semaphore, #tpu.memory_space<semaphore_mem>>) src(%dma_wait3A_273 : memref<80xi32, #tpu.memory_space<hbm>>) dst(%arg10 : memref<80xi32, #tpu.memory_space<vmem>>)
      %scan3A_274 = arith.constant 0 : i32
      %scan3A_275 = arith.constant 0 : i32
      %scan3A_276 = arith.constant 80 : i32
      %scan3A_277 = arith.addi %scan3A_275, %scan3A_276 : i32
      %scan3A_278 = arith.constant 8 : i32
      %scan3A_279 = scf.for %scan3A_340 = %scan3A_275 to %scan3A_277 step %scan3A_278 iter_args(%scan3A_341 = %scan3A_274) -> (i32)  : i32 {
        %get3A = arith.index_cast %scan3A_340 : i32 to index
        %get3A_342 = arith.constant 0 : index
        %get3A_343 = tpu.vector_load %arg12[%get3A, %get3A_342] {strides = array<i32>} : memref<80x16xf32, #tpu.memory_space<vmem>>, vector<1x16xf32>,
        %get3A_344 = vector.shape_cast %get3A_343 : vector<1x16xf32> to vector<16xf32>
        %swap3A = arith.index_cast %scan3A_340 : i32 to index
        %swap3A_345 = arith.constant 0 : index
        %swap3A_346 = tpu.vector_load %arg14[%swap3A, %swap3A_345] {strides = array<i32>} : memref<80x128xf32, #tpu.memory_space<vmem>>, vector<1x16xf32>,
        %swap3A_347 = vector.shape_cast %swap3A_346 : vector<1x16xf32> to vector<16xf32>
        %swap3A_348 = vector.shape_cast %get3A_344 : vector<16xf32> to vector<1x16xf32>
        tpu.vector_store %arg14[%swap3A, %swap3A_345], %swap3A_348 {strides = array<i32>} : memref<80x128xf32, #tpu.memory_space<vmem>>, vector<1x16xf32>,
        %scan3A_349 = arith.constant 0 : i32
        %scan3A_350 = arith.constant 1 : i32
        %scan3A_351 = arith.addi %scan3A_340, %scan3A_350 : i32
        %get3A_352 = arith.index_cast %scan3A_351 : i32 to index
        %get3A_353 = arith.constant 0 : index
        %get3A_354 = tpu.vector_load %arg12[%get3A_352, %get3A_353] {strides = array<i32>} : memref<80x16xf32, #tpu.memory_space<vmem>>, vector<1x16xf32>,
        %get3A_355 = vector.shape_cast %get3A_354 : vector<1x16xf32> to vector<16xf32>
        %swap3A_356 = arith.index_cast %scan3A_351 : i32 to index
        %swap3A_357 = arith.constant 0 : index
        %swap3A_358 = tpu.vector_load %arg14[%swap3A_356, %swap3A_357] {strides = array<i32>} : memref<80x128xf32, #tpu.memory_space<vmem>>, vector<1x16xf32>,
        %swap3A_359 = vector.shape_cast %swap3A_358 : vector<1x16xf32> to vector<16xf32>
        %swap3A_360 = vector.shape_cast %get3A_355 : vector<16xf32> to vector<1x16xf32>
        tpu.vector_store %arg14[%swap3A_356, %swap3A_357], %swap3A_360 {strides = array<i32>} : memref<80x128xf32, #tpu.memory_space<vmem>>, vector<1x16xf32>,
        %scan3A_361 = arith.constant 0 : i32
        %scan3A_362 = arith.constant 2 : i32
        %scan3A_363 = arith.addi %scan3A_340, %scan3A_362 : i32
        %get3A_364 = arith.index_cast %scan3A_363 : i32 to index
        %get3A_365 = arith.constant 0 : index
        %get3A_366 = tpu.vector_load %arg12[%get3A_364, %get3A_365] {strides = array<i32>} : memref<80x16xf32, #tpu.memory_space<vmem>>, vector<1x16xf32>,
        %get3A_367 = vector.shape_cast %get3A_366 : vector<1x16xf32> to vector<16xf32>
        %swap3A_368 = arith.index_cast %scan3A_363 : i32 to index
        %swap3A_369 = arith.constant 0 : index
        %swap3A_370 = tpu.vector_load %arg14[%swap3A_368, %swap3A_369] {strides = array<i32>} : memref<80x128xf32, #tpu.memory_space<vmem>>, vector<1x16xf32>,
        %swap3A_371 = vector.shape_cast %swap3A_370 : vector<1x16xf32> to vector<16xf32>
        %swap3A_372 = vector.shape_cast %get3A_367 : vector<16xf32> to vector<1x16xf32>
        tpu.vector_store %arg14[%swap3A_368, %swap3A_369], %swap3A_372 {strides = array<i32>} : memref<80x128xf32, #tpu.memory_space<vmem>>, vector<1x16xf32>,
        %scan3A_373 = arith.constant 0 : i32
        %scan3A_374 = arith.constant 3 : i32
        %scan3A_375 = arith.addi %scan3A_340, %scan3A_374 : i32
        %get3A_376 = arith.index_cast %scan3A_375 : i32 to index
        %get3A_377 = arith.constant 0 : index
        %get3A_378 = tpu.vector_load %arg12[%get3A_376, %get3A_377] {strides = array<i32>} : memref<80x16xf32, #tpu.memory_space<vmem>>, vector<1x16xf32>,
        %get3A_379 = vector.shape_cast %get3A_378 : vector<1x16xf32> to vector<16xf32>
        %swap3A_380 = arith.index_cast %scan3A_375 : i32 to index
        %swap3A_381 = arith.constant 0 : index
        %swap3A_382 = tpu.vector_load %arg14[%swap3A_380, %swap3A_381] {strides = array<i32>} : memref<80x128xf32, #tpu.memory_space<vmem>>, vector<1x16xf32>,
        %swap3A_383 = vector.shape_cast %swap3A_382 : vector<1x16xf32> to vector<16xf32>
        %swap3A_384 = vector.shape_cast %get3A_379 : vector<16xf32> to vector<1x16xf32>
        tpu.vector_store %arg14[%swap3A_380, %swap3A_381], %swap3A_384 {strides = array<i32>} : memref<80x128xf32, #tpu.memory_space<vmem>>, vector<1x16xf32>,
        %scan3A_385 = arith.constant 0 : i32
        %scan3A_386 = arith.constant 4 : i32
        %scan3A_387 = arith.addi %scan3A_340, %scan3A_386 : i32
        %get3A_388 = arith.index_cast %scan3A_387 : i32 to index
        %get3A_389 = arith.constant 0 : index
        %get3A_390 = tpu.vector_load %arg12[%get3A_388, %get3A_389] {strides = array<i32>} : memref<80x16xf32, #tpu.memory_space<vmem>>, vector<1x16xf32>,
        %get3A_391 = vector.shape_cast %get3A_390 : vector<1x16xf32> to vector<16xf32>
        %swap3A_392 = arith.index_cast %scan3A_387 : i32 to index
        %swap3A_393 = arith.constant 0 : index
        %swap3A_394 = tpu.vector_load %arg14[%swap3A_392, %swap3A_393] {strides = array<i32>} : memref<80x128xf32, #tpu.memory_space<vmem>>, vector<1x16xf32>,
        %swap3A_395 = vector.shape_cast %swap3A_394 : vector<1x16xf32> to vector<16xf32>
        %swap3A_396 = vector.shape_cast %get3A_391 : vector<16xf32> to vector<1x16xf32>
        tpu.vector_store %arg14[%swap3A_392, %swap3A_393], %swap3A_396 {strides = array<i32>} : memref<80x128xf32, #tpu.memory_space<vmem>>, vector<1x16xf32>,
        %scan3A_397 = arith.constant 0 : i32
        %scan3A_398 = arith.constant 5 : i32
        %scan3A_399 = arith.addi %scan3A_340, %scan3A_398 : i32
        %get3A_400 = arith.index_cast %scan3A_399 : i32 to index
        %get3A_401 = arith.constant 0 : index
        %get3A_402 = tpu.vector_load %arg12[%get3A_400, %get3A_401] {strides = array<i32>} : memref<80x16xf32, #tpu.memory_space<vmem>>, vector<1x16xf32>,
        %get3A_403 = vector.shape_cast %get3A_402 : vector<1x16xf32> to vector<16xf32>
        %swap3A_404 = arith.index_cast %scan3A_399 : i32 to index
        %swap3A_405 = arith.constant 0 : index
        %swap3A_406 = tpu.vector_load %arg14[%swap3A_404, %swap3A_405] {strides = array<i32>} : memref<80x128xf32, #tpu.memory_space<vmem>>, vector<1x16xf32>,
        %swap3A_407 = vector.shape_cast %swap3A_406 : vector<1x16xf32> to vector<16xf32>
        %swap3A_408 = vector.shape_cast %get3A_403 : vector<16xf32> to vector<1x16xf32>
        tpu.vector_store %arg14[%swap3A_404, %swap3A_405], %swap3A_408 {strides = array<i32>} : memref<80x128xf32, #tpu.memory_space<vmem>>, vector<1x16xf32>,
        %scan3A_409 = arith.constant 0 : i32
        %scan3A_410 = arith.constant 6 : i32
        %scan3A_411 = arith.addi %scan3A_340, %scan3A_410 : i32
        %get3A_412 = arith.index_cast %scan3A_411 : i32 to index
        %get3A_413 = arith.constant 0 : index
        %get3A_414 = tpu.vector_load %arg12[%get3A_412, %get3A_413] {strides = array<i32>} : memref<80x16xf32, #tpu.memory_space<vmem>>, vector<1x16xf32>,
        %get3A_415 = vector.shape_cast %get3A_414 : vector<1x16xf32> to vector<16xf32>
        %swap3A_416 = arith.index_cast %scan3A_411 : i32 to index
        %swap3A_417 = arith.constant 0 : index
        %swap3A_418 = tpu.vector_load %arg14[%swap3A_416, %swap3A_417] {strides = array<i32>} : memref<80x128xf32, #tpu.memory_space<vmem>>, vector<1x16xf32>,
        %swap3A_419 = vector.shape_cast %swap3A_418 : vector<1x16xf32> to vector<16xf32>
        %swap3A_420 = vector.shape_cast %get3A_415 : vector<16xf32> to vector<1x16xf32>
        tpu.vector_store %arg14[%swap3A_416, %swap3A_417], %swap3A_420 {strides = array<i32>} : memref<80x128xf32, #tpu.memory_space<vmem>>, vector<1x16xf32>,
        %scan3A_421 = arith.constant 0 : i32
        %scan3A_422 = arith.constant 7 : i32
        %scan3A_423 = arith.addi %scan3A_340, %scan3A_422 : i32
        %get3A_424 = arith.index_cast %scan3A_423 : i32 to index
        %get3A_425 = arith.constant 0 : index
        %get3A_426 = tpu.vector_load %arg12[%get3A_424, %get3A_425] {strides = array<i32>} : memref<80x16xf32, #tpu.memory_space<vmem>>, vector<1x16xf32>,
        %get3A_427 = vector.shape_cast %get3A_426 : vector<1x16xf32> to vector<16xf32>
        %swap3A_428 = arith.index_cast %scan3A_423 : i32 to index
        %swap3A_429 = arith.constant 0 : index
        %swap3A_430 = tpu.vector_load %arg14[%swap3A_428, %swap3A_429] {strides = array<i32>} : memref<80x128xf32, #tpu.memory_space<vmem>>, vector<1x16xf32>,
        %swap3A_431 = vector.shape_cast %swap3A_430 : vector<1x16xf32> to vector<16xf32>
        %swap3A_432 = vector.shape_cast %get3A_427 : vector<16xf32> to vector<1x16xf32>
        tpu.vector_store %arg14[%swap3A_428, %swap3A_429], %swap3A_432 {strides = array<i32>} : memref<80x128xf32, #tpu.memory_space<vmem>>, vector<1x16xf32>,
        %scan3A_433 = arith.constant 0 : i32
        scf.yield %scan3A_433 : i32
      }
      %scan3A_280 = arith.constant 80 : i32
      %dma_start3A_281 = arith.constant 0 : i32
      %dma_start3A_282 = arith.constant 0 : i32
      %dma_start3A_283 = tpu.memref_slice %arg9[%dma_start3A_281, %dma_start3A_282] : memref<10240x128xf32, #tpu.memory_space<vmem_shared>> -> memref<10240x128xf32, #tpu.memory_space<vmem_shared>>
      tpu.enqueue_indirect_dma source(%arg14 : memref<80x128xf32, #tpu.memory_space<vmem>>) target(%dma_start3A_283 : memref<10240x128xf32, #tpu.memory_space<vmem_shared>>) offsets(%arg10 : memref<80xi32, #tpu.memory_space<vmem>>) semaphore(%arg18 : memref<!tpu.dma_semaphore, #tpu.memory_space<semaphore_mem>>) {add = true}
      %dma_wait3A_284 = arith.constant 0 : i32
      %dma_wait3A_285 = arith.constant 0 : i32
      %dma_wait3A_286 = tpu.memref_slice %arg9[%dma_wait3A_284, %dma_wait3A_285] : memref<10240x128xf32, #tpu.memory_space<vmem_shared>> -> memref<10240x128xf32, #tpu.memory_space<vmem_shared>>
      tpu.wait_indirect_dma semaphore(%arg18 : memref<!tpu.dma_semaphore, #tpu.memory_space<semaphore_mem>>) src(%arg14 : memref<80x128xf32, #tpu.memory_space<vmem>>) dst(%dma_wait3A_286 : memref<10240x128xf32, #tpu.memory_space<vmem_shared>>)
      %mul3A_287 = arith.constant 2 : i32
      %mul3A_288 = arith.muli %mul3A_287, %add3A_263 : i32
      %add3A_289 = arith.constant 2 : i32
      %add3A_290 = arith.addi %mul3A_288, %add3A_289 : i32
      %mul3A_291 = arith.constant 80 : i32
      %mul3A_292 = arith.muli %add3A_290, %mul3A_291 : i32
      %add3A_293 = arith.addi %mul3A_108, %mul3A_292 : i32
      %min3A_294 = arith.constant 319920 : i32
      %min3A_295 = arith.minsi %add3A_293, %min3A_294 : i32
      %dma_start3A_296 = arith.constant 0 : i32
      %dma_start3A_297 = tpu.memref_slice %arg5[%min3A_295, %dma_start3A_296] : memref<320000x16xf32, #tpu.memory_space<hbm>> -> memref<80x16xf32, #tpu.memory_space<hbm>>
      %dma_start3A_298 = arith.constant 0 : i32
      %dma_start3A_299 = tpu.memref_slice %arg5[%min3A_295, %dma_start3A_298] : memref<320000x16xf32, #tpu.memory_space<hbm>> -> memref<80x16xf32, #tpu.memory_space<hbm>>
      tpu.enqueue_dma source(%dma_start3A_299 : memref<80x16xf32, #tpu.memory_space<hbm>>) target(%arg12 : memref<80x16xf32, #tpu.memory_space<vmem>>) target_semaphore(%arg16 : memref<!tpu.dma_semaphore, #tpu.memory_space<semaphore_mem>>)
      %dma_start3A_300 = tpu.memref_slice %arg4[%min3A_295] : memref<320000xi32, #tpu.memory_space<hbm>> -> memref<80xi32, #tpu.memory_space<hbm>>
      %dma_start3A_301 = tpu.memref_slice %arg4[%min3A_295] : memref<320000xi32, #tpu.memory_space<hbm>> -> memref<80xi32, #tpu.memory_space<hbm>>
      tpu.enqueue_dma source(%dma_start3A_301 : memref<80xi32, #tpu.memory_space<hbm>>) target(%arg10 : memref<80xi32, #tpu.memory_space<vmem>>) target_semaphore(%arg16 : memref<!tpu.dma_semaphore, #tpu.memory_space<semaphore_mem>>)
      %dma_wait3A_302 = arith.constant 0 : i32
      %dma_wait3A_303 = arith.constant 0 : i32
      %dma_wait3A_304 = tpu.memref_slice %arg5[%dma_wait3A_302, %dma_wait3A_303] : memref<320000x16xf32, #tpu.memory_space<hbm>> -> memref<80x16xf32, #tpu.memory_space<hbm>>
      %dma_wait3A_305 = arith.constant 0 : i32
      %dma_wait3A_306 = arith.constant 0 : i32
      %dma_wait3A_307 = tpu.memref_slice %arg5[%dma_wait3A_305, %dma_wait3A_306] : memref<320000x16xf32, #tpu.memory_space<hbm>> -> memref<80x16xf32, #tpu.memory_space<hbm>>
      tpu.wait_dma2 semaphore(%arg17 : memref<!tpu.dma_semaphore, #tpu.memory_space<semaphore_mem>>) src(%dma_wait3A_307 : memref<80x16xf32, #tpu.memory_space<hbm>>) dst(%arg13 : memref<80x16xf32, #tpu.memory_space<vmem>>)
      %dma_wait3A_308 = arith.constant 0 : i32
      %dma_wait3A_309 = tpu.memref_slice %arg4[%dma_wait3A_308] : memref<320000xi32, #tpu.memory_space<hbm>> -> memref<80xi32, #tpu.memory_space<hbm>>
      %dma_wait3A_310 = arith.constant 0 : i32
      %dma_wait3A_311 = tpu.memref_slice %arg4[%dma_wait3A_310] : memref<320000xi32, #tpu.memory_space<hbm>> -> memref<80xi32, #tpu.memory_space<hbm>>
      tpu.wait_dma2 semaphore(%arg17 : memref<!tpu.dma_semaphore, #tpu.memory_space<semaphore_mem>>) src(%dma_wait3A_311 : memref<80xi32, #tpu.memory_space<hbm>>) dst(%arg11 : memref<80xi32, #tpu.memory_space<vmem>>)
      %scan3A_312 = arith.constant 0 : i32
      %scan3A_313 = arith.constant 0 : i32
      %scan3A_314 = arith.constant 80 : i32
      %scan3A_315 = arith.addi %scan3A_313, %scan3A_314 : i32
      %scan3A_316 = arith.constant 8 : i32
      %scan3A_317 = scf.for %scan3A_340 = %scan3A_313 to %scan3A_315 step %scan3A_316 iter_args(%scan3A_341 = %scan3A_312) -> (i32)  : i32 {
        %get3A = arith.index_cast %scan3A_340 : i32 to index
        %get3A_342 = arith.constant 0 : index
        %get3A_343 = tpu.vector_load %arg13[%get3A, %get3A_342] {strides = array<i32>} : memref<80x16xf32, #tpu.memory_space<vmem>>, vector<1x16xf32>,
        %get3A_344 = vector.shape_cast %get3A_343 : vector<1x16xf32> to vector<16xf32>
        %swap3A = arith.index_cast %scan3A_340 : i32 to index
        %swap3A_345 = arith.constant 0 : index
        %swap3A_346 = tpu.vector_load %arg15[%swap3A, %swap3A_345] {strides = array<i32>} : memref<80x128xf32, #tpu.memory_space<vmem>>, vector<1x16xf32>,
        %swap3A_347 = vector.shape_cast %swap3A_346 : vector<1x16xf32> to vector<16xf32>
        %swap3A_348 = vector.shape_cast %get3A_344 : vector<16xf32> to vector<1x16xf32>
        tpu.vector_store %arg15[%swap3A, %swap3A_345], %swap3A_348 {strides = array<i32>} : memref<80x128xf32, #tpu.memory_space<vmem>>, vector<1x16xf32>,
        %scan3A_349 = arith.constant 0 : i32
        %scan3A_350 = arith.constant 1 : i32
        %scan3A_351 = arith.addi %scan3A_340, %scan3A_350 : i32
        %get3A_352 = arith.index_cast %scan3A_351 : i32 to index
        %get3A_353 = arith.constant 0 : index
        %get3A_354 = tpu.vector_load %arg13[%get3A_352, %get3A_353] {strides = array<i32>} : memref<80x16xf32, #tpu.memory_space<vmem>>, vector<1x16xf32>,
        %get3A_355 = vector.shape_cast %get3A_354 : vector<1x16xf32> to vector<16xf32>
        %swap3A_356 = arith.index_cast %scan3A_351 : i32 to index
        %swap3A_357 = arith.constant 0 : index
        %swap3A_358 = tpu.vector_load %arg15[%swap3A_356, %swap3A_357] {strides = array<i32>} : memref<80x128xf32, #tpu.memory_space<vmem>>, vector<1x16xf32>,
        %swap3A_359 = vector.shape_cast %swap3A_358 : vector<1x16xf32> to vector<16xf32>
        %swap3A_360 = vector.shape_cast %get3A_355 : vector<16xf32> to vector<1x16xf32>
        tpu.vector_store %arg15[%swap3A_356, %swap3A_357], %swap3A_360 {strides = array<i32>} : memref<80x128xf32, #tpu.memory_space<vmem>>, vector<1x16xf32>,
        %scan3A_361 = arith.constant 0 : i32
        %scan3A_362 = arith.constant 2 : i32
        %scan3A_363 = arith.addi %scan3A_340, %scan3A_362 : i32
        %get3A_364 = arith.index_cast %scan3A_363 : i32 to index
        %get3A_365 = arith.constant 0 : index
        %get3A_366 = tpu.vector_load %arg13[%get3A_364, %get3A_365] {strides = array<i32>} : memref<80x16xf32, #tpu.memory_space<vmem>>, vector<1x16xf32>,
        %get3A_367 = vector.shape_cast %get3A_366 : vector<1x16xf32> to vector<16xf32>
        %swap3A_368 = arith.index_cast %scan3A_363 : i32 to index
        %swap3A_369 = arith.constant 0 : index
        %swap3A_370 = tpu.vector_load %arg15[%swap3A_368, %swap3A_369] {strides = array<i32>} : memref<80x128xf32, #tpu.memory_space<vmem>>, vector<1x16xf32>,
        %swap3A_371 = vector.shape_cast %swap3A_370 : vector<1x16xf32> to vector<16xf32>
        %swap3A_372 = vector.shape_cast %get3A_367 : vector<16xf32> to vector<1x16xf32>
        tpu.vector_store %arg15[%swap3A_368, %swap3A_369], %swap3A_372 {strides = array<i32>} : memref<80x128xf32, #tpu.memory_space<vmem>>, vector<1x16xf32>,
        %scan3A_373 = arith.constant 0 : i32
        %scan3A_374 = arith.constant 3 : i32
        %scan3A_375 = arith.addi %scan3A_340, %scan3A_374 : i32
        %get3A_376 = arith.index_cast %scan3A_375 : i32 to index
        %get3A_377 = arith.constant 0 : index
        %get3A_378 = tpu.vector_load %arg13[%get3A_376, %get3A_377] {strides = array<i32>} : memref<80x16xf32, #tpu.memory_space<vmem>>, vector<1x16xf32>,
        %get3A_379 = vector.shape_cast %get3A_378 : vector<1x16xf32> to vector<16xf32>
        %swap3A_380 = arith.index_cast %scan3A_375 : i32 to index
        %swap3A_381 = arith.constant 0 : index
        %swap3A_382 = tpu.vector_load %arg15[%swap3A_380, %swap3A_381] {strides = array<i32>} : memref<80x128xf32, #tpu.memory_space<vmem>>, vector<1x16xf32>,
        %swap3A_383 = vector.shape_cast %swap3A_382 : vector<1x16xf32> to vector<16xf32>
        %swap3A_384 = vector.shape_cast %get3A_379 : vector<16xf32> to vector<1x16xf32>
        tpu.vector_store %arg15[%swap3A_380, %swap3A_381], %swap3A_384 {strides = array<i32>} : memref<80x128xf32, #tpu.memory_space<vmem>>, vector<1x16xf32>,
        %scan3A_385 = arith.constant 0 : i32
        %scan3A_386 = arith.constant 4 : i32
        %scan3A_387 = arith.addi %scan3A_340, %scan3A_386 : i32
        %get3A_388 = arith.index_cast %scan3A_387 : i32 to index
        %get3A_389 = arith.constant 0 : index
        %get3A_390 = tpu.vector_load %arg13[%get3A_388, %get3A_389] {strides = array<i32>} : memref<80x16xf32, #tpu.memory_space<vmem>>, vector<1x16xf32>,
        %get3A_391 = vector.shape_cast %get3A_390 : vector<1x16xf32> to vector<16xf32>
        %swap3A_392 = arith.index_cast %scan3A_387 : i32 to index
        %swap3A_393 = arith.constant 0 : index
        %swap3A_394 = tpu.vector_load %arg15[%swap3A_392, %swap3A_393] {strides = array<i32>} : memref<80x128xf32, #tpu.memory_space<vmem>>, vector<1x16xf32>,
        %swap3A_395 = vector.shape_cast %swap3A_394 : vector<1x16xf32> to vector<16xf32>
        %swap3A_396 = vector.shape_cast %get3A_391 : vector<16xf32> to vector<1x16xf32>
        tpu.vector_store %arg15[%swap3A_392, %swap3A_393], %swap3A_396 {strides = array<i32>} : memref<80x128xf32, #tpu.memory_space<vmem>>, vector<1x16xf32>,
        %scan3A_397 = arith.constant 0 : i32
        %scan3A_398 = arith.constant 5 : i32
        %scan3A_399 = arith.addi %scan3A_340, %scan3A_398 : i32
        %get3A_400 = arith.index_cast %scan3A_399 : i32 to index
        %get3A_401 = arith.constant 0 : index
        %get3A_402 = tpu.vector_load %arg13[%get3A_400, %get3A_401] {strides = array<i32>} : memref<80x16xf32, #tpu.memory_space<vmem>>, vector<1x16xf32>,
        %get3A_403 = vector.shape_cast %get3A_402 : vector<1x16xf32> to vector<16xf32>
        %swap3A_404 = arith.index_cast %scan3A_399 : i32 to index
        %swap3A_405 = arith.constant 0 : index
        %swap3A_406 = tpu.vector_load %arg15[%swap3A_404, %swap3A_405] {strides = array<i32>} : memref<80x128xf32, #tpu.memory_space<vmem>>, vector<1x16xf32>,
        %swap3A_407 = vector.shape_cast %swap3A_406 : vector<1x16xf32> to vector<16xf32>
        %swap3A_408 = vector.shape_cast %get3A_403 : vector<16xf32> to vector<1x16xf32>
        tpu.vector_store %arg15[%swap3A_404, %swap3A_405], %swap3A_408 {strides = array<i32>} : memref<80x128xf32, #tpu.memory_space<vmem>>, vector<1x16xf32>,
        %scan3A_409 = arith.constant 0 : i32
        %scan3A_410 = arith.constant 6 : i32
        %scan3A_411 = arith.addi %scan3A_340, %scan3A_410 : i32
        %get3A_412 = arith.index_cast %scan3A_411 : i32 to index
        %get3A_413 = arith.constant 0 : index
        %get3A_414 = tpu.vector_load %arg13[%get3A_412, %get3A_413] {strides = array<i32>} : memref<80x16xf32, #tpu.memory_space<vmem>>, vector<1x16xf32>,
        %get3A_415 = vector.shape_cast %get3A_414 : vector<1x16xf32> to vector<16xf32>
        %swap3A_416 = arith.index_cast %scan3A_411 : i32 to index
        %swap3A_417 = arith.constant 0 : index
        %swap3A_418 = tpu.vector_load %arg15[%swap3A_416, %swap3A_417] {strides = array<i32>} : memref<80x128xf32, #tpu.memory_space<vmem>>, vector<1x16xf32>,
        %swap3A_419 = vector.shape_cast %swap3A_418 : vector<1x16xf32> to vector<16xf32>
        %swap3A_420 = vector.shape_cast %get3A_415 : vector<16xf32> to vector<1x16xf32>
        tpu.vector_store %arg15[%swap3A_416, %swap3A_417], %swap3A_420 {strides = array<i32>} : memref<80x128xf32, #tpu.memory_space<vmem>>, vector<1x16xf32>,
        %scan3A_421 = arith.constant 0 : i32
        %scan3A_422 = arith.constant 7 : i32
        %scan3A_423 = arith.addi %scan3A_340, %scan3A_422 : i32
        %get3A_424 = arith.index_cast %scan3A_423 : i32 to index
        %get3A_425 = arith.constant 0 : index
        %get3A_426 = tpu.vector_load %arg13[%get3A_424, %get3A_425] {strides = array<i32>} : memref<80x16xf32, #tpu.memory_space<vmem>>, vector<1x16xf32>,
        %get3A_427 = vector.shape_cast %get3A_426 : vector<1x16xf32> to vector<16xf32>
        %swap3A_428 = arith.index_cast %scan3A_423 : i32 to index
        %swap3A_429 = arith.constant 0 : index
        %swap3A_430 = tpu.vector_load %arg15[%swap3A_428, %swap3A_429] {strides = array<i32>} : memref<80x128xf32, #tpu.memory_space<vmem>>, vector<1x16xf32>,
        %swap3A_431 = vector.shape_cast %swap3A_430 : vector<1x16xf32> to vector<16xf32>
        %swap3A_432 = vector.shape_cast %get3A_427 : vector<16xf32> to vector<1x16xf32>
        tpu.vector_store %arg15[%swap3A_428, %swap3A_429], %swap3A_432 {strides = array<i32>} : memref<80x128xf32, #tpu.memory_space<vmem>>, vector<1x16xf32>,
        %scan3A_433 = arith.constant 0 : i32
        scf.yield %scan3A_433 : i32
      }
      %scan3A_318 = arith.constant 80 : i32
      %dma_start3A_319 = arith.constant 0 : i32
      %dma_start3A_320 = arith.constant 0 : i32
      %dma_start3A_321 = tpu.memref_slice %arg9[%dma_start3A_319, %dma_start3A_320] : memref<10240x128xf32, #tpu.memory_space<vmem_shared>> -> memref<10240x128xf32, #tpu.memory_space<vmem_shared>>
      tpu.enqueue_indirect_dma source(%arg15 : memref<80x128xf32, #tpu.memory_space<vmem>>) target(%dma_start3A_321 : memref<10240x128xf32, #tpu.memory_space<vmem_shared>>) offsets(%arg11 : memref<80xi32, #tpu.memory_space<vmem>>) semaphore(%arg18 : memref<!tpu.dma_semaphore, #tpu.memory_space<semaphore_mem>>) {add = true}
      %dma_wait3A_322 = arith.constant 0 : i32
      %dma_wait3A_323 = arith.constant 0 : i32
      %dma_wait3A_324 = tpu.memref_slice %arg9[%dma_wait3A_322, %dma_wait3A_323] : memref<10240x128xf32, #tpu.memory_space<vmem_shared>> -> memref<10240x128xf32, #tpu.memory_space<vmem_shared>>
      tpu.wait_indirect_dma semaphore(%arg18 : memref<!tpu.dma_semaphore, #tpu.memory_space<semaphore_mem>>) src(%arg15 : memref<80x128xf32, #tpu.memory_space<vmem>>) dst(%dma_wait3A_324 : memref<10240x128xf32, #tpu.memory_space<vmem_shared>>)
      %mul3A_325 = arith.constant 2 : i32
      %mul3A_326 = arith.muli %mul3A_325, %add3A_263 : i32
      %add3A_327 = arith.constant 3 : i32
      %add3A_328 = arith.addi %mul3A_326, %add3A_327 : i32
      %mul3A_329 = arith.constant 80 : i32
      %mul3A_330 = arith.muli %add3A_328, %mul3A_329 : i32
      %add3A_331 = arith.addi %mul3A_108, %mul3A_330 : i32
      %min3A_332 = arith.constant 319920 : i32
      %min3A_333 = arith.minsi %add3A_331, %min3A_332 : i32
      %dma_start3A_334 = arith.constant 0 : i32
      %dma_start3A_335 = tpu.memref_slice %arg5[%min3A_333, %dma_start3A_334] : memref<320000x16xf32, #tpu.memory_space<hbm>> -> memref<80x16xf32, #tpu.memory_space<hbm>>
      %dma_start3A_336 = arith.constant 0 : i32
      %dma_start3A_337 = tpu.memref_slice %arg5[%min3A_333, %dma_start3A_336] : memref<320000x16xf32, #tpu.memory_space<hbm>> -> memref<80x16xf32, #tpu.memory_space<hbm>>
      tpu.enqueue_dma source(%dma_start3A_337 : memref<80x16xf32, #tpu.memory_space<hbm>>) target(%arg13 : memref<80x16xf32, #tpu.memory_space<vmem>>) target_semaphore(%arg17 : memref<!tpu.dma_semaphore, #tpu.memory_space<semaphore_mem>>)
      %dma_start3A_338 = tpu.memref_slice %arg4[%min3A_333] : memref<320000xi32, #tpu.memory_space<hbm>> -> memref<80xi32, #tpu.memory_space<hbm>>
      %dma_start3A_339 = tpu.memref_slice %arg4[%min3A_333] : memref<320000xi32, #tpu.memory_space<hbm>> -> memref<80xi32, #tpu.memory_space<hbm>>
      tpu.enqueue_dma source(%dma_start3A_339 : memref<80xi32, #tpu.memory_space<hbm>>) target(%arg11 : memref<80xi32, #tpu.memory_space<vmem>>) target_semaphore(%arg17 : memref<!tpu.dma_semaphore, #tpu.memory_space<semaphore_mem>>)
    }
    %scan3A_133 = arith.constant 62 : i32
    %dma_wait3A_134 = arith.constant 0 : i32
    %dma_wait3A_135 = arith.constant 0 : i32
    %dma_wait3A_136 = tpu.memref_slice %arg5[%dma_wait3A_134, %dma_wait3A_135] : memref<320000x16xf32, #tpu.memory_space<hbm>> -> memref<80x16xf32, #tpu.memory_space<hbm>>
    %dma_wait3A_137 = arith.constant 0 : i32
    %dma_wait3A_138 = arith.constant 0 : i32
    %dma_wait3A_139 = tpu.memref_slice %arg5[%dma_wait3A_137, %dma_wait3A_138] : memref<320000x16xf32, #tpu.memory_space<hbm>> -> memref<80x16xf32, #tpu.memory_space<hbm>>
    tpu.wait_dma2 semaphore(%arg16 : memref<!tpu.dma_semaphore, #tpu.memory_space<semaphore_mem>>) src(%dma_wait3A_139 : memref<80x16xf32, #tpu.memory_space<hbm>>) dst(%arg12 : memref<80x16xf32, #tpu.memory_space<vmem>>)
    %dma_wait3A_140 = arith.constant 0 : i32
    %dma_wait3A_141 = tpu.memref_slice %arg4[%dma_wait3A_140] : memref<320000xi32, #tpu.memory_space<hbm>> -> memref<80xi32, #tpu.memory_space<hbm>>
    %dma_wait3A_142 = arith.constant 0 : i32
    %dma_wait3A_143 = tpu.memref_slice %arg4[%dma_wait3A_142] : memref<320000xi32, #tpu.memory_space<hbm>> -> memref<80xi32, #tpu.memory_space<hbm>>
    tpu.wait_dma2 semaphore(%arg16 : memref<!tpu.dma_semaphore, #tpu.memory_space<semaphore_mem>>) src(%dma_wait3A_143 : memref<80xi32, #tpu.memory_space<hbm>>) dst(%arg10 : memref<80xi32, #tpu.memory_space<vmem>>)
    %scan3A_144 = arith.constant 0 : i32
    %scan3A_145 = arith.constant 0 : i32
    %scan3A_146 = arith.constant 80 : i32
    %scan3A_147 = arith.addi %scan3A_145, %scan3A_146 : i32
    %scan3A_148 = arith.constant 8 : i32
    %scan3A_149 = scf.for %scan3A_259 = %scan3A_145 to %scan3A_147 step %scan3A_148 iter_args(%scan3A_260 = %scan3A_144) -> (i32)  : i32 {
      %get3A = arith.index_cast %scan3A_259 : i32 to index
      %get3A_261 = arith.constant 0 : index
      %get3A_262 = tpu.vector_load %arg12[%get3A, %get3A_261] {strides = array<i32>} : memref<80x16xf32, #tpu.memory_space<vmem>>, vector<1x16xf32>,
      %get3A_263 = vector.shape_cast %get3A_262 : vector<1x16xf32> to vector<16xf32>
      %swap3A = arith.index_cast %scan3A_259 : i32 to index
      %swap3A_264 = arith.constant 0 : index
      %swap3A_265 = tpu.vector_load %arg14[%swap3A, %swap3A_264] {strides = array<i32>} : memref<80x128xf32, #tpu.memory_space<vmem>>, vector<1x16xf32>,
      %swap3A_266 = vector.shape_cast %swap3A_265 : vector<1x16xf32> to vector<16xf32>
      %swap3A_267 = vector.shape_cast %get3A_263 : vector<16xf32> to vector<1x16xf32>
      tpu.vector_store %arg14[%swap3A, %swap3A_264], %swap3A_267 {strides = array<i32>} : memref<80x128xf32, #tpu.memory_space<vmem>>, vector<1x16xf32>,
      %scan3A_268 = arith.constant 0 : i32
      %scan3A_269 = arith.constant 1 : i32
      %scan3A_270 = arith.addi %scan3A_259, %scan3A_269 : i32
      %get3A_271 = arith.index_cast %scan3A_270 : i32 to index
      %get3A_272 = arith.constant 0 : index
      %get3A_273 = tpu.vector_load %arg12[%get3A_271, %get3A_272] {strides = array<i32>} : memref<80x16xf32, #tpu.memory_space<vmem>>, vector<1x16xf32>,
      %get3A_274 = vector.shape_cast %get3A_273 : vector<1x16xf32> to vector<16xf32>
      %swap3A_275 = arith.index_cast %scan3A_270 : i32 to index
      %swap3A_276 = arith.constant 0 : index
      %swap3A_277 = tpu.vector_load %arg14[%swap3A_275, %swap3A_276] {strides = array<i32>} : memref<80x128xf32, #tpu.memory_space<vmem>>, vector<1x16xf32>,
      %swap3A_278 = vector.shape_cast %swap3A_277 : vector<1x16xf32> to vector<16xf32>
      %swap3A_279 = vector.shape_cast %get3A_274 : vector<16xf32> to vector<1x16xf32>
      tpu.vector_store %arg14[%swap3A_275, %swap3A_276], %swap3A_279 {strides = array<i32>} : memref<80x128xf32, #tpu.memory_space<vmem>>, vector<1x16xf32>,
      %scan3A_280 = arith.constant 0 : i32
      %scan3A_281 = arith.constant 2 : i32
      %scan3A_282 = arith.addi %scan3A_259, %scan3A_281 : i32
      %get3A_283 = arith.index_cast %scan3A_282 : i32 to index
      %get3A_284 = arith.constant 0 : index
      %get3A_285 = tpu.vector_load %arg12[%get3A_283, %get3A_284] {strides = array<i32>} : memref<80x16xf32, #tpu.memory_space<vmem>>, vector<1x16xf32>,
      %get3A_286 = vector.shape_cast %get3A_285 : vector<1x16xf32> to vector<16xf32>
      %swap3A_287 = arith.index_cast %scan3A_282 : i32 to index
      %swap3A_288 = arith.constant 0 : index
      %swap3A_289 = tpu.vector_load %arg14[%swap3A_287, %swap3A_288] {strides = array<i32>} : memref<80x128xf32, #tpu.memory_space<vmem>>, vector<1x16xf32>,
      %swap3A_290 = vector.shape_cast %swap3A_289 : vector<1x16xf32> to vector<16xf32>
      %swap3A_291 = vector.shape_cast %get3A_286 : vector<16xf32> to vector<1x16xf32>
      tpu.vector_store %arg14[%swap3A_287, %swap3A_288], %swap3A_291 {strides = array<i32>} : memref<80x128xf32, #tpu.memory_space<vmem>>, vector<1x16xf32>,
      %scan3A_292 = arith.constant 0 : i32
      %scan3A_293 = arith.constant 3 : i32
      %scan3A_294 = arith.addi %scan3A_259, %scan3A_293 : i32
      %get3A_295 = arith.index_cast %scan3A_294 : i32 to index
      %get3A_296 = arith.constant 0 : index
      %get3A_297 = tpu.vector_load %arg12[%get3A_295, %get3A_296] {strides = array<i32>} : memref<80x16xf32, #tpu.memory_space<vmem>>, vector<1x16xf32>,
      %get3A_298 = vector.shape_cast %get3A_297 : vector<1x16xf32> to vector<16xf32>
      %swap3A_299 = arith.index_cast %scan3A_294 : i32 to index
      %swap3A_300 = arith.constant 0 : index
      %swap3A_301 = tpu.vector_load %arg14[%swap3A_299, %swap3A_300] {strides = array<i32>} : memref<80x128xf32, #tpu.memory_space<vmem>>, vector<1x16xf32>,
      %swap3A_302 = vector.shape_cast %swap3A_301 : vector<1x16xf32> to vector<16xf32>
      %swap3A_303 = vector.shape_cast %get3A_298 : vector<16xf32> to vector<1x16xf32>
      tpu.vector_store %arg14[%swap3A_299, %swap3A_300], %swap3A_303 {strides = array<i32>} : memref<80x128xf32, #tpu.memory_space<vmem>>, vector<1x16xf32>,
      %scan3A_304 = arith.constant 0 : i32
      %scan3A_305 = arith.constant 4 : i32
      %scan3A_306 = arith.addi %scan3A_259, %scan3A_305 : i32
      %get3A_307 = arith.index_cast %scan3A_306 : i32 to index
      %get3A_308 = arith.constant 0 : index
      %get3A_309 = tpu.vector_load %arg12[%get3A_307, %get3A_308] {strides = array<i32>} : memref<80x16xf32, #tpu.memory_space<vmem>>, vector<1x16xf32>,
      %get3A_310 = vector.shape_cast %get3A_309 : vector<1x16xf32> to vector<16xf32>
      %swap3A_311 = arith.index_cast %scan3A_306 : i32 to index
      %swap3A_312 = arith.constant 0 : index
      %swap3A_313 = tpu.vector_load %arg14[%swap3A_311, %swap3A_312] {strides = array<i32>} : memref<80x128xf32, #tpu.memory_space<vmem>>, vector<1x16xf32>,
      %swap3A_314 = vector.shape_cast %swap3A_313 : vector<1x16xf32> to vector<16xf32>
      %swap3A_315 = vector.shape_cast %get3A_310 : vector<16xf32> to vector<1x16xf32>
      tpu.vector_store %arg14[%swap3A_311, %swap3A_312], %swap3A_315 {strides = array<i32>} : memref<80x128xf32, #tpu.memory_space<vmem>>, vector<1x16xf32>,
      %scan3A_316 = arith.constant 0 : i32
      %scan3A_317 = arith.constant 5 : i32
      %scan3A_318 = arith.addi %scan3A_259, %scan3A_317 : i32
      %get3A_319 = arith.index_cast %scan3A_318 : i32 to index
      %get3A_320 = arith.constant 0 : index
      %get3A_321 = tpu.vector_load %arg12[%get3A_319, %get3A_320] {strides = array<i32>} : memref<80x16xf32, #tpu.memory_space<vmem>>, vector<1x16xf32>,
      %get3A_322 = vector.shape_cast %get3A_321 : vector<1x16xf32> to vector<16xf32>
      %swap3A_323 = arith.index_cast %scan3A_318 : i32 to index
      %swap3A_324 = arith.constant 0 : index
      %swap3A_325 = tpu.vector_load %arg14[%swap3A_323, %swap3A_324] {strides = array<i32>} : memref<80x128xf32, #tpu.memory_space<vmem>>, vector<1x16xf32>,
      %swap3A_326 = vector.shape_cast %swap3A_325 : vector<1x16xf32> to vector<16xf32>
      %swap3A_327 = vector.shape_cast %get3A_322 : vector<16xf32> to vector<1x16xf32>
      tpu.vector_store %arg14[%swap3A_323, %swap3A_324], %swap3A_327 {strides = array<i32>} : memref<80x128xf32, #tpu.memory_space<vmem>>, vector<1x16xf32>,
      %scan3A_328 = arith.constant 0 : i32
      %scan3A_329 = arith.constant 6 : i32
      %scan3A_330 = arith.addi %scan3A_259, %scan3A_329 : i32
      %get3A_331 = arith.index_cast %scan3A_330 : i32 to index
      %get3A_332 = arith.constant 0 : index
      %get3A_333 = tpu.vector_load %arg12[%get3A_331, %get3A_332] {strides = array<i32>} : memref<80x16xf32, #tpu.memory_space<vmem>>, vector<1x16xf32>,
      %get3A_334 = vector.shape_cast %get3A_333 : vector<1x16xf32> to vector<16xf32>
      %swap3A_335 = arith.index_cast %scan3A_330 : i32 to index
      %swap3A_336 = arith.constant 0 : index
      %swap3A_337 = tpu.vector_load %arg14[%swap3A_335, %swap3A_336] {strides = array<i32>} : memref<80x128xf32, #tpu.memory_space<vmem>>, vector<1x16xf32>,
      %swap3A_338 = vector.shape_cast %swap3A_337 : vector<1x16xf32> to vector<16xf32>
      %swap3A_339 = vector.shape_cast %get3A_334 : vector<16xf32> to vector<1x16xf32>
      tpu.vector_store %arg14[%swap3A_335, %swap3A_336], %swap3A_339 {strides = array<i32>} : memref<80x128xf32, #tpu.memory_space<vmem>>, vector<1x16xf32>,
      %scan3A_340 = arith.constant 0 : i32
      %scan3A_341 = arith.constant 7 : i32
      %scan3A_342 = arith.addi %scan3A_259, %scan3A_341 : i32
      %get3A_343 = arith.index_cast %scan3A_342 : i32 to index
      %get3A_344 = arith.constant 0 : index
      %get3A_345 = tpu.vector_load %arg12[%get3A_343, %get3A_344] {strides = array<i32>} : memref<80x16xf32, #tpu.memory_space<vmem>>, vector<1x16xf32>,
      %get3A_346 = vector.shape_cast %get3A_345 : vector<1x16xf32> to vector<16xf32>
      %swap3A_347 = arith.index_cast %scan3A_342 : i32 to index
      %swap3A_348 = arith.constant 0 : index
      %swap3A_349 = tpu.vector_load %arg14[%swap3A_347, %swap3A_348] {strides = array<i32>} : memref<80x128xf32, #tpu.memory_space<vmem>>, vector<1x16xf32>,
      %swap3A_350 = vector.shape_cast %swap3A_349 : vector<1x16xf32> to vector<16xf32>
      %swap3A_351 = vector.shape_cast %get3A_346 : vector<16xf32> to vector<1x16xf32>
      tpu.vector_store %arg14[%swap3A_347, %swap3A_348], %swap3A_351 {strides = array<i32>} : memref<80x128xf32, #tpu.memory_space<vmem>>, vector<1x16xf32>,
      %scan3A_352 = arith.constant 0 : i32
      scf.yield %scan3A_352 : i32
    }
    %scan3A_150 = arith.constant 80 : i32
    %dma_start3A_151 = arith.constant 0 : i32
    %dma_start3A_152 = arith.constant 0 : i32
    %dma_start3A_153 = tpu.memref_slice %arg9[%dma_start3A_151, %dma_start3A_152] : memref<10240x128xf32, #tpu.memory_space<vmem_shared>> -> memref<10240x128xf32, #tpu.memory_space<vmem_shared>>
    tpu.enqueue_indirect_dma source(%arg14 : memref<80x128xf32, #tpu.memory_space<vmem>>) target(%dma_start3A_153 : memref<10240x128xf32, #tpu.memory_space<vmem_shared>>) offsets(%arg10 : memref<80xi32, #tpu.memory_space<vmem>>) semaphore(%arg18 : memref<!tpu.dma_semaphore, #tpu.memory_space<semaphore_mem>>) {add = true}
    %dma_wait3A_154 = arith.constant 0 : i32
    %dma_wait3A_155 = arith.constant 0 : i32
    %dma_wait3A_156 = tpu.memref_slice %arg9[%dma_wait3A_154, %dma_wait3A_155] : memref<10240x128xf32, #tpu.memory_space<vmem_shared>> -> memref<10240x128xf32, #tpu.memory_space<vmem_shared>>
    tpu.wait_indirect_dma semaphore(%arg18 : memref<!tpu.dma_semaphore, #tpu.memory_space<semaphore_mem>>) src(%arg14 : memref<80x128xf32, #tpu.memory_space<vmem>>) dst(%dma_wait3A_156 : memref<10240x128xf32, #tpu.memory_space<vmem_shared>>)
    %dma_wait3A_157 = arith.constant 0 : i32
    %dma_wait3A_158 = arith.constant 0 : i32
    %dma_wait3A_159 = tpu.memref_slice %arg5[%dma_wait3A_157, %dma_wait3A_158] : memref<320000x16xf32, #tpu.memory_space<hbm>> -> memref<80x16xf32, #tpu.memory_space<hbm>>
    %dma_wait3A_160 = arith.constant 0 : i32
    %dma_wait3A_161 = arith.constant 0 : i32
    %dma_wait3A_162 = tpu.memref_slice %arg5[%dma_wait3A_160, %dma_wait3A_161] : memref<320000x16xf32, #tpu.memory_space<hbm>> -> memref<80x16xf32, #tpu.memory_space<hbm>>
    tpu.wait_dma2 semaphore(%arg17 : memref<!tpu.dma_semaphore, #tpu.memory_space<semaphore_mem>>) src(%dma_wait3A_162 : memref<80x16xf32, #tpu.memory_space<hbm>>) dst(%arg13 : memref<80x16xf32, #tpu.memory_space<vmem>>)
    %dma_wait3A_163 = arith.constant 0 : i32
    %dma_wait3A_164 = tpu.memref_slice %arg4[%dma_wait3A_163] : memref<320000xi32, #tpu.memory_space<hbm>> -> memref<80xi32, #tpu.memory_space<hbm>>
    %dma_wait3A_165 = arith.constant 0 : i32
    %dma_wait3A_166 = tpu.memref_slice %arg4[%dma_wait3A_165] : memref<320000xi32, #tpu.memory_space<hbm>> -> memref<80xi32, #tpu.memory_space<hbm>>
    tpu.wait_dma2 semaphore(%arg17 : memref<!tpu.dma_semaphore, #tpu.memory_space<semaphore_mem>>) src(%dma_wait3A_166 : memref<80xi32, #tpu.memory_space<hbm>>) dst(%arg11 : memref<80xi32, #tpu.memory_space<vmem>>)
    %barrier3A_167 = arith.constant 0 : index
    tpu.barrier barrier_id(%barrier3A_167)
    %scan3A_168 = arith.constant 0 : i32
    %scan3A_169 = arith.constant 4 : i32
    %scan3A_170 = arith.addi %scan3A_168, %scan3A_169 : i32
    %scan3A_171 = arith.constant 1 : i32
    scf.for %scan3A_259 = %scan3A_168 to %scan3A_170 step %scan3A_171  : i32 {
      %mul3A_260 = arith.constant 1 : i32
      %mul3A_261 = arith.muli %scan3A_259, %mul3A_260 : i32
      %add3A_262 = arith.constant 0 : i32
      %add3A_263 = arith.addi %add3A_262, %mul3A_261 : i32
      %mul3A_264 = arith.constant 2 : i32
      %mul3A_265 = arith.muli %mul3A_264, %add3A_263 : i32
      %mul3A_266 = arith.constant 80 : i32
      %mul3A_267 = arith.muli %mul3A_265, %mul3A_266 : i32
      %add3A_268 = arith.addi %mul3A_3, %mul3A_267 : i32
      %mul3A_269 = arith.constant 2 : i32
      %mul3A_270 = arith.muli %mul3A_269, %add3A_263 : i32
      %add3A_271 = arith.constant 1 : i32
      %add3A_272 = arith.addi %mul3A_270, %add3A_271 : i32
      %mul3A_273 = arith.constant 80 : i32
      %mul3A_274 = arith.muli %add3A_272, %mul3A_273 : i32
      %add3A_275 = arith.addi %mul3A_3, %mul3A_274 : i32
      %mul3A_276 = arith.constant 2 : i32
      %mul3A_277 = arith.muli %mul3A_276, %add3A_263 : i32
      %mul3A_278 = arith.constant 80 : i32
      %mul3A_279 = arith.muli %mul3A_277, %mul3A_278 : i32
      %add3A_280 = arith.addi %add3A_8, %mul3A_279 : i32
      %mul3A_281 = arith.constant 2 : i32
      %mul3A_282 = arith.muli %mul3A_281, %add3A_263 : i32
      %add3A_283 = arith.constant 1 : i32
      %add3A_284 = arith.addi %mul3A_282, %add3A_283 : i32
      %mul3A_285 = arith.constant 80 : i32
      %mul3A_286 = arith.muli %add3A_284, %mul3A_285 : i32
      %add3A_287 = arith.addi %add3A_8, %mul3A_286 : i32
      %dma_start3A_288 = arith.constant 0 : i32
      %dma_start3A_289 = tpu.memref_slice %arg9[%add3A_268, %dma_start3A_288] : memref<10240x128xf32, #tpu.memory_space<vmem_shared>> -> memref<80x128xf32, #tpu.memory_space<vmem_shared>>
      %dma_start3A_290 = arith.constant 0 : i32
      %dma_start3A_291 = tpu.memref_slice %arg9[%add3A_268, %dma_start3A_290] : memref<10240x128xf32, #tpu.memory_space<vmem_shared>> -> memref<80x128xf32, #tpu.memory_space<vmem_shared>>
      tpu.enqueue_dma source(%dma_start3A_291 : memref<80x128xf32, #tpu.memory_space<vmem_shared>>) target(%arg14 : memref<80x128xf32, #tpu.memory_space<vmem>>) target_semaphore(%arg16 : memref<!tpu.dma_semaphore, #tpu.memory_space<semaphore_mem>>)
      %dma_start3A_292 = arith.constant 0 : i32
      %dma_start3A_293 = tpu.memref_slice %arg9[%add3A_275, %dma_start3A_292] : memref<10240x128xf32, #tpu.memory_space<vmem_shared>> -> memref<80x128xf32, #tpu.memory_space<vmem_shared>>
      %dma_start3A_294 = arith.constant 0 : i32
      %dma_start3A_295 = tpu.memref_slice %arg9[%add3A_275, %dma_start3A_294] : memref<10240x128xf32, #tpu.memory_space<vmem_shared>> -> memref<80x128xf32, #tpu.memory_space<vmem_shared>>
      tpu.enqueue_dma source(%dma_start3A_295 : memref<80x128xf32, #tpu.memory_space<vmem_shared>>) target(%arg15 : memref<80x128xf32, #tpu.memory_space<vmem>>) target_semaphore(%arg17 : memref<!tpu.dma_semaphore, #tpu.memory_space<semaphore_mem>>)
      %dma_wait3A_296 = arith.constant 0 : i32
      %dma_wait3A_297 = tpu.memref_slice %arg9[%add3A_268, %dma_wait3A_296] : memref<10240x128xf32, #tpu.memory_space<vmem_shared>> -> memref<80x128xf32, #tpu.memory_space<vmem_shared>>
      %dma_wait3A_298 = arith.constant 0 : i32
      %dma_wait3A_299 = tpu.memref_slice %arg9[%add3A_268, %dma_wait3A_298] : memref<10240x128xf32, #tpu.memory_space<vmem_shared>> -> memref<80x128xf32, #tpu.memory_space<vmem_shared>>
      tpu.wait_dma2 semaphore(%arg16 : memref<!tpu.dma_semaphore, #tpu.memory_space<semaphore_mem>>) src(%dma_wait3A_299 : memref<80x128xf32, #tpu.memory_space<vmem_shared>>) dst(%arg14 : memref<80x128xf32, #tpu.memory_space<vmem>>)
      %dma_start3A_300 = arith.constant 1 : i32
      %dma_start3A_301 = arith.constant 0 : i32
      %dma_start3A_302 = tpu.memref_slice %arg8[%dma_start3A_300, %add3A_280, %dma_start3A_301] : memref<3x20480x128xf32, #tpu.memory_space<hbm>> -> memref<1x80x128xf32, #tpu.memory_space<hbm>>
      %dma_start3A_303 = tpu.memref_squeeze %dma_start3A_302 : memref<1x80x128xf32, #tpu.memory_space<hbm>> -> memref<80x128xf32, #tpu.memory_space<hbm>>
      %dma_start3A_304 = arith.constant 0 : i32
      %dma_start3A_305 = tpu.memref_slice %arg8[%dma_start3A_300, %add3A_280, %dma_start3A_304] : memref<3x20480x128xf32, #tpu.memory_space<hbm>> -> memref<1x80x128xf32, #tpu.memory_space<hbm>>
      %dma_start3A_306 = tpu.memref_squeeze %dma_start3A_305 : memref<1x80x128xf32, #tpu.memory_space<hbm>> -> memref<80x128xf32, #tpu.memory_space<hbm>>
      tpu.enqueue_dma source(%arg14 : memref<80x128xf32, #tpu.memory_space<vmem>>) target(%dma_start3A_306 : memref<80x128xf32, #tpu.memory_space<hbm>>) target_semaphore(%arg18 : memref<!tpu.dma_semaphore, #tpu.memory_space<semaphore_mem>>)
      %dma_wait3A_307 = arith.constant 0 : i32
      %dma_wait3A_308 = tpu.memref_slice %arg9[%add3A_275, %dma_wait3A_307] : memref<10240x128xf32, #tpu.memory_space<vmem_shared>> -> memref<80x128xf32, #tpu.memory_space<vmem_shared>>
      %dma_wait3A_309 = arith.constant 0 : i32
      %dma_wait3A_310 = tpu.memref_slice %arg9[%add3A_275, %dma_wait3A_309] : memref<10240x128xf32, #tpu.memory_space<vmem_shared>> -> memref<80x128xf32, #tpu.memory_space<vmem_shared>>
      tpu.wait_dma2 semaphore(%arg17 : memref<!tpu.dma_semaphore, #tpu.memory_space<semaphore_mem>>) src(%dma_wait3A_310 : memref<80x128xf32, #tpu.memory_space<vmem_shared>>) dst(%arg15 : memref<80x128xf32, #tpu.memory_space<vmem>>)
      %dma_start3A_311 = arith.constant 1 : i32
      %dma_start3A_312 = arith.constant 0 : i32
      %dma_start3A_313 = tpu.memref_slice %arg8[%dma_start3A_311, %add3A_287, %dma_start3A_312] : memref<3x20480x128xf32, #tpu.memory_space<hbm>> -> memref<1x80x128xf32, #tpu.memory_space<hbm>>
      %dma_start3A_314 = tpu.memref_squeeze %dma_start3A_313 : memref<1x80x128xf32, #tpu.memory_space<hbm>> -> memref<80x128xf32, #tpu.memory_space<hbm>>
      %dma_start3A_315 = arith.constant 0 : i32
      %dma_start3A_316 = tpu.memref_slice %arg8[%dma_start3A_311, %add3A_287, %dma_start3A_315] : memref<3x20480x128xf32, #tpu.memory_space<hbm>> -> memref<1x80x128xf32, #tpu.memory_space<hbm>>
      %dma_start3A_317 = tpu.memref_squeeze %dma_start3A_316 : memref<1x80x128xf32, #tpu.memory_space<hbm>> -> memref<80x128xf32, #tpu.memory_space<hbm>>
      tpu.enqueue_dma source(%arg15 : memref<80x128xf32, #tpu.memory_space<vmem>>) target(%dma_start3A_317 : memref<80x128xf32, #tpu.memory_space<hbm>>) target_semaphore(%arg18 : memref<!tpu.dma_semaphore, #tpu.memory_space<semaphore_mem>>)
      %dma_wait3A_318 = arith.constant 1 : i32
      %dma_wait3A_319 = arith.constant 0 : i32
      %dma_wait3A_320 = tpu.memref_slice %arg8[%dma_wait3A_318, %add3A_280, %dma_wait3A_319] : memref<3x20480x128xf32, #tpu.memory_space<hbm>> -> memref<1x80x128xf32, #tpu.memory_space<hbm>>
      %dma_wait3A_321 = tpu.memref_squeeze %dma_wait3A_320 : memref<1x80x128xf32, #tpu.memory_space<hbm>> -> memref<80x128xf32, #tpu.memory_space<hbm>>
      %dma_wait3A_322 = arith.constant 0 : i32
      %dma_wait3A_323 = tpu.memref_slice %arg8[%dma_wait3A_318, %add3A_280, %dma_wait3A_322] : memref<3x20480x128xf32, #tpu.memory_space<hbm>> -> memref<1x80x128xf32, #tpu.memory_space<hbm>>
      %dma_wait3A_324 = tpu.memref_squeeze %dma_wait3A_323 : memref<1x80x128xf32, #tpu.memory_space<hbm>> -> memref<80x128xf32, #tpu.memory_space<hbm>>
      tpu.wait_dma2 semaphore(%arg18 : memref<!tpu.dma_semaphore, #tpu.memory_space<semaphore_mem>>) src(%arg14 : memref<80x128xf32, #tpu.memory_space<vmem>>) dst(%dma_wait3A_324 : memref<80x128xf32, #tpu.memory_space<hbm>>)
      %dma_wait3A_325 = arith.constant 1 : i32
      %dma_wait3A_326 = arith.constant 0 : i32
      %dma_wait3A_327 = tpu.memref_slice %arg8[%dma_wait3A_325, %add3A_287, %dma_wait3A_326] : memref<3x20480x128xf32, #tpu.memory_space<hbm>> -> memref<1x80x128xf32, #tpu.memory_space<hbm>>
      %dma_wait3A_328 = tpu.memref_squeeze %dma_wait3A_327 : memref<1x80x128xf32, #tpu.memory_space<hbm>> -> memref<80x128xf32, #tpu.memory_space<hbm>>
      %dma_wait3A_329 = arith.constant 0 : i32
      %dma_wait3A_330 = tpu.memref_slice %arg8[%dma_wait3A_325, %add3A_287, %dma_wait3A_329] : memref<3x20480x128xf32, #tpu.memory_space<hbm>> -> memref<1x80x128xf32, #tpu.memory_space<hbm>>
      %dma_wait3A_331 = tpu.memref_squeeze %dma_wait3A_330 : memref<1x80x128xf32, #tpu.memory_space<hbm>> -> memref<80x128xf32, #tpu.memory_space<hbm>>
      tpu.wait_dma2 semaphore(%arg18 : memref<!tpu.dma_semaphore, #tpu.memory_space<semaphore_mem>>) src(%arg15 : memref<80x128xf32, #tpu.memory_space<vmem>>) dst(%dma_wait3A_331 : memref<80x128xf32, #tpu.memory_space<hbm>>)
    }
    %scan3A_172 = arith.constant 4 : i32
    %barrier3A_173 = arith.constant 0 : index
    tpu.barrier barrier_id(%barrier3A_173)
    %scan3A_174 = arith.constant 0 : i32
    %scan3A_175 = arith.constant 0 : i32
    %scan3A_176 = arith.constant 80 : i32
    %scan3A_177 = arith.addi %scan3A_175, %scan3A_176 : i32
    %scan3A_178 = arith.constant 1 : i32
    %scan3A_179 = scf.for %scan3A_259 = %scan3A_175 to %scan3A_177 step %scan3A_178 iter_args(%scan3A_260 = %scan3A_174) -> (i32)  : i32 {
      %swap3A = arith.index_cast %scan3A_259 : i32 to index
      %swap3A_261 = arith.constant 0 : index
      %swap3A_262 = tpu.vector_load %arg14[%swap3A, %swap3A_261] {strides = array<i32>} : memref<80x128xf32, #tpu.memory_space<vmem>>, vector<1x16xf32>,
      %swap3A_263 = vector.shape_cast %swap3A_262 : vector<1x16xf32> to vector<16xf32>
      %swap3A_264 = vector.shape_cast %broadcast_in_dim3A_1 : vector<16xf32> to vector<1x16xf32>
      tpu.vector_store %arg14[%swap3A, %swap3A_261], %swap3A_264 {strides = array<i32>} : memref<80x128xf32, #tpu.memory_space<vmem>>, vector<1x16xf32>,
      %swap3A_265 = arith.index_cast %scan3A_259 : i32 to index
      %swap3A_266 = arith.constant 0 : index
      %swap3A_267 = tpu.vector_load %arg15[%swap3A_265, %swap3A_266] {strides = array<i32>} : memref<80x128xf32, #tpu.memory_space<vmem>>, vector<1x16xf32>,
      %swap3A_268 = vector.shape_cast %swap3A_267 : vector<1x16xf32> to vector<16xf32>
      %swap3A_269 = vector.shape_cast %broadcast_in_dim3A_1 : vector<16xf32> to vector<1x16xf32>
      tpu.vector_store %arg15[%swap3A_265, %swap3A_266], %swap3A_269 {strides = array<i32>} : memref<80x128xf32, #tpu.memory_space<vmem>>, vector<1x16xf32>,
      %swap3A_270 = arith.index_cast %scan3A_259 : i32 to index
      %swap3A_271 = arith.constant 16 : index
      %swap3A_272 = tpu.vector_load %arg14[%swap3A_270, %swap3A_271] {strides = array<i32>} : memref<80x128xf32, #tpu.memory_space<vmem>>, vector<1x16xf32>,
      %swap3A_273 = vector.shape_cast %swap3A_272 : vector<1x16xf32> to vector<16xf32>
      %swap3A_274 = vector.shape_cast %broadcast_in_dim3A_1 : vector<16xf32> to vector<1x16xf32>
      tpu.vector_store %arg14[%swap3A_270, %swap3A_271], %swap3A_274 {strides = array<i32>} : memref<80x128xf32, #tpu.memory_space<vmem>>, vector<1x16xf32>,
      %swap3A_275 = arith.index_cast %scan3A_259 : i32 to index
      %swap3A_276 = arith.constant 16 : index
      %swap3A_277 = tpu.vector_load %arg15[%swap3A_275, %swap3A_276] {strides = array<i32>} : memref<80x128xf32, #tpu.memory_space<vmem>>, vector<1x16xf32>,
      %swap3A_278 = vector.shape_cast %swap3A_277 : vector<1x16xf32> to vector<16xf32>
      %swap3A_279 = vector.shape_cast %broadcast_in_dim3A_1 : vector<16xf32> to vector<1x16xf32>
      tpu.vector_store %arg15[%swap3A_275, %swap3A_276], %swap3A_279 {strides = array<i32>} : memref<80x128xf32, #tpu.memory_space<vmem>>, vector<1x16xf32>,
      %swap3A_280 = arith.index_cast %scan3A_259 : i32 to index
      %swap3A_281 = arith.constant 32 : index
      %swap3A_282 = tpu.vector_load %arg14[%swap3A_280, %swap3A_281] {strides = array<i32>} : memref<80x128xf32, #tpu.memory_space<vmem>>, vector<1x16xf32>,
      %swap3A_283 = vector.shape_cast %swap3A_282 : vector<1x16xf32> to vector<16xf32>
      %swap3A_284 = vector.shape_cast %broadcast_in_dim3A_1 : vector<16xf32> to vector<1x16xf32>
      tpu.vector_store %arg14[%swap3A_280, %swap3A_281], %swap3A_284 {strides = array<i32>} : memref<80x128xf32, #tpu.memory_space<vmem>>, vector<1x16xf32>,
      %swap3A_285 = arith.index_cast %scan3A_259 : i32 to index
      %swap3A_286 = arith.constant 32 : index
      %swap3A_287 = tpu.vector_load %arg15[%swap3A_285, %swap3A_286] {strides = array<i32>} : memref<80x128xf32, #tpu.memory_space<vmem>>, vector<1x16xf32>,
      %swap3A_288 = vector.shape_cast %swap3A_287 : vector<1x16xf32> to vector<16xf32>
      %swap3A_289 = vector.shape_cast %broadcast_in_dim3A_1 : vector<16xf32> to vector<1x16xf32>
      tpu.vector_store %arg15[%swap3A_285, %swap3A_286], %swap3A_289 {strides = array<i32>} : memref<80x128xf32, #tpu.memory_space<vmem>>, vector<1x16xf32>,
      %swap3A_290 = arith.index_cast %scan3A_259 : i32 to index
      %swap3A_291 = arith.constant 48 : index
      %swap3A_292 = tpu.vector_load %arg14[%swap3A_290, %swap3A_291] {strides = array<i32>} : memref<80x128xf32, #tpu.memory_space<vmem>>, vector<1x16xf32>,
      %swap3A_293 = vector.shape_cast %swap3A_292 : vector<1x16xf32> to vector<16xf32>
      %swap3A_294 = vector.shape_cast %broadcast_in_dim3A_1 : vector<16xf32> to vector<1x16xf32>
      tpu.vector_store %arg14[%swap3A_290, %swap3A_291], %swap3A_294 {strides = array<i32>} : memref<80x128xf32, #tpu.memory_space<vmem>>, vector<1x16xf32>,
      %swap3A_295 = arith.index_cast %scan3A_259 : i32 to index
      %swap3A_296 = arith.constant 48 : index
      %swap3A_297 = tpu.vector_load %arg15[%swap3A_295, %swap3A_296] {strides = array<i32>} : memref<80x128xf32, #tpu.memory_space<vmem>>, vector<1x16xf32>,
      %swap3A_298 = vector.shape_cast %swap3A_297 : vector<1x16xf32> to vector<16xf32>
      %swap3A_299 = vector.shape_cast %broadcast_in_dim3A_1 : vector<16xf32> to vector<1x16xf32>
      tpu.vector_store %arg15[%swap3A_295, %swap3A_296], %swap3A_299 {strides = array<i32>} : memref<80x128xf32, #tpu.memory_space<vmem>>, vector<1x16xf32>,
      %swap3A_300 = arith.index_cast %scan3A_259 : i32 to index
      %swap3A_301 = arith.constant 64 : index
      %swap3A_302 = tpu.vector_load %arg14[%swap3A_300, %swap3A_301] {strides = array<i32>} : memref<80x128xf32, #tpu.memory_space<vmem>>, vector<1x16xf32>,
      %swap3A_303 = vector.shape_cast %swap3A_302 : vector<1x16xf32> to vector<16xf32>
      %swap3A_304 = vector.shape_cast %broadcast_in_dim3A_1 : vector<16xf32> to vector<1x16xf32>
      tpu.vector_store %arg14[%swap3A_300, %swap3A_301], %swap3A_304 {strides = array<i32>} : memref<80x128xf32, #tpu.memory_space<vmem>>, vector<1x16xf32>,
      %swap3A_305 = arith.index_cast %scan3A_259 : i32 to index
      %swap3A_306 = arith.constant 64 : index
      %swap3A_307 = tpu.vector_load %arg15[%swap3A_305, %swap3A_306] {strides = array<i32>} : memref<80x128xf32, #tpu.memory_space<vmem>>, vector<1x16xf32>,
      %swap3A_308 = vector.shape_cast %swap3A_307 : vector<1x16xf32> to vector<16xf32>
      %swap3A_309 = vector.shape_cast %broadcast_in_dim3A_1 : vector<16xf32> to vector<1x16xf32>
      tpu.vector_store %arg15[%swap3A_305, %swap3A_306], %swap3A_309 {strides = array<i32>} : memref<80x128xf32, #tpu.memory_space<vmem>>, vector<1x16xf32>,
      %swap3A_310 = arith.index_cast %scan3A_259 : i32 to index
      %swap3A_311 = arith.constant 80 : index
      %swap3A_312 = tpu.vector_load %arg14[%swap3A_310, %swap3A_311] {strides = array<i32>} : memref<80x128xf32, #tpu.memory_space<vmem>>, vector<1x16xf32>,
      %swap3A_313 = vector.shape_cast %swap3A_312 : vector<1x16xf32> to vector<16xf32>
      %swap3A_314 = vector.shape_cast %broadcast_in_dim3A_1 : vector<16xf32> to vector<1x16xf32>
      tpu.vector_store %arg14[%swap3A_310, %swap3A_311], %swap3A_314 {strides = array<i32>} : memref<80x128xf32, #tpu.memory_space<vmem>>, vector<1x16xf32>,
      %swap3A_315 = arith.index_cast %scan3A_259 : i32 to index
      %swap3A_316 = arith.constant 80 : index
      %swap3A_317 = tpu.vector_load %arg15[%swap3A_315, %swap3A_316] {strides = array<i32>} : memref<80x128xf32, #tpu.memory_space<vmem>>, vector<1x16xf32>,
      %swap3A_318 = vector.shape_cast %swap3A_317 : vector<1x16xf32> to vector<16xf32>
      %swap3A_319 = vector.shape_cast %broadcast_in_dim3A_1 : vector<16xf32> to vector<1x16xf32>
      tpu.vector_store %arg15[%swap3A_315, %swap3A_316], %swap3A_319 {strides = array<i32>} : memref<80x128xf32, #tpu.memory_space<vmem>>, vector<1x16xf32>,
      %swap3A_320 = arith.index_cast %scan3A_259 : i32 to index
      %swap3A_321 = arith.constant 96 : index
      %swap3A_322 = tpu.vector_load %arg14[%swap3A_320, %swap3A_321] {strides = array<i32>} : memref<80x128xf32, #tpu.memory_space<vmem>>, vector<1x16xf32>,
      %swap3A_323 = vector.shape_cast %swap3A_322 : vector<1x16xf32> to vector<16xf32>
      %swap3A_324 = vector.shape_cast %broadcast_in_dim3A_1 : vector<16xf32> to vector<1x16xf32>
      tpu.vector_store %arg14[%swap3A_320, %swap3A_321], %swap3A_324 {strides = array<i32>} : memref<80x128xf32, #tpu.memory_space<vmem>>, vector<1x16xf32>,
      %swap3A_325 = arith.index_cast %scan3A_259 : i32 to index
      %swap3A_326 = arith.constant 96 : index
      %swap3A_327 = tpu.vector_load %arg15[%swap3A_325, %swap3A_326] {strides = array<i32>} : memref<80x128xf32, #tpu.memory_space<vmem>>, vector<1x16xf32>,
      %swap3A_328 = vector.shape_cast %swap3A_327 : vector<1x16xf32> to vector<16xf32>
      %swap3A_329 = vector.shape_cast %broadcast_in_dim3A_1 : vector<16xf32> to vector<1x16xf32>
      tpu.vector_store %arg15[%swap3A_325, %swap3A_326], %swap3A_329 {strides = array<i32>} : memref<80x128xf32, #tpu.memory_space<vmem>>, vector<1x16xf32>,
      %swap3A_330 = arith.index_cast %scan3A_259 : i32 to index
      %swap3A_331 = arith.constant 112 : index
      %swap3A_332 = tpu.vector_load %arg14[%swap3A_330, %swap3A_331] {strides = array<i32>} : memref<80x128xf32, #tpu.memory_space<vmem>>, vector<1x16xf32>,
      %swap3A_333 = vector.shape_cast %swap3A_332 : vector<1x16xf32> to vector<16xf32>
      %swap3A_334 = vector.shape_cast %broadcast_in_dim3A_1 : vector<16xf32> to vector<1x16xf32>
      tpu.vector_store %arg14[%swap3A_330, %swap3A_331], %swap3A_334 {strides = array<i32>} : memref<80x128xf32, #tpu.memory_space<vmem>>, vector<1x16xf32>,
      %swap3A_335 = arith.index_cast %scan3A_259 : i32 to index
      %swap3A_336 = arith.constant 112 : index
      %swap3A_337 = tpu.vector_load %arg15[%swap3A_335, %swap3A_336] {strides = array<i32>} : memref<80x128xf32, #tpu.memory_space<vmem>>, vector<1x16xf32>,
      %swap3A_338 = vector.shape_cast %swap3A_337 : vector<1x16xf32> to vector<16xf32>
      %swap3A_339 = vector.shape_cast %broadcast_in_dim3A_1 : vector<16xf32> to vector<1x16xf32>
      tpu.vector_store %arg15[%swap3A_335, %swap3A_336], %swap3A_339 {strides = array<i32>} : memref<80x128xf32, #tpu.memory_space<vmem>>, vector<1x16xf32>,
      %scan3A_340 = arith.constant 0 : i32
      scf.yield %scan3A_340 : i32
    }
    %scan3A_180 = arith.constant 80 : i32
    %scan3A_181 = arith.constant 0 : i32
    %scan3A_182 = arith.constant 8 : i32
    %scan3A_183 = arith.addi %scan3A_181, %scan3A_182 : i32
    %scan3A_184 = arith.constant 1 : i32
    scf.for %scan3A_259 = %scan3A_181 to %scan3A_183 step %scan3A_184  : i32 {
      %mul3A_260 = arith.constant 1 : i32
      %mul3A_261 = arith.muli %scan3A_259, %mul3A_260 : i32
      %add3A_262 = arith.constant 0 : i32
      %add3A_263 = arith.addi %add3A_262, %mul3A_261 : i32
      %mul3A_264 = arith.constant 80 : i32
      %mul3A_265 = arith.muli %add3A_263, %mul3A_264 : i32
      %add3A_266 = arith.addi %mul3A_3, %mul3A_265 : i32
      %dma_start3A_267 = arith.constant 0 : i32
      %dma_start3A_268 = tpu.memref_slice %arg9[%add3A_266, %dma_start3A_267] : memref<10240x128xf32, #tpu.memory_space<vmem_shared>> -> memref<80x128xf32, #tpu.memory_space<vmem_shared>>
      %dma_start3A_269 = arith.constant 0 : i32
      %dma_start3A_270 = tpu.memref_slice %arg9[%add3A_266, %dma_start3A_269] : memref<10240x128xf32, #tpu.memory_space<vmem_shared>> -> memref<80x128xf32, #tpu.memory_space<vmem_shared>>
      tpu.enqueue_dma source(%arg14 : memref<80x128xf32, #tpu.memory_space<vmem>>) target(%dma_start3A_270 : memref<80x128xf32, #tpu.memory_space<vmem_shared>>) target_semaphore(%arg18 : memref<!tpu.dma_semaphore, #tpu.memory_space<semaphore_mem>>)
    }
    %scan3A_185 = arith.constant 8 : i32
    %scan3A_186 = arith.constant 0 : i32
    %scan3A_187 = arith.constant 8 : i32
    %scan3A_188 = arith.addi %scan3A_186, %scan3A_187 : i32
    %scan3A_189 = arith.constant 1 : i32
    scf.for %scan3A_259 = %scan3A_186 to %scan3A_188 step %scan3A_189  : i32 {
      %mul3A_260 = arith.constant 1 : i32
      %mul3A_261 = arith.muli %scan3A_259, %mul3A_260 : i32
      %add3A_262 = arith.constant 0 : i32
      %add3A_263 = arith.addi %add3A_262, %mul3A_261 : i32
      %dma_wait3A_264 = arith.constant 0 : i32
      %dma_wait3A_265 = tpu.memref_slice %arg9[%mul3A_3, %dma_wait3A_264] : memref<10240x128xf32, #tpu.memory_space<vmem_shared>> -> memref<80x128xf32, #tpu.memory_space<vmem_shared>>
      %dma_wait3A_266 = arith.constant 0 : i32
      %dma_wait3A_267 = tpu.memref_slice %arg9[%mul3A_3, %dma_wait3A_266] : memref<10240x128xf32, #tpu.memory_space<vmem_shared>> -> memref<80x128xf32, #tpu.memory_space<vmem_shared>>
      tpu.wait_dma2 semaphore(%arg18 : memref<!tpu.dma_semaphore, #tpu.memory_space<semaphore_mem>>) src(%arg14 : memref<80x128xf32, #tpu.memory_space<vmem>>) dst(%dma_wait3A_267 : memref<80x128xf32, #tpu.memory_space<vmem_shared>>)
    }
    %scan3A_190 = arith.constant 8 : i32
    %barrier3A_191 = arith.constant 0 : index
    tpu.barrier barrier_id(%barrier3A_191)
    %mul3A_192 = arith.constant 10000 : i32
    %mul3A_193 = arith.muli %add3A, %mul3A_192 : i32
    %add3A_194 = arith.constant 0 : i32
    %add3A_195 = arith.addi %mul3A_193, %add3A_194 : i32
    %min3A_196 = arith.constant 319920 : i32
    %min3A_197 = arith.minsi %add3A_195, %min3A_196 : i32
    %dma_start3A_198 = arith.constant 0 : i32
    %dma_start3A_199 = tpu.memref_slice %arg7[%min3A_197, %dma_start3A_198] : memref<320000x16xf32, #tpu.memory_space<hbm>> -> memref<80x16xf32, #tpu.memory_space<hbm>>
    %dma_start3A_200 = arith.constant 0 : i32
    %dma_start3A_201 = tpu.memref_slice %arg7[%min3A_197, %dma_start3A_200] : memref<320000x16xf32, #tpu.memory_space<hbm>> -> memref<80x16xf32, #tpu.memory_space<hbm>>
    tpu.enqueue_dma source(%dma_start3A_201 : memref<80x16xf32, #tpu.memory_space<hbm>>) target(%arg12 : memref<80x16xf32, #tpu.memory_space<vmem>>) target_semaphore(%arg16 : memref<!tpu.dma_semaphore, #tpu.memory_space<semaphore_mem>>)
    %dma_start3A_202 = tpu.memref_slice %arg6[%min3A_197] : memref<320000xi32, #tpu.memory_space<hbm>> -> memref<80xi32, #tpu.memory_space<hbm>>
    %dma_start3A_203 = tpu.memref_slice %arg6[%min3A_197] : memref<320000xi32, #tpu.memory_space<hbm>> -> memref<80xi32, #tpu.memory_space<hbm>>
    tpu.enqueue_dma source(%dma_start3A_203 : memref<80xi32, #tpu.memory_space<hbm>>) target(%arg10 : memref<80xi32, #tpu.memory_space<vmem>>) target_semaphore(%arg16 : memref<!tpu.dma_semaphore, #tpu.memory_space<semaphore_mem>>)
    %add3A_204 = arith.constant 80 : i32
    %add3A_205 = arith.addi %mul3A_193, %add3A_204 : i32
    %min3A_206 = arith.constant 319920 : i32
    %min3A_207 = arith.minsi %add3A_205, %min3A_206 : i32
    %dma_start3A_208 = arith.constant 0 : i32
    %dma_start3A_209 = tpu.memref_slice %arg7[%min3A_207, %dma_start3A_208] : memref<320000x16xf32, #tpu.memory_space<hbm>> -> memref<80x16xf32, #tpu.memory_space<hbm>>
    %dma_start3A_210 = arith.constant 0 : i32
    %dma_start3A_211 = tpu.memref_slice %arg7[%min3A_207, %dma_start3A_210] : memref<320000x16xf32, #tpu.memory_space<hbm>> -> memref<80x16xf32, #tpu.memory_space<hbm>>
    tpu.enqueue_dma source(%dma_start3A_211 : memref<80x16xf32, #tpu.memory_space<hbm>>) target(%arg13 : memref<80x16xf32, #tpu.memory_space<vmem>>) target_semaphore(%arg17 : memref<!tpu.dma_semaphore, #tpu.memory_space<semaphore_mem>>)
    %dma_start3A_212 = tpu.memref_slice %arg6[%min3A_207] : memref<320000xi32, #tpu.memory_space<hbm>> -> memref<80xi32, #tpu.memory_space<hbm>>
    %dma_start3A_213 = tpu.memref_slice %arg6[%min3A_207] : memref<320000xi32, #tpu.memory_space<hbm>> -> memref<80xi32, #tpu.memory_space<hbm>>
    tpu.enqueue_dma source(%dma_start3A_213 : memref<80xi32, #tpu.memory_space<hbm>>) target(%arg11 : memref<80xi32, #tpu.memory_space<vmem>>) target_semaphore(%arg17 : memref<!tpu.dma_semaphore, #tpu.memory_space<semaphore_mem>>)
    %scan3A_214 = arith.constant 0 : i32
    %scan3A_215 = arith.constant 62 : i32
    %scan3A_216 = arith.addi %scan3A_214, %scan3A_215 : i32
    %scan3A_217 = arith.constant 1 : i32
    scf.for %scan3A_259 = %scan3A_214 to %scan3A_216 step %scan3A_217  : i32 {
      %mul3A_260 = arith.constant 1 : i32
      %mul3A_261 = arith.muli %scan3A_259, %mul3A_260 : i32
      %add3A_262 = arith.constant 0 : i32
      %add3A_263 = arith.addi %add3A_262, %mul3A_261 : i32
      %dma_wait3A_264 = arith.constant 0 : i32
      %dma_wait3A_265 = arith.constant 0 : i32
      %dma_wait3A_266 = tpu.memref_slice %arg7[%dma_wait3A_264, %dma_wait3A_265] : memref<320000x16xf32, #tpu.memory_space<hbm>> -> memref<80x16xf32, #tpu.memory_space<hbm>>
      %dma_wait3A_267 = arith.constant 0 : i32
      %dma_wait3A_268 = arith.constant 0 : i32
      %dma_wait3A_269 = tpu.memref_slice %arg7[%dma_wait3A_267, %dma_wait3A_268] : memref<320000x16xf32, #tpu.memory_space<hbm>> -> memref<80x16xf32, #tpu.memory_space<hbm>>
      tpu.wait_dma2 semaphore(%arg16 : memref<!tpu.dma_semaphore, #tpu.memory_space<semaphore_mem>>) src(%dma_wait3A_269 : memref<80x16xf32, #tpu.memory_space<hbm>>) dst(%arg12 : memref<80x16xf32, #tpu.memory_space<vmem>>)
      %dma_wait3A_270 = arith.constant 0 : i32
      %dma_wait3A_271 = tpu.memref_slice %arg6[%dma_wait3A_270] : memref<320000xi32, #tpu.memory_space<hbm>> -> memref<80xi32, #tpu.memory_space<hbm>>
      %dma_wait3A_272 = arith.constant 0 : i32
      %dma_wait3A_273 = tpu.memref_slice %arg6[%dma_wait3A_272] : memref<320000xi32, #tpu.memory_space<hbm>> -> memref<80xi32, #tpu.memory_space<hbm>>
      tpu.wait_dma2 semaphore(%arg16 : memref<!tpu.dma_semaphore, #tpu.memory_space<semaphore_mem>>) src(%dma_wait3A_273 : memref<80xi32, #tpu.memory_space<hbm>>) dst(%arg10 : memref<80xi32, #tpu.memory_space<vmem>>)
      %scan3A_274 = arith.constant 0 : i32
      %scan3A_275 = arith.constant 0 : i32
      %scan3A_276 = arith.constant 80 : i32
      %scan3A_277 = arith.addi %scan3A_275, %scan3A_276 : i32
      %scan3A_278 = arith.constant 8 : i32
      %scan3A_279 = scf.for %scan3A_340 = %scan3A_275 to %scan3A_277 step %scan3A_278 iter_args(%scan3A_341 = %scan3A_274) -> (i32)  : i32 {
        %get3A = arith.index_cast %scan3A_340 : i32 to index
        %get3A_342 = arith.constant 0 : index
        %get3A_343 = tpu.vector_load %arg12[%get3A, %get3A_342] {strides = array<i32>} : memref<80x16xf32, #tpu.memory_space<vmem>>, vector<1x16xf32>,
        %get3A_344 = vector.shape_cast %get3A_343 : vector<1x16xf32> to vector<16xf32>
        %swap3A = arith.index_cast %scan3A_340 : i32 to index
        %swap3A_345 = arith.constant 0 : index
        %swap3A_346 = tpu.vector_load %arg14[%swap3A, %swap3A_345] {strides = array<i32>} : memref<80x128xf32, #tpu.memory_space<vmem>>, vector<1x16xf32>,
        %swap3A_347 = vector.shape_cast %swap3A_346 : vector<1x16xf32> to vector<16xf32>
        %swap3A_348 = vector.shape_cast %get3A_344 : vector<16xf32> to vector<1x16xf32>
        tpu.vector_store %arg14[%swap3A, %swap3A_345], %swap3A_348 {strides = array<i32>} : memref<80x128xf32, #tpu.memory_space<vmem>>, vector<1x16xf32>,
        %scan3A_349 = arith.constant 0 : i32
        %scan3A_350 = arith.constant 1 : i32
        %scan3A_351 = arith.addi %scan3A_340, %scan3A_350 : i32
        %get3A_352 = arith.index_cast %scan3A_351 : i32 to index
        %get3A_353 = arith.constant 0 : index
        %get3A_354 = tpu.vector_load %arg12[%get3A_352, %get3A_353] {strides = array<i32>} : memref<80x16xf32, #tpu.memory_space<vmem>>, vector<1x16xf32>,
        %get3A_355 = vector.shape_cast %get3A_354 : vector<1x16xf32> to vector<16xf32>
        %swap3A_356 = arith.index_cast %scan3A_351 : i32 to index
        %swap3A_357 = arith.constant 0 : index
        %swap3A_358 = tpu.vector_load %arg14[%swap3A_356, %swap3A_357] {strides = array<i32>} : memref<80x128xf32, #tpu.memory_space<vmem>>, vector<1x16xf32>,
        %swap3A_359 = vector.shape_cast %swap3A_358 : vector<1x16xf32> to vector<16xf32>
        %swap3A_360 = vector.shape_cast %get3A_355 : vector<16xf32> to vector<1x16xf32>
        tpu.vector_store %arg14[%swap3A_356, %swap3A_357], %swap3A_360 {strides = array<i32>} : memref<80x128xf32, #tpu.memory_space<vmem>>, vector<1x16xf32>,
        %scan3A_361 = arith.constant 0 : i32
        %scan3A_362 = arith.constant 2 : i32
        %scan3A_363 = arith.addi %scan3A_340, %scan3A_362 : i32
        %get3A_364 = arith.index_cast %scan3A_363 : i32 to index
        %get3A_365 = arith.constant 0 : index
        %get3A_366 = tpu.vector_load %arg12[%get3A_364, %get3A_365] {strides = array<i32>} : memref<80x16xf32, #tpu.memory_space<vmem>>, vector<1x16xf32>,
        %get3A_367 = vector.shape_cast %get3A_366 : vector<1x16xf32> to vector<16xf32>
        %swap3A_368 = arith.index_cast %scan3A_363 : i32 to index
        %swap3A_369 = arith.constant 0 : index
        %swap3A_370 = tpu.vector_load %arg14[%swap3A_368, %swap3A_369] {strides = array<i32>} : memref<80x128xf32, #tpu.memory_space<vmem>>, vector<1x16xf32>,
        %swap3A_371 = vector.shape_cast %swap3A_370 : vector<1x16xf32> to vector<16xf32>
        %swap3A_372 = vector.shape_cast %get3A_367 : vector<16xf32> to vector<1x16xf32>
        tpu.vector_store %arg14[%swap3A_368, %swap3A_369], %swap3A_372 {strides = array<i32>} : memref<80x128xf32, #tpu.memory_space<vmem>>, vector<1x16xf32>,
        %scan3A_373 = arith.constant 0 : i32
        %scan3A_374 = arith.constant 3 : i32
        %scan3A_375 = arith.addi %scan3A_340, %scan3A_374 : i32
        %get3A_376 = arith.index_cast %scan3A_375 : i32 to index
        %get3A_377 = arith.constant 0 : index
        %get3A_378 = tpu.vector_load %arg12[%get3A_376, %get3A_377] {strides = array<i32>} : memref<80x16xf32, #tpu.memory_space<vmem>>, vector<1x16xf32>,
        %get3A_379 = vector.shape_cast %get3A_378 : vector<1x16xf32> to vector<16xf32>
        %swap3A_380 = arith.index_cast %scan3A_375 : i32 to index
        %swap3A_381 = arith.constant 0 : index
        %swap3A_382 = tpu.vector_load %arg14[%swap3A_380, %swap3A_381] {strides = array<i32>} : memref<80x128xf32, #tpu.memory_space<vmem>>, vector<1x16xf32>,
        %swap3A_383 = vector.shape_cast %swap3A_382 : vector<1x16xf32> to vector<16xf32>
        %swap3A_384 = vector.shape_cast %get3A_379 : vector<16xf32> to vector<1x16xf32>
        tpu.vector_store %arg14[%swap3A_380, %swap3A_381], %swap3A_384 {strides = array<i32>} : memref<80x128xf32, #tpu.memory_space<vmem>>, vector<1x16xf32>,
        %scan3A_385 = arith.constant 0 : i32
        %scan3A_386 = arith.constant 4 : i32
        %scan3A_387 = arith.addi %scan3A_340, %scan3A_386 : i32
        %get3A_388 = arith.index_cast %scan3A_387 : i32 to index
        %get3A_389 = arith.constant 0 : index
        %get3A_390 = tpu.vector_load %arg12[%get3A_388, %get3A_389] {strides = array<i32>} : memref<80x16xf32, #tpu.memory_space<vmem>>, vector<1x16xf32>,
        %get3A_391 = vector.shape_cast %get3A_390 : vector<1x16xf32> to vector<16xf32>
        %swap3A_392 = arith.index_cast %scan3A_387 : i32 to index
        %swap3A_393 = arith.constant 0 : index
        %swap3A_394 = tpu.vector_load %arg14[%swap3A_392, %swap3A_393] {strides = array<i32>} : memref<80x128xf32, #tpu.memory_space<vmem>>, vector<1x16xf32>,
        %swap3A_395 = vector.shape_cast %swap3A_394 : vector<1x16xf32> to vector<16xf32>
        %swap3A_396 = vector.shape_cast %get3A_391 : vector<16xf32> to vector<1x16xf32>
        tpu.vector_store %arg14[%swap3A_392, %swap3A_393], %swap3A_396 {strides = array<i32>} : memref<80x128xf32, #tpu.memory_space<vmem>>, vector<1x16xf32>,
        %scan3A_397 = arith.constant 0 : i32
        %scan3A_398 = arith.constant 5 : i32
        %scan3A_399 = arith.addi %scan3A_340, %scan3A_398 : i32
        %get3A_400 = arith.index_cast %scan3A_399 : i32 to index
        %get3A_401 = arith.constant 0 : index
        %get3A_402 = tpu.vector_load %arg12[%get3A_400, %get3A_401] {strides = array<i32>} : memref<80x16xf32, #tpu.memory_space<vmem>>, vector<1x16xf32>,
        %get3A_403 = vector.shape_cast %get3A_402 : vector<1x16xf32> to vector<16xf32>
        %swap3A_404 = arith.index_cast %scan3A_399 : i32 to index
        %swap3A_405 = arith.constant 0 : index
        %swap3A_406 = tpu.vector_load %arg14[%swap3A_404, %swap3A_405] {strides = array<i32>} : memref<80x128xf32, #tpu.memory_space<vmem>>, vector<1x16xf32>,
        %swap3A_407 = vector.shape_cast %swap3A_406 : vector<1x16xf32> to vector<16xf32>
        %swap3A_408 = vector.shape_cast %get3A_403 : vector<16xf32> to vector<1x16xf32>
        tpu.vector_store %arg14[%swap3A_404, %swap3A_405], %swap3A_408 {strides = array<i32>} : memref<80x128xf32, #tpu.memory_space<vmem>>, vector<1x16xf32>,
        %scan3A_409 = arith.constant 0 : i32
        %scan3A_410 = arith.constant 6 : i32
        %scan3A_411 = arith.addi %scan3A_340, %scan3A_410 : i32
        %get3A_412 = arith.index_cast %scan3A_411 : i32 to index
        %get3A_413 = arith.constant 0 : index
        %get3A_414 = tpu.vector_load %arg12[%get3A_412, %get3A_413] {strides = array<i32>} : memref<80x16xf32, #tpu.memory_space<vmem>>, vector<1x16xf32>,
        %get3A_415 = vector.shape_cast %get3A_414 : vector<1x16xf32> to vector<16xf32>
        %swap3A_416 = arith.index_cast %scan3A_411 : i32 to index
        %swap3A_417 = arith.constant 0 : index
        %swap3A_418 = tpu.vector_load %arg14[%swap3A_416, %swap3A_417] {strides = array<i32>} : memref<80x128xf32, #tpu.memory_space<vmem>>, vector<1x16xf32>,
        %swap3A_419 = vector.shape_cast %swap3A_418 : vector<1x16xf32> to vector<16xf32>
        %swap3A_420 = vector.shape_cast %get3A_415 : vector<16xf32> to vector<1x16xf32>
        tpu.vector_store %arg14[%swap3A_416, %swap3A_417], %swap3A_420 {strides = array<i32>} : memref<80x128xf32, #tpu.memory_space<vmem>>, vector<1x16xf32>,
        %scan3A_421 = arith.constant 0 : i32
        %scan3A_422 = arith.constant 7 : i32
        %scan3A_423 = arith.addi %scan3A_340, %scan3A_422 : i32
        %get3A_424 = arith.index_cast %scan3A_423 : i32 to index
        %get3A_425 = arith.constant 0 : index
        %get3A_426 = tpu.vector_load %arg12[%get3A_424, %get3A_425] {strides = array<i32>} : memref<80x16xf32, #tpu.memory_space<vmem>>, vector<1x16xf32>,
        %get3A_427 = vector.shape_cast %get3A_426 : vector<1x16xf32> to vector<16xf32>
        %swap3A_428 = arith.index_cast %scan3A_423 : i32 to index
        %swap3A_429 = arith.constant 0 : index
        %swap3A_430 = tpu.vector_load %arg14[%swap3A_428, %swap3A_429] {strides = array<i32>} : memref<80x128xf32, #tpu.memory_space<vmem>>, vector<1x16xf32>,
        %swap3A_431 = vector.shape_cast %swap3A_430 : vector<1x16xf32> to vector<16xf32>
        %swap3A_432 = vector.shape_cast %get3A_427 : vector<16xf32> to vector<1x16xf32>
        tpu.vector_store %arg14[%swap3A_428, %swap3A_429], %swap3A_432 {strides = array<i32>} : memref<80x128xf32, #tpu.memory_space<vmem>>, vector<1x16xf32>,
        %scan3A_433 = arith.constant 0 : i32
        scf.yield %scan3A_433 : i32
      }
      %scan3A_280 = arith.constant 80 : i32
      %dma_start3A_281 = arith.constant 0 : i32
      %dma_start3A_282 = arith.constant 0 : i32
      %dma_start3A_283 = tpu.memref_slice %arg9[%dma_start3A_281, %dma_start3A_282] : memref<10240x128xf32, #tpu.memory_space<vmem_shared>> -> memref<10240x128xf32, #tpu.memory_space<vmem_shared>>
      tpu.enqueue_indirect_dma source(%arg14 : memref<80x128xf32, #tpu.memory_space<vmem>>) target(%dma_start3A_283 : memref<10240x128xf32, #tpu.memory_space<vmem_shared>>) offsets(%arg10 : memref<80xi32, #tpu.memory_space<vmem>>) semaphore(%arg18 : memref<!tpu.dma_semaphore, #tpu.memory_space<semaphore_mem>>) {add = true}
      %dma_wait3A_284 = arith.constant 0 : i32
      %dma_wait3A_285 = arith.constant 0 : i32
      %dma_wait3A_286 = tpu.memref_slice %arg9[%dma_wait3A_284, %dma_wait3A_285] : memref<10240x128xf32, #tpu.memory_space<vmem_shared>> -> memref<10240x128xf32, #tpu.memory_space<vmem_shared>>
      tpu.wait_indirect_dma semaphore(%arg18 : memref<!tpu.dma_semaphore, #tpu.memory_space<semaphore_mem>>) src(%arg14 : memref<80x128xf32, #tpu.memory_space<vmem>>) dst(%dma_wait3A_286 : memref<10240x128xf32, #tpu.memory_space<vmem_shared>>)
      %mul3A_287 = arith.constant 2 : i32
      %mul3A_288 = arith.muli %mul3A_287, %add3A_263 : i32
      %add3A_289 = arith.constant 2 : i32
      %add3A_290 = arith.addi %mul3A_288, %add3A_289 : i32
      %mul3A_291 = arith.constant 80 : i32
      %mul3A_292 = arith.muli %add3A_290, %mul3A_291 : i32
      %add3A_293 = arith.addi %mul3A_193, %mul3A_292 : i32
      %min3A_294 = arith.constant 319920 : i32
      %min3A_295 = arith.minsi %add3A_293, %min3A_294 : i32
      %dma_start3A_296 = arith.constant 0 : i32
      %dma_start3A_297 = tpu.memref_slice %arg7[%min3A_295, %dma_start3A_296] : memref<320000x16xf32, #tpu.memory_space<hbm>> -> memref<80x16xf32, #tpu.memory_space<hbm>>
      %dma_start3A_298 = arith.constant 0 : i32
      %dma_start3A_299 = tpu.memref_slice %arg7[%min3A_295, %dma_start3A_298] : memref<320000x16xf32, #tpu.memory_space<hbm>> -> memref<80x16xf32, #tpu.memory_space<hbm>>
      tpu.enqueue_dma source(%dma_start3A_299 : memref<80x16xf32, #tpu.memory_space<hbm>>) target(%arg12 : memref<80x16xf32, #tpu.memory_space<vmem>>) target_semaphore(%arg16 : memref<!tpu.dma_semaphore, #tpu.memory_space<semaphore_mem>>)
      %dma_start3A_300 = tpu.memref_slice %arg6[%min3A_295] : memref<320000xi32, #tpu.memory_space<hbm>> -> memref<80xi32, #tpu.memory_space<hbm>>
      %dma_start3A_301 = tpu.memref_slice %arg6[%min3A_295] : memref<320000xi32, #tpu.memory_space<hbm>> -> memref<80xi32, #tpu.memory_space<hbm>>
      tpu.enqueue_dma source(%dma_start3A_301 : memref<80xi32, #tpu.memory_space<hbm>>) target(%arg10 : memref<80xi32, #tpu.memory_space<vmem>>) target_semaphore(%arg16 : memref<!tpu.dma_semaphore, #tpu.memory_space<semaphore_mem>>)
      %dma_wait3A_302 = arith.constant 0 : i32
      %dma_wait3A_303 = arith.constant 0 : i32
      %dma_wait3A_304 = tpu.memref_slice %arg7[%dma_wait3A_302, %dma_wait3A_303] : memref<320000x16xf32, #tpu.memory_space<hbm>> -> memref<80x16xf32, #tpu.memory_space<hbm>>
      %dma_wait3A_305 = arith.constant 0 : i32
      %dma_wait3A_306 = arith.constant 0 : i32
      %dma_wait3A_307 = tpu.memref_slice %arg7[%dma_wait3A_305, %dma_wait3A_306] : memref<320000x16xf32, #tpu.memory_space<hbm>> -> memref<80x16xf32, #tpu.memory_space<hbm>>
      tpu.wait_dma2 semaphore(%arg17 : memref<!tpu.dma_semaphore, #tpu.memory_space<semaphore_mem>>) src(%dma_wait3A_307 : memref<80x16xf32, #tpu.memory_space<hbm>>) dst(%arg13 : memref<80x16xf32, #tpu.memory_space<vmem>>)
      %dma_wait3A_308 = arith.constant 0 : i32
      %dma_wait3A_309 = tpu.memref_slice %arg6[%dma_wait3A_308] : memref<320000xi32, #tpu.memory_space<hbm>> -> memref<80xi32, #tpu.memory_space<hbm>>
      %dma_wait3A_310 = arith.constant 0 : i32
      %dma_wait3A_311 = tpu.memref_slice %arg6[%dma_wait3A_310] : memref<320000xi32, #tpu.memory_space<hbm>> -> memref<80xi32, #tpu.memory_space<hbm>>
      tpu.wait_dma2 semaphore(%arg17 : memref<!tpu.dma_semaphore, #tpu.memory_space<semaphore_mem>>) src(%dma_wait3A_311 : memref<80xi32, #tpu.memory_space<hbm>>) dst(%arg11 : memref<80xi32, #tpu.memory_space<vmem>>)
      %scan3A_312 = arith.constant 0 : i32
      %scan3A_313 = arith.constant 0 : i32
      %scan3A_314 = arith.constant 80 : i32
      %scan3A_315 = arith.addi %scan3A_313, %scan3A_314 : i32
      %scan3A_316 = arith.constant 8 : i32
      %scan3A_317 = scf.for %scan3A_340 = %scan3A_313 to %scan3A_315 step %scan3A_316 iter_args(%scan3A_341 = %scan3A_312) -> (i32)  : i32 {
        %get3A = arith.index_cast %scan3A_340 : i32 to index
        %get3A_342 = arith.constant 0 : index
        %get3A_343 = tpu.vector_load %arg13[%get3A, %get3A_342] {strides = array<i32>} : memref<80x16xf32, #tpu.memory_space<vmem>>, vector<1x16xf32>,
        %get3A_344 = vector.shape_cast %get3A_343 : vector<1x16xf32> to vector<16xf32>
        %swap3A = arith.index_cast %scan3A_340 : i32 to index
        %swap3A_345 = arith.constant 0 : index
        %swap3A_346 = tpu.vector_load %arg15[%swap3A, %swap3A_345] {strides = array<i32>} : memref<80x128xf32, #tpu.memory_space<vmem>>, vector<1x16xf32>,
        %swap3A_347 = vector.shape_cast %swap3A_346 : vector<1x16xf32> to vector<16xf32>
        %swap3A_348 = vector.shape_cast %get3A_344 : vector<16xf32> to vector<1x16xf32>
        tpu.vector_store %arg15[%swap3A, %swap3A_345], %swap3A_348 {strides = array<i32>} : memref<80x128xf32, #tpu.memory_space<vmem>>, vector<1x16xf32>,
        %scan3A_349 = arith.constant 0 : i32
        %scan3A_350 = arith.constant 1 : i32
        %scan3A_351 = arith.addi %scan3A_340, %scan3A_350 : i32
        %get3A_352 = arith.index_cast %scan3A_351 : i32 to index
        %get3A_353 = arith.constant 0 : index
        %get3A_354 = tpu.vector_load %arg13[%get3A_352, %get3A_353] {strides = array<i32>} : memref<80x16xf32, #tpu.memory_space<vmem>>, vector<1x16xf32>,
        %get3A_355 = vector.shape_cast %get3A_354 : vector<1x16xf32> to vector<16xf32>
        %swap3A_356 = arith.index_cast %scan3A_351 : i32 to index
        %swap3A_357 = arith.constant 0 : index
        %swap3A_358 = tpu.vector_load %arg15[%swap3A_356, %swap3A_357] {strides = array<i32>} : memref<80x128xf32, #tpu.memory_space<vmem>>, vector<1x16xf32>,
        %swap3A_359 = vector.shape_cast %swap3A_358 : vector<1x16xf32> to vector<16xf32>
        %swap3A_360 = vector.shape_cast %get3A_355 : vector<16xf32> to vector<1x16xf32>
        tpu.vector_store %arg15[%swap3A_356, %swap3A_357], %swap3A_360 {strides = array<i32>} : memref<80x128xf32, #tpu.memory_space<vmem>>, vector<1x16xf32>,
        %scan3A_361 = arith.constant 0 : i32
        %scan3A_362 = arith.constant 2 : i32
        %scan3A_363 = arith.addi %scan3A_340, %scan3A_362 : i32
        %get3A_364 = arith.index_cast %scan3A_363 : i32 to index
        %get3A_365 = arith.constant 0 : index
        %get3A_366 = tpu.vector_load %arg13[%get3A_364, %get3A_365] {strides = array<i32>} : memref<80x16xf32, #tpu.memory_space<vmem>>, vector<1x16xf32>,
        %get3A_367 = vector.shape_cast %get3A_366 : vector<1x16xf32> to vector<16xf32>
        %swap3A_368 = arith.index_cast %scan3A_363 : i32 to index
        %swap3A_369 = arith.constant 0 : index
        %swap3A_370 = tpu.vector_load %arg15[%swap3A_368, %swap3A_369] {strides = array<i32>} : memref<80x128xf32, #tpu.memory_space<vmem>>, vector<1x16xf32>,
        %swap3A_371 = vector.shape_cast %swap3A_370 : vector<1x16xf32> to vector<16xf32>
        %swap3A_372 = vector.shape_cast %get3A_367 : vector<16xf32> to vector<1x16xf32>
        tpu.vector_store %arg15[%swap3A_368, %swap3A_369], %swap3A_372 {strides = array<i32>} : memref<80x128xf32, #tpu.memory_space<vmem>>, vector<1x16xf32>,
        %scan3A_373 = arith.constant 0 : i32
        %scan3A_374 = arith.constant 3 : i32
        %scan3A_375 = arith.addi %scan3A_340, %scan3A_374 : i32
        %get3A_376 = arith.index_cast %scan3A_375 : i32 to index
        %get3A_377 = arith.constant 0 : index
        %get3A_378 = tpu.vector_load %arg13[%get3A_376, %get3A_377] {strides = array<i32>} : memref<80x16xf32, #tpu.memory_space<vmem>>, vector<1x16xf32>,
        %get3A_379 = vector.shape_cast %get3A_378 : vector<1x16xf32> to vector<16xf32>
        %swap3A_380 = arith.index_cast %scan3A_375 : i32 to index
        %swap3A_381 = arith.constant 0 : index
        %swap3A_382 = tpu.vector_load %arg15[%swap3A_380, %swap3A_381] {strides = array<i32>} : memref<80x128xf32, #tpu.memory_space<vmem>>, vector<1x16xf32>,
        %swap3A_383 = vector.shape_cast %swap3A_382 : vector<1x16xf32> to vector<16xf32>
        %swap3A_384 = vector.shape_cast %get3A_379 : vector<16xf32> to vector<1x16xf32>
        tpu.vector_store %arg15[%swap3A_380, %swap3A_381], %swap3A_384 {strides = array<i32>} : memref<80x128xf32, #tpu.memory_space<vmem>>, vector<1x16xf32>,
        %scan3A_385 = arith.constant 0 : i32
        %scan3A_386 = arith.constant 4 : i32
        %scan3A_387 = arith.addi %scan3A_340, %scan3A_386 : i32
        %get3A_388 = arith.index_cast %scan3A_387 : i32 to index
        %get3A_389 = arith.constant 0 : index
        %get3A_390 = tpu.vector_load %arg13[%get3A_388, %get3A_389] {strides = array<i32>} : memref<80x16xf32, #tpu.memory_space<vmem>>, vector<1x16xf32>,
        %get3A_391 = vector.shape_cast %get3A_390 : vector<1x16xf32> to vector<16xf32>
        %swap3A_392 = arith.index_cast %scan3A_387 : i32 to index
        %swap3A_393 = arith.constant 0 : index
        %swap3A_394 = tpu.vector_load %arg15[%swap3A_392, %swap3A_393] {strides = array<i32>} : memref<80x128xf32, #tpu.memory_space<vmem>>, vector<1x16xf32>,
        %swap3A_395 = vector.shape_cast %swap3A_394 : vector<1x16xf32> to vector<16xf32>
        %swap3A_396 = vector.shape_cast %get3A_391 : vector<16xf32> to vector<1x16xf32>
        tpu.vector_store %arg15[%swap3A_392, %swap3A_393], %swap3A_396 {strides = array<i32>} : memref<80x128xf32, #tpu.memory_space<vmem>>, vector<1x16xf32>,
        %scan3A_397 = arith.constant 0 : i32
        %scan3A_398 = arith.constant 5 : i32
        %scan3A_399 = arith.addi %scan3A_340, %scan3A_398 : i32
        %get3A_400 = arith.index_cast %scan3A_399 : i32 to index
        %get3A_401 = arith.constant 0 : index
        %get3A_402 = tpu.vector_load %arg13[%get3A_400, %get3A_401] {strides = array<i32>} : memref<80x16xf32, #tpu.memory_space<vmem>>, vector<1x16xf32>,
        %get3A_403 = vector.shape_cast %get3A_402 : vector<1x16xf32> to vector<16xf32>
        %swap3A_404 = arith.index_cast %scan3A_399 : i32 to index
        %swap3A_405 = arith.constant 0 : index
        %swap3A_406 = tpu.vector_load %arg15[%swap3A_404, %swap3A_405] {strides = array<i32>} : memref<80x128xf32, #tpu.memory_space<vmem>>, vector<1x16xf32>,
        %swap3A_407 = vector.shape_cast %swap3A_406 : vector<1x16xf32> to vector<16xf32>
        %swap3A_408 = vector.shape_cast %get3A_403 : vector<16xf32> to vector<1x16xf32>
        tpu.vector_store %arg15[%swap3A_404, %swap3A_405], %swap3A_408 {strides = array<i32>} : memref<80x128xf32, #tpu.memory_space<vmem>>, vector<1x16xf32>,
        %scan3A_409 = arith.constant 0 : i32
        %scan3A_410 = arith.constant 6 : i32
        %scan3A_411 = arith.addi %scan3A_340, %scan3A_410 : i32
        %get3A_412 = arith.index_cast %scan3A_411 : i32 to index
        %get3A_413 = arith.constant 0 : index
        %get3A_414 = tpu.vector_load %arg13[%get3A_412, %get3A_413] {strides = array<i32>} : memref<80x16xf32, #tpu.memory_space<vmem>>, vector<1x16xf32>,
        %get3A_415 = vector.shape_cast %get3A_414 : vector<1x16xf32> to vector<16xf32>
        %swap3A_416 = arith.index_cast %scan3A_411 : i32 to index
        %swap3A_417 = arith.constant 0 : index
        %swap3A_418 = tpu.vector_load %arg15[%swap3A_416, %swap3A_417] {strides = array<i32>} : memref<80x128xf32, #tpu.memory_space<vmem>>, vector<1x16xf32>,
        %swap3A_419 = vector.shape_cast %swap3A_418 : vector<1x16xf32> to vector<16xf32>
        %swap3A_420 = vector.shape_cast %get3A_415 : vector<16xf32> to vector<1x16xf32>
        tpu.vector_store %arg15[%swap3A_416, %swap3A_417], %swap3A_420 {strides = array<i32>} : memref<80x128xf32, #tpu.memory_space<vmem>>, vector<1x16xf32>,
        %scan3A_421 = arith.constant 0 : i32
        %scan3A_422 = arith.constant 7 : i32
        %scan3A_423 = arith.addi %scan3A_340, %scan3A_422 : i32
        %get3A_424 = arith.index_cast %scan3A_423 : i32 to index
        %get3A_425 = arith.constant 0 : index
        %get3A_426 = tpu.vector_load %arg13[%get3A_424, %get3A_425] {strides = array<i32>} : memref<80x16xf32, #tpu.memory_space<vmem>>, vector<1x16xf32>,
        %get3A_427 = vector.shape_cast %get3A_426 : vector<1x16xf32> to vector<16xf32>
        %swap3A_428 = arith.index_cast %scan3A_423 : i32 to index
        %swap3A_429 = arith.constant 0 : index
        %swap3A_430 = tpu.vector_load %arg15[%swap3A_428, %swap3A_429] {strides = array<i32>} : memref<80x128xf32, #tpu.memory_space<vmem>>, vector<1x16xf32>,
        %swap3A_431 = vector.shape_cast %swap3A_430 : vector<1x16xf32> to vector<16xf32>
        %swap3A_432 = vector.shape_cast %get3A_427 : vector<16xf32> to vector<1x16xf32>
        tpu.vector_store %arg15[%swap3A_428, %swap3A_429], %swap3A_432 {strides = array<i32>} : memref<80x128xf32, #tpu.memory_space<vmem>>, vector<1x16xf32>,
        %scan3A_433 = arith.constant 0 : i32
        scf.yield %scan3A_433 : i32
      }
      %scan3A_318 = arith.constant 80 : i32
      %dma_start3A_319 = arith.constant 0 : i32
      %dma_start3A_320 = arith.constant 0 : i32
      %dma_start3A_321 = tpu.memref_slice %arg9[%dma_start3A_319, %dma_start3A_320] : memref<10240x128xf32, #tpu.memory_space<vmem_shared>> -> memref<10240x128xf32, #tpu.memory_space<vmem_shared>>
      tpu.enqueue_indirect_dma source(%arg15 : memref<80x128xf32, #tpu.memory_space<vmem>>) target(%dma_start3A_321 : memref<10240x128xf32, #tpu.memory_space<vmem_shared>>) offsets(%arg11 : memref<80xi32, #tpu.memory_space<vmem>>) semaphore(%arg18 : memref<!tpu.dma_semaphore, #tpu.memory_space<semaphore_mem>>) {add = true}
      %dma_wait3A_322 = arith.constant 0 : i32
      %dma_wait3A_323 = arith.constant 0 : i32
      %dma_wait3A_324 = tpu.memref_slice %arg9[%dma_wait3A_322, %dma_wait3A_323] : memref<10240x128xf32, #tpu.memory_space<vmem_shared>> -> memref<10240x128xf32, #tpu.memory_space<vmem_shared>>
      tpu.wait_indirect_dma semaphore(%arg18 : memref<!tpu.dma_semaphore, #tpu.memory_space<semaphore_mem>>) src(%arg15 : memref<80x128xf32, #tpu.memory_space<vmem>>) dst(%dma_wait3A_324 : memref<10240x128xf32, #tpu.memory_space<vmem_shared>>)
      %mul3A_325 = arith.constant 2 : i32
      %mul3A_326 = arith.muli %mul3A_325, %add3A_263 : i32
      %add3A_327 = arith.constant 3 : i32
      %add3A_328 = arith.addi %mul3A_326, %add3A_327 : i32
      %mul3A_329 = arith.constant 80 : i32
      %mul3A_330 = arith.muli %add3A_328, %mul3A_329 : i32
      %add3A_331 = arith.addi %mul3A_193, %mul3A_330 : i32
      %min3A_332 = arith.constant 319920 : i32
      %min3A_333 = arith.minsi %add3A_331, %min3A_332 : i32
      %dma_start3A_334 = arith.constant 0 : i32
      %dma_start3A_335 = tpu.memref_slice %arg7[%min3A_333, %dma_start3A_334] : memref<320000x16xf32, #tpu.memory_space<hbm>> -> memref<80x16xf32, #tpu.memory_space<hbm>>
      %dma_start3A_336 = arith.constant 0 : i32
      %dma_start3A_337 = tpu.memref_slice %arg7[%min3A_333, %dma_start3A_336] : memref<320000x16xf32, #tpu.memory_space<hbm>> -> memref<80x16xf32, #tpu.memory_space<hbm>>
      tpu.enqueue_dma source(%dma_start3A_337 : memref<80x16xf32, #tpu.memory_space<hbm>>) target(%arg13 : memref<80x16xf32, #tpu.memory_space<vmem>>) target_semaphore(%arg17 : memref<!tpu.dma_semaphore, #tpu.memory_space<semaphore_mem>>)
      %dma_start3A_338 = tpu.memref_slice %arg6[%min3A_333] : memref<320000xi32, #tpu.memory_space<hbm>> -> memref<80xi32, #tpu.memory_space<hbm>>
      %dma_start3A_339 = tpu.memref_slice %arg6[%min3A_333] : memref<320000xi32, #tpu.memory_space<hbm>> -> memref<80xi32, #tpu.memory_space<hbm>>
      tpu.enqueue_dma source(%dma_start3A_339 : memref<80xi32, #tpu.memory_space<hbm>>) target(%arg11 : memref<80xi32, #tpu.memory_space<vmem>>) target_semaphore(%arg17 : memref<!tpu.dma_semaphore, #tpu.memory_space<semaphore_mem>>)
    }
    %scan3A_218 = arith.constant 62 : i32
    %dma_wait3A_219 = arith.constant 0 : i32
    %dma_wait3A_220 = arith.constant 0 : i32
    %dma_wait3A_221 = tpu.memref_slice %arg7[%dma_wait3A_219, %dma_wait3A_220] : memref<320000x16xf32, #tpu.memory_space<hbm>> -> memref<80x16xf32, #tpu.memory_space<hbm>>
    %dma_wait3A_222 = arith.constant 0 : i32
    %dma_wait3A_223 = arith.constant 0 : i32
    %dma_wait3A_224 = tpu.memref_slice %arg7[%dma_wait3A_222, %dma_wait3A_223] : memref<320000x16xf32, #tpu.memory_space<hbm>> -> memref<80x16xf32, #tpu.memory_space<hbm>>
    tpu.wait_dma2 semaphore(%arg16 : memref<!tpu.dma_semaphore, #tpu.memory_space<semaphore_mem>>) src(%dma_wait3A_224 : memref<80x16xf32, #tpu.memory_space<hbm>>) dst(%arg12 : memref<80x16xf32, #tpu.memory_space<vmem>>)
    %dma_wait3A_225 = arith.constant 0 : i32
    %dma_wait3A_226 = tpu.memref_slice %arg6[%dma_wait3A_225] : memref<320000xi32, #tpu.memory_space<hbm>> -> memref<80xi32, #tpu.memory_space<hbm>>
    %dma_wait3A_227 = arith.constant 0 : i32
    %dma_wait3A_228 = tpu.memref_slice %arg6[%dma_wait3A_227] : memref<320000xi32, #tpu.memory_space<hbm>> -> memref<80xi32, #tpu.memory_space<hbm>>
    tpu.wait_dma2 semaphore(%arg16 : memref<!tpu.dma_semaphore, #tpu.memory_space<semaphore_mem>>) src(%dma_wait3A_228 : memref<80xi32, #tpu.memory_space<hbm>>) dst(%arg10 : memref<80xi32, #tpu.memory_space<vmem>>)
    %scan3A_229 = arith.constant 0 : i32
    %scan3A_230 = arith.constant 0 : i32
    %scan3A_231 = arith.constant 80 : i32
    %scan3A_232 = arith.addi %scan3A_230, %scan3A_231 : i32
    %scan3A_233 = arith.constant 8 : i32
    %scan3A_234 = scf.for %scan3A_259 = %scan3A_230 to %scan3A_232 step %scan3A_233 iter_args(%scan3A_260 = %scan3A_229) -> (i32)  : i32 {
      %get3A = arith.index_cast %scan3A_259 : i32 to index
      %get3A_261 = arith.constant 0 : index
      %get3A_262 = tpu.vector_load %arg12[%get3A, %get3A_261] {strides = array<i32>} : memref<80x16xf32, #tpu.memory_space<vmem>>, vector<1x16xf32>,
      %get3A_263 = vector.shape_cast %get3A_262 : vector<1x16xf32> to vector<16xf32>
      %swap3A = arith.index_cast %scan3A_259 : i32 to index
      %swap3A_264 = arith.constant 0 : index
      %swap3A_265 = tpu.vector_load %arg14[%swap3A, %swap3A_264] {strides = array<i32>} : memref<80x128xf32, #tpu.memory_space<vmem>>, vector<1x16xf32>,
      %swap3A_266 = vector.shape_cast %swap3A_265 : vector<1x16xf32> to vector<16xf32>
      %swap3A_267 = vector.shape_cast %get3A_263 : vector<16xf32> to vector<1x16xf32>
      tpu.vector_store %arg14[%swap3A, %swap3A_264], %swap3A_267 {strides = array<i32>} : memref<80x128xf32, #tpu.memory_space<vmem>>, vector<1x16xf32>,
      %scan3A_268 = arith.constant 0 : i32
      %scan3A_269 = arith.constant 1 : i32
      %scan3A_270 = arith.addi %scan3A_259, %scan3A_269 : i32
      %get3A_271 = arith.index_cast %scan3A_270 : i32 to index
      %get3A_272 = arith.constant 0 : index
      %get3A_273 = tpu.vector_load %arg12[%get3A_271, %get3A_272] {strides = array<i32>} : memref<80x16xf32, #tpu.memory_space<vmem>>, vector<1x16xf32>,
      %get3A_274 = vector.shape_cast %get3A_273 : vector<1x16xf32> to vector<16xf32>
      %swap3A_275 = arith.index_cast %scan3A_270 : i32 to index
      %swap3A_276 = arith.constant 0 : index
      %swap3A_277 = tpu.vector_load %arg14[%swap3A_275, %swap3A_276] {strides = array<i32>} : memref<80x128xf32, #tpu.memory_space<vmem>>, vector<1x16xf32>,
      %swap3A_278 = vector.shape_cast %swap3A_277 : vector<1x16xf32> to vector<16xf32>
      %swap3A_279 = vector.shape_cast %get3A_274 : vector<16xf32> to vector<1x16xf32>
      tpu.vector_store %arg14[%swap3A_275, %swap3A_276], %swap3A_279 {strides = array<i32>} : memref<80x128xf32, #tpu.memory_space<vmem>>, vector<1x16xf32>,
      %scan3A_280 = arith.constant 0 : i32
      %scan3A_281 = arith.constant 2 : i32
      %scan3A_282 = arith.addi %scan3A_259, %scan3A_281 : i32
      %get3A_283 = arith.index_cast %scan3A_282 : i32 to index
      %get3A_284 = arith.constant 0 : index
      %get3A_285 = tpu.vector_load %arg12[%get3A_283, %get3A_284] {strides = array<i32>} : memref<80x16xf32, #tpu.memory_space<vmem>>, vector<1x16xf32>,
      %get3A_286 = vector.shape_cast %get3A_285 : vector<1x16xf32> to vector<16xf32>
      %swap3A_287 = arith.index_cast %scan3A_282 : i32 to index
      %swap3A_288 = arith.constant 0 : index
      %swap3A_289 = tpu.vector_load %arg14[%swap3A_287, %swap3A_288] {strides = array<i32>} : memref<80x128xf32, #tpu.memory_space<vmem>>, vector<1x16xf32>,
      %swap3A_290 = vector.shape_cast %swap3A_289 : vector<1x16xf32> to vector<16xf32>
      %swap3A_291 = vector.shape_cast %get3A_286 : vector<16xf32> to vector<1x16xf32>
      tpu.vector_store %arg14[%swap3A_287, %swap3A_288], %swap3A_291 {strides = array<i32>} : memref<80x128xf32, #tpu.memory_space<vmem>>, vector<1x16xf32>,
      %scan3A_292 = arith.constant 0 : i32
      %scan3A_293 = arith.constant 3 : i32
      %scan3A_294 = arith.addi %scan3A_259, %scan3A_293 : i32
      %get3A_295 = arith.index_cast %scan3A_294 : i32 to index
      %get3A_296 = arith.constant 0 : index
      %get3A_297 = tpu.vector_load %arg12[%get3A_295, %get3A_296] {strides = array<i32>} : memref<80x16xf32, #tpu.memory_space<vmem>>, vector<1x16xf32>,
      %get3A_298 = vector.shape_cast %get3A_297 : vector<1x16xf32> to vector<16xf32>
      %swap3A_299 = arith.index_cast %scan3A_294 : i32 to index
      %swap3A_300 = arith.constant 0 : index
      %swap3A_301 = tpu.vector_load %arg14[%swap3A_299, %swap3A_300] {strides = array<i32>} : memref<80x128xf32, #tpu.memory_space<vmem>>, vector<1x16xf32>,
      %swap3A_302 = vector.shape_cast %swap3A_301 : vector<1x16xf32> to vector<16xf32>
      %swap3A_303 = vector.shape_cast %get3A_298 : vector<16xf32> to vector<1x16xf32>
      tpu.vector_store %arg14[%swap3A_299, %swap3A_300], %swap3A_303 {strides = array<i32>} : memref<80x128xf32, #tpu.memory_space<vmem>>, vector<1x16xf32>,
      %scan3A_304 = arith.constant 0 : i32
      %scan3A_305 = arith.constant 4 : i32
      %scan3A_306 = arith.addi %scan3A_259, %scan3A_305 : i32
      %get3A_307 = arith.index_cast %scan3A_306 : i32 to index
      %get3A_308 = arith.constant 0 : index
      %get3A_309 = tpu.vector_load %arg12[%get3A_307, %get3A_308] {strides = array<i32>} : memref<80x16xf32, #tpu.memory_space<vmem>>, vector<1x16xf32>,
      %get3A_310 = vector.shape_cast %get3A_309 : vector<1x16xf32> to vector<16xf32>
      %swap3A_311 = arith.index_cast %scan3A_306 : i32 to index
      %swap3A_312 = arith.constant 0 : index
      %swap3A_313 = tpu.vector_load %arg14[%swap3A_311, %swap3A_312] {strides = array<i32>} : memref<80x128xf32, #tpu.memory_space<vmem>>, vector<1x16xf32>,
      %swap3A_314 = vector.shape_cast %swap3A_313 : vector<1x16xf32> to vector<16xf32>
      %swap3A_315 = vector.shape_cast %get3A_310 : vector<16xf32> to vector<1x16xf32>
      tpu.vector_store %arg14[%swap3A_311, %swap3A_312], %swap3A_315 {strides = array<i32>} : memref<80x128xf32, #tpu.memory_space<vmem>>, vector<1x16xf32>,
      %scan3A_316 = arith.constant 0 : i32
      %scan3A_317 = arith.constant 5 : i32
      %scan3A_318 = arith.addi %scan3A_259, %scan3A_317 : i32
      %get3A_319 = arith.index_cast %scan3A_318 : i32 to index
      %get3A_320 = arith.constant 0 : index
      %get3A_321 = tpu.vector_load %arg12[%get3A_319, %get3A_320] {strides = array<i32>} : memref<80x16xf32, #tpu.memory_space<vmem>>, vector<1x16xf32>,
      %get3A_322 = vector.shape_cast %get3A_321 : vector<1x16xf32> to vector<16xf32>
      %swap3A_323 = arith.index_cast %scan3A_318 : i32 to index
      %swap3A_324 = arith.constant 0 : index
      %swap3A_325 = tpu.vector_load %arg14[%swap3A_323, %swap3A_324] {strides = array<i32>} : memref<80x128xf32, #tpu.memory_space<vmem>>, vector<1x16xf32>,
      %swap3A_326 = vector.shape_cast %swap3A_325 : vector<1x16xf32> to vector<16xf32>
      %swap3A_327 = vector.shape_cast %get3A_322 : vector<16xf32> to vector<1x16xf32>
      tpu.vector_store %arg14[%swap3A_323, %swap3A_324], %swap3A_327 {strides = array<i32>} : memref<80x128xf32, #tpu.memory_space<vmem>>, vector<1x16xf32>,
      %scan3A_328 = arith.constant 0 : i32
      %scan3A_329 = arith.constant 6 : i32
      %scan3A_330 = arith.addi %scan3A_259, %scan3A_329 : i32
      %get3A_331 = arith.index_cast %scan3A_330 : i32 to index
      %get3A_332 = arith.constant 0 : index
      %get3A_333 = tpu.vector_load %arg12[%get3A_331, %get3A_332] {strides = array<i32>} : memref<80x16xf32, #tpu.memory_space<vmem>>, vector<1x16xf32>,
      %get3A_334 = vector.shape_cast %get3A_333 : vector<1x16xf32> to vector<16xf32>
      %swap3A_335 = arith.index_cast %scan3A_330 : i32 to index
      %swap3A_336 = arith.constant 0 : index
      %swap3A_337 = tpu.vector_load %arg14[%swap3A_335, %swap3A_336] {strides = array<i32>} : memref<80x128xf32, #tpu.memory_space<vmem>>, vector<1x16xf32>,
      %swap3A_338 = vector.shape_cast %swap3A_337 : vector<1x16xf32> to vector<16xf32>
      %swap3A_339 = vector.shape_cast %get3A_334 : vector<16xf32> to vector<1x16xf32>
      tpu.vector_store %arg14[%swap3A_335, %swap3A_336], %swap3A_339 {strides = array<i32>} : memref<80x128xf32, #tpu.memory_space<vmem>>, vector<1x16xf32>,
      %scan3A_340 = arith.constant 0 : i32
      %scan3A_341 = arith.constant 7 : i32
      %scan3A_342 = arith.addi %scan3A_259, %scan3A_341 : i32
      %get3A_343 = arith.index_cast %scan3A_342 : i32 to index
      %get3A_344 = arith.constant 0 : index
      %get3A_345 = tpu.vector_load %arg12[%get3A_343, %get3A_344] {strides = array<i32>} : memref<80x16xf32, #tpu.memory_space<vmem>>, vector<1x16xf32>,
      %get3A_346 = vector.shape_cast %get3A_345 : vector<1x16xf32> to vector<16xf32>
      %swap3A_347 = arith.index_cast %scan3A_342 : i32 to index
      %swap3A_348 = arith.constant 0 : index
      %swap3A_349 = tpu.vector_load %arg14[%swap3A_347, %swap3A_348] {strides = array<i32>} : memref<80x128xf32, #tpu.memory_space<vmem>>, vector<1x16xf32>,
      %swap3A_350 = vector.shape_cast %swap3A_349 : vector<1x16xf32> to vector<16xf32>
      %swap3A_351 = vector.shape_cast %get3A_346 : vector<16xf32> to vector<1x16xf32>
      tpu.vector_store %arg14[%swap3A_347, %swap3A_348], %swap3A_351 {strides = array<i32>} : memref<80x128xf32, #tpu.memory_space<vmem>>, vector<1x16xf32>,
      %scan3A_352 = arith.constant 0 : i32
      scf.yield %scan3A_352 : i32
    }
    %scan3A_235 = arith.constant 80 : i32
    %dma_start3A_236 = arith.constant 0 : i32
    %dma_start3A_237 = arith.constant 0 : i32
    %dma_start3A_238 = tpu.memref_slice %arg9[%dma_start3A_236, %dma_start3A_237] : memref<10240x128xf32, #tpu.memory_space<vmem_shared>> -> memref<10240x128xf32, #tpu.memory_space<vmem_shared>>
    tpu.enqueue_indirect_dma source(%arg14 : memref<80x128xf32, #tpu.memory_space<vmem>>) target(%dma_start3A_238 : memref<10240x128xf32, #tpu.memory_space<vmem_shared>>) offsets(%arg10 : memref<80xi32, #tpu.memory_space<vmem>>) semaphore(%arg18 : memref<!tpu.dma_semaphore, #tpu.memory_space<semaphore_mem>>) {add = true}
    %dma_wait3A_239 = arith.constant 0 : i32
    %dma_wait3A_240 = arith.constant 0 : i32
    %dma_wait3A_241 = tpu.memref_slice %arg9[%dma_wait3A_239, %dma_wait3A_240] : memref<10240x128xf32, #tpu.memory_space<vmem_shared>> -> memref<10240x128xf32, #tpu.memory_space<vmem_shared>>
    tpu.wait_indirect_dma semaphore(%arg18 : memref<!tpu.dma_semaphore, #tpu.memory_space<semaphore_mem>>) src(%arg14 : memref<80x128xf32, #tpu.memory_space<vmem>>) dst(%dma_wait3A_241 : memref<10240x128xf32, #tpu.memory_space<vmem_shared>>)
    %dma_wait3A_242 = arith.constant 0 : i32
    %dma_wait3A_243 = arith.constant 0 : i32
    %dma_wait3A_244 = tpu.memref_slice %arg7[%dma_wait3A_242, %dma_wait3A_243] : memref<320000x16xf32, #tpu.memory_space<hbm>> -> memref<80x16xf32, #tpu.memory_space<hbm>>
    %dma_wait3A_245 = arith.constant 0 : i32
    %dma_wait3A_246 = arith.constant 0 : i32
    %dma_wait3A_247 = tpu.memref_slice %arg7[%dma_wait3A_245, %dma_wait3A_246] : memref<320000x16xf32, #tpu.memory_space<hbm>> -> memref<80x16xf32, #tpu.memory_space<hbm>>
    tpu.wait_dma2 semaphore(%arg17 : memref<!tpu.dma_semaphore, #tpu.memory_space<semaphore_mem>>) src(%dma_wait3A_247 : memref<80x16xf32, #tpu.memory_space<hbm>>) dst(%arg13 : memref<80x16xf32, #tpu.memory_space<vmem>>)
    %dma_wait3A_248 = arith.constant 0 : i32
    %dma_wait3A_249 = tpu.memref_slice %arg6[%dma_wait3A_248] : memref<320000xi32, #tpu.memory_space<hbm>> -> memref<80xi32, #tpu.memory_space<hbm>>
    %dma_wait3A_250 = arith.constant 0 : i32
    %dma_wait3A_251 = tpu.memref_slice %arg6[%dma_wait3A_250] : memref<320000xi32, #tpu.memory_space<hbm>> -> memref<80xi32, #tpu.memory_space<hbm>>
    tpu.wait_dma2 semaphore(%arg17 : memref<!tpu.dma_semaphore, #tpu.memory_space<semaphore_mem>>) src(%dma_wait3A_251 : memref<80xi32, #tpu.memory_space<hbm>>) dst(%arg11 : memref<80xi32, #tpu.memory_space<vmem>>)
    %barrier3A_252 = arith.constant 0 : index
    tpu.barrier barrier_id(%barrier3A_252)
    %scan3A_253 = arith.constant 0 : i32
    %scan3A_254 = arith.constant 4 : i32
    %scan3A_255 = arith.addi %scan3A_253, %scan3A_254 : i32
    %scan3A_256 = arith.constant 1 : i32
    scf.for %scan3A_259 = %scan3A_253 to %scan3A_255 step %scan3A_256  : i32 {
      %mul3A_260 = arith.constant 1 : i32
      %mul3A_261 = arith.muli %scan3A_259, %mul3A_260 : i32
      %add3A_262 = arith.constant 0 : i32
      %add3A_263 = arith.addi %add3A_262, %mul3A_261 : i32
      %mul3A_264 = arith.constant 2 : i32
      %mul3A_265 = arith.muli %mul3A_264, %add3A_263 : i32
      %mul3A_266 = arith.constant 80 : i32
      %mul3A_267 = arith.muli %mul3A_265, %mul3A_266 : i32
      %add3A_268 = arith.addi %mul3A_3, %mul3A_267 : i32
      %mul3A_269 = arith.constant 2 : i32
      %mul3A_270 = arith.muli %mul3A_269, %add3A_263 : i32
      %add3A_271 = arith.constant 1 : i32
      %add3A_272 = arith.addi %mul3A_270, %add3A_271 : i32
      %mul3A_273 = arith.constant 80 : i32
      %mul3A_274 = arith.muli %add3A_272, %mul3A_273 : i32
      %add3A_275 = arith.addi %mul3A_3, %mul3A_274 : i32
      %mul3A_276 = arith.constant 2 : i32
      %mul3A_277 = arith.muli %mul3A_276, %add3A_263 : i32
      %mul3A_278 = arith.constant 80 : i32
      %mul3A_279 = arith.muli %mul3A_277, %mul3A_278 : i32
      %add3A_280 = arith.addi %add3A_8, %mul3A_279 : i32
      %mul3A_281 = arith.constant 2 : i32
      %mul3A_282 = arith.muli %mul3A_281, %add3A_263 : i32
      %add3A_283 = arith.constant 1 : i32
      %add3A_284 = arith.addi %mul3A_282, %add3A_283 : i32
      %mul3A_285 = arith.constant 80 : i32
      %mul3A_286 = arith.muli %add3A_284, %mul3A_285 : i32
      %add3A_287 = arith.addi %add3A_8, %mul3A_286 : i32
      %dma_start3A_288 = arith.constant 0 : i32
      %dma_start3A_289 = tpu.memref_slice %arg9[%add3A_268, %dma_start3A_288] : memref<10240x128xf32, #tpu.memory_space<vmem_shared>> -> memref<80x128xf32, #tpu.memory_space<vmem_shared>>
      %dma_start3A_290 = arith.constant 0 : i32
      %dma_start3A_291 = tpu.memref_slice %arg9[%add3A_268, %dma_start3A_290] : memref<10240x128xf32, #tpu.memory_space<vmem_shared>> -> memref<80x128xf32, #tpu.memory_space<vmem_shared>>
      tpu.enqueue_dma source(%dma_start3A_291 : memref<80x128xf32, #tpu.memory_space<vmem_shared>>) target(%arg14 : memref<80x128xf32, #tpu.memory_space<vmem>>) target_semaphore(%arg16 : memref<!tpu.dma_semaphore, #tpu.memory_space<semaphore_mem>>)
      %dma_start3A_292 = arith.constant 0 : i32
      %dma_start3A_293 = tpu.memref_slice %arg9[%add3A_275, %dma_start3A_292] : memref<10240x128xf32, #tpu.memory_space<vmem_shared>> -> memref<80x128xf32, #tpu.memory_space<vmem_shared>>
      %dma_start3A_294 = arith.constant 0 : i32
      %dma_start3A_295 = tpu.memref_slice %arg9[%add3A_275, %dma_start3A_294] : memref<10240x128xf32, #tpu.memory_space<vmem_shared>> -> memref<80x128xf32, #tpu.memory_space<vmem_shared>>
      tpu.enqueue_dma source(%dma_start3A_295 : memref<80x128xf32, #tpu.memory_space<vmem_shared>>) target(%arg15 : memref<80x128xf32, #tpu.memory_space<vmem>>) target_semaphore(%arg17 : memref<!tpu.dma_semaphore, #tpu.memory_space<semaphore_mem>>)
      %dma_wait3A_296 = arith.constant 0 : i32
      %dma_wait3A_297 = tpu.memref_slice %arg9[%add3A_268, %dma_wait3A_296] : memref<10240x128xf32, #tpu.memory_space<vmem_shared>> -> memref<80x128xf32, #tpu.memory_space<vmem_shared>>
      %dma_wait3A_298 = arith.constant 0 : i32
      %dma_wait3A_299 = tpu.memref_slice %arg9[%add3A_268, %dma_wait3A_298] : memref<10240x128xf32, #tpu.memory_space<vmem_shared>> -> memref<80x128xf32, #tpu.memory_space<vmem_shared>>
      tpu.wait_dma2 semaphore(%arg16 : memref<!tpu.dma_semaphore, #tpu.memory_space<semaphore_mem>>) src(%dma_wait3A_299 : memref<80x128xf32, #tpu.memory_space<vmem_shared>>) dst(%arg14 : memref<80x128xf32, #tpu.memory_space<vmem>>)
      %dma_start3A_300 = arith.constant 2 : i32
      %dma_start3A_301 = arith.constant 0 : i32
      %dma_start3A_302 = tpu.memref_slice %arg8[%dma_start3A_300, %add3A_280, %dma_start3A_301] : memref<3x20480x128xf32, #tpu.memory_space<hbm>> -> memref<1x80x128xf32, #tpu.memory_space<hbm>>
      %dma_start3A_303 = tpu.memref_squeeze %dma_start3A_302 : memref<1x80x128xf32, #tpu.memory_space<hbm>> -> memref<80x128xf32, #tpu.memory_space<hbm>>
      %dma_start3A_304 = arith.constant 0 : i32
      %dma_start3A_305 = tpu.memref_slice %arg8[%dma_start3A_300, %add3A_280, %dma_start3A_304] : memref<3x20480x128xf32, #tpu.memory_space<hbm>> -> memref<1x80x128xf32, #tpu.memory_space<hbm>>
      %dma_start3A_306 = tpu.memref_squeeze %dma_start3A_305 : memref<1x80x128xf32, #tpu.memory_space<hbm>> -> memref<80x128xf32, #tpu.memory_space<hbm>>
      tpu.enqueue_dma source(%arg14 : memref<80x128xf32, #tpu.memory_space<vmem>>) target(%dma_start3A_306 : memref<80x128xf32, #tpu.memory_space<hbm>>) target_semaphore(%arg18 : memref<!tpu.dma_semaphore, #tpu.memory_space<semaphore_mem>>)
      %dma_wait3A_307 = arith.constant 0 : i32
      %dma_wait3A_308 = tpu.memref_slice %arg9[%add3A_275, %dma_wait3A_307] : memref<10240x128xf32, #tpu.memory_space<vmem_shared>> -> memref<80x128xf32, #tpu.memory_space<vmem_shared>>
      %dma_wait3A_309 = arith.constant 0 : i32
      %dma_wait3A_310 = tpu.memref_slice %arg9[%add3A_275, %dma_wait3A_309] : memref<10240x128xf32, #tpu.memory_space<vmem_shared>> -> memref<80x128xf32, #tpu.memory_space<vmem_shared>>
      tpu.wait_dma2 semaphore(%arg17 : memref<!tpu.dma_semaphore, #tpu.memory_space<semaphore_mem>>) src(%dma_wait3A_310 : memref<80x128xf32, #tpu.memory_space<vmem_shared>>) dst(%arg15 : memref<80x128xf32, #tpu.memory_space<vmem>>)
      %dma_start3A_311 = arith.constant 2 : i32
      %dma_start3A_312 = arith.constant 0 : i32
      %dma_start3A_313 = tpu.memref_slice %arg8[%dma_start3A_311, %add3A_287, %dma_start3A_312] : memref<3x20480x128xf32, #tpu.memory_space<hbm>> -> memref<1x80x128xf32, #tpu.memory_space<hbm>>
      %dma_start3A_314 = tpu.memref_squeeze %dma_start3A_313 : memref<1x80x128xf32, #tpu.memory_space<hbm>> -> memref<80x128xf32, #tpu.memory_space<hbm>>
      %dma_start3A_315 = arith.constant 0 : i32
      %dma_start3A_316 = tpu.memref_slice %arg8[%dma_start3A_311, %add3A_287, %dma_start3A_315] : memref<3x20480x128xf32, #tpu.memory_space<hbm>> -> memref<1x80x128xf32, #tpu.memory_space<hbm>>
      %dma_start3A_317 = tpu.memref_squeeze %dma_start3A_316 : memref<1x80x128xf32, #tpu.memory_space<hbm>> -> memref<80x128xf32, #tpu.memory_space<hbm>>
      tpu.enqueue_dma source(%arg15 : memref<80x128xf32, #tpu.memory_space<vmem>>) target(%dma_start3A_317 : memref<80x128xf32, #tpu.memory_space<hbm>>) target_semaphore(%arg18 : memref<!tpu.dma_semaphore, #tpu.memory_space<semaphore_mem>>)
      %dma_wait3A_318 = arith.constant 2 : i32
      %dma_wait3A_319 = arith.constant 0 : i32
      %dma_wait3A_320 = tpu.memref_slice %arg8[%dma_wait3A_318, %add3A_280, %dma_wait3A_319] : memref<3x20480x128xf32, #tpu.memory_space<hbm>> -> memref<1x80x128xf32, #tpu.memory_space<hbm>>
      %dma_wait3A_321 = tpu.memref_squeeze %dma_wait3A_320 : memref<1x80x128xf32, #tpu.memory_space<hbm>> -> memref<80x128xf32, #tpu.memory_space<hbm>>
      %dma_wait3A_322 = arith.constant 0 : i32
      %dma_wait3A_323 = tpu.memref_slice %arg8[%dma_wait3A_318, %add3A_280, %dma_wait3A_322] : memref<3x20480x128xf32, #tpu.memory_space<hbm>> -> memref<1x80x128xf32, #tpu.memory_space<hbm>>
      %dma_wait3A_324 = tpu.memref_squeeze %dma_wait3A_323 : memref<1x80x128xf32, #tpu.memory_space<hbm>> -> memref<80x128xf32, #tpu.memory_space<hbm>>
      tpu.wait_dma2 semaphore(%arg18 : memref<!tpu.dma_semaphore, #tpu.memory_space<semaphore_mem>>) src(%arg14 : memref<80x128xf32, #tpu.memory_space<vmem>>) dst(%dma_wait3A_324 : memref<80x128xf32, #tpu.memory_space<hbm>>)
      %dma_wait3A_325 = arith.constant 2 : i32
      %dma_wait3A_326 = arith.constant 0 : i32
      %dma_wait3A_327 = tpu.memref_slice %arg8[%dma_wait3A_325, %add3A_287, %dma_wait3A_326] : memref<3x20480x128xf32, #tpu.memory_space<hbm>> -> memref<1x80x128xf32, #tpu.memory_space<hbm>>
      %dma_wait3A_328 = tpu.memref_squeeze %dma_wait3A_327 : memref<1x80x128xf32, #tpu.memory_space<hbm>> -> memref<80x128xf32, #tpu.memory_space<hbm>>
      %dma_wait3A_329 = arith.constant 0 : i32
      %dma_wait3A_330 = tpu.memref_slice %arg8[%dma_wait3A_325, %add3A_287, %dma_wait3A_329] : memref<3x20480x128xf32, #tpu.memory_space<hbm>> -> memref<1x80x128xf32, #tpu.memory_space<hbm>>
      %dma_wait3A_331 = tpu.memref_squeeze %dma_wait3A_330 : memref<1x80x128xf32, #tpu.memory_space<hbm>> -> memref<80x128xf32, #tpu.memory_space<hbm>>
      tpu.wait_dma2 semaphore(%arg18 : memref<!tpu.dma_semaphore, #tpu.memory_space<semaphore_mem>>) src(%arg15 : memref<80x128xf32, #tpu.memory_space<vmem>>) dst(%dma_wait3A_331 : memref<80x128xf32, #tpu.memory_space<hbm>>)
    }
    %scan3A_257 = arith.constant 4 : i32
    %barrier3A_258 = arith.constant 0 : index
    tpu.barrier barrier_id(%barrier3A_258)
    return
  }
}

module attributes {stable_mosaic.version = 14 : i64} {
  func.func @hetero_gnn_tc_combine(%arg0: i32, %arg1: memref<3x2x1000x128xf32, #tpu.memory_space<vmem>>, %arg2: memref<3x2x1000x128xf32, #tpu.memory_space<vmem>>, %arg3: memref<1000x128xf32, #tpu.memory_space<vmem>>, %arg4: memref<1000x128xf32, #tpu.memory_space<vmem>>, %arg5: memref<3x128x128xf32, #tpu.memory_space<vmem>>, %arg6: memref<3x16x128xf32, #tpu.memory_space<vmem>>, %arg7: memref<3x128x128xf32, #tpu.memory_space<vmem>>, %arg8: memref<1x128xf32, #tpu.memory_space<vmem>>, %arg9: memref<1x128xf32, #tpu.memory_space<vmem>>, %arg10: memref<1000x128xf32, #tpu.memory_space<vmem>>, %arg11: memref<1000x128xf32, #tpu.memory_space<vmem>>) attributes {dimension_semantics = [#tpu.dimension_semantics<arbitrary>], iteration_bounds = array<i64: 10>, scalar_prefetch = 0 : i64, scratch_operands = 0 : i64, tpu.core_type = #tpu.core_type<tc>, window_params = [{transform_indices = @transform_0, window_bounds = array<i64: 3, 2, 1000, 128>}, {transform_indices = @transform_1, window_bounds = array<i64: 3, 2, 1000, 128>}, {transform_indices = @transform_2, window_bounds = array<i64: 1000, 128>}, {transform_indices = @transform_3, window_bounds = array<i64: 1000, 128>}, {pipeline_mode = #tpu.pipeline_mode<synchronous>, transform_indices = @transform_4, window_bounds = array<i64: 3, 128, 128>}, {pipeline_mode = #tpu.pipeline_mode<synchronous>, transform_indices = @transform_5, window_bounds = array<i64: 3, 16, 128>}, {pipeline_mode = #tpu.pipeline_mode<synchronous>, transform_indices = @transform_6, window_bounds = array<i64: 3, 128, 128>}, {pipeline_mode = #tpu.pipeline_mode<synchronous>, transform_indices = @transform_7, window_bounds = array<i64: 1, 128>}, {pipeline_mode = #tpu.pipeline_mode<synchronous>, transform_indices = @transform_8, window_bounds = array<i64: 1, 128>}, {transform_indices = @transform_9, window_bounds = array<i64: 1000, 128>}, {transform_indices = @transform_10, window_bounds = array<i64: 1000, 128>}]} {
    %get3A = arith.constant 0 : index
    %get3A_0 = arith.constant 0 : index
    %get3A_1 = arith.constant 0 : index
    %get3A_2 = arith.constant 0 : index
    %get3A_3 = vector.load %arg1[%get3A, %get3A_0, %get3A_1, %get3A_2] : memref<3x2x1000x128xf32, #tpu.memory_space<vmem>>, vector<1x1x1000x128xf32>
    %get3A_4 = vector.shape_cast %get3A_3 : vector<1x1x1000x128xf32> to vector<1000x128xf32>
    %get3A_5 = arith.constant 0 : index
    %get3A_6 = arith.constant 1 : index
    %get3A_7 = arith.constant 0 : index
    %get3A_8 = arith.constant 0 : index
    %get3A_9 = vector.load %arg1[%get3A_5, %get3A_6, %get3A_7, %get3A_8] : memref<3x2x1000x128xf32, #tpu.memory_space<vmem>>, vector<1x1x1000x128xf32>
    %get3A_10 = vector.shape_cast %get3A_9 : vector<1x1x1000x128xf32> to vector<1000x128xf32>
    %add3A = arith.addf %get3A_4, %get3A_10 : vector<1000x128xf32>
    %get3A_11 = arith.constant 0 : index
    %get3A_12 = arith.constant 0 : index
    %get3A_13 = arith.constant 0 : index
    %get3A_14 = vector.load %arg5[%get3A_11, %get3A_12, %get3A_13] : memref<3x128x128xf32, #tpu.memory_space<vmem>>, vector<1x128x128xf32>
    %get3A_15 = vector.shape_cast %get3A_14 : vector<1x128x128xf32> to vector<128x128xf32>
    %dot_general3A = arith.constant dense<0.000000e+00> : vector<1000x128xf32>
    %dot_general3A_16 = tpu.matmul %add3A, %get3A_15, %dot_general3A {dimension_numbers = #tpu.dot_dimension_numbers<[1], [0], [0], [1], [0, 0, 1, 1], [], []>, transpose_lhs_hint = false} : vector<1000x128xf32>, vector<128x128xf32>, vector<1000x128xf32> -> vector<1000x128xf32>
    %get3A_17 = arith.constant 1 : index
    %get3A_18 = arith.constant 0 : index
    %get3A_19 = arith.constant 0 : index
    %get3A_20 = arith.constant 0 : index
    %get3A_21 = vector.load %arg1[%get3A_17, %get3A_18, %get3A_19, %get3A_20] : memref<3x2x1000x128xf32, #tpu.memory_space<vmem>>, vector<1x1x1000x128xf32>
    %get3A_22 = vector.shape_cast %get3A_21 : vector<1x1x1000x128xf32> to vector<1000x128xf32>
    %get3A_23 = arith.constant 1 : index
    %get3A_24 = arith.constant 1 : index
    %get3A_25 = arith.constant 0 : index
    %get3A_26 = arith.constant 0 : index
    %get3A_27 = vector.load %arg1[%get3A_23, %get3A_24, %get3A_25, %get3A_26] : memref<3x2x1000x128xf32, #tpu.memory_space<vmem>>, vector<1x1x1000x128xf32>
    %get3A_28 = vector.shape_cast %get3A_27 : vector<1x1x1000x128xf32> to vector<1000x128xf32>
    %add3A_29 = arith.addf %get3A_22, %get3A_28 : vector<1000x128xf32>
    %get3A_30 = arith.constant 1 : index
    %get3A_31 = arith.constant 0 : index
    %get3A_32 = arith.constant 0 : index
    %get3A_33 = vector.load %arg5[%get3A_30, %get3A_31, %get3A_32] : memref<3x128x128xf32, #tpu.memory_space<vmem>>, vector<1x128x128xf32>
    %get3A_34 = vector.shape_cast %get3A_33 : vector<1x128x128xf32> to vector<128x128xf32>
    %dot_general3A_35 = arith.constant dense<0.000000e+00> : vector<1000x128xf32>
    %dot_general3A_36 = tpu.matmul %add3A_29, %get3A_34, %dot_general3A_35 {dimension_numbers = #tpu.dot_dimension_numbers<[1], [0], [0], [1], [0, 0, 1, 1], [], []>, transpose_lhs_hint = false} : vector<1000x128xf32>, vector<128x128xf32>, vector<1000x128xf32> -> vector<1000x128xf32>
    %add3A_37 = arith.addf %dot_general3A_16, %dot_general3A_36 : vector<1000x128xf32>
    %get3A_38 = arith.constant 0 : index
    %get3A_39 = arith.constant 0 : index
    %get3A_40 = arith.constant 0 : index
    %get3A_41 = arith.constant 0 : index
    %get3A_42 = vector.load %arg2[%get3A_38, %get3A_39, %get3A_40, %get3A_41] : memref<3x2x1000x128xf32, #tpu.memory_space<vmem>>, vector<1x1x1000x16xf32>
    %get3A_43 = vector.shape_cast %get3A_42 : vector<1x1x1000x16xf32> to vector<1000x16xf32>
    %get3A_44 = arith.constant 0 : index
    %get3A_45 = arith.constant 1 : index
    %get3A_46 = arith.constant 0 : index
    %get3A_47 = arith.constant 0 : index
    %get3A_48 = vector.load %arg2[%get3A_44, %get3A_45, %get3A_46, %get3A_47] : memref<3x2x1000x128xf32, #tpu.memory_space<vmem>>, vector<1x1x1000x16xf32>
    %get3A_49 = vector.shape_cast %get3A_48 : vector<1x1x1000x16xf32> to vector<1000x16xf32>
    %add3A_50 = arith.addf %get3A_43, %get3A_49 : vector<1000x16xf32>
    %get3A_51 = arith.constant 0 : index
    %get3A_52 = arith.constant 0 : index
    %get3A_53 = arith.constant 0 : index
    %get3A_54 = vector.load %arg6[%get3A_51, %get3A_52, %get3A_53] : memref<3x16x128xf32, #tpu.memory_space<vmem>>, vector<1x16x128xf32>
    %get3A_55 = vector.shape_cast %get3A_54 : vector<1x16x128xf32> to vector<16x128xf32>
    %dot_general3A_56 = arith.constant dense<0.000000e+00> : vector<1000x128xf32>
    %dot_general3A_57 = tpu.matmul %add3A_50, %get3A_55, %dot_general3A_56 {dimension_numbers = #tpu.dot_dimension_numbers<[1], [0], [0], [1], [0, 0, 1, 1], [], []>, transpose_lhs_hint = false} : vector<1000x16xf32>, vector<16x128xf32>, vector<1000x128xf32> -> vector<1000x128xf32>
    %add3A_58 = arith.addf %add3A_37, %dot_general3A_57 : vector<1000x128xf32>
    %get3A_59 = arith.constant 1 : index
    %get3A_60 = arith.constant 0 : index
    %get3A_61 = arith.constant 0 : index
    %get3A_62 = arith.constant 0 : index
    %get3A_63 = vector.load %arg2[%get3A_59, %get3A_60, %get3A_61, %get3A_62] : memref<3x2x1000x128xf32, #tpu.memory_space<vmem>>, vector<1x1x1000x16xf32>
    %get3A_64 = vector.shape_cast %get3A_63 : vector<1x1x1000x16xf32> to vector<1000x16xf32>
    %get3A_65 = arith.constant 1 : index
    %get3A_66 = arith.constant 1 : index
    %get3A_67 = arith.constant 0 : index
    %get3A_68 = arith.constant 0 : index
    %get3A_69 = vector.load %arg2[%get3A_65, %get3A_66, %get3A_67, %get3A_68] : memref<3x2x1000x128xf32, #tpu.memory_space<vmem>>, vector<1x1x1000x16xf32>
    %get3A_70 = vector.shape_cast %get3A_69 : vector<1x1x1000x16xf32> to vector<1000x16xf32>
    %add3A_71 = arith.addf %get3A_64, %get3A_70 : vector<1000x16xf32>
    %get3A_72 = arith.constant 1 : index
    %get3A_73 = arith.constant 0 : index
    %get3A_74 = arith.constant 0 : index
    %get3A_75 = vector.load %arg6[%get3A_72, %get3A_73, %get3A_74] : memref<3x16x128xf32, #tpu.memory_space<vmem>>, vector<1x16x128xf32>
    %get3A_76 = vector.shape_cast %get3A_75 : vector<1x16x128xf32> to vector<16x128xf32>
    %dot_general3A_77 = arith.constant dense<0.000000e+00> : vector<1000x128xf32>
    %dot_general3A_78 = tpu.matmul %add3A_71, %get3A_76, %dot_general3A_77 {dimension_numbers = #tpu.dot_dimension_numbers<[1], [0], [0], [1], [0, 0, 1, 1], [], []>, transpose_lhs_hint = false} : vector<1000x16xf32>, vector<16x128xf32>, vector<1000x128xf32> -> vector<1000x128xf32>
    %add3A_79 = arith.addf %add3A_58, %dot_general3A_78 : vector<1000x128xf32>
    %get3A_80 = arith.constant 0 : index
    %get3A_81 = arith.constant 0 : index
    %get3A_82 = vector.load %arg4[%get3A_80, %get3A_81] : memref<1000x128xf32, #tpu.memory_space<vmem>>, vector<1000x128xf32>
    %get3A_83 = arith.constant 0 : index
    %get3A_84 = arith.constant 0 : index
    %get3A_85 = arith.constant 0 : index
    %get3A_86 = vector.load %arg7[%get3A_83, %get3A_84, %get3A_85] : memref<3x128x128xf32, #tpu.memory_space<vmem>>, vector<1x128x128xf32>
    %get3A_87 = vector.shape_cast %get3A_86 : vector<1x128x128xf32> to vector<128x128xf32>
    %get3A_88 = arith.constant 1 : index
    %get3A_89 = arith.constant 0 : index
    %get3A_90 = arith.constant 0 : index
    %get3A_91 = vector.load %arg7[%get3A_88, %get3A_89, %get3A_90] : memref<3x128x128xf32, #tpu.memory_space<vmem>>, vector<1x128x128xf32>
    %get3A_92 = vector.shape_cast %get3A_91 : vector<1x128x128xf32> to vector<128x128xf32>
    %add3A_93 = arith.addf %get3A_87, %get3A_92 : vector<128x128xf32>
    %dot_general3A_94 = arith.constant dense<0.000000e+00> : vector<1000x128xf32>
    %dot_general3A_95 = tpu.matmul %get3A_82, %add3A_93, %dot_general3A_94 {dimension_numbers = #tpu.dot_dimension_numbers<[1], [0], [0], [1], [0, 0, 1, 1], [], []>, transpose_lhs_hint = false} : vector<1000x128xf32>, vector<128x128xf32>, vector<1000x128xf32> -> vector<1000x128xf32>
    %add3A_96 = arith.addf %add3A_79, %dot_general3A_95 : vector<1000x128xf32>
    %get3A_97 = arith.constant 0 : index
    %get3A_98 = arith.constant 0 : index
    %get3A_99 = vector.load %arg9[%get3A_97, %get3A_98] : memref<1x128xf32, #tpu.memory_space<vmem>>, vector<1x128xf32>
    %add3A_100 = vector.broadcast %get3A_99 : vector<1x128xf32> to vector<1000x128xf32>
    %add3A_101 = arith.addf %add3A_96, %add3A_100 : vector<1000x128xf32>
    %swap3A = arith.constant 0 : index
    %swap3A_102 = arith.constant 0 : index
    %swap3A_103 = vector.load %arg11[%swap3A, %swap3A_102] : memref<1000x128xf32, #tpu.memory_space<vmem>>, vector<1000x128xf32>
    tpu.vector_store %arg11[%swap3A, %swap3A_102], %add3A_101 {strides = array<i32>} : memref<1000x128xf32, #tpu.memory_space<vmem>>, vector<1000x128xf32>,
    %get3A_104 = arith.constant 2 : index
    %get3A_105 = arith.constant 0 : index
    %get3A_106 = arith.constant 0 : index
    %get3A_107 = arith.constant 0 : index
    %get3A_108 = vector.load %arg1[%get3A_104, %get3A_105, %get3A_106, %get3A_107] : memref<3x2x1000x128xf32, #tpu.memory_space<vmem>>, vector<1x1x1000x128xf32>
    %get3A_109 = vector.shape_cast %get3A_108 : vector<1x1x1000x128xf32> to vector<1000x128xf32>
    %get3A_110 = arith.constant 2 : index
    %get3A_111 = arith.constant 1 : index
    %get3A_112 = arith.constant 0 : index
    %get3A_113 = arith.constant 0 : index
    %get3A_114 = vector.load %arg1[%get3A_110, %get3A_111, %get3A_112, %get3A_113] : memref<3x2x1000x128xf32, #tpu.memory_space<vmem>>, vector<1x1x1000x128xf32>
    %get3A_115 = vector.shape_cast %get3A_114 : vector<1x1x1000x128xf32> to vector<1000x128xf32>
    %add3A_116 = arith.addf %get3A_109, %get3A_115 : vector<1000x128xf32>
    %get3A_117 = arith.constant 2 : index
    %get3A_118 = arith.constant 0 : index
    %get3A_119 = arith.constant 0 : index
    %get3A_120 = vector.load %arg5[%get3A_117, %get3A_118, %get3A_119] : memref<3x128x128xf32, #tpu.memory_space<vmem>>, vector<1x128x128xf32>
    %get3A_121 = vector.shape_cast %get3A_120 : vector<1x128x128xf32> to vector<128x128xf32>
    %dot_general3A_122 = arith.constant dense<0.000000e+00> : vector<1000x128xf32>
    %dot_general3A_123 = tpu.matmul %add3A_116, %get3A_121, %dot_general3A_122 {dimension_numbers = #tpu.dot_dimension_numbers<[1], [0], [0], [1], [0, 0, 1, 1], [], []>, transpose_lhs_hint = false} : vector<1000x128xf32>, vector<128x128xf32>, vector<1000x128xf32> -> vector<1000x128xf32>
    %get3A_124 = arith.constant 2 : index
    %get3A_125 = arith.constant 0 : index
    %get3A_126 = arith.constant 0 : index
    %get3A_127 = arith.constant 0 : index
    %get3A_128 = vector.load %arg2[%get3A_124, %get3A_125, %get3A_126, %get3A_127] : memref<3x2x1000x128xf32, #tpu.memory_space<vmem>>, vector<1x1x1000x16xf32>
    %get3A_129 = vector.shape_cast %get3A_128 : vector<1x1x1000x16xf32> to vector<1000x16xf32>
    %get3A_130 = arith.constant 2 : index
    %get3A_131 = arith.constant 1 : index
    %get3A_132 = arith.constant 0 : index
    %get3A_133 = arith.constant 0 : index
    %get3A_134 = vector.load %arg2[%get3A_130, %get3A_131, %get3A_132, %get3A_133] : memref<3x2x1000x128xf32, #tpu.memory_space<vmem>>, vector<1x1x1000x16xf32>
    %get3A_135 = vector.shape_cast %get3A_134 : vector<1x1x1000x16xf32> to vector<1000x16xf32>
    %add3A_136 = arith.addf %get3A_129, %get3A_135 : vector<1000x16xf32>
    %get3A_137 = arith.constant 2 : index
    %get3A_138 = arith.constant 0 : index
    %get3A_139 = arith.constant 0 : index
    %get3A_140 = vector.load %arg6[%get3A_137, %get3A_138, %get3A_139] : memref<3x16x128xf32, #tpu.memory_space<vmem>>, vector<1x16x128xf32>
    %get3A_141 = vector.shape_cast %get3A_140 : vector<1x16x128xf32> to vector<16x128xf32>
    %dot_general3A_142 = arith.constant dense<0.000000e+00> : vector<1000x128xf32>
    %dot_general3A_143 = tpu.matmul %add3A_136, %get3A_141, %dot_general3A_142 {dimension_numbers = #tpu.dot_dimension_numbers<[1], [0], [0], [1], [0, 0, 1, 1], [], []>, transpose_lhs_hint = false} : vector<1000x16xf32>, vector<16x128xf32>, vector<1000x128xf32> -> vector<1000x128xf32>
    %add3A_144 = arith.addf %dot_general3A_123, %dot_general3A_143 : vector<1000x128xf32>
    %get3A_145 = arith.constant 0 : index
    %get3A_146 = arith.constant 0 : index
    %get3A_147 = vector.load %arg3[%get3A_145, %get3A_146] : memref<1000x128xf32, #tpu.memory_space<vmem>>, vector<1000x128xf32>
    %get3A_148 = arith.constant 2 : index
    %get3A_149 = arith.constant 0 : index
    %get3A_150 = arith.constant 0 : index
    %get3A_151 = vector.load %arg7[%get3A_148, %get3A_149, %get3A_150] : memref<3x128x128xf32, #tpu.memory_space<vmem>>, vector<1x128x128xf32>
    %get3A_152 = vector.shape_cast %get3A_151 : vector<1x128x128xf32> to vector<128x128xf32>
    %dot_general3A_153 = arith.constant dense<0.000000e+00> : vector<1000x128xf32>
    %dot_general3A_154 = tpu.matmul %get3A_147, %get3A_152, %dot_general3A_153 {dimension_numbers = #tpu.dot_dimension_numbers<[1], [0], [0], [1], [0, 0, 1, 1], [], []>, transpose_lhs_hint = false} : vector<1000x128xf32>, vector<128x128xf32>, vector<1000x128xf32> -> vector<1000x128xf32>
    %add3A_155 = arith.addf %add3A_144, %dot_general3A_154 : vector<1000x128xf32>
    %get3A_156 = arith.constant 0 : index
    %get3A_157 = arith.constant 0 : index
    %get3A_158 = vector.load %arg8[%get3A_156, %get3A_157] : memref<1x128xf32, #tpu.memory_space<vmem>>, vector<1x128xf32>
    %add3A_159 = vector.broadcast %get3A_158 : vector<1x128xf32> to vector<1000x128xf32>
    %add3A_160 = arith.addf %add3A_155, %add3A_159 : vector<1000x128xf32>
    %swap3A_161 = arith.constant 0 : index
    %swap3A_162 = arith.constant 0 : index
    %swap3A_163 = vector.load %arg10[%swap3A_161, %swap3A_162] : memref<1000x128xf32, #tpu.memory_space<vmem>>, vector<1000x128xf32>
    tpu.vector_store %arg10[%swap3A_161, %swap3A_162], %add3A_160 {strides = array<i32>} : memref<1000x128xf32, #tpu.memory_space<vmem>>, vector<1000x128xf32>,
    return
  }
  func.func @transform_0(%arg0: i32) -> (i32, i32, i32, i32) {
    %c0_i32 = arith.constant 0 : i32
    %c0_i32_0 = arith.constant 0 : i32
    %c0_i32_1 = arith.constant 0 : i32
    %c0_i32_2 = arith.constant 0 : i32
    return %c0_i32, %c0_i32_0, %arg0, %c0_i32_1 : i32, i32, i32, i32
  }
  func.func @transform_1(%arg0: i32) -> (i32, i32, i32, i32) {
    %c0_i32 = arith.constant 0 : i32
    %c0_i32_0 = arith.constant 0 : i32
    %c0_i32_1 = arith.constant 0 : i32
    %c0_i32_2 = arith.constant 0 : i32
    return %c0_i32, %c0_i32_0, %arg0, %c0_i32_1 : i32, i32, i32, i32
  }
  func.func @transform_2(%arg0: i32) -> (i32, i32) {
    %c0_i32 = arith.constant 0 : i32
    %c0_i32_0 = arith.constant 0 : i32
    return %arg0, %c0_i32 : i32, i32
  }
  func.func @transform_3(%arg0: i32) -> (i32, i32) {
    %c0_i32 = arith.constant 0 : i32
    %c0_i32_0 = arith.constant 0 : i32
    return %arg0, %c0_i32 : i32, i32
  }
  func.func @transform_4(%arg0: i32) -> (i32, i32, i32) {
    %c0_i32 = arith.constant 0 : i32
    %c0_i32_0 = arith.constant 0 : i32
    %c0_i32_1 = arith.constant 0 : i32
    %c0_i32_2 = arith.constant 0 : i32
    return %c0_i32, %c0_i32_0, %c0_i32_1 : i32, i32, i32
  }
  func.func @transform_5(%arg0: i32) -> (i32, i32, i32) {
    %c0_i32 = arith.constant 0 : i32
    %c0_i32_0 = arith.constant 0 : i32
    %c0_i32_1 = arith.constant 0 : i32
    %c0_i32_2 = arith.constant 0 : i32
    return %c0_i32, %c0_i32_0, %c0_i32_1 : i32, i32, i32
  }
  func.func @transform_6(%arg0: i32) -> (i32, i32, i32) {
    %c0_i32 = arith.constant 0 : i32
    %c0_i32_0 = arith.constant 0 : i32
    %c0_i32_1 = arith.constant 0 : i32
    %c0_i32_2 = arith.constant 0 : i32
    return %c0_i32, %c0_i32_0, %c0_i32_1 : i32, i32, i32
  }
  func.func @transform_7(%arg0: i32) -> (i32, i32) {
    %c0_i32 = arith.constant 0 : i32
    %c0_i32_0 = arith.constant 0 : i32
    %c0_i32_1 = arith.constant 0 : i32
    return %c0_i32, %c0_i32_0 : i32, i32
  }
  func.func @transform_8(%arg0: i32) -> (i32, i32) {
    %c0_i32 = arith.constant 0 : i32
    %c0_i32_0 = arith.constant 0 : i32
    %c0_i32_1 = arith.constant 0 : i32
    return %c0_i32, %c0_i32_0 : i32, i32
  }
  func.func @transform_9(%arg0: i32) -> (i32, i32) {
    %c0_i32 = arith.constant 0 : i32
    %c0_i32_0 = arith.constant 0 : i32
    return %arg0, %c0_i32 : i32, i32
  }
  func.func @transform_10(%arg0: i32) -> (i32, i32) {
    %c0_i32 = arith.constant 0 : i32
    %c0_i32_0 = arith.constant 0 : i32
    return %arg0, %c0_i32 : i32, i32
  }
}

</mosaic_0001>

<sc_bundles>
// kernel: hetero_gnn_sce.3.cloned.1.call-start
scs
__scs_entry_jumppad:
0x0: {  	(pc) =	sbr.rel $0x88, $3  }
0x1: {  	(tag) =	ssettag $0x0;
	lr =	simm.s32 $0x1  }
0x2: {  	[smem:$0x3F8D] =	sst lr;
	_ =	strace $0xD0000000  }
0x3: {  	_ = 	snop  }
0x4: {  	_ = 	snop  }
0x5: {  	_ = 	snop  }
0x6: {  	_ = 	snop  }
0x7: {  	_ = 	snop  }
__scs_overlays_trampoline_lowered:
0x8: {  	[smem:$0x3F9C] =	sst s0  }
0x9: {  	[smem:$0x3F9D] =	sst s1  }
0xa: {  	[smem:$0x3F9E] =	sst s2  }
0xb: {  	[smem:$0x3F9F] =	sst s3  }
0xc: {  	[smem:$0x3FA0] =	sst s4  }
0xd: {  	[smem:$0x3FA1] =	sst s5  }
0xe: {  	[smem:$0x3FA2] =	sst s6  }
0xf: {  	[smem:$0x3FA3] =	sst s7  }
0x10: {  	[smem:$0x3FA4] =	sst s8  }
0x11: {  	[smem:$0x3FA5] =	sst s9;
	s0 =	simm.s32 @!p0 $0x0  }
0x12: {  	s1 =	sld [smem:$0x3F8B];
	s0 =	simm.s32 @p0 $0x1  }
0x13: {  	[smem:$0x3FA6] =	sst s0;
	s0 =	simm.s32 @!p1 $0x0  }
0x14: {  	s2 =	sld [smem:$0x3F8A];
	s0 =	simm.s32 @p1 $0x1  }
0x15: {  	[smem:$0x3FA7] =	sst s0;
	s0 =	simm.s32 @!p2 $0x0  }
0x16: {  	s3 =	sld [smem:$0x3FDB];
	s0 =	simm.s32 @p2 $0x1  }
0x17: {  	s4 =	simm.s32 $0x1BF5;
	[smem:$0x3FA9] =	sst s0  }
0x18: {  	s0 =	sld [smem:$0x3F8C];
	_ =	swait.ge [sflag:s4], $0x0  }
0x19: {  	s7 =	sld [smem:$0x3F8D]  }
0x1a: {  	s8 =	sadd.s32 $0xFFFFE003, lr  }
0x1b: {  	s9 =	sadd.s32 $0xFFFFFEF7, lr;
	s5 =	simm.s32 $0xFFFFFFFF;
	p2 =	slt.u32 s8, $0xFFFFF086  }
0x1c: {  	p1 =	slt.u32 s9, $0xF7A;
	s5 =	simm.s32 @!p2 $0x0  }
0x1d: {  	s5 =	simm.s32 @p1 $0x1;
	p0 =	seq.s32 s7, s2  }
0x1e: {  	s7 =	smul.u32 @!p0 $0xF7A, s2;
	p2 =	seq.s32 @!p0 s5, $0x0  }
0x1f: {  	s9 =	smul.u32 $0xF7A, s1;
	s8 =	simm.s32 @!p0 $0x1BF5;
	p2 =	por !p2, p0  }
0x20: {  	[sflag:s8] =	ssyncset.s32 @!p0 $0xFFFFF086;
	s6 =	sadd.s32 @!p0 s3, s7;
	s7 =	simm.s32 @!p0 $0x108  }
0x21: {  	s3 =	sadd.s32 s3, s9;
	s6 =	sadd.s32 @!p0 $0x88, s6;
	s7 =	simm.s32 @p2 $0x1082  }
0x22: {  	[simem:s7], [sflag:s8] =	dma.local @!p0 [hbm:s6], $0xF7A  }
0x23: {  	s9 =	sor.u32 $0xD0000000, s2;
	s6 =	simm.s32 $0x108;
	_ =	swait.ge @!p0 [sflag:s8], $0x0  }
0x24: {  	s3 =	sadd.s32 $0x88, s3;
	s6 =	simm.s32 @!p1 $0x1082;
	[sflag:s4] =	ssyncset.s32 $0xFFFFF086  }
0x25: {  	[simem:s6], [sflag:s4] =	dma.local [hbm:s3], $0xF7A  }
0x26: {  	[smem:$0x3F8D] =	sst s1;
	(tag) =	ssettag s2;
	_ =	strace s9  }
0x27: {  	s1 =	sld [smem:$0x3F9D]  }
0x28: {  	s2 =	sld [smem:$0x3F9E]  }
0x29: {  	s4 =	sld [smem:$0x3FA0]  }
0x2a: {  	p0 =	seq.s32 s5, $0x0;
	s5 =	sld [smem:$0x3FA1]  }
0x2b: {  	s6 =	sld [smem:$0x3FA2]  }
0x2c: {  	s7 =	sld [smem:$0x3FA3]  }
0x2d: {  	s3 =	simm.s32 $0x108;
	s8 =	sld [smem:$0x3FA4]  }
0x2e: {  	s3 =	simm.s32 @!p0 $0x1082;
	s9 =	sld [smem:$0x3FA5]  }
0x2f: {  	lr =	sadd.s32 s0, s3;
	s0 =	sld [smem:$0x3F9C]  }
0x30: {  	s3 =	sld [smem:$0x3F9F]  }
0x31: {  	[smem:$0x3FA8] =	sst s10  }
0x32: {  	s10 =	sld [smem:$0x3FA6];
	_ =	sdelay $0x3  }
0x33: {  	p0 =	seq.s32 s10, $0x1;
	s10 =	sld [smem:$0x3FA8];
	_ =	sdelay $0x3  }
0x34: {  	[smem:$0x3FA8] =	sst s10  }
0x35: {  	s10 =	sld [smem:$0x3FA7];
	_ =	sdelay $0x3  }
0x36: {  	p1 =	seq.s32 s10, $0x1;
	s10 =	sld [smem:$0x3FA8];
	_ =	sdelay $0x3  }
0x37: {  	[smem:$0x3FA8] =	sst s10  }
0x38: {  	s10 =	sld [smem:$0x3FA9]  }
0x39: {  	_ = 	snop;
	(pc) =	sbr.ind lr, $3  }
0x3a: {  	_ = 	snop  }
0x3b: {  	_ = 	snop  }
0x3c: {  	p2 =	seq.s32 s10, $0x1;
	s10 =	sld [smem:$0x3FA8]  }
0x3d: {  	_ =	shalt  }
0x3e: {  	_ =	shalt  }
0x3f: {  	_ =	shalt  }
0x40: {  	_ =	shalt  }
0x41: {  	_ =	shalt  }
0x42: {  	_ =	shalt  }
0x43: {  	_ =	shalt  }
0x44: {  	_ =	shalt  }
0x45: {  	_ =	shalt  }
0x46: {  	_ =	shalt  }
0x47: {  	_ =	shalt  }
0x48: {  	_ =	shalt  }
0x49: {  	_ =	shalt  }
0x4a: {  	_ =	shalt  }
0x4b: {  	_ =	shalt  }
0x4c: {  	_ =	shalt  }
0x4d: {  	_ =	shalt  }
0x4e: {  	_ =	shalt  }
0x4f: {  	_ =	shalt  }
0x50: {  	_ =	shalt  }
0x51: {  	_ =	shalt  }
0x52: {  	_ =	shalt  }
0x53: {  	_ =	shalt  }
0x54: {  	_ =	shalt  }
0x55: {  	_ =	shalt  }
0x56: {  	_ =	shalt  }
0x57: {  	_ =	shalt  }
0x58: {  	_ =	shalt  }
0x59: {  	_ =	shalt  }
0x5a: {  	_ =	shalt  }
0x5b: {  	_ =	shalt  }
0x5c: {  	_ =	shalt  }
0x5d: {  	_ =	shalt  }
0x5e: {  	_ =	shalt  }
0x5f: {  	_ =	shalt  }
0x60: {  	_ =	shalt  }
0x61: {  	_ =	shalt  }
0x62: {  	_ =	shalt  }
0x63: {  	_ =	shalt  }
0x64: {  	_ =	shalt  }
0x65: {  	_ =	shalt  }
0x66: {  	_ =	shalt  }
0x67: {  	_ =	shalt  }
0x68: {  	_ =	shalt  }
0x69: {  	_ =	shalt  }
0x6a: {  	_ =	shalt  }
0x6b: {  	_ =	shalt  }
0x6c: {  	_ =	shalt  }
0x6d: {  	_ =	shalt  }
0x6e: {  	_ =	shalt  }
0x6f: {  	_ =	shalt  }
0x70: {  	_ =	shalt  }
0x71: {  	_ =	shalt  }
0x72: {  	_ =	shalt  }
0x73: {  	_ =	shalt  }
0x74: {  	_ =	shalt  }
0x75: {  	_ =	shalt  }
0x76: {  	_ =	shalt  }
0x77: {  	_ =	shalt  }
0x78: {  	_ =	shalt  }
0x79: {  	_ =	shalt  }
0x7a: {  	_ =	shalt  }
0x7b: {  	_ =	shalt  }
0x7c: {  	_ =	shalt  }
0x7d: {  	_ =	shalt  }
0x7e: {  	_ =	shalt  }
0x7f: {  	_ =	shalt  }
0x80: {  	_ =	shalt  }
0x81: {  	_ =	shalt  }
0x82: {  	_ =	shalt  }
0x83: {  	_ =	shalt  }
0x84: {  	_ =	shalt  }
0x85: {  	_ =	shalt  }
0x86: {  	_ =	shalt  }
0x87: {  	_ =	shalt  }
.Lfunc_end0:
.L_simem_size_0:
called_computation.1_lowered:
.L_overlay_start_0:
0x88: {  	s2 =	sld [smem:$0x3FD9]  }
0x89: {  	s3 =	sld [smem:$0x3FFE];
	_ =	sdelay $0x1  }
0x8a: {  	s1 =	srdreg.scid  }
0x8b: {  	s0 =	sand.u32 $0x1, s1  }
0x8c: {  	s15 =	sshll.u32 s0, $0xA;
	s2 =	sadd.s32 s3, s2  }
0x8d: {  	s2 =	sadd.s32 s2, s15  }
0x8e: {  	[smem:$0x3FB4] =	sst s2  }
0x8f: {  	_ = 	snop  }
0x90: {  	s2 =	sld [smem:$0x3FD0];
	_ =	sdelay $0x2  }
0x91: {  	s16 =	simm.s32 $0xB;
	s4 =	simm.s32 $0x10  }
0x92: {  	[smem:s4], [sflag:s16] =	dma.local [hbm:s2], $0x1  }
0x93: {  	_ =	swait.eq [sflag:s16], $0x1  }
0x94: {  	[sflag:s16] =	ssyncset.done $0x0  }
0x95: {  	[sflag:s16] =	ssyncadd.s32 $0xFFFFFFFF  }
0x96: {  	s17 =	sld [smem:$0x11];
	(tm) =	ssettm $0x1  }
0x97: {  	s18 =	sld [smem:$0x3FFB];
	_ =	sdelay $0x3  }
0x98: {  	_ =	strace s18  }
0x99: {  	s2 =	sld [smem:$0x3FFC];
	_ =	sdelay $0x3  }
0x9a: {  	_ =	strace s2  }
0x9b: {  	s2 =	sld [smem:$0x3FFD];
	_ =	sdelay $0x3  }
0x9c: {  	_ =	strace s2  }
0x9d: {  	_ =	strace $0x8FFFFFFF  }
0x9e: {  	s19 =	sld [smem:$0x3FDB];
	_ =	sdelay $0x1  }
0x9f: {  	s20 =	simm.s32 $_scs_section_size  }
0xa0: {  	s5 =	simm.s32 $_size__tile_overlayer_lowered;
	s6 =	simm.s32 $_tile_overlayer_lowered  }
0xa1: {  	s7 =	simm.s32 $0x1BFF;
	s21 =	sshll.u32 s6, $0x1;
	s4 =	sadd.s32 s20, s19  }
0xa2: {  	s22 =	simm.s32 $0x0;
	s5 =	sshll.u32 s5, $0x1;
	s6 =	sadd.s32 s21, s4  }
0xa3: {  	[timem:s22], [sflag:s7] =	dma.local [hbm:s6], s5  }
0xa4: {  	_ =	swait.ge [sflag:s7], s5  }
0xa5: {  	s5 =	ssub.s32 $0x0, s5;
	[sflag:s7] =	ssyncset.done $0x0  }
0xa6: {  	[sflag:s7] =	ssyncadd.s32 s5;
	_ =	sdelay $0x1  }
0xa7: {  	s23 =	simm.s32 $0x1B8B  }
0xa8: {  	_ =	swait.ge [sflag:s23], $0x1  }
0xa9: {  	[sflag:s23] =	ssyncset.done $0x0  }
0xaa: {  	[sflag:s23] =	ssyncadd.s32 $0xFFFFFFFF  }
0xab: {  	s5 =	sld [smem:$0x0]  }
0xac: {  	s6 =	sand.u32 $0xFFFFFFFE, s1  }
0xad: {  	p0 =	sne.s32 s1, s6  }
0xae: {  	s6 =	sshll.u32 @p0 s6, $0xE  }
0xaf: {  	s6 =	sadd.s32 @p0 $0x11B8D, s6;
	s7 =	sshll.u32 @p0 s5, $0x11  }
0xb0: {  	s6 =	sor.u32 @p0 s7, s6  }
0xb1: {  	[sflag:s6] =	ssyncadd.remote.s32 @p0 $0x1;
	_ =	sdelay $0x1  }
0xb2: {  	s6 =	simm.s32 @p0 $0x1B8D  }
0xb3: {  	_ =	swait.eq @p0 [sflag:s6], $0x1  }
0xb4: {  	[sflag:s6] =	ssyncadd.s32 @p0 $0xFFFFFFFF  }
0xb5: {  	s7 =	sshll.u32 @!p0 s1, $0xE  }
0xb6: {  	s7 =	sor.u32 @!p0 $0x4000, s7;
	s6 =	simm.s32 @!p0 $0x1B8D  }
0xb7: {  	s5 =	sshll.u32 @!p0 s5, $0x11;
	s7 =	sadd.s32 @!p0 $0x11B8D, s7;
	_ =	swait.eq @!p0 [sflag:s6], $0x1  }
0xb8: {  	s5 =	sor.u32 @!p0 s5, s7;
	[sflag:s6] =	ssyncadd.s32 @!p0 $0xFFFFFFFF  }
0xb9: {  	s25 =	simm.s32 $0x1B8E;
	s24 =	sld [smem:$0x3FFE];
	[sflag:s5] =	ssyncadd.remote.s32 @!p0 $0x1  }
0xba: {  	s26 =	simm.s32 $execute0_lowered;
	[smem:$0x3FD2] =	sst s25  }
0xbb: {  	s6 =	sshll.u32 s26, $0x1;
	_ =	strace $0x80000049;
	[dreg:$0x1] =	wrdreg $0xFFFFFFFF  }
0xbc: {  	s28 =	simm.s32 $_size_execute0_lowered;
	s4 =	sadd.s32 s4, s6;
	[dreg:$0x0] =	wrdreg $0x0  }
0xbd: {  	s6 =	sshll.u32 s28, $0x1;
	[dreg:$0x2] =	wrdreg s4  }
0xbe: {  	[dreg:$0x3] =	wrdreg s6  }
0xbf: {  	[dreg:$0x4] =	wrdreg $0xC0  }
0xc0: {  	_ =	task [dreg:s22], $0x5FFFF  }
0xc1: {  	[dreg:$0x1] =	wrdreg $0xFFFFFFFF  }
0xc2: {  	[dreg:$0x0] =	wrdreg $0x60  }
0xc3: {  	[dreg:$0x2] =	wrdreg s17  }
0xc4: {  	[dreg:$0x3] =	wrdreg s24  }
0xc5: {  	[dreg:$0x4] =	wrdreg $0x0  }
0xc6: {  	[dreg:$0x5] =	wrdreg $0xA  }
0xc7: {  	_ =	task.clear_ibuf [dreg:s22], $0x6FFFF;
	_ =	strace $0x90000049  }
0xc8: {  	s29 =	simm.s32 $0xA;
	_ =	strace $0x8000004B  }
0xc9: {  	_ =	swait.ge [sflag:s29], $0x1  }
0xca: {  	[sflag:s29] =	ssyncadd.s32 $0xFFFFFFFF  }
0xcb: {  	_ =	strace $0x9000004B  }
0xcc: {  	_ =	sfence  }
0xcd: {  	s30 =	sld [smem:$0x0];
	_ =	sdelay $0x2  }
0xce: {  	s31 =	sshll.u32 s1, $0xD;
	s1 =	sshrl.u32 s1, $0x2  }
0xcf: {  	s4 =	sand.u32 $0x4000, s31;
	s1 =	sadd.s32 s1, s30  }
0xd0: {  	s0 =	sor.u32 s4, s0;
	s1 =	sshll.u32 s1, $0x11  }
0xd1: {  	s0 =	sor.u32 s1, s0  }
0xd2: {  	s0 =	sadd.s32 $0x8F2B, s0  }
0xd3: {  	[sflag:s0] =	ssyncadd.remote.s32 $0x1  }
0xd4: {  	_ =	sfence.sel $0xFFFF  }
0xd5: {  	[dreg:$0x0] =	wrdreg $0xFFFFFFFF;
	(pc) =	sbr.abs _section_cstart, $3  }
0xd6: {  	[dreg:$0x1] =	wrdreg $0xFFFFFFFF  }
0xd7: {  	_ =	task.clear_ibuf [dreg:s22], $0x2FFFF;
	_ =	strace $0x9FFFFFFF  }
0xd8: {  	(tm) =	ssettm $0x7FFFFFFF  }
0xd9: {  	_ =	shalt  }
tec
execute0_lowered:
.L_overlay_start_1:
0x0: {  	(tag) =	ssettag $0x1  }
0x1: {  	s0 =	srdreg.scid;
	s14 =	stileid.u32  }
0x2: {  	s0 =	sand.u32 $0x1, s0;
	s1 =	smul.u32 $0x280, s14  }
0x3: {  	s2 =	smul.u32 $0x2800, s0;
	_ =	sdelay $0x1  }
0x4: {  	s4 =	rddreg [dreg:$0x1];
	s1 =	sadd.s32 s1, s2  }
0x5: {  	s30 =	rddreg [dreg:$0x0];
	s25 =	sadd.s32 $0xFC0C00, s4;
	s1 =	sshll.u32 s1, $0x4  }
0x6: {  	s29 =	rddreg [dreg:$0x2];
	s26 =	sadd.s32 $0x1010C00, s4;
	s8 =	sadd.s32 s25, s1  }
0x7: {  	s6 =	sor.u32 $0x500, s1;
	s19 =	sadd.s32 s1, s26;
	[dreg:$0x4] =	wrdreg s8  }
0x8: {  	s9 =	sadd.s32 $0xF00, s1;
	s13 =	sadd.s32 s25, s6;
	[dreg:$0xc] =	wrdreg s19  }
0x9: {  	s10 =	sadd.s32 $0x1400, s1;
	s15 =	sadd.s32 s25, s9;
	[dreg:$0x5] =	wrdreg s13  }
0xa: {  	s12 =	sadd.s32 $0x1E00, s1;
	s16 =	sadd.s32 s25, s10;
	[dreg:$0x7] =	wrdreg s15  }
0xb: {  	s18 =	sadd.s32 s25, s12;
	[dreg:$0x8] =	wrdreg s16  }
0xc: {  	s20 =	sadd.s32 s6, s26;
	[dreg:$0xa] =	wrdreg s18  }
0xd: {  	s22 =	sadd.s32 s9, s26;
	[dreg:$0xd] =	wrdreg s20  }
0xe: {  	s17 =	sadd.s32 $0x1900, s1;
	s23 =	sadd.s32 s10, s26;
	[dreg:$0xf] =	wrdreg s22  }
0xf: {  	s8 =	sadd.s32 $0xA00, s1;
	s24 =	sadd.s32 s17, s26;
	[dreg:$0x10] =	wrdreg s23  }
0x10: {  	s7 =	sadd.s32 $0x1060C00, s4;
	s11 =	sadd.s32 s25, s8;
	[dreg:$0x11] =	wrdreg s24  }
0x11: {  	s3 =	ssub.s32 $0x2, s0;
	s15 =	sadd.s32 s25, s17;
	[dreg:$0x6] =	wrdreg s11  }
0x12: {  	s5 =	sshrl.u32 s3, $0x1;
	s21 =	sadd.s32 s8, s26;
	[dreg:$0x9] =	wrdreg s15  }
0x13: {  	s13 =	sadd.s32 $0x2300, s1;
	s1 =	sadd.s32 s1, s7;
	[dreg:$0xe] =	wrdreg s21  }
0x14: {  	s5 =	ssub.s32 s3, s5;
	s3 =	sadd.s32 s8, s7;
	[dreg:$0x14] =	wrdreg s1  }
0x15: {  	s8 =	sadd.s32 s9, s7;
	[dreg:$0x16] =	wrdreg s3  }
0x16: {  	s31 =	sadd.s32 $0x5FCC00, s4;
	s9 =	sadd.s32 s10, s7;
	[dreg:$0x17] =	wrdreg s8  }
0x17: {  	s5 =	smax.u32 s5, $0x1;
	s2 =	sadd.s32 s25, s13;
	[dreg:$0x18] =	wrdreg s9  }
0x18: {  	s10 =	smul.u32 $0x2710, s14;
	s25 =	sadd.s32 s12, s26;
	[dreg:$0xb] =	wrdreg s2  }
0x19: {  	s16 =	smul.u32 $0x271000, s0;
	s26 =	sadd.s32 s13, s26;
	[dreg:$0x12] =	wrdreg s25  }
0x1a: {  	s11 =	sadd.s32 s17, s7;
	s12 =	sadd.s32 s12, s7;
	[dreg:$0x13] =	wrdreg s26  }
0x1b: {  	s13 =	sadd.s32 s13, s7;
	s15 =	sshll.u32 s0, $0x4;
	[dreg:$0x19] =	wrdreg s11  }
0x1c: {  	s17 =	smul.u32 $0x27100, s14;
	s3 =	sadd.s32 $0x20E00, s4;
	[dreg:$0x1a] =	wrdreg s12  }
0x1d: {  	s2 =	sadd.s32 s6, s7;
	s6 =	smul.u32 $0x27100, s0;
	[dreg:$0x1b] =	wrdreg s13  }
0x1e: {  	s25 =	simm.s32 $0x0;
	s26 =	sadd.s32 $0x11AC00, s4;
	s18 =	sor.u32 s14, s15  }
0x1f: {  	s19 =	sadd.s32 s16, s31;
	s11 =	simm.s32 $0x16900;
	[dreg:$0x15] =	wrdreg s2  }
0x20: {  	[smem:$0x7FF] =	sst s25;
	s0 =	sadd.s32 s16, s26;
	s20 =	smul.u32 $0x2710, s18  }
0x21: {  	s1 =	sadd.s32 s17, s19;
	s7 =	smul.u32 $0x27100, s18;
	s6 =	sadd.s32 s10, s6  }
0x22: {  	s28 =	sadd.s32 s17, s0;
	s0 =	sadd.s32 $0xADEC00, s4;
	_ =	strace $0x8000004A  }
0x23: {  	s4 =	sadd.s32 $0x17000, s4;
	[smem:$0x7F9] =	sst s5;
	s10 =	simm.s32 $0x14000  }
0x24: {  	s2 =	sadd.s32 s16, s0;
	s21 =	sadd.s32 $0x50, s20;
	s23 =	sadd.s32 s26, s7  }
0x25: {  	s8 =	sshrl.u32 s20, $0x3;
	s24 =	sadd.s32 s31, s7;
	[dreg:$0x1c] =	wrdreg s23  }
0x26: {  	s7 =	sadd.s32 s0, s7;
	s2 =	sadd.s32 s17, s2;
	[dreg:$0x1d] =	wrdreg s24  }
0x27: {  	s22 =	sshll.u32 s21, $0x4;
	[dreg:$0x1e] =	wrdreg s7;
	s12 =	sadd.s32 s30, s8  }
0x28: {  	s9 =	sshrl.u32 s21, $0x3;
	s13 =	sadd.s32 s3, s8;
	[dreg:$0x1f] =	wrdreg s12  }
0x29: {  	s15 =	sadd.s32 s4, s8;
	s17 =	smul.u32 $0x50000, s14;
	[smem:$0x7F1] =	sst s13  }
0x2a: {  	s23 =	sadd.s32 $0xF0, s6;
	s8 =	simm.s32 $0x3;
	[smem:$0x7F2] =	sst s15  }
0x2b: {  	s14 =	simm.s32 $0x50;
	s16 =	sadd.s32 s26, s22;
	[smem:$0x7FA] =	sst s23  }
0x2c: {  	s18 =	sadd.s32 s31, s22;
	s19 =	sadd.s32 s0, s22;
	[smem:$0x7F3] =	sst s16  }
0x2d: {  	s20 =	sadd.s32 s30, s9;
	s21 =	sadd.s32 s3, s9;
	[smem:$0x7F4] =	sst s18  }
0x2e: {  	s22 =	sadd.s32 s4, s9;
	s9 =	simm.s32 $0x14100;
	[smem:$0x7F5] =	sst s19  }
0x2f: {  	s12 =	simm.s32 $0x14080;
	s13 =	simm.s32 $0x1;
	[smem:$0x7F6] =	sst s20  }
0x30: {  	s15 =	simm.s32 $0x2;
	[smem:$0x7F7] =	sst s21;
	s7 =	sshrl.u32 s17, $0x2  }
0x31: {  	[smem:$0x7F8] =	sst s22;
	s16 =	simm.s32 $0x1B900;
	s17 =	sadd.s32 s7, s29  }
0x32: {  	s18 =	simm.s32 $0x0;
	s7 =	simm.s32 $0x19100;
	s24 =	sadd.s32 $0x7800, s17  }
0x33: {  	s21 =	sadd.s32 $0x2800, s17;
	s22 =	sadd.s32 $0x5000, s17;
	[smem:$0x7FB] =	sst s24  }
0x34: {  	s23 =	sadd.s32 $0xA000, s17;
	s5 =	sadd.s32 $0xF000, s17;
	[smem:$0x7FC] =	sst s21  }
0x35: {  	v0 =	vimm.f32 $0.0e+00;
	s6 =	sadd.s32 $0x11800, s17;
	s24 =	sadd.s32 $0xC800, s17;
	[smem:$0x7FD] =	sst s22  }
.LBB2_1:
0x36: {  	s19 =	simm.s32 $0x0;
	s20 =	simm.s32 $0x200  }
.LBB2_2:
0x37: {  	p0 =	sne.s32 s20, $0x9E00;
	[tilespmem:s19+$0x1B970] =	vst v0  }
0x38: {  	[tilespmem:s19+$0x19100] =	vst v0  }
0x39: {  	[tilespmem:s19+$0x1B900] =	vst v0  }
0x3a: {  	[tilespmem:s19+$0x19110] =	vst v0  }
0x3b: {  	[tilespmem:s19+$0x1B910] =	vst v0  }
0x3c: {  	[tilespmem:s19+$0x19120] =	vst v0  }
0x3d: {  	[tilespmem:s19+$0x1B920] =	vst v0  }
0x3e: {  	[tilespmem:s19+$0x19130] =	vst v0  }
0x3f: {  	[tilespmem:s19+$0x1B930] =	vst v0  }
0x40: {  	[tilespmem:s19+$0x19140] =	vst v0  }
0x41: {  	[tilespmem:s19+$0x1B940] =	vst v0  }
.Ltmp0:
0x42: {  	[tilespmem:s19+$0x19150] =	vst v0;
	(pc) =	sbr.rel @p0 .LBB2_2-.Ltmp0, $4  }
0x43: {  	[tilespmem:s19+$0x1B950] =	vst v0  }
0x44: {  	[tilespmem:s19+$0x19160] =	vst v0  }
0x45: {  	[tilespmem:s19+$0x1B960] =	vst v0  }
0x46: {  	[tilespmem:s19+$0x19170] =	vst v0;
	s19 =	sshra.s32 s20, $0x2;
	s20 =	sadd.s32 $0x200, s20  }
0x47: {  	[tilespmem:s19+$0x1B970] =	vst v0  }
0x48: {  	[tilespmem:s19+$0x19100] =	vst v0  }
0x49: {  	[tilespmem:s19+$0x1B900] =	vst v0  }
0x4a: {  	[tilespmem:s19+$0x19110] =	vst v0  }
0x4b: {  	[tilespmem:s19+$0x1B910] =	vst v0  }
0x4c: {  	[tilespmem:s19+$0x19120] =	vst v0  }
0x4d: {  	[tilespmem:s19+$0x1B920] =	vst v0  }
0x4e: {  	[tilespmem:s19+$0x19130] =	vst v0  }
0x4f: {  	[tilespmem:s19+$0x1B930] =	vst v0  }
0x50: {  	[tilespmem:s19+$0x19140] =	vst v0  }
0x51: {  	[tilespmem:s19+$0x1B940] =	vst v0  }
0x52: {  	[tilespmem:s19+$0x19150] =	vst v0  }
0x53: {  	[tilespmem:s19+$0x1B950] =	vst v0  }
0x54: {  	[tilespmem:s19+$0x19160] =	vst v0  }
0x55: {  	[tilespmem:s19+$0x1B960] =	vst v0  }
0x56: {  	[tilespmem:s19+$0x19170] =	vst v0  }
0x57: {  	[spmem:s17] =	stream.linear.scatter [tilespmem:s7], [sflag:$0x3], $0x2800, $0x38;
	[tilespmem:$0x1E100] =	vst v63  }
0x58: {  	_ = 	snop  }
0x59: {  	[spmem:s21] =	stream.linear.scatter [tilespmem:s7], [sflag:$0x3], $0x2800, $0x38;
	[tilespmem:$0x1E100] =	vst v63  }
0x5a: {  	s21 =	sld [smem:$0x7FB]  }
0x5b: {  	[spmem:s22] =	stream.linear.scatter [tilespmem:s7], [sflag:$0x3], $0x2800, $0x38;
	[tilespmem:$0x1E100] =	vst v63  }
0x5c: {  	_ = 	snop  }
0x5d: {  	[spmem:s21] =	stream.linear.scatter [tilespmem:s7], [sflag:$0x3], $0x2800, $0x38;
	[tilespmem:$0x1E100] =	vst v63  }
0x5e: {  	_ = 	snop  }
0x5f: {  	[spmem:s23] =	stream.linear.scatter [tilespmem:s7], [sflag:$0x3], $0x2800, $0x38;
	[tilespmem:$0x1E100] =	vst v63  }
0x60: {  	_ = 	snop  }
0x61: {  	[spmem:s24] =	stream.linear.scatter [tilespmem:s7], [sflag:$0x3], $0x2800, $0x38;
	[tilespmem:$0x1E100] =	vst v63  }
0x62: {  	_ = 	snop  }
0x63: {  	[spmem:s5] =	stream.linear.scatter [tilespmem:s7], [sflag:$0x3], $0x2800, $0x38;
	[tilespmem:$0x1E100] =	vst v63  }
0x64: {  	_ = 	snop  }
0x65: {  	[spmem:s6] =	stream.linear.scatter [tilespmem:s7], [sflag:$0x3], $0x2800, $0x38;
	[tilespmem:$0x1E100] =	vst v63  }
0x66: {  	_ =	swait.ge [sflag:s8], $0x2800  }
0x67: {  	[sflag:s8] =	ssyncset.done $0x0  }
0x68: {  	[sflag:s8] =	ssyncadd.s32 $0xFFFFD800  }
0x69: {  	_ =	swait.ge [sflag:s8], $0x2800  }
0x6a: {  	[sflag:s8] =	ssyncset.done $0x0  }
0x6b: {  	[sflag:s8] =	ssyncadd.s32 $0xFFFFD800  }
0x6c: {  	_ =	swait.ge [sflag:s8], $0x2800  }
0x6d: {  	[sflag:s8] =	ssyncset.done $0x0  }
0x6e: {  	[sflag:s8] =	ssyncadd.s32 $0xFFFFD800  }
0x6f: {  	_ =	swait.ge [sflag:s8], $0x2800  }
0x70: {  	[sflag:s8] =	ssyncset.done $0x0  }
0x71: {  	[sflag:s8] =	ssyncadd.s32 $0xFFFFD800  }
0x72: {  	_ =	swait.ge [sflag:s8], $0x2800  }
0x73: {  	[sflag:s8] =	ssyncset.done $0x0  }
0x74: {  	[sflag:s8] =	ssyncadd.s32 $0xFFFFD800  }
0x75: {  	_ =	swait.ge [sflag:s8], $0x2800  }
0x76: {  	[sflag:s8] =	ssyncset.done $0x0  }
0x77: {  	[sflag:s8] =	ssyncadd.s32 $0xFFFFD800  }
0x78: {  	_ =	swait.ge [sflag:s8], $0x2800  }
0x79: {  	[sflag:s8] =	ssyncset.done $0x0  }
0x7a: {  	[sflag:s8] =	ssyncadd.s32 $0xFFFFD800  }
0x7b: {  	_ =	swait.ge [sflag:s8], $0x2800  }
0x7c: {  	[sflag:s8] =	ssyncset.done $0x0  }
0x7d: {  	[sflag:s8] =	ssyncadd.s32 $0xFFFFD800  }
0x7e: {  	[bflag:$0x0] =	sbarrier.arrive $0xFFFF  }
0x7f: {  	s22 =	rddreg [dreg:$0x1c]  }
0x80: {  	s20 =	rddreg [dreg:$0x1f]  }
0x81: {  	[tilespmem:s9], [sflag:$0x1] =	stream.linear.gather [hbm4b:s22+s25], $0x2800, $0x38;
	[tilespmem:$0x1E100] =	vst v63  }
0x82: {  	s21 =	sld [smem:$0x7F3]  }
0x83: {  	[tilespmem:s10], [sflag:$0x1] =	stream.linear.gather [hbm4b:s20+s25], $0x50, $0x38;
	[tilespmem:$0x1E100] =	vst v63  }
0x84: {  	s22 =	sld [smem:$0x7F6]  }
0x85: {  	[tilespmem:s11], [sflag:$0x2] =	stream.linear.gather [hbm4b:s21+s25], $0x2800, $0x38;
	[tilespmem:$0x1E100] =	vst v63  }
0x86: {  	s19 =	simm.s32 $0xA00;
	s20 =	sld [smem:$0x7FA]  }
0x87: {  	[tilespmem:s12], [sflag:$0x2] =	stream.linear.gather [hbm4b:s22+s25], $0x50, $0x38;
	[tilespmem:$0x1E100] =	vst v63  }
.LBB2_4:
0x88: {  	_ =	swait.ge [sflag:s13], $0x2800  }
0x89: {  	[sflag:s13] =	ssyncset.done $0x0  }
0x8a: {  	[sflag:s13] =	ssyncadd.s32 $0xFFFFD800  }
0x8b: {  	_ =	swait.ge [sflag:s13], $0x50  }
0x8c: {  	[sflag:s13] =	ssyncset.done $0x0  }
0x8d: {  	[sflag:s13] =	ssyncadd.s32 $0xFFFFFFB0  }
0x8e: {  	v1 =	vld [tilespmem:$0x14100]  }
0x8f: {  	v2 =	vld [tilespmem:$0x14180]  }
0x90: {  	v3 =	vld [tilespmem:$0x14200]  }
0x91: {  	v4 =	vld [tilespmem:$0x14280]  }
0x92: {  	v5 =	vld [tilespmem:$0x14300]  }
0x93: {  	v58 =	vld [tilespmem:$0x14500];
	[tilespmem:$0x19100] =	vst v1  }
0x94: {  	v59 =	vld [tilespmem:$0x14580];
	[tilespmem:$0x19180] =	vst v2  }
0x95: {  	v1 =	vld [tilespmem:$0x14380];
	[tilespmem:$0x19200] =	vst v3  }
0x96: {  	v2 =	vld [tilespmem:$0x14400];
	[tilespmem:$0x19280] =	vst v4  }
0x97: {  	v3 =	vld [tilespmem:$0x14480];
	[tilespmem:$0x19300] =	vst v5  }
0x98: {  	v60 =	vld [tilespmem:$0x14780];
	[tilespmem:$0x19500] =	vst v58  }
0x99: {  	v61 =	vld [tilespmem:$0x14800];
	[tilespmem:$0x19580] =	vst v59  }
0x9a: {  	[tilespmem:$0x19380] =	vst v1;
	v1 =	vld [tilespmem:$0x14600]  }
0x9b: {  	[tilespmem:$0x19400] =	vst v2;
	v2 =	vld [tilespmem:$0x14680]  }
0x9c: {  	[tilespmem:$0x19480] =	vst v3;
	v3 =	vld [tilespmem:$0x14700]  }
0x9d: {  	v62 =	vld [tilespmem:$0x14A00];
	[tilespmem:$0x19780] =	vst v60  }
0x9e: {  	v63 =	vld [tilespmem:$0x14A80];
	[tilespmem:$0x19800] =	vst v61  }
0x9f: {  	[tilespmem:$0x19600] =	vst v1;
	v1 =	vld [tilespmem:$0x14880]  }
0xa0: {  	[tilespmem:$0x19680] =	vst v2;
	v2 =	vld [tilespmem:$0x14900]  }
0xa1: {  	[tilespmem:$0x19700] =	vst v3;
	v3 =	vld [tilespmem:$0x14980]  }
0xa2: {  	v8 =	vld [tilespmem:$0x14C80];
	[tilespmem:$0x19A00] =	vst v62  }
0xa3: {  	v9 =	vld [tilespmem:$0x14D00];
	[tilespmem:$0x19A80] =	vst v63  }
0xa4: {  	[tilespmem:$0x19880] =	vst v1;
	v1 =	vld [tilespmem:$0x14B00]  }
0xa5: {  	[tilespmem:$0x19900] =	vst v2;
	v2 =	vld [tilespmem:$0x14B80]  }
0xa6: {  	[tilespmem:$0x19980] =	vst v3;
	v3 =	vld [tilespmem:$0x14C00]  }
0xa7: {  	v10 =	vld [tilespmem:$0x14F00];
	[tilespmem:$0x19C80] =	vst v8  }
0xa8: {  	v11 =	vld [tilespmem:$0x14F80];
	[tilespmem:$0x19D00] =	vst v9  }
0xa9: {  	[tilespmem:$0x19B00] =	vst v1;
	v1 =	vld [tilespmem:$0x14D80]  }
0xaa: {  	[tilespmem:$0x19B80] =	vst v2;
	v2 =	vld [tilespmem:$0x14E00]  }
0xab: {  	[tilespmem:$0x19C00] =	vst v3;
	v3 =	vld [tilespmem:$0x14E80]  }
0xac: {  	v12 =	vld [tilespmem:$0x15180];
	[tilespmem:$0x19F00] =	vst v10  }
0xad: {  	v13 =	vld [tilespmem:$0x15200];
	[tilespmem:$0x19F80] =	vst v11  }
0xae: {  	[tilespmem:$0x19D80] =	vst v1;
	v1 =	vld [tilespmem:$0x15000]  }
0xaf: {  	[tilespmem:$0x19E00] =	vst v2;
	v2 =	vld [tilespmem:$0x15080]  }
0xb0: {  	[tilespmem:$0x19E80] =	vst v3;
	v3 =	vld [tilespmem:$0x15100]  }
0xb1: {  	v14 =	vld [tilespmem:$0x15400];
	[tilespmem:$0x1A180] =	vst v12  }
0xb2: {  	v15 =	vld [tilespmem:$0x15480];
	[tilespmem:$0x1A200] =	vst v13  }
0xb3: {  	[tilespmem:$0x1A000] =	vst v1;
	v1 =	vld [tilespmem:$0x15280]  }
0xb4: {  	[tilespmem:$0x1A080] =	vst v2;
	v2 =	vld [tilespmem:$0x15300]  }
0xb5: {  	[tilespmem:$0x1A100] =	vst v3;
	v3 =	vld [tilespmem:$0x15380]  }
0xb6: {  	v16 =	vld [tilespmem:$0x15680];
	[tilespmem:$0x1A400] =	vst v14  }
0xb7: {  	v17 =	vld [tilespmem:$0x15700];
	[tilespmem:$0x1A480] =	vst v15  }
0xb8: {  	[tilespmem:$0x1A280] =	vst v1;
	v1 =	vld [tilespmem:$0x15500]  }
0xb9: {  	[tilespmem:$0x1A300] =	vst v2;
	v2 =	vld [tilespmem:$0x15580]  }
0xba: {  	[tilespmem:$0x1A380] =	vst v3;
	v3 =	vld [tilespmem:$0x15600]  }
0xbb: {  	v18 =	vld [tilespmem:$0x15900];
	[tilespmem:$0x1A680] =	vst v16  }
0xbc: {  	v19 =	vld [tilespmem:$0x15980];
	[tilespmem:$0x1A700] =	vst v17  }
0xbd: {  	[tilespmem:$0x1A500] =	vst v1;
	v1 =	vld [tilespmem:$0x15780]  }
0xbe: {  	[tilespmem:$0x1A580] =	vst v2;
	v2 =	vld [tilespmem:$0x15800]  }
0xbf: {  	[tilespmem:$0x1A600] =	vst v3;
	v3 =	vld [tilespmem:$0x15880]  }
0xc0: {  	v20 =	vld [tilespmem:$0x15B80];
	[tilespmem:$0x1A900] =	vst v18  }
0xc1: {  	v21 =	vld [tilespmem:$0x15C00];
	[tilespmem:$0x1A980] =	vst v19  }
0xc2: {  	[tilespmem:$0x1A780] =	vst v1;
	v1 =	vld [tilespmem:$0x15A00]  }
0xc3: {  	[tilespmem:$0x1A800] =	vst v2;
	v2 =	vld [tilespmem:$0x15A80]  }
0xc4: {  	[tilespmem:$0x1A880] =	vst v3;
	v3 =	vld [tilespmem:$0x15B00]  }
0xc5: {  	v22 =	vld [tilespmem:$0x15E00];
	[tilespmem:$0x1AB80] =	vst v20  }
0xc6: {  	v23 =	vld [tilespmem:$0x15E80];
	[tilespmem:$0x1AC00] =	vst v21  }
0xc7: {  	[tilespmem:$0x1AA00] =	vst v1;
	v1 =	vld [tilespmem:$0x15C80]  }
0xc8: {  	[tilespmem:$0x1AA80] =	vst v2;
	v2 =	vld [tilespmem:$0x15D00]  }
0xc9: {  	[tilespmem:$0x1AB00] =	vst v3;
	v3 =	vld [tilespmem:$0x15D80]  }
0xca: {  	v24 =	vld [tilespmem:$0x16080];
	[tilespmem:$0x1AE00] =	vst v22  }
0xcb: {  	v25 =	vld [tilespmem:$0x16100];
	[tilespmem:$0x1AE80] =	vst v23  }
0xcc: {  	[tilespmem:$0x1AC80] =	vst v1;
	v1 =	vld [tilespmem:$0x15F00]  }
0xcd: {  	[tilespmem:$0x1AD00] =	vst v2;
	v2 =	vld [tilespmem:$0x15F80]  }
0xce: {  	[tilespmem:$0x1AD80] =	vst v3;
	v3 =	vld [tilespmem:$0x16000]  }
0xcf: {  	v26 =	vld [tilespmem:$0x16300];
	[tilespmem:$0x1B080] =	vst v24  }
0xd0: {  	v27 =	vld [tilespmem:$0x16380];
	[tilespmem:$0x1B100] =	vst v25  }
0xd1: {  	[tilespmem:$0x1AF00] =	vst v1;
	v1 =	vld [tilespmem:$0x16180]  }
0xd2: {  	[tilespmem:$0x1AF80] =	vst v2;
	v2 =	vld [tilespmem:$0x16200]  }
0xd3: {  	[tilespmem:$0x1B000] =	vst v3;
	v3 =	vld [tilespmem:$0x16280]  }
0xd4: {  	v28 =	vld [tilespmem:$0x16580];
	[tilespmem:$0x1B300] =	vst v26  }
0xd5: {  	v29 =	vld [tilespmem:$0x16600];
	[tilespmem:$0x1B380] =	vst v27  }
0xd6: {  	[tilespmem:$0x1B180] =	vst v1;
	v1 =	vld [tilespmem:$0x16400]  }
0xd7: {  	[tilespmem:$0x1B200] =	vst v2;
	v2 =	vld [tilespmem:$0x16480]  }
0xd8: {  	[tilespmem:$0x1B280] =	vst v3;
	v3 =	vld [tilespmem:$0x16500]  }
0xd9: {  	v30 =	vld [tilespmem:$0x16800];
	[tilespmem:$0x1B580] =	vst v28  }
0xda: {  	v31 =	vld [tilespmem:$0x16880];
	[tilespmem:$0x1B600] =	vst v29  }
0xdb: {  	[tilespmem:$0x1B400] =	vst v1;
	v1 =	vld [tilespmem:$0x16680]  }
0xdc: {  	[tilespmem:$0x1B480] =	vst v2;
	v2 =	vld [tilespmem:$0x16700]  }
0xdd: {  	[tilespmem:$0x1B500] =	vst v3;
	v3 =	vld [tilespmem:$0x16780]  }
0xde: {  	[tilespmem:$0x1B800] =	vst v30  }
0xdf: {  	[tilespmem:$0x1B880] =	vst v31  }
0xe0: {  	[tilespmem:$0x1B680] =	vst v1  }
0xe1: {  	[tilespmem:$0x1B700] =	vst v2  }
0xe2: {  	[tilespmem:$0x1B780] =	vst v3  }
0xe3: {  	[spmem:s29] =	stream.indirect.scatter.add.f32 [tilespmem:s7], [sflag:$0x3], $0x80, s10, s14, $0xb8;
	[tilespmem:$0x1E100] =	vst v63  }
0xe4: {  	_ =	swait.ge [sflag:s8], $0x2800  }
0xe5: {  	s21 =	sadd.s32 $0xFFFFFFB0, s20;
	[sflag:s8] =	ssyncset.done $0x0  }
0xe6: {  	s22 =	sadd.s32 s19, s28;
	s21 =	sshrl.u32 s21, $0x3;
	[sflag:s8] =	ssyncadd.s32 $0xFFFFD800  }
0xe7: {  	[tilespmem:s9], [sflag:$0x1] =	stream.linear.gather [hbm4b:s22+s25], $0x2800, $0x38;
	[tilespmem:$0x1E100] =	vst v63  }
0xe8: {  	s21 =	sadd.s32 s30, s21  }
0xe9: {  	[tilespmem:s10], [sflag:$0x1] =	stream.linear.gather [hbm4b:s21+s25], $0x50, $0x38;
	[tilespmem:$0x1E100] =	vst v63  }
0xea: {  	_ =	swait.ge [sflag:s15], $0x2800  }
0xeb: {  	[sflag:s15] =	ssyncset.done $0x0  }
0xec: {  	[sflag:s15] =	ssyncadd.s32 $0xFFFFD800  }
0xed: {  	_ =	swait.ge [sflag:s15], $0x50  }
0xee: {  	[sflag:s15] =	ssyncset.done $0x0  }
0xef: {  	[sflag:s15] =	ssyncadd.s32 $0xFFFFFFB0  }
0xf0: {  	v1 =	vld [tilespmem:$0x16900]  }
0xf1: {  	v2 =	vld [tilespmem:$0x16980]  }
0xf2: {  	v3 =	vld [tilespmem:$0x16A00]  }
0xf3: {  	v32 =	vld [tilespmem:$0x16A80]  }
0xf4: {  	v33 =	vld [tilespmem:$0x16B00]  }
0xf5: {  	v34 =	vld [tilespmem:$0x16D00];
	[tilespmem:$0x1B900] =	vst v1  }
0xf6: {  	v35 =	vld [tilespmem:$0x16D80];
	[tilespmem:$0x1B980] =	vst v2  }
0xf7: {  	v1 =	vld [tilespmem:$0x16B80];
	[tilespmem:$0x1BA00] =	vst v3  }
0xf8: {  	v2 =	vld [tilespmem:$0x16C00];
	[tilespmem:$0x1BA80] =	vst v32  }
0xf9: {  	v3 =	vld [tilespmem:$0x16C80];
	[tilespmem:$0x1BB00] =	vst v33  }
0xfa: {  	v36 =	vld [tilespmem:$0x16F80];
	[tilespmem:$0x1BD00] =	vst v34  }
0xfb: {  	v37 =	vld [tilespmem:$0x17000];
	[tilespmem:$0x1BD80] =	vst v35  }
0xfc: {  	[tilespmem:$0x1BB80] =	vst v1;
	v1 =	vld [tilespmem:$0x16E00]  }
0xfd: {  	[tilespmem:$0x1BC00] =	vst v2;
	v2 =	vld [tilespmem:$0x16E80]  }
0xfe: {  	[tilespmem:$0x1BC80] =	vst v3;
	v3 =	vld [tilespmem:$0x16F00]  }
0xff: {  	v38 =	vld [tilespmem:$0x17200];
	[tilespmem:$0x1BF80] =	vst v36  }
0x100: {  	v39 =	vld [tilespmem:$0x17280];
	[tilespmem:$0x1C000] =	vst v37  }
0x101: {  	[tilespmem:$0x1BE00] =	vst v1;
	v1 =	vld [tilespmem:$0x17080]  }
0x102: {  	[tilespmem:$0x1BE80] =	vst v2;
	v2 =	vld [tilespmem:$0x17100]  }
0x103: {  	[tilespmem:$0x1BF00] =	vst v3;
	v3 =	vld [tilespmem:$0x17180]  }
0x104: {  	v40 =	vld [tilespmem:$0x17480];
	[tilespmem:$0x1C200] =	vst v38  }
0x105: {  	v41 =	vld [tilespmem:$0x17500];
	[tilespmem:$0x1C280] =	vst v39  }
0x106: {  	[tilespmem:$0x1C080] =	vst v1;
	v1 =	vld [tilespmem:$0x17300]  }
0x107: {  	[tilespmem:$0x1C100] =	vst v2;
	v2 =	vld [tilespmem:$0x17380]  }
0x108: {  	[tilespmem:$0x1C180] =	vst v3;
	v3 =	vld [tilespmem:$0x17400]  }
0x109: {  	v42 =	vld [tilespmem:$0x17700];
	[tilespmem:$0x1C480] =	vst v40  }
0x10a: {  	v43 =	vld [tilespmem:$0x17780];
	[tilespmem:$0x1C500] =	vst v41  }
0x10b: {  	[tilespmem:$0x1C300] =	vst v1;
	v1 =	vld [tilespmem:$0x17580]  }
0x10c: {  	[tilespmem:$0x1C380] =	vst v2;
	v2 =	vld [tilespmem:$0x17600]  }
0x10d: {  	[tilespmem:$0x1C400] =	vst v3;
	v3 =	vld [tilespmem:$0x17680]  }
0x10e: {  	v44 =	vld [tilespmem:$0x17980];
	[tilespmem:$0x1C700] =	vst v42  }
0x10f: {  	v45 =	vld [tilespmem:$0x17A00];
	[tilespmem:$0x1C780] =	vst v43  }
0x110: {  	[tilespmem:$0x1C580] =	vst v1;
	v1 =	vld [tilespmem:$0x17800]  }
0x111: {  	[tilespmem:$0x1C600] =	vst v2;
	v2 =	vld [tilespmem:$0x17880]  }
0x112: {  	[tilespmem:$0x1C680] =	vst v3;
	v3 =	vld [tilespmem:$0x17900]  }
0x113: {  	v46 =	vld [tilespmem:$0x17C00];
	[tilespmem:$0x1C980] =	vst v44  }
0x114: {  	v47 =	vld [tilespmem:$0x17C80];
	[tilespmem:$0x1CA00] =	vst v45  }
0x115: {  	[tilespmem:$0x1C800] =	vst v1;
	v1 =	vld [tilespmem:$0x17A80]  }
0x116: {  	[tilespmem:$0x1C880] =	vst v2;
	v2 =	vld [tilespmem:$0x17B00]  }
0x117: {  	[tilespmem:$0x1C900] =	vst v3;
	v3 =	vld [tilespmem:$0x17B80]  }
0x118: {  	v48 =	vld [tilespmem:$0x17E80];
	[tilespmem:$0x1CC00] =	vst v46  }
0x119: {  	v49 =	vld [tilespmem:$0x17F00];
	[tilespmem:$0x1CC80] =	vst v47  }
0x11a: {  	[tilespmem:$0x1CA80] =	vst v1;
	v1 =	vld [tilespmem:$0x17D00]  }
0x11b: {  	[tilespmem:$0x1CB00] =	vst v2;
	v2 =	vld [tilespmem:$0x17D80]  }
0x11c: {  	[tilespmem:$0x1CB80] =	vst v3;
	v3 =	vld [tilespmem:$0x17E00]  }
0x11d: {  	v50 =	vld [tilespmem:$0x18100];
	[tilespmem:$0x1CE80] =	vst v48  }
0x11e: {  	v51 =	vld [tilespmem:$0x18180];
	[tilespmem:$0x1CF00] =	vst v49  }
0x11f: {  	[tilespmem:$0x1CD00] =	vst v1;
	v1 =	vld [tilespmem:$0x17F80]  }
0x120: {  	[tilespmem:$0x1CD80] =	vst v2;
	v2 =	vld [tilespmem:$0x18000]  }
0x121: {  	[tilespmem:$0x1CE00] =	vst v3;
	v3 =	vld [tilespmem:$0x18080]  }
0x122: {  	v52 =	vld [tilespmem:$0x18380];
	[tilespmem:$0x1D100] =	vst v50  }
0x123: {  	v53 =	vld [tilespmem:$0x18400];
	[tilespmem:$0x1D180] =	vst v51  }
0x124: {  	[tilespmem:$0x1CF80] =	vst v1;
	v1 =	vld [tilespmem:$0x18200]  }
0x125: {  	[tilespmem:$0x1D000] =	vst v2;
	v2 =	vld [tilespmem:$0x18280]  }
0x126: {  	[tilespmem:$0x1D080] =	vst v3;
	v3 =	vld [tilespmem:$0x18300]  }
0x127: {  	v54 =	vld [tilespmem:$0x18600];
	[tilespmem:$0x1D380] =	vst v52  }
0x128: {  	v55 =	vld [tilespmem:$0x18680];
	[tilespmem:$0x1D400] =	vst v53  }
0x129: {  	[tilespmem:$0x1D200] =	vst v1;
	v1 =	vld [tilespmem:$0x18480]  }
0x12a: {  	[tilespmem:$0x1D280] =	vst v2;
	v2 =	vld [tilespmem:$0x18500]  }
0x12b: {  	[tilespmem:$0x1D300] =	vst v3;
	v3 =	vld [tilespmem:$0x18580]  }
0x12c: {  	v56 =	vld [tilespmem:$0x18880];
	[tilespmem:$0x1D600] =	vst v54  }
0x12d: {  	v57 =	vld [tilespmem:$0x18900];
	[tilespmem:$0x1D680] =	vst v55  }
0x12e: {  	[tilespmem:$0x1D480] =	vst v1;
	v1 =	vld [tilespmem:$0x18700]  }
0x12f: {  	[tilespmem:$0x1D500] =	vst v2;
	v2 =	vld [tilespmem:$0x18780]  }
0x130: {  	[tilespmem:$0x1D580] =	vst v3;
	v3 =	vld [tilespmem:$0x18800]  }
0x131: {  	v58 =	vld [tilespmem:$0x18B00];
	[tilespmem:$0x1D880] =	vst v56  }
0x132: {  	v59 =	vld [tilespmem:$0x18B80];
	[tilespmem:$0x1D900] =	vst v57  }
0x133: {  	[tilespmem:$0x1D700] =	vst v1;
	v1 =	vld [tilespmem:$0x18980]  }
0x134: {  	[tilespmem:$0x1D780] =	vst v2;
	v2 =	vld [tilespmem:$0x18A00]  }
0x135: {  	[tilespmem:$0x1D800] =	vst v3;
	v3 =	vld [tilespmem:$0x18A80]  }
0x136: {  	v60 =	vld [tilespmem:$0x18D80];
	[tilespmem:$0x1DB00] =	vst v58  }
0x137: {  	v61 =	vld [tilespmem:$0x18E00];
	[tilespmem:$0x1DB80] =	vst v59  }
0x138: {  	[tilespmem:$0x1D980] =	vst v1;
	v1 =	vld [tilespmem:$0x18C00]  }
0x139: {  	[tilespmem:$0x1DA00] =	vst v2;
	v2 =	vld [tilespmem:$0x18C80]  }
0x13a: {  	[tilespmem:$0x1DA80] =	vst v3;
	v3 =	vld [tilespmem:$0x18D00]  }
0x13b: {  	v62 =	vld [tilespmem:$0x19000];
	[tilespmem:$0x1DD80] =	vst v60  }
0x13c: {  	v63 =	vld [tilespmem:$0x19080];
	[tilespmem:$0x1DE00] =	vst v61  }
0x13d: {  	[tilespmem:$0x1DC00] =	vst v1;
	v1 =	vld [tilespmem:$0x18E80]  }
0x13e: {  	[tilespmem:$0x1DC80] =	vst v2;
	v2 =	vld [tilespmem:$0x18F00]  }
0x13f: {  	[tilespmem:$0x1DD00] =	vst v3;
	v3 =	vld [tilespmem:$0x18F80]  }
0x140: {  	[tilespmem:$0x1E000] =	vst v62  }
0x141: {  	[tilespmem:$0x1E080] =	vst v63  }
0x142: {  	[tilespmem:$0x1DE80] =	vst v1  }
0x143: {  	[tilespmem:$0x1DF00] =	vst v2  }
0x144: {  	p0 =	slt.s32 s20, $0x4E1B0;
	s21 =	sadd.s32 $0xA0, s20;
	[tilespmem:$0x1DF80] =	vst v3  }
0x145: {  	[spmem:s29] =	stream.indirect.scatter.add.f32 [tilespmem:s16], [sflag:$0x3], $0x80, s12, s14, $0xb8;
	[tilespmem:$0x1E100] =	vst v63  }
0x146: {  	s20 =	simm.s32 @!p0 $0x4E1B0;
	p0 =	sne.s32 s19, $0x26C00;
	_ =	swait.ge [sflag:s8], $0x2800  }
0x147: {  	s22 =	sshll.u32 s20, $0x4;
	s20 =	sshrl.u32 s20, $0x3;
	[sflag:s8] =	ssyncset.done $0x0  }
.Ltmp1:
0x148: {  	s22 =	sadd.s32 s26, s22;
	[sflag:s8] =	ssyncadd.s32 $0xFFFFD800;
	(pc) =	sbr.rel @p0 .LBB2_4-.Ltmp1, $4  }
0x149: {  	[tilespmem:s11], [sflag:$0x2] =	stream.linear.gather [hbm4b:s22+s25], $0x2800, $0x38;
	[tilespmem:$0x1E100] =	vst v63  }
0x14a: {  	s20 =	sadd.s32 s30, s20  }
0x14b: {  	[tilespmem:s12], [sflag:$0x2] =	stream.linear.gather [hbm4b:s20+s25], $0x50, $0x38;
	[tilespmem:$0x1E100] =	vst v63  }
0x14c: {  	s19 =	sadd.s32 $0xA00, s19;
	s20 =	smov.u32 s21  }
0x14d: {  	_ =	swait.ge [sflag:s13], $0x2800  }
0x14e: {  	[sflag:s13] =	ssyncset.done $0x0  }
0x14f: {  	[sflag:s13] =	ssyncadd.s32 $0xFFFFD800  }
0x150: {  	_ =	swait.ge [sflag:s13], $0x50  }
0x151: {  	[sflag:s13] =	ssyncset.done $0x0  }
0x152: {  	[sflag:s13] =	ssyncadd.s32 $0xFFFFFFB0  }
0x153: {  	v1 =	vld [tilespmem:$0x14100]  }
0x154: {  	v2 =	vld [tilespmem:$0x14180]  }
0x155: {  	v3 =	vld [tilespmem:$0x14200]  }
0x156: {  	v4 =	vld [tilespmem:$0x14280]  }
0x157: {  	v5 =	vld [tilespmem:$0x14300]  }
0x158: {  	v34 =	vld [tilespmem:$0x14500];
	[tilespmem:$0x19100] =	vst v1  }
0x159: {  	v35 =	vld [tilespmem:$0x14580];
	[tilespmem:$0x19180] =	vst v2  }
0x15a: {  	v1 =	vld [tilespmem:$0x14380];
	[tilespmem:$0x19200] =	vst v3  }
0x15b: {  	v2 =	vld [tilespmem:$0x14400];
	[tilespmem:$0x19280] =	vst v4  }
0x15c: {  	v3 =	vld [tilespmem:$0x14480];
	[tilespmem:$0x19300] =	vst v5  }
0x15d: {  	v36 =	vld [tilespmem:$0x14780];
	[tilespmem:$0x19500] =	vst v34  }
0x15e: {  	v37 =	vld [tilespmem:$0x14800];
	[tilespmem:$0x19580] =	vst v35  }
0x15f: {  	[tilespmem:$0x19380] =	vst v1;
	v1 =	vld [tilespmem:$0x14600]  }
0x160: {  	[tilespmem:$0x19400] =	vst v2;
	v2 =	vld [tilespmem:$0x14680]  }
0x161: {  	[tilespmem:$0x19480] =	vst v3;
	v3 =	vld [tilespmem:$0x14700]  }
0x162: {  	v38 =	vld [tilespmem:$0x14A00];
	[tilespmem:$0x19780] =	vst v36  }
0x163: {  	v39 =	vld [tilespmem:$0x14A80];
	[tilespmem:$0x19800] =	vst v37  }
0x164: {  	[tilespmem:$0x19600] =	vst v1;
	v1 =	vld [tilespmem:$0x14880]  }
0x165: {  	[tilespmem:$0x19680] =	vst v2;
	v2 =	vld [tilespmem:$0x14900]  }
0x166: {  	[tilespmem:$0x19700] =	vst v3;
	v3 =	vld [tilespmem:$0x14980]  }
0x167: {  	v40 =	vld [tilespmem:$0x14C80];
	[tilespmem:$0x19A00] =	vst v38  }
0x168: {  	v41 =	vld [tilespmem:$0x14D00];
	[tilespmem:$0x19A80] =	vst v39  }
0x169: {  	[tilespmem:$0x19880] =	vst v1;
	v1 =	vld [tilespmem:$0x14B00]  }
0x16a: {  	[tilespmem:$0x19900] =	vst v2;
	v2 =	vld [tilespmem:$0x14B80]  }
0x16b: {  	[tilespmem:$0x19980] =	vst v3;
	v3 =	vld [tilespmem:$0x14C00]  }
0x16c: {  	v42 =	vld [tilespmem:$0x14F00];
	[tilespmem:$0x19C80] =	vst v40  }
0x16d: {  	v43 =	vld [tilespmem:$0x14F80];
	[tilespmem:$0x19D00] =	vst v41  }
0x16e: {  	[tilespmem:$0x19B00] =	vst v1;
	v1 =	vld [tilespmem:$0x14D80]  }
0x16f: {  	[tilespmem:$0x19B80] =	vst v2;
	v2 =	vld [tilespmem:$0x14E00]  }
0x170: {  	[tilespmem:$0x19C00] =	vst v3;
	v3 =	vld [tilespmem:$0x14E80]  }
0x171: {  	v44 =	vld [tilespmem:$0x15180];
	[tilespmem:$0x19F00] =	vst v42  }
0x172: {  	v45 =	vld [tilespmem:$0x15200];
	[tilespmem:$0x19F80] =	vst v43  }
0x173: {  	[tilespmem:$0x19D80] =	vst v1;
	v1 =	vld [tilespmem:$0x15000]  }
0x174: {  	[tilespmem:$0x19E00] =	vst v2;
	v2 =	vld [tilespmem:$0x15080]  }
0x175: {  	[tilespmem:$0x19E80] =	vst v3;
	v3 =	vld [tilespmem:$0x15100]  }
0x176: {  	v46 =	vld [tilespmem:$0x15400];
	[tilespmem:$0x1A180] =	vst v44  }
0x177: {  	v47 =	vld [tilespmem:$0x15480];
	[tilespmem:$0x1A200] =	vst v45  }
0x178: {  	[tilespmem:$0x1A000] =	vst v1;
	v1 =	vld [tilespmem:$0x15280]  }
0x179: {  	[tilespmem:$0x1A080] =	vst v2;
	v2 =	vld [tilespmem:$0x15300]  }
0x17a: {  	[tilespmem:$0x1A100] =	vst v3;
	v3 =	vld [tilespmem:$0x15380]  }
0x17b: {  	v48 =	vld [tilespmem:$0x15680];
	[tilespmem:$0x1A400] =	vst v46  }
0x17c: {  	v49 =	vld [tilespmem:$0x15700];
	[tilespmem:$0x1A480] =	vst v47  }
0x17d: {  	[tilespmem:$0x1A280] =	vst v1;
	v1 =	vld [tilespmem:$0x15500]  }
0x17e: {  	[tilespmem:$0x1A300] =	vst v2;
	v2 =	vld [tilespmem:$0x15580]  }
0x17f: {  	[tilespmem:$0x1A380] =	vst v3;
	v3 =	vld [tilespmem:$0x15600]  }
0x180: {  	v50 =	vld [tilespmem:$0x15900];
	[tilespmem:$0x1A680] =	vst v48  }
0x181: {  	v51 =	vld [tilespmem:$0x15980];
	[tilespmem:$0x1A700] =	vst v49  }
0x182: {  	[tilespmem:$0x1A500] =	vst v1;
	v1 =	vld [tilespmem:$0x15780]  }
0x183: {  	[tilespmem:$0x1A580] =	vst v2;
	v2 =	vld [tilespmem:$0x15800]  }
0x184: {  	[tilespmem:$0x1A600] =	vst v3;
	v3 =	vld [tilespmem:$0x15880]  }
0x185: {  	v52 =	vld [tilespmem:$0x15B80];
	[tilespmem:$0x1A900] =	vst v50  }
0x186: {  	v53 =	vld [tilespmem:$0x15C00];
	[tilespmem:$0x1A980] =	vst v51  }
0x187: {  	[tilespmem:$0x1A780] =	vst v1;
	v1 =	vld [tilespmem:$0x15A00]  }
0x188: {  	[tilespmem:$0x1A800] =	vst v2;
	v2 =	vld [tilespmem:$0x15A80]  }
0x189: {  	[tilespmem:$0x1A880] =	vst v3;
	v3 =	vld [tilespmem:$0x15B00]  }
0x18a: {  	v54 =	vld [tilespmem:$0x15E00];
	[tilespmem:$0x1AB80] =	vst v52  }
0x18b: {  	v55 =	vld [tilespmem:$0x15E80];
	[tilespmem:$0x1AC00] =	vst v53  }
0x18c: {  	[tilespmem:$0x1AA00] =	vst v1;
	v1 =	vld [tilespmem:$0x15C80]  }
0x18d: {  	[tilespmem:$0x1AA80] =	vst v2;
	v2 =	vld [tilespmem:$0x15D00]  }
0x18e: {  	[tilespmem:$0x1AB00] =	vst v3;
	v3 =	vld [tilespmem:$0x15D80]  }
0x18f: {  	v56 =	vld [tilespmem:$0x16080];
	[tilespmem:$0x1AE00] =	vst v54  }
0x190: {  	v57 =	vld [tilespmem:$0x16100];
	[tilespmem:$0x1AE80] =	vst v55  }
0x191: {  	[tilespmem:$0x1AC80] =	vst v1;
	v1 =	vld [tilespmem:$0x15F00]  }
0x192: {  	[tilespmem:$0x1AD00] =	vst v2;
	v2 =	vld [tilespmem:$0x15F80]  }
0x193: {  	[tilespmem:$0x1AD80] =	vst v3;
	v3 =	vld [tilespmem:$0x16000]  }
0x194: {  	v58 =	vld [tilespmem:$0x16300];
	[tilespmem:$0x1B080] =	vst v56  }
0x195: {  	v59 =	vld [tilespmem:$0x16380];
	[tilespmem:$0x1B100] =	vst v57  }
0x196: {  	[tilespmem:$0x1AF00] =	vst v1;
	v1 =	vld [tilespmem:$0x16180]  }
0x197: {  	[tilespmem:$0x1AF80] =	vst v2;
	v2 =	vld [tilespmem:$0x16200]  }
0x198: {  	[tilespmem:$0x1B000] =	vst v3;
	v3 =	vld [tilespmem:$0x16280]  }
0x199: {  	v60 =	vld [tilespmem:$0x16580];
	[tilespmem:$0x1B300] =	vst v58  }
0x19a: {  	v61 =	vld [tilespmem:$0x16600];
	[tilespmem:$0x1B380] =	vst v59  }
0x19b: {  	[tilespmem:$0x1B180] =	vst v1;
	v1 =	vld [tilespmem:$0x16400]  }
0x19c: {  	[tilespmem:$0x1B200] =	vst v2;
	v2 =	vld [tilespmem:$0x16480]  }
0x19d: {  	[tilespmem:$0x1B280] =	vst v3;
	v3 =	vld [tilespmem:$0x16500]  }
0x19e: {  	v62 =	vld [tilespmem:$0x16800];
	[tilespmem:$0x1B580] =	vst v60  }
0x19f: {  	v63 =	vld [tilespmem:$0x16880];
	[tilespmem:$0x1B600] =	vst v61  }
0x1a0: {  	[tilespmem:$0x1B400] =	vst v1;
	v1 =	vld [tilespmem:$0x16680]  }
0x1a1: {  	[tilespmem:$0x1B480] =	vst v2;
	v2 =	vld [tilespmem:$0x16700]  }
0x1a2: {  	[tilespmem:$0x1B500] =	vst v3;
	v3 =	vld [tilespmem:$0x16780]  }
0x1a3: {  	[tilespmem:$0x1B800] =	vst v62  }
0x1a4: {  	[tilespmem:$0x1B880] =	vst v63  }
0x1a5: {  	[tilespmem:$0x1B680] =	vst v1  }
0x1a6: {  	[tilespmem:$0x1B700] =	vst v2  }
0x1a7: {  	[tilespmem:$0x1B780] =	vst v3  }
0x1a8: {  	[spmem:s29] =	stream.indirect.scatter.add.f32 [tilespmem:s7], [sflag:$0x3], $0x80, s10, s14, $0xb8;
	[tilespmem:$0x1E100] =	vst v63  }
0x1a9: {  	_ =	swait.ge [sflag:s8], $0x2800  }
0x1aa: {  	[sflag:s8] =	ssyncset.done $0x0  }
0x1ab: {  	[sflag:s8] =	ssyncadd.s32 $0xFFFFD800  }
0x1ac: {  	_ =	swait.ge [sflag:s15], $0x2800  }
0x1ad: {  	[sflag:s15] =	ssyncset.done $0x0  }
0x1ae: {  	[sflag:s15] =	ssyncadd.s32 $0xFFFFD800  }
0x1af: {  	_ =	swait.ge [sflag:s15], $0x50  }
0x1b0: {  	[sflag:s15] =	ssyncset.done $0x0  }
0x1b1: {  	[sflag:s15] =	ssyncadd.s32 $0xFFFFFFB0  }
0x1b2: {  	[bflag:$0x0] =	sbarrier.arrive $0xFFFF  }
0x1b3: {  	s21 =	sld [smem:$0x7FC]  }
0x1b4: {  	[tilespmem:s7], [sflag:$0x1] =	stream.linear.gather [spmem:s17], $0x2800, $0x38;
	[tilespmem:$0x1E100] =	vst v63  }
0x1b5: {  	_ = 	snop  }
0x1b6: {  	[tilespmem:s16], [sflag:$0x2] =	stream.linear.gather [spmem:s21], $0x2800, $0x38;
	[tilespmem:$0x1E100] =	vst v63  }
0x1b7: {  	_ =	swait.ge [sflag:s13], $0x2800  }
0x1b8: {  	[sflag:s13] =	ssyncset.done $0x0  }
0x1b9: {  	s19 =	simm.s32 $0x0;
	s20 =	rddreg [dreg:$0x4];
	[sflag:s13] =	ssyncadd.s32 $0xFFFFD800  }
0x1ba: {  	[hbm4b:s20+s19] =	stream.linear.scatter [tilespmem:s7], [sflag:$0x3], $0x2800, $0x38;
	[tilespmem:$0x1E100] =	vst v63  }
0x1bb: {  	_ =	swait.ge [sflag:s15], $0x2800  }
0x1bc: {  	[sflag:s15] =	ssyncset.done $0x0  }
0x1bd: {  	s22 =	rddreg [dreg:$0x5];
	[sflag:s15] =	ssyncadd.s32 $0xFFFFD800  }
0x1be: {  	[hbm4b:s22+s19] =	stream.linear.scatter [tilespmem:s16], [sflag:$0x3], $0x2800, $0x38;
	[tilespmem:$0x1E100] =	vst v63  }
0x1bf: {  	_ =	swait.ge [sflag:s8], $0x2800  }
0x1c0: {  	[sflag:s8] =	ssyncset.done $0x0  }
0x1c1: {  	[sflag:s8] =	ssyncadd.s32 $0xFFFFD800  }
0x1c2: {  	_ =	swait.ge [sflag:s8], $0x2800  }
0x1c3: {  	s22 =	sld [smem:$0x7FD]  }
0x1c4: {  	[sflag:s8] =	ssyncset.done $0x0  }
0x1c5: {  	s20 =	sld [smem:$0x7FB];
	[sflag:s8] =	ssyncadd.s32 $0xFFFFD800  }
0x1c6: {  	[tilespmem:s7], [sflag:$0x1] =	stream.linear.gather [spmem:s22], $0x2800, $0x38;
	[tilespmem:$0x1E100] =	vst v63  }
0x1c7: {  	_ = 	snop  }
0x1c8: {  	[tilespmem:s16], [sflag:$0x2] =	stream.linear.gather [spmem:s20], $0x2800, $0x38;
	[tilespmem:$0x1E100] =	vst v63  }
0x1c9: {  	_ =	swait.ge [sflag:s13], $0x2800  }
0x1ca: {  	[sflag:s13] =	ssyncset.done $0x0  }
0x1cb: {  	s20 =	rddreg [dreg:$0x6];
	[sflag:s13] =	ssyncadd.s32 $0xFFFFD800  }
0x1cc: {  	[hbm4b:s20+s19] =	stream.linear.scatter [tilespmem:s7], [sflag:$0x3], $0x2800, $0x38;
	[tilespmem:$0x1E100] =	vst v63  }
0x1cd: {  	_ =	swait.ge [sflag:s15], $0x2800  }
0x1ce: {  	[sflag:s15] =	ssyncset.done $0x0  }
0x1cf: {  	s20 =	rddreg [dreg:$0x7];
	[sflag:s15] =	ssyncadd.s32 $0xFFFFD800  }
0x1d0: {  	[hbm4b:s20+s19] =	stream.linear.scatter [tilespmem:s16], [sflag:$0x3], $0x2800, $0x38;
	[tilespmem:$0x1E100] =	vst v63  }
0x1d1: {  	_ =	swait.ge [sflag:s8], $0x2800  }
0x1d2: {  	[sflag:s8] =	ssyncset.done $0x0  }
0x1d3: {  	[sflag:s8] =	ssyncadd.s32 $0xFFFFD800  }
0x1d4: {  	_ =	swait.ge [sflag:s8], $0x2800  }
0x1d5: {  	[sflag:s8] =	ssyncset.done $0x0  }
0x1d6: {  	[sflag:s8] =	ssyncadd.s32 $0xFFFFD800  }
0x1d7: {  	[tilespmem:s7], [sflag:$0x1] =	stream.linear.gather [spmem:s23], $0x2800, $0x38;
	[tilespmem:$0x1E100] =	vst v63  }
0x1d8: {  	_ = 	snop  }
0x1d9: {  	[tilespmem:s16], [sflag:$0x2] =	stream.linear.gather [spmem:s24], $0x2800, $0x38;
	[tilespmem:$0x1E100] =	vst v63  }
0x1da: {  	_ =	swait.ge [sflag:s13], $0x2800  }
0x1db: {  	[sflag:s13] =	ssyncset.done $0x0  }
0x1dc: {  	s20 =	rddreg [dreg:$0x8];
	[sflag:s13] =	ssyncadd.s32 $0xFFFFD800  }
0x1dd: {  	[hbm4b:s20+s19] =	stream.linear.scatter [tilespmem:s7], [sflag:$0x3], $0x2800, $0x38;
	[tilespmem:$0x1E100] =	vst v63  }
0x1de: {  	_ =	swait.ge [sflag:s15], $0x2800  }
0x1df: {  	[sflag:s15] =	ssyncset.done $0x0  }
0x1e0: {  	s20 =	rddreg [dreg:$0x9];
	[sflag:s15] =	ssyncadd.s32 $0xFFFFD800  }
0x1e1: {  	[hbm4b:s20+s19] =	stream.linear.scatter [tilespmem:s16], [sflag:$0x3], $0x2800, $0x38;
	[tilespmem:$0x1E100] =	vst v63  }
0x1e2: {  	_ =	swait.ge [sflag:s8], $0x2800  }
0x1e3: {  	[sflag:s8] =	ssyncset.done $0x0  }
0x1e4: {  	[sflag:s8] =	ssyncadd.s32 $0xFFFFD800  }
0x1e5: {  	_ =	swait.ge [sflag:s8], $0x2800  }
0x1e6: {  	[sflag:s8] =	ssyncset.done $0x0  }
0x1e7: {  	[sflag:s8] =	ssyncadd.s32 $0xFFFFD800  }
0x1e8: {  	[tilespmem:s7], [sflag:$0x1] =	stream.linear.gather [spmem:s5], $0x2800, $0x38;
	[tilespmem:$0x1E100] =	vst v63  }
0x1e9: {  	_ = 	snop  }
0x1ea: {  	[tilespmem:s16], [sflag:$0x2] =	stream.linear.gather [spmem:s6], $0x2800, $0x38;
	[tilespmem:$0x1E100] =	vst v63  }
0x1eb: {  	_ =	swait.ge [sflag:s13], $0x2800  }
0x1ec: {  	[sflag:s13] =	ssyncset.done $0x0  }
0x1ed: {  	s20 =	rddreg [dreg:$0xa];
	[sflag:s13] =	ssyncadd.s32 $0xFFFFD800  }
0x1ee: {  	[hbm4b:s20+s19] =	stream.linear.scatter [tilespmem:s7], [sflag:$0x3], $0x2800, $0x38;
	[tilespmem:$0x1E100] =	vst v63  }
0x1ef: {  	_ =	swait.ge [sflag:s15], $0x2800  }
0x1f0: {  	[sflag:s15] =	ssyncset.done $0x0  }
0x1f1: {  	s20 =	rddreg [dreg:$0xb];
	[sflag:s15] =	ssyncadd.s32 $0xFFFFD800  }
0x1f2: {  	[hbm4b:s20+s19] =	stream.linear.scatter [tilespmem:s16], [sflag:$0x3], $0x2800, $0x38;
	[tilespmem:$0x1E100] =	vst v63  }
0x1f3: {  	_ =	swait.ge [sflag:s8], $0x2800  }
0x1f4: {  	[sflag:s8] =	ssyncset.done $0x0  }
0x1f5: {  	[sflag:s8] =	ssyncadd.s32 $0xFFFFD800  }
0x1f6: {  	_ =	swait.ge [sflag:s8], $0x2800  }
0x1f7: {  	[sflag:s8] =	ssyncset.done $0x0  }
0x1f8: {  	[sflag:s8] =	ssyncadd.s32 $0xFFFFD800  }
0x1f9: {  	s19 =	simm.s32 $0x0;
	s20 =	simm.s32 $0x200;
	[bflag:$0x0] =	sbarrier.arrive $0xFFFF  }
.LBB2_6:
0x1fa: {  	p0 =	sne.s32 s20, $0x9E00;
	[tilespmem:s19+$0x1B970] =	vst v0  }
0x1fb: {  	[tilespmem:s19+$0x19100] =	vst v0  }
0x1fc: {  	[tilespmem:s19+$0x1B900] =	vst v0  }
0x1fd: {  	[tilespmem:s19+$0x19110] =	vst v0  }
0x1fe: {  	[tilespmem:s19+$0x1B910] =	vst v0  }
0x1ff: {  	[tilespmem:s19+$0x19120] =	vst v0  }
0x200: {  	[tilespmem:s19+$0x1B920] =	vst v0  }
0x201: {  	[tilespmem:s19+$0x19130] =	vst v0  }
0x202: {  	[tilespmem:s19+$0x1B930] =	vst v0  }
0x203: {  	[tilespmem:s19+$0x19140] =	vst v0  }
0x204: {  	[tilespmem:s19+$0x1B940] =	vst v0  }
.Ltmp2:
0x205: {  	[tilespmem:s19+$0x19150] =	vst v0;
	(pc) =	sbr.rel @p0 .LBB2_6-.Ltmp2, $4  }
0x206: {  	[tilespmem:s19+$0x1B950] =	vst v0  }
0x207: {  	[tilespmem:s19+$0x19160] =	vst v0  }
0x208: {  	[tilespmem:s19+$0x1B960] =	vst v0  }
0x209: {  	[tilespmem:s19+$0x19170] =	vst v0;
	s19 =	sshra.s32 s20, $0x2;
	s20 =	sadd.s32 $0x200, s20  }
0x20a: {  	[tilespmem:s19+$0x1B970] =	vst v0  }
0x20b: {  	[tilespmem:s19+$0x19100] =	vst v0  }
0x20c: {  	[tilespmem:s19+$0x1B900] =	vst v0  }
0x20d: {  	[tilespmem:s19+$0x19110] =	vst v0  }
0x20e: {  	[tilespmem:s19+$0x1B910] =	vst v0  }
0x20f: {  	[tilespmem:s19+$0x19120] =	vst v0  }
0x210: {  	[tilespmem:s19+$0x1B920] =	vst v0  }
0x211: {  	[tilespmem:s19+$0x19130] =	vst v0  }
0x212: {  	[tilespmem:s19+$0x1B930] =	vst v0  }
0x213: {  	[tilespmem:s19+$0x19140] =	vst v0  }
0x214: {  	[tilespmem:s19+$0x1B940] =	vst v0  }
0x215: {  	[tilespmem:s19+$0x19150] =	vst v0  }
0x216: {  	[tilespmem:s19+$0x1B950] =	vst v0  }
0x217: {  	[tilespmem:s19+$0x19160] =	vst v0  }
0x218: {  	[tilespmem:s19+$0x1B960] =	vst v0  }
0x219: {  	[tilespmem:s19+$0x19170] =	vst v0  }
0x21a: {  	[spmem:s17] =	stream.linear.scatter [tilespmem:s7], [sflag:$0x3], $0x2800, $0x38;
	[tilespmem:$0x1E100] =	vst v63  }
0x21b: {  	_ = 	snop  }
0x21c: {  	[spmem:s21] =	stream.linear.scatter [tilespmem:s7], [sflag:$0x3], $0x2800, $0x38;
	[tilespmem:$0x1E100] =	vst v63  }
0x21d: {  	s21 =	sld [smem:$0x7FB]  }
0x21e: {  	[spmem:s22] =	stream.linear.scatter [tilespmem:s7], [sflag:$0x3], $0x2800, $0x38;
	[tilespmem:$0x1E100] =	vst v63  }
0x21f: {  	_ = 	snop  }
0x220: {  	[spmem:s21] =	stream.linear.scatter [tilespmem:s7], [sflag:$0x3], $0x2800, $0x38;
	[tilespmem:$0x1E100] =	vst v63  }
0x221: {  	_ = 	snop  }
0x222: {  	[spmem:s23] =	stream.linear.scatter [tilespmem:s7], [sflag:$0x3], $0x2800, $0x38;
	[tilespmem:$0x1E100] =	vst v63  }
0x223: {  	_ = 	snop  }
0x224: {  	[spmem:s24] =	stream.linear.scatter [tilespmem:s7], [sflag:$0x3], $0x2800, $0x38;
	[tilespmem:$0x1E100] =	vst v63  }
0x225: {  	_ = 	snop  }
0x226: {  	[spmem:s5] =	stream.linear.scatter [tilespmem:s7], [sflag:$0x3], $0x2800, $0x38;
	[tilespmem:$0x1E100] =	vst v63  }
0x227: {  	_ = 	snop  }
0x228: {  	[spmem:s6] =	stream.linear.scatter [tilespmem:s7], [sflag:$0x3], $0x2800, $0x38;
	[tilespmem:$0x1E100] =	vst v63  }
0x229: {  	_ =	swait.ge [sflag:s8], $0x2800  }
0x22a: {  	[sflag:s8] =	ssyncset.done $0x0  }
0x22b: {  	[sflag:s8] =	ssyncadd.s32 $0xFFFFD800  }
0x22c: {  	_ =	swait.ge [sflag:s8], $0x2800  }
0x22d: {  	[sflag:s8] =	ssyncset.done $0x0  }
0x22e: {  	[sflag:s8] =	ssyncadd.s32 $0xFFFFD800  }
0x22f: {  	_ =	swait.ge [sflag:s8], $0x2800  }
0x230: {  	[sflag:s8] =	ssyncset.done $0x0  }
0x231: {  	[sflag:s8] =	ssyncadd.s32 $0xFFFFD800  }
0x232: {  	_ =	swait.ge [sflag:s8], $0x2800  }
0x233: {  	[sflag:s8] =	ssyncset.done $0x0  }
0x234: {  	[sflag:s8] =	ssyncadd.s32 $0xFFFFD800  }
0x235: {  	_ =	swait.ge [sflag:s8], $0x2800  }
0x236: {  	[sflag:s8] =	ssyncset.done $0x0  }
0x237: {  	[sflag:s8] =	ssyncadd.s32 $0xFFFFD800  }
0x238: {  	_ =	swait.ge [sflag:s8], $0x2800  }
0x239: {  	[sflag:s8] =	ssyncset.done $0x0  }
0x23a: {  	[sflag:s8] =	ssyncadd.s32 $0xFFFFD800  }
0x23b: {  	_ =	swait.ge [sflag:s8], $0x2800  }
0x23c: {  	[sflag:s8] =	ssyncset.done $0x0  }
0x23d: {  	[sflag:s8] =	ssyncadd.s32 $0xFFFFD800  }
0x23e: {  	_ =	swait.ge [sflag:s8], $0x2800  }
0x23f: {  	[sflag:s8] =	ssyncset.done $0x0  }
0x240: {  	[sflag:s8] =	ssyncadd.s32 $0xFFFFD800  }
0x241: {  	[bflag:$0x0] =	sbarrier.arrive $0xFFFF  }
0x242: {  	s22 =	rddreg [dreg:$0x1d]  }
0x243: {  	s20 =	sld [smem:$0x7F1]  }
0x244: {  	[tilespmem:s9], [sflag:$0x1] =	stream.linear.gather [hbm4b:s22+s25], $0x2800, $0x38;
	[tilespmem:$0x1E100] =	vst v63  }
0x245: {  	s21 =	sld [smem:$0x7F4]  }
0x246: {  	[tilespmem:s10], [sflag:$0x1] =	stream.linear.gather [hbm4b:s20+s25], $0x50, $0x38;
	[tilespmem:$0x1E100] =	vst v63  }
0x247: {  	s22 =	sld [smem:$0x7F7]  }
0x248: {  	[tilespmem:s11], [sflag:$0x2] =	stream.linear.gather [hbm4b:s21+s25], $0x2800, $0x38;
	[tilespmem:$0x1E100] =	vst v63  }
0x249: {  	s19 =	simm.s32 $0xA00;
	s20 =	sld [smem:$0x7FA]  }
0x24a: {  	[tilespmem:s12], [sflag:$0x2] =	stream.linear.gather [hbm4b:s22+s25], $0x50, $0x38;
	[tilespmem:$0x1E100] =	vst v63  }
.LBB2_8:
0x24b: {  	_ =	swait.ge [sflag:s13], $0x2800  }
0x24c: {  	[sflag:s13] =	ssyncset.done $0x0  }
0x24d: {  	[sflag:s13] =	ssyncadd.s32 $0xFFFFD800  }
0x24e: {  	_ =	swait.ge [sflag:s13], $0x50  }
0x24f: {  	[sflag:s13] =	ssyncset.done $0x0  }
0x250: {  	[sflag:s13] =	ssyncadd.s32 $0xFFFFFFB0  }
0x251: {  	v1 =	vld [tilespmem:$0x14100]  }
0x252: {  	v2 =	vld [tilespmem:$0x14180]  }
0x253: {  	v3 =	vld [tilespmem:$0x14200]  }
0x254: {  	v4 =	vld [tilespmem:$0x14280]  }
0x255: {  	v5 =	vld [tilespmem:$0x14300]  }
0x256: {  	v58 =	vld [tilespmem:$0x14500];
	[tilespmem:$0x19100] =	vst v1  }
0x257: {  	v59 =	vld [tilespmem:$0x14580];
	[tilespmem:$0x19180] =	vst v2  }
0x258: {  	v1 =	vld [tilespmem:$0x14380];
	[tilespmem:$0x19200] =	vst v3  }
0x259: {  	v2 =	vld [tilespmem:$0x14400];
	[tilespmem:$0x19280] =	vst v4  }
0x25a: {  	v3 =	vld [tilespmem:$0x14480];
	[tilespmem:$0x19300] =	vst v5  }
0x25b: {  	v60 =	vld [tilespmem:$0x14780];
	[tilespmem:$0x19500] =	vst v58  }
0x25c: {  	v61 =	vld [tilespmem:$0x14800];
	[tilespmem:$0x19580] =	vst v59  }
0x25d: {  	[tilespmem:$0x19380] =	vst v1;
	v1 =	vld [tilespmem:$0x14600]  }
0x25e: {  	[tilespmem:$0x19400] =	vst v2;
	v2 =	vld [tilespmem:$0x14680]  }
0x25f: {  	[tilespmem:$0x19480] =	vst v3;
	v3 =	vld [tilespmem:$0x14700]  }
0x260: {  	v62 =	vld [tilespmem:$0x14A00];
	[tilespmem:$0x19780] =	vst v60  }
0x261: {  	v63 =	vld [tilespmem:$0x14A80];
	[tilespmem:$0x19800] =	vst v61  }
0x262: {  	[tilespmem:$0x19600] =	vst v1;
	v1 =	vld [tilespmem:$0x14880]  }
0x263: {  	[tilespmem:$0x19680] =	vst v2;
	v2 =	vld [tilespmem:$0x14900]  }
0x264: {  	[tilespmem:$0x19700] =	vst v3;
	v3 =	vld [tilespmem:$0x14980]  }
0x265: {  	v8 =	vld [tilespmem:$0x14C80];
	[tilespmem:$0x19A00] =	vst v62  }
0x266: {  	v9 =	vld [tilespmem:$0x14D00];
	[tilespmem:$0x19A80] =	vst v63  }
0x267: {  	[tilespmem:$0x19880] =	vst v1;
	v1 =	vld [tilespmem:$0x14B00]  }
0x268: {  	[tilespmem:$0x19900] =	vst v2;
	v2 =	vld [tilespmem:$0x14B80]  }
0x269: {  	[tilespmem:$0x19980] =	vst v3;
	v3 =	vld [tilespmem:$0x14C00]  }
0x26a: {  	v10 =	vld [tilespmem:$0x14F00];
	[tilespmem:$0x19C80] =	vst v8  }
0x26b: {  	v11 =	vld [tilespmem:$0x14F80];
	[tilespmem:$0x19D00] =	vst v9  }
0x26c: {  	[tilespmem:$0x19B00] =	vst v1;
	v1 =	vld [tilespmem:$0x14D80]  }
0x26d: {  	[tilespmem:$0x19B80] =	vst v2;
	v2 =	vld [tilespmem:$0x14E00]  }
0x26e: {  	[tilespmem:$0x19C00] =	vst v3;
	v3 =	vld [tilespmem:$0x14E80]  }
0x26f: {  	v12 =	vld [tilespmem:$0x15180];
	[tilespmem:$0x19F00] =	vst v10  }
0x270: {  	v13 =	vld [tilespmem:$0x15200];
	[tilespmem:$0x19F80] =	vst v11  }
0x271: {  	[tilespmem:$0x19D80] =	vst v1;
	v1 =	vld [tilespmem:$0x15000]  }
0x272: {  	[tilespmem:$0x19E00] =	vst v2;
	v2 =	vld [tilespmem:$0x15080]  }
0x273: {  	[tilespmem:$0x19E80] =	vst v3;
	v3 =	vld [tilespmem:$0x15100]  }
0x274: {  	v14 =	vld [tilespmem:$0x15400];
	[tilespmem:$0x1A180] =	vst v12  }
0x275: {  	v15 =	vld [tilespmem:$0x15480];
	[tilespmem:$0x1A200] =	vst v13  }
0x276: {  	[tilespmem:$0x1A000] =	vst v1;
	v1 =	vld [tilespmem:$0x15280]  }
0x277: {  	[tilespmem:$0x1A080] =	vst v2;
	v2 =	vld [tilespmem:$0x15300]  }
0x278: {  	[tilespmem:$0x1A100] =	vst v3;
	v3 =	vld [tilespmem:$0x15380]  }
0x279: {  	v16 =	vld [tilespmem:$0x15680];
	[tilespmem:$0x1A400] =	vst v14  }
0x27a: {  	v17 =	vld [tilespmem:$0x15700];
	[tilespmem:$0x1A480] =	vst v15  }
0x27b: {  	[tilespmem:$0x1A280] =	vst v1;
	v1 =	vld [tilespmem:$0x15500]  }
0x27c: {  	[tilespmem:$0x1A300] =	vst v2;
	v2 =	vld [tilespmem:$0x15580]  }
0x27d: {  	[tilespmem:$0x1A380] =	vst v3;
	v3 =	vld [tilespmem:$0x15600]  }
0x27e: {  	v18 =	vld [tilespmem:$0x15900];
	[tilespmem:$0x1A680] =	vst v16  }
0x27f: {  	v19 =	vld [tilespmem:$0x15980];
	[tilespmem:$0x1A700] =	vst v17  }
0x280: {  	[tilespmem:$0x1A500] =	vst v1;
	v1 =	vld [tilespmem:$0x15780]  }
0x281: {  	[tilespmem:$0x1A580] =	vst v2;
	v2 =	vld [tilespmem:$0x15800]  }
0x282: {  	[tilespmem:$0x1A600] =	vst v3;
	v3 =	vld [tilespmem:$0x15880]  }
0x283: {  	v20 =	vld [tilespmem:$0x15B80];
	[tilespmem:$0x1A900] =	vst v18  }
0x284: {  	v21 =	vld [tilespmem:$0x15C00];
	[tilespmem:$0x1A980] =	vst v19  }
0x285: {  	[tilespmem:$0x1A780] =	vst v1;
	v1 =	vld [tilespmem:$0x15A00]  }
0x286: {  	[tilespmem:$0x1A800] =	vst v2;
	v2 =	vld [tilespmem:$0x15A80]  }
0x287: {  	[tilespmem:$0x1A880] =	vst v3;
	v3 =	vld [tilespmem:$0x15B00]  }
0x288: {  	v22 =	vld [tilespmem:$0x15E00];
	[tilespmem:$0x1AB80] =	vst v20  }
0x289: {  	v23 =	vld [tilespmem:$0x15E80];
	[tilespmem:$0x1AC00] =	vst v21  }
0x28a: {  	[tilespmem:$0x1AA00] =	vst v1;
	v1 =	vld [tilespmem:$0x15C80]  }
0x28b: {  	[tilespmem:$0x1AA80] =	vst v2;
	v2 =	vld [tilespmem:$0x15D00]  }
0x28c: {  	[tilespmem:$0x1AB00] =	vst v3;
	v3 =	vld [tilespmem:$0x15D80]  }
0x28d: {  	v24 =	vld [tilespmem:$0x16080];
	[tilespmem:$0x1AE00] =	vst v22  }
0x28e: {  	v25 =	vld [tilespmem:$0x16100];
	[tilespmem:$0x1AE80] =	vst v23  }
0x28f: {  	[tilespmem:$0x1AC80] =	vst v1;
	v1 =	vld [tilespmem:$0x15F00]  }
0x290: {  	[tilespmem:$0x1AD00] =	vst v2;
	v2 =	vld [tilespmem:$0x15F80]  }
0x291: {  	[tilespmem:$0x1AD80] =	vst v3;
	v3 =	vld [tilespmem:$0x16000]  }
0x292: {  	v26 =	vld [tilespmem:$0x16300];
	[tilespmem:$0x1B080] =	vst v24  }
0x293: {  	v27 =	vld [tilespmem:$0x16380];
	[tilespmem:$0x1B100] =	vst v25  }
0x294: {  	[tilespmem:$0x1AF00] =	vst v1;
	v1 =	vld [tilespmem:$0x16180]  }
0x295: {  	[tilespmem:$0x1AF80] =	vst v2;
	v2 =	vld [tilespmem:$0x16200]  }
0x296: {  	[tilespmem:$0x1B000] =	vst v3;
	v3 =	vld [tilespmem:$0x16280]  }
0x297: {  	v28 =	vld [tilespmem:$0x16580];
	[tilespmem:$0x1B300] =	vst v26  }
0x298: {  	v29 =	vld [tilespmem:$0x16600];
	[tilespmem:$0x1B380] =	vst v27  }
0x299: {  	[tilespmem:$0x1B180] =	vst v1;
	v1 =	vld [tilespmem:$0x16400]  }
0x29a: {  	[tilespmem:$0x1B200] =	vst v2;
	v2 =	vld [tilespmem:$0x16480]  }
0x29b: {  	[tilespmem:$0x1B280] =	vst v3;
	v3 =	vld [tilespmem:$0x16500]  }
0x29c: {  	v30 =	vld [tilespmem:$0x16800];
	[tilespmem:$0x1B580] =	vst v28  }
0x29d: {  	v31 =	vld [tilespmem:$0x16880];
	[tilespmem:$0x1B600] =	vst v29  }
0x29e: {  	[tilespmem:$0x1B400] =	vst v1;
	v1 =	vld [tilespmem:$0x16680]  }
0x29f: {  	[tilespmem:$0x1B480] =	vst v2;
	v2 =	vld [tilespmem:$0x16700]  }
0x2a0: {  	[tilespmem:$0x1B500] =	vst v3;
	v3 =	vld [tilespmem:$0x16780]  }
0x2a1: {  	[tilespmem:$0x1B800] =	vst v30  }
0x2a2: {  	[tilespmem:$0x1B880] =	vst v31  }
0x2a3: {  	[tilespmem:$0x1B680] =	vst v1  }
0x2a4: {  	[tilespmem:$0x1B700] =	vst v2  }
0x2a5: {  	[tilespmem:$0x1B780] =	vst v3  }
0x2a6: {  	[spmem:s29] =	stream.indirect.scatter.add.f32 [tilespmem:s7], [sflag:$0x3], $0x80, s10, s14, $0xb8;
	[tilespmem:$0x1E100] =	vst v63  }
0x2a7: {  	_ =	swait.ge [sflag:s8], $0x2800  }
0x2a8: {  	s21 =	sadd.s32 $0xFFFFFFB0, s20;
	[sflag:s8] =	ssyncset.done $0x0  }
0x2a9: {  	s22 =	sadd.s32 s19, s1;
	s21 =	sshrl.u32 s21, $0x3;
	[sflag:s8] =	ssyncadd.s32 $0xFFFFD800  }
0x2aa: {  	[tilespmem:s9], [sflag:$0x1] =	stream.linear.gather [hbm4b:s22+s25], $0x2800, $0x38;
	[tilespmem:$0x1E100] =	vst v63  }
0x2ab: {  	s21 =	sadd.s32 s3, s21  }
0x2ac: {  	[tilespmem:s10], [sflag:$0x1] =	stream.linear.gather [hbm4b:s21+s25], $0x50, $0x38;
	[tilespmem:$0x1E100] =	vst v63  }
0x2ad: {  	_ =	swait.ge [sflag:s15], $0x2800  }
0x2ae: {  	[sflag:s15] =	ssyncset.done $0x0  }
0x2af: {  	[sflag:s15] =	ssyncadd.s32 $0xFFFFD800  }
0x2b0: {  	_ =	swait.ge [sflag:s15], $0x50  }
0x2b1: {  	[sflag:s15] =	ssyncset.done $0x0  }
0x2b2: {  	[sflag:s15] =	ssyncadd.s32 $0xFFFFFFB0  }
0x2b3: {  	v1 =	vld [tilespmem:$0x16900]  }
0x2b4: {  	v2 =	vld [tilespmem:$0x16980]  }
0x2b5: {  	v3 =	vld [tilespmem:$0x16A00]  }
0x2b6: {  	v32 =	vld [tilespmem:$0x16A80]  }
0x2b7: {  	v33 =	vld [tilespmem:$0x16B00]  }
0x2b8: {  	v34 =	vld [tilespmem:$0x16D00];
	[tilespmem:$0x1B900] =	vst v1  }
0x2b9: {  	v35 =	vld [tilespmem:$0x16D80];
	[tilespmem:$0x1B980] =	vst v2  }
0x2ba: {  	v1 =	vld [tilespmem:$0x16B80];
	[tilespmem:$0x1BA00] =	vst v3  }
0x2bb: {  	v2 =	vld [tilespmem:$0x16C00];
	[tilespmem:$0x1BA80] =	vst v32  }
0x2bc: {  	v3 =	vld [tilespmem:$0x16C80];
	[tilespmem:$0x1BB00] =	vst v33  }
0x2bd: {  	v36 =	vld [tilespmem:$0x16F80];
	[tilespmem:$0x1BD00] =	vst v34  }
0x2be: {  	v37 =	vld [tilespmem:$0x17000];
	[tilespmem:$0x1BD80] =	vst v35  }
0x2bf: {  	[tilespmem:$0x1BB80] =	vst v1;
	v1 =	vld [tilespmem:$0x16E00]  }
0x2c0: {  	[tilespmem:$0x1BC00] =	vst v2;
	v2 =	vld [tilespmem:$0x16E80]  }
0x2c1: {  	[tilespmem:$0x1BC80] =	vst v3;
	v3 =	vld [tilespmem:$0x16F00]  }
0x2c2: {  	v38 =	vld [tilespmem:$0x17200];
	[tilespmem:$0x1BF80] =	vst v36  }
0x2c3: {  	v39 =	vld [tilespmem:$0x17280];
	[tilespmem:$0x1C000] =	vst v37  }
0x2c4: {  	[tilespmem:$0x1BE00] =	vst v1;
	v1 =	vld [tilespmem:$0x17080]  }
0x2c5: {  	[tilespmem:$0x1BE80] =	vst v2;
	v2 =	vld [tilespmem:$0x17100]  }
0x2c6: {  	[tilespmem:$0x1BF00] =	vst v3;
	v3 =	vld [tilespmem:$0x17180]  }
0x2c7: {  	v40 =	vld [tilespmem:$0x17480];
	[tilespmem:$0x1C200] =	vst v38  }
0x2c8: {  	v41 =	vld [tilespmem:$0x17500];
	[tilespmem:$0x1C280] =	vst v39  }
0x2c9: {  	[tilespmem:$0x1C080] =	vst v1;
	v1 =	vld [tilespmem:$0x17300]  }
0x2ca: {  	[tilespmem:$0x1C100] =	vst v2;
	v2 =	vld [tilespmem:$0x17380]  }
0x2cb: {  	[tilespmem:$0x1C180] =	vst v3;
	v3 =	vld [tilespmem:$0x17400]  }
0x2cc: {  	v42 =	vld [tilespmem:$0x17700];
	[tilespmem:$0x1C480] =	vst v40  }
0x2cd: {  	v43 =	vld [tilespmem:$0x17780];
	[tilespmem:$0x1C500] =	vst v41  }
0x2ce: {  	[tilespmem:$0x1C300] =	vst v1;
	v1 =	vld [tilespmem:$0x17580]  }
0x2cf: {  	[tilespmem:$0x1C380] =	vst v2;
	v2 =	vld [tilespmem:$0x17600]  }
0x2d0: {  	[tilespmem:$0x1C400] =	vst v3;
	v3 =	vld [tilespmem:$0x17680]  }
0x2d1: {  	v44 =	vld [tilespmem:$0x17980];
	[tilespmem:$0x1C700] =	vst v42  }
0x2d2: {  	v45 =	vld [tilespmem:$0x17A00];
	[tilespmem:$0x1C780] =	vst v43  }
0x2d3: {  	[tilespmem:$0x1C580] =	vst v1;
	v1 =	vld [tilespmem:$0x17800]  }
0x2d4: {  	[tilespmem:$0x1C600] =	vst v2;
	v2 =	vld [tilespmem:$0x17880]  }
0x2d5: {  	[tilespmem:$0x1C680] =	vst v3;
	v3 =	vld [tilespmem:$0x17900]  }
0x2d6: {  	v46 =	vld [tilespmem:$0x17C00];
	[tilespmem:$0x1C980] =	vst v44  }
0x2d7: {  	v47 =	vld [tilespmem:$0x17C80];
	[tilespmem:$0x1CA00] =	vst v45  }
0x2d8: {  	[tilespmem:$0x1C800] =	vst v1;
	v1 =	vld [tilespmem:$0x17A80]  }
0x2d9: {  	[tilespmem:$0x1C880] =	vst v2;
	v2 =	vld [tilespmem:$0x17B00]  }
0x2da: {  	[tilespmem:$0x1C900] =	vst v3;
	v3 =	vld [tilespmem:$0x17B80]  }
0x2db: {  	v48 =	vld [tilespmem:$0x17E80];
	[tilespmem:$0x1CC00] =	vst v46  }
0x2dc: {  	v49 =	vld [tilespmem:$0x17F00];
	[tilespmem:$0x1CC80] =	vst v47  }
0x2dd: {  	[tilespmem:$0x1CA80] =	vst v1;
	v1 =	vld [tilespmem:$0x17D00]  }
0x2de: {  	[tilespmem:$0x1CB00] =	vst v2;
	v2 =	vld [tilespmem:$0x17D80]  }
0x2df: {  	[tilespmem:$0x1CB80] =	vst v3;
	v3 =	vld [tilespmem:$0x17E00]  }
0x2e0: {  	v50 =	vld [tilespmem:$0x18100];
	[tilespmem:$0x1CE80] =	vst v48  }
0x2e1: {  	v51 =	vld [tilespmem:$0x18180];
	[tilespmem:$0x1CF00] =	vst v49  }
0x2e2: {  	[tilespmem:$0x1CD00] =	vst v1;
	v1 =	vld [tilespmem:$0x17F80]  }
0x2e3: {  	[tilespmem:$0x1CD80] =	vst v2;
	v2 =	vld [tilespmem:$0x18000]  }
0x2e4: {  	[tilespmem:$0x1CE00] =	vst v3;
	v3 =	vld [tilespmem:$0x18080]  }
0x2e5: {  	v52 =	vld [tilespmem:$0x18380];
	[tilespmem:$0x1D100] =	vst v50  }
0x2e6: {  	v53 =	vld [tilespmem:$0x18400];
	[tilespmem:$0x1D180] =	vst v51  }
0x2e7: {  	[tilespmem:$0x1CF80] =	vst v1;
	v1 =	vld [tilespmem:$0x18200]  }
0x2e8: {  	[tilespmem:$0x1D000] =	vst v2;
	v2 =	vld [tilespmem:$0x18280]  }
0x2e9: {  	[tilespmem:$0x1D080] =	vst v3;
	v3 =	vld [tilespmem:$0x18300]  }
0x2ea: {  	v54 =	vld [tilespmem:$0x18600];
	[tilespmem:$0x1D380] =	vst v52  }
0x2eb: {  	v55 =	vld [tilespmem:$0x18680];
	[tilespmem:$0x1D400] =	vst v53  }
0x2ec: {  	[tilespmem:$0x1D200] =	vst v1;
	v1 =	vld [tilespmem:$0x18480]  }
0x2ed: {  	[tilespmem:$0x1D280] =	vst v2;
	v2 =	vld [tilespmem:$0x18500]  }
0x2ee: {  	[tilespmem:$0x1D300] =	vst v3;
	v3 =	vld [tilespmem:$0x18580]  }
0x2ef: {  	v56 =	vld [tilespmem:$0x18880];
	[tilespmem:$0x1D600] =	vst v54  }
0x2f0: {  	v57 =	vld [tilespmem:$0x18900];
	[tilespmem:$0x1D680] =	vst v55  }
0x2f1: {  	[tilespmem:$0x1D480] =	vst v1;
	v1 =	vld [tilespmem:$0x18700]  }
0x2f2: {  	[tilespmem:$0x1D500] =	vst v2;
	v2 =	vld [tilespmem:$0x18780]  }
0x2f3: {  	[tilespmem:$0x1D580] =	vst v3;
	v3 =	vld [tilespmem:$0x18800]  }
0x2f4: {  	v58 =	vld [tilespmem:$0x18B00];
	[tilespmem:$0x1D880] =	vst v56  }
0x2f5: {  	v59 =	vld [tilespmem:$0x18B80];
	[tilespmem:$0x1D900] =	vst v57  }
0x2f6: {  	[tilespmem:$0x1D700] =	vst v1;
	v1 =	vld [tilespmem:$0x18980]  }
0x2f7: {  	[tilespmem:$0x1D780] =	vst v2;
	v2 =	vld [tilespmem:$0x18A00]  }
0x2f8: {  	[tilespmem:$0x1D800] =	vst v3;
	v3 =	vld [tilespmem:$0x18A80]  }
0x2f9: {  	v60 =	vld [tilespmem:$0x18D80];
	[tilespmem:$0x1DB00] =	vst v58  }
0x2fa: {  	v61 =	vld [tilespmem:$0x18E00];
	[tilespmem:$0x1DB80] =	vst v59  }
0x2fb: {  	[tilespmem:$0x1D980] =	vst v1;
	v1 =	vld [tilespmem:$0x18C00]  }
0x2fc: {  	[tilespmem:$0x1DA00] =	vst v2;
	v2 =	vld [tilespmem:$0x18C80]  }
0x2fd: {  	[tilespmem:$0x1DA80] =	vst v3;
	v3 =	vld [tilespmem:$0x18D00]  }
0x2fe: {  	v62 =	vld [tilespmem:$0x19000];
	[tilespmem:$0x1DD80] =	vst v60  }
0x2ff: {  	v63 =	vld [tilespmem:$0x19080];
	[tilespmem:$0x1DE00] =	vst v61  }
0x300: {  	[tilespmem:$0x1DC00] =	vst v1;
	v1 =	vld [tilespmem:$0x18E80]  }
0x301: {  	[tilespmem:$0x1DC80] =	vst v2;
	v2 =	vld [tilespmem:$0x18F00]  }
0x302: {  	[tilespmem:$0x1DD00] =	vst v3;
	v3 =	vld [tilespmem:$0x18F80]  }
0x303: {  	[tilespmem:$0x1E000] =	vst v62  }
0x304: {  	[tilespmem:$0x1E080] =	vst v63  }
0x305: {  	[tilespmem:$0x1DE80] =	vst v1  }
0x306: {  	[tilespmem:$0x1DF00] =	vst v2  }
0x307: {  	p0 =	slt.s32 s20, $0x4E1B0;
	s21 =	sadd.s32 $0xA0, s20;
	[tilespmem:$0x1DF80] =	vst v3  }
0x308: {  	[spmem:s29] =	stream.indirect.scatter.add.f32 [tilespmem:s16], [sflag:$0x3], $0x80, s12, s14, $0xb8;
	[tilespmem:$0x1E100] =	vst v63  }
0x309: {  	s20 =	simm.s32 @!p0 $0x4E1B0;
	p0 =	sne.s32 s19, $0x26C00;
	_ =	swait.ge [sflag:s8], $0x2800  }
0x30a: {  	s22 =	sshll.u32 s20, $0x4;
	s20 =	sshrl.u32 s20, $0x3;
	[sflag:s8] =	ssyncset.done $0x0  }
.Ltmp3:
0x30b: {  	s22 =	sadd.s32 s31, s22;
	[sflag:s8] =	ssyncadd.s32 $0xFFFFD800;
	(pc) =	sbr.rel @p0 .LBB2_8-.Ltmp3, $4  }
0x30c: {  	[tilespmem:s11], [sflag:$0x2] =	stream.linear.gather [hbm4b:s22+s25], $0x2800, $0x38;
	[tilespmem:$0x1E100] =	vst v63  }
0x30d: {  	s20 =	sadd.s32 s3, s20  }
0x30e: {  	[tilespmem:s12], [sflag:$0x2] =	stream.linear.gather [hbm4b:s20+s25], $0x50, $0x38;
	[tilespmem:$0x1E100] =	vst v63  }
0x30f: {  	s19 =	sadd.s32 $0xA00, s19;
	s20 =	smov.u32 s21  }
0x310: {  	_ =	swait.ge [sflag:s13], $0x2800  }
0x311: {  	[sflag:s13] =	ssyncset.done $0x0  }
0x312: {  	[sflag:s13] =	ssyncadd.s32 $0xFFFFD800  }
0x313: {  	_ =	swait.ge [sflag:s13], $0x50  }
0x314: {  	[sflag:s13] =	ssyncset.done $0x0  }
0x315: {  	[sflag:s13] =	ssyncadd.s32 $0xFFFFFFB0  }
0x316: {  	v1 =	vld [tilespmem:$0x14100]  }
0x317: {  	v2 =	vld [tilespmem:$0x14180]  }
0x318: {  	v3 =	vld [tilespmem:$0x14200]  }
0x319: {  	v4 =	vld [tilespmem:$0x14280]  }
0x31a: {  	v5 =	vld [tilespmem:$0x14300]  }
0x31b: {  	v34 =	vld [tilespmem:$0x14500];
	[tilespmem:$0x19100] =	vst v1  }
0x31c: {  	v35 =	vld [tilespmem:$0x14580];
	[tilespmem:$0x19180] =	vst v2  }
0x31d: {  	v1 =	vld [tilespmem:$0x14380];
	[tilespmem:$0x19200] =	vst v3  }
0x31e: {  	v2 =	vld [tilespmem:$0x14400];
	[tilespmem:$0x19280] =	vst v4  }
0x31f: {  	v3 =	vld [tilespmem:$0x14480];
	[tilespmem:$0x19300] =	vst v5  }
0x320: {  	v36 =	vld [tilespmem:$0x14780];
	[tilespmem:$0x19500] =	vst v34  }
0x321: {  	v37 =	vld [tilespmem:$0x14800];
	[tilespmem:$0x19580] =	vst v35  }
0x322: {  	[tilespmem:$0x19380] =	vst v1;
	v1 =	vld [tilespmem:$0x14600]  }
0x323: {  	[tilespmem:$0x19400] =	vst v2;
	v2 =	vld [tilespmem:$0x14680]  }
0x324: {  	[tilespmem:$0x19480] =	vst v3;
	v3 =	vld [tilespmem:$0x14700]  }
0x325: {  	v38 =	vld [tilespmem:$0x14A00];
	[tilespmem:$0x19780] =	vst v36  }
0x326: {  	v39 =	vld [tilespmem:$0x14A80];
	[tilespmem:$0x19800] =	vst v37  }
0x327: {  	[tilespmem:$0x19600] =	vst v1;
	v1 =	vld [tilespmem:$0x14880]  }
0x328: {  	[tilespmem:$0x19680] =	vst v2;
	v2 =	vld [tilespmem:$0x14900]  }
0x329: {  	[tilespmem:$0x19700] =	vst v3;
	v3 =	vld [tilespmem:$0x14980]  }
0x32a: {  	v40 =	vld [tilespmem:$0x14C80];
	[tilespmem:$0x19A00] =	vst v38  }
0x32b: {  	v41 =	vld [tilespmem:$0x14D00];
	[tilespmem:$0x19A80] =	vst v39  }
0x32c: {  	[tilespmem:$0x19880] =	vst v1;
	v1 =	vld [tilespmem:$0x14B00]  }
0x32d: {  	[tilespmem:$0x19900] =	vst v2;
	v2 =	vld [tilespmem:$0x14B80]  }
0x32e: {  	[tilespmem:$0x19980] =	vst v3;
	v3 =	vld [tilespmem:$0x14C00]  }
0x32f: {  	v42 =	vld [tilespmem:$0x14F00];
	[tilespmem:$0x19C80] =	vst v40  }
0x330: {  	v43 =	vld [tilespmem:$0x14F80];
	[tilespmem:$0x19D00] =	vst v41  }
0x331: {  	[tilespmem:$0x19B00] =	vst v1;
	v1 =	vld [tilespmem:$0x14D80]  }
0x332: {  	[tilespmem:$0x19B80] =	vst v2;
	v2 =	vld [tilespmem:$0x14E00]  }
0x333: {  	[tilespmem:$0x19C00] =	vst v3;
	v3 =	vld [tilespmem:$0x14E80]  }
0x334: {  	v44 =	vld [tilespmem:$0x15180];
	[tilespmem:$0x19F00] =	vst v42  }
0x335: {  	v45 =	vld [tilespmem:$0x15200];
	[tilespmem:$0x19F80] =	vst v43  }
0x336: {  	[tilespmem:$0x19D80] =	vst v1;
	v1 =	vld [tilespmem:$0x15000]  }
0x337: {  	[tilespmem:$0x19E00] =	vst v2;
	v2 =	vld [tilespmem:$0x15080]  }
0x338: {  	[tilespmem:$0x19E80] =	vst v3;
	v3 =	vld [tilespmem:$0x15100]  }
0x339: {  	v46 =	vld [tilespmem:$0x15400];
	[tilespmem:$0x1A180] =	vst v44  }
0x33a: {  	v47 =	vld [tilespmem:$0x15480];
	[tilespmem:$0x1A200] =	vst v45  }
0x33b: {  	[tilespmem:$0x1A000] =	vst v1;
	v1 =	vld [tilespmem:$0x15280]  }
0x33c: {  	[tilespmem:$0x1A080] =	vst v2;
	v2 =	vld [tilespmem:$0x15300]  }
0x33d: {  	[tilespmem:$0x1A100] =	vst v3;
	v3 =	vld [tilespmem:$0x15380]  }
0x33e: {  	v48 =	vld [tilespmem:$0x15680];
	[tilespmem:$0x1A400] =	vst v46  }
0x33f: {  	v49 =	vld [tilespmem:$0x15700];
	[tilespmem:$0x1A480] =	vst v47  }
0x340: {  	[tilespmem:$0x1A280] =	vst v1;
	v1 =	vld [tilespmem:$0x15500]  }
0x341: {  	[tilespmem:$0x1A300] =	vst v2;
	v2 =	vld [tilespmem:$0x15580]  }
0x342: {  	[tilespmem:$0x1A380] =	vst v3;
	v3 =	vld [tilespmem:$0x15600]  }
0x343: {  	v50 =	vld [tilespmem:$0x15900];
	[tilespmem:$0x1A680] =	vst v48  }
0x344: {  	v51 =	vld [tilespmem:$0x15980];
	[tilespmem:$0x1A700] =	vst v49  }
0x345: {  	[tilespmem:$0x1A500] =	vst v1;
	v1 =	vld [tilespmem:$0x15780]  }
0x346: {  	[tilespmem:$0x1A580] =	vst v2;
	v2 =	vld [tilespmem:$0x15800]  }
0x347: {  	[tilespmem:$0x1A600] =	vst v3;
	v3 =	vld [tilespmem:$0x15880]  }
0x348: {  	v52 =	vld [tilespmem:$0x15B80];
	[tilespmem:$0x1A900] =	vst v50  }
0x349: {  	v53 =	vld [tilespmem:$0x15C00];
	[tilespmem:$0x1A980] =	vst v51  }
0x34a: {  	[tilespmem:$0x1A780] =	vst v1;
	v1 =	vld [tilespmem:$0x15A00]  }
0x34b: {  	[tilespmem:$0x1A800] =	vst v2;
	v2 =	vld [tilespmem:$0x15A80]  }
0x34c: {  	[tilespmem:$0x1A880] =	vst v3;
	v3 =	vld [tilespmem:$0x15B00]  }
0x34d: {  	v54 =	vld [tilespmem:$0x15E00];
	[tilespmem:$0x1AB80] =	vst v52  }
0x34e: {  	v55 =	vld [tilespmem:$0x15E80];
	[tilespmem:$0x1AC00] =	vst v53  }
0x34f: {  	[tilespmem:$0x1AA00] =	vst v1;
	v1 =	vld [tilespmem:$0x15C80]  }
0x350: {  	[tilespmem:$0x1AA80] =	vst v2;
	v2 =	vld [tilespmem:$0x15D00]  }
0x351: {  	[tilespmem:$0x1AB00] =	vst v3;
	v3 =	vld [tilespmem:$0x15D80]  }
0x352: {  	v56 =	vld [tilespmem:$0x16080];
	[tilespmem:$0x1AE00] =	vst v54  }
0x353: {  	v57 =	vld [tilespmem:$0x16100];
	[tilespmem:$0x1AE80] =	vst v55  }
0x354: {  	[tilespmem:$0x1AC80] =	vst v1;
	v1 =	vld [tilespmem:$0x15F00]  }
0x355: {  	[tilespmem:$0x1AD00] =	vst v2;
	v2 =	vld [tilespmem:$0x15F80]  }
0x356: {  	[tilespmem:$0x1AD80] =	vst v3;
	v3 =	vld [tilespmem:$0x16000]  }
0x357: {  	v58 =	vld [tilespmem:$0x16300];
	[tilespmem:$0x1B080] =	vst v56  }
0x358: {  	v59 =	vld [tilespmem:$0x16380];
	[tilespmem:$0x1B100] =	vst v57  }
0x359: {  	[tilespmem:$0x1AF00] =	vst v1;
	v1 =	vld [tilespmem:$0x16180]  }
0x35a: {  	[tilespmem:$0x1AF80] =	vst v2;
	v2 =	vld [tilespmem:$0x16200]  }
0x35b: {  	[tilespmem:$0x1B000] =	vst v3;
	v3 =	vld [tilespmem:$0x16280]  }
0x35c: {  	v60 =	vld [tilespmem:$0x16580];
	[tilespmem:$0x1B300] =	vst v58  }
0x35d: {  	v61 =	vld [tilespmem:$0x16600];
	[tilespmem:$0x1B380] =	vst v59  }
0x35e: {  	[tilespmem:$0x1B180] =	vst v1;
	v1 =	vld [tilespmem:$0x16400]  }
0x35f: {  	[tilespmem:$0x1B200] =	vst v2;
	v2 =	vld [tilespmem:$0x16480]  }
0x360: {  	[tilespmem:$0x1B280] =	vst v3;
	v3 =	vld [tilespmem:$0x16500]  }
0x361: {  	v62 =	vld [tilespmem:$0x16800];
	[tilespmem:$0x1B580] =	vst v60  }
0x362: {  	v63 =	vld [tilespmem:$0x16880];
	[tilespmem:$0x1B600] =	vst v61  }
0x363: {  	[tilespmem:$0x1B400] =	vst v1;
	v1 =	vld [tilespmem:$0x16680]  }
0x364: {  	[tilespmem:$0x1B480] =	vst v2;
	v2 =	vld [tilespmem:$0x16700]  }
0x365: {  	[tilespmem:$0x1B500] =	vst v3;
	v3 =	vld [tilespmem:$0x16780]  }
0x366: {  	[tilespmem:$0x1B800] =	vst v62  }
0x367: {  	[tilespmem:$0x1B880] =	vst v63  }
0x368: {  	[tilespmem:$0x1B680] =	vst v1  }
0x369: {  	[tilespmem:$0x1B700] =	vst v2  }
0x36a: {  	[tilespmem:$0x1B780] =	vst v3  }
0x36b: {  	[spmem:s29] =	stream.indirect.scatter.add.f32 [tilespmem:s7], [sflag:$0x3], $0x80, s10, s14, $0xb8;
	[tilespmem:$0x1E100] =	vst v63  }
0x36c: {  	_ =	swait.ge [sflag:s8], $0x2800  }
0x36d: {  	[sflag:s8] =	ssyncset.done $0x0  }
0x36e: {  	[sflag:s8] =	ssyncadd.s32 $0xFFFFD800  }
0x36f: {  	_ =	swait.ge [sflag:s15], $0x2800  }
0x370: {  	[sflag:s15] =	ssyncset.done $0x0  }
0x371: {  	[sflag:s15] =	ssyncadd.s32 $0xFFFFD800  }
0x372: {  	_ =	swait.ge [sflag:s15], $0x50  }
0x373: {  	[sflag:s15] =	ssyncset.done $0x0  }
0x374: {  	[sflag:s15] =	ssyncadd.s32 $0xFFFFFFB0  }
0x375: {  	[bflag:$0x0] =	sbarrier.arrive $0xFFFF  }
0x376: {  	s21 =	sld [smem:$0x7FC]  }
0x377: {  	[tilespmem:s7], [sflag:$0x1] =	stream.linear.gather [spmem:s17], $0x2800, $0x38;
	[tilespmem:$0x1E100] =	vst v63  }
0x378: {  	_ = 	snop  }
0x379: {  	[tilespmem:s16], [sflag:$0x2] =	stream.linear.gather [spmem:s21], $0x2800, $0x38;
	[tilespmem:$0x1E100] =	vst v63  }
0x37a: {  	_ =	swait.ge [sflag:s13], $0x2800  }
0x37b: {  	[sflag:s13] =	ssyncset.done $0x0  }
0x37c: {  	s19 =	simm.s32 $0x0;
	s20 =	rddreg [dreg:$0xc];
	[sflag:s13] =	ssyncadd.s32 $0xFFFFD800  }
0x37d: {  	[hbm4b:s20+s19] =	stream.linear.scatter [tilespmem:s7], [sflag:$0x3], $0x2800, $0x38;
	[tilespmem:$0x1E100] =	vst v63  }
0x37e: {  	_ =	swait.ge [sflag:s15], $0x2800  }
0x37f: {  	[sflag:s15] =	ssyncset.done $0x0  }
0x380: {  	s22 =	rddreg [dreg:$0xd];
	[sflag:s15] =	ssyncadd.s32 $0xFFFFD800  }
0x381: {  	[hbm4b:s22+s19] =	stream.linear.scatter [tilespmem:s16], [sflag:$0x3], $0x2800, $0x38;
	[tilespmem:$0x1E100] =	vst v63  }
0x382: {  	_ =	swait.ge [sflag:s8], $0x2800  }
0x383: {  	[sflag:s8] =	ssyncset.done $0x0  }
0x384: {  	[sflag:s8] =	ssyncadd.s32 $0xFFFFD800  }
0x385: {  	_ =	swait.ge [sflag:s8], $0x2800  }
0x386: {  	s22 =	sld [smem:$0x7FD]  }
0x387: {  	[sflag:s8] =	ssyncset.done $0x0  }
0x388: {  	s20 =	sld [smem:$0x7FB];
	[sflag:s8] =	ssyncadd.s32 $0xFFFFD800  }
0x389: {  	[tilespmem:s7], [sflag:$0x1] =	stream.linear.gather [spmem:s22], $0x2800, $0x38;
	[tilespmem:$0x1E100] =	vst v63  }
0x38a: {  	_ = 	snop  }
0x38b: {  	[tilespmem:s16], [sflag:$0x2] =	stream.linear.gather [spmem:s20], $0x2800, $0x38;
	[tilespmem:$0x1E100] =	vst v63  }
0x38c: {  	_ =	swait.ge [sflag:s13], $0x2800  }
0x38d: {  	[sflag:s13] =	ssyncset.done $0x0  }
0x38e: {  	s20 =	rddreg [dreg:$0xe];
	[sflag:s13] =	ssyncadd.s32 $0xFFFFD800  }
0x38f: {  	[hbm4b:s20+s19] =	stream.linear.scatter [tilespmem:s7], [sflag:$0x3], $0x2800, $0x38;
	[tilespmem:$0x1E100] =	vst v63  }
0x390: {  	_ =	swait.ge [sflag:s15], $0x2800  }
0x391: {  	[sflag:s15] =	ssyncset.done $0x0  }
0x392: {  	s20 =	rddreg [dreg:$0xf];
	[sflag:s15] =	ssyncadd.s32 $0xFFFFD800  }
0x393: {  	[hbm4b:s20+s19] =	stream.linear.scatter [tilespmem:s16], [sflag:$0x3], $0x2800, $0x38;
	[tilespmem:$0x1E100] =	vst v63  }
0x394: {  	_ =	swait.ge [sflag:s8], $0x2800  }
0x395: {  	[sflag:s8] =	ssyncset.done $0x0  }
0x396: {  	[sflag:s8] =	ssyncadd.s32 $0xFFFFD800  }
0x397: {  	_ =	swait.ge [sflag:s8], $0x2800  }
0x398: {  	[sflag:s8] =	ssyncset.done $0x0  }
0x399: {  	[sflag:s8] =	ssyncadd.s32 $0xFFFFD800  }
0x39a: {  	[tilespmem:s7], [sflag:$0x1] =	stream.linear.gather [spmem:s23], $0x2800, $0x38;
	[tilespmem:$0x1E100] =	vst v63  }
0x39b: {  	_ = 	snop  }
0x39c: {  	[tilespmem:s16], [sflag:$0x2] =	stream.linear.gather [spmem:s24], $0x2800, $0x38;
	[tilespmem:$0x1E100] =	vst v63  }
0x39d: {  	_ =	swait.ge [sflag:s13], $0x2800  }
0x39e: {  	[sflag:s13] =	ssyncset.done $0x0  }
0x39f: {  	s20 =	rddreg [dreg:$0x10];
	[sflag:s13] =	ssyncadd.s32 $0xFFFFD800  }
0x3a0: {  	[hbm4b:s20+s19] =	stream.linear.scatter [tilespmem:s7], [sflag:$0x3], $0x2800, $0x38;
	[tilespmem:$0x1E100] =	vst v63  }
0x3a1: {  	_ =	swait.ge [sflag:s15], $0x2800  }
0x3a2: {  	[sflag:s15] =	ssyncset.done $0x0  }
0x3a3: {  	s20 =	rddreg [dreg:$0x11];
	[sflag:s15] =	ssyncadd.s32 $0xFFFFD800  }
0x3a4: {  	[hbm4b:s20+s19] =	stream.linear.scatter [tilespmem:s16], [sflag:$0x3], $0x2800, $0x38;
	[tilespmem:$0x1E100] =	vst v63  }
0x3a5: {  	_ =	swait.ge [sflag:s8], $0x2800  }
0x3a6: {  	[sflag:s8] =	ssyncset.done $0x0  }
0x3a7: {  	[sflag:s8] =	ssyncadd.s32 $0xFFFFD800  }
0x3a8: {  	_ =	swait.ge [sflag:s8], $0x2800  }
0x3a9: {  	[sflag:s8] =	ssyncset.done $0x0  }
0x3aa: {  	[sflag:s8] =	ssyncadd.s32 $0xFFFFD800  }
0x3ab: {  	[tilespmem:s7], [sflag:$0x1] =	stream.linear.gather [spmem:s5], $0x2800, $0x38;
	[tilespmem:$0x1E100] =	vst v63  }
0x3ac: {  	_ = 	snop  }
0x3ad: {  	[tilespmem:s16], [sflag:$0x2] =	stream.linear.gather [spmem:s6], $0x2800, $0x38;
	[tilespmem:$0x1E100] =	vst v63  }
0x3ae: {  	_ =	swait.ge [sflag:s13], $0x2800  }
0x3af: {  	[sflag:s13] =	ssyncset.done $0x0  }
0x3b0: {  	s20 =	rddreg [dreg:$0x12];
	[sflag:s13] =	ssyncadd.s32 $0xFFFFD800  }
0x3b1: {  	[hbm4b:s20+s19] =	stream.linear.scatter [tilespmem:s7], [sflag:$0x3], $0x2800, $0x38;
	[tilespmem:$0x1E100] =	vst v63  }
0x3b2: {  	_ =	swait.ge [sflag:s15], $0x2800  }
0x3b3: {  	[sflag:s15] =	ssyncset.done $0x0  }
0x3b4: {  	s20 =	rddreg [dreg:$0x13];
	[sflag:s15] =	ssyncadd.s32 $0xFFFFD800  }
0x3b5: {  	[hbm4b:s20+s19] =	stream.linear.scatter [tilespmem:s16], [sflag:$0x3], $0x2800, $0x38;
	[tilespmem:$0x1E100] =	vst v63  }
0x3b6: {  	_ =	swait.ge [sflag:s8], $0x2800  }
0x3b7: {  	[sflag:s8] =	ssyncset.done $0x0  }
0x3b8: {  	[sflag:s8] =	ssyncadd.s32 $0xFFFFD800  }
0x3b9: {  	_ =	swait.ge [sflag:s8], $0x2800  }
0x3ba: {  	[sflag:s8] =	ssyncset.done $0x0  }
0x3bb: {  	[sflag:s8] =	ssyncadd.s32 $0xFFFFD800  }
0x3bc: {  	s19 =	simm.s32 $0x0;
	s20 =	simm.s32 $0x200;
	[bflag:$0x0] =	sbarrier.arrive $0xFFFF  }
.LBB2_10:
0x3bd: {  	p0 =	sne.s32 s20, $0x9E00;
	[tilespmem:s19+$0x1B970] =	vst v0  }
0x3be: {  	[tilespmem:s19+$0x19100] =	vst v0  }
0x3bf: {  	[tilespmem:s19+$0x1B900] =	vst v0  }
0x3c0: {  	[tilespmem:s19+$0x19110] =	vst v0  }
0x3c1: {  	[tilespmem:s19+$0x1B910] =	vst v0  }
0x3c2: {  	[tilespmem:s19+$0x19120] =	vst v0  }
0x3c3: {  	[tilespmem:s19+$0x1B920] =	vst v0  }
0x3c4: {  	[tilespmem:s19+$0x19130] =	vst v0  }
0x3c5: {  	[tilespmem:s19+$0x1B930] =	vst v0  }
0x3c6: {  	[tilespmem:s19+$0x19140] =	vst v0  }
0x3c7: {  	[tilespmem:s19+$0x1B940] =	vst v0  }
.Ltmp4:
0x3c8: {  	[tilespmem:s19+$0x19150] =	vst v0;
	(pc) =	sbr.rel @p0 .LBB2_10-.Ltmp4, $4  }
0x3c9: {  	[tilespmem:s19+$0x1B950] =	vst v0  }
0x3ca: {  	[tilespmem:s19+$0x19160] =	vst v0  }
0x3cb: {  	[tilespmem:s19+$0x1B960] =	vst v0  }
0x3cc: {  	[tilespmem:s19+$0x19170] =	vst v0;
	s19 =	sshra.s32 s20, $0x2;
	s20 =	sadd.s32 $0x200, s20  }
0x3cd: {  	[tilespmem:s19+$0x1B970] =	vst v0  }
0x3ce: {  	[tilespmem:s19+$0x19100] =	vst v0  }
0x3cf: {  	[tilespmem:s19+$0x1B900] =	vst v0  }
0x3d0: {  	[tilespmem:s19+$0x19110] =	vst v0  }
0x3d1: {  	[tilespmem:s19+$0x1B910] =	vst v0  }
0x3d2: {  	[tilespmem:s19+$0x19120] =	vst v0  }
0x3d3: {  	[tilespmem:s19+$0x1B920] =	vst v0  }
0x3d4: {  	[tilespmem:s19+$0x19130] =	vst v0  }
0x3d5: {  	[tilespmem:s19+$0x1B930] =	vst v0  }
0x3d6: {  	[tilespmem:s19+$0x19140] =	vst v0  }
0x3d7: {  	[tilespmem:s19+$0x1B940] =	vst v0  }
0x3d8: {  	[tilespmem:s19+$0x19150] =	vst v0  }
0x3d9: {  	[tilespmem:s19+$0x1B950] =	vst v0  }
0x3da: {  	[tilespmem:s19+$0x19160] =	vst v0  }
0x3db: {  	[tilespmem:s19+$0x1B960] =	vst v0  }
0x3dc: {  	[tilespmem:s19+$0x19170] =	vst v0  }
0x3dd: {  	[spmem:s17] =	stream.linear.scatter [tilespmem:s7], [sflag:$0x3], $0x2800, $0x38;
	[tilespmem:$0x1E100] =	vst v63  }
0x3de: {  	_ = 	snop  }
0x3df: {  	[spmem:s21] =	stream.linear.scatter [tilespmem:s7], [sflag:$0x3], $0x2800, $0x38;
	[tilespmem:$0x1E100] =	vst v63  }
0x3e0: {  	s21 =	sld [smem:$0x7FB]  }
0x3e1: {  	[spmem:s22] =	stream.linear.scatter [tilespmem:s7], [sflag:$0x3], $0x2800, $0x38;
	[tilespmem:$0x1E100] =	vst v63  }
0x3e2: {  	_ = 	snop  }
0x3e3: {  	[spmem:s21] =	stream.linear.scatter [tilespmem:s7], [sflag:$0x3], $0x2800, $0x38;
	[tilespmem:$0x1E100] =	vst v63  }
0x3e4: {  	_ = 	snop  }
0x3e5: {  	[spmem:s23] =	stream.linear.scatter [tilespmem:s7], [sflag:$0x3], $0x2800, $0x38;
	[tilespmem:$0x1E100] =	vst v63  }
0x3e6: {  	_ = 	snop  }
0x3e7: {  	[spmem:s24] =	stream.linear.scatter [tilespmem:s7], [sflag:$0x3], $0x2800, $0x38;
	[tilespmem:$0x1E100] =	vst v63  }
0x3e8: {  	_ = 	snop  }
0x3e9: {  	[spmem:s5] =	stream.linear.scatter [tilespmem:s7], [sflag:$0x3], $0x2800, $0x38;
	[tilespmem:$0x1E100] =	vst v63  }
0x3ea: {  	_ = 	snop  }
0x3eb: {  	[spmem:s6] =	stream.linear.scatter [tilespmem:s7], [sflag:$0x3], $0x2800, $0x38;
	[tilespmem:$0x1E100] =	vst v63  }
0x3ec: {  	_ =	swait.ge [sflag:s8], $0x2800  }
0x3ed: {  	[sflag:s8] =	ssyncset.done $0x0  }
0x3ee: {  	[sflag:s8] =	ssyncadd.s32 $0xFFFFD800  }
0x3ef: {  	_ =	swait.ge [sflag:s8], $0x2800  }
0x3f0: {  	[sflag:s8] =	ssyncset.done $0x0  }
0x3f1: {  	[sflag:s8] =	ssyncadd.s32 $0xFFFFD800  }
0x3f2: {  	_ =	swait.ge [sflag:s8], $0x2800  }
0x3f3: {  	[sflag:s8] =	ssyncset.done $0x0  }
0x3f4: {  	[sflag:s8] =	ssyncadd.s32 $0xFFFFD800  }
0x3f5: {  	_ =	swait.ge [sflag:s8], $0x2800  }
0x3f6: {  	[sflag:s8] =	ssyncset.done $0x0  }
0x3f7: {  	[sflag:s8] =	ssyncadd.s32 $0xFFFFD800  }
0x3f8: {  	_ =	swait.ge [sflag:s8], $0x2800  }
0x3f9: {  	[sflag:s8] =	ssyncset.done $0x0  }
0x3fa: {  	[sflag:s8] =	ssyncadd.s32 $0xFFFFD800  }
0x3fb: {  	_ =	swait.ge [sflag:s8], $0x2800  }
0x3fc: {  	[sflag:s8] =	ssyncset.done $0x0  }
0x3fd: {  	[sflag:s8] =	ssyncadd.s32 $0xFFFFD800  }
0x3fe: {  	_ =	swait.ge [sflag:s8], $0x2800  }
0x3ff: {  	[sflag:s8] =	ssyncset.done $0x0  }
0x400: {  	[sflag:s8] =	ssyncadd.s32 $0xFFFFD800  }
0x401: {  	_ =	swait.ge [sflag:s8], $0x2800  }
0x402: {  	[sflag:s8] =	ssyncset.done $0x0  }
0x403: {  	[sflag:s8] =	ssyncadd.s32 $0xFFFFD800  }
0x404: {  	[bflag:$0x0] =	sbarrier.arrive $0xFFFF  }
0x405: {  	s22 =	rddreg [dreg:$0x1e]  }
0x406: {  	s20 =	sld [smem:$0x7F2]  }
0x407: {  	[tilespmem:s9], [sflag:$0x1] =	stream.linear.gather [hbm4b:s22+s25], $0x2800, $0x38;
	[tilespmem:$0x1E100] =	vst v63  }
0x408: {  	s21 =	sld [smem:$0x7F5]  }
0x409: {  	[tilespmem:s10], [sflag:$0x1] =	stream.linear.gather [hbm4b:s20+s25], $0x50, $0x38;
	[tilespmem:$0x1E100] =	vst v63  }
0x40a: {  	s22 =	sld [smem:$0x7F8]  }
0x40b: {  	[tilespmem:s11], [sflag:$0x2] =	stream.linear.gather [hbm4b:s21+s25], $0x2800, $0x38;
	[tilespmem:$0x1E100] =	vst v63  }
0x40c: {  	s19 =	simm.s32 $0xA00;
	s20 =	sld [smem:$0x7FA]  }
0x40d: {  	[tilespmem:s12], [sflag:$0x2] =	stream.linear.gather [hbm4b:s22+s25], $0x50, $0x38;
	[tilespmem:$0x1E100] =	vst v63  }
.LBB2_12:
0x40e: {  	_ =	swait.ge [sflag:s13], $0x2800  }
0x40f: {  	[sflag:s13] =	ssyncset.done $0x0  }
0x410: {  	[sflag:s13] =	ssyncadd.s32 $0xFFFFD800  }
0x411: {  	_ =	swait.ge [sflag:s13], $0x50  }
0x412: {  	[sflag:s13] =	ssyncset.done $0x0  }
0x413: {  	[sflag:s13] =	ssyncadd.s32 $0xFFFFFFB0  }
0x414: {  	v1 =	vld [tilespmem:$0x14100]  }
0x415: {  	v2 =	vld [tilespmem:$0x14180]  }
0x416: {  	v3 =	vld [tilespmem:$0x14200]  }
0x417: {  	v4 =	vld [tilespmem:$0x14280]  }
0x418: {  	v5 =	vld [tilespmem:$0x14300]  }
0x419: {  	v58 =	vld [tilespmem:$0x14500];
	[tilespmem:$0x19100] =	vst v1  }
0x41a: {  	v59 =	vld [tilespmem:$0x14580];
	[tilespmem:$0x19180] =	vst v2  }
0x41b: {  	v1 =	vld [tilespmem:$0x14380];
	[tilespmem:$0x19200] =	vst v3  }
0x41c: {  	v2 =	vld [tilespmem:$0x14400];
	[tilespmem:$0x19280] =	vst v4  }
0x41d: {  	v3 =	vld [tilespmem:$0x14480];
	[tilespmem:$0x19300] =	vst v5  }
0x41e: {  	v60 =	vld [tilespmem:$0x14780];
	[tilespmem:$0x19500] =	vst v58  }
0x41f: {  	v61 =	vld [tilespmem:$0x14800];
	[tilespmem:$0x19580] =	vst v59  }
0x420: {  	[tilespmem:$0x19380] =	vst v1;
	v1 =	vld [tilespmem:$0x14600]  }
0x421: {  	[tilespmem:$0x19400] =	vst v2;
	v2 =	vld [tilespmem:$0x14680]  }
0x422: {  	[tilespmem:$0x19480] =	vst v3;
	v3 =	vld [tilespmem:$0x14700]  }
0x423: {  	v62 =	vld [tilespmem:$0x14A00];
	[tilespmem:$0x19780] =	vst v60  }
0x424: {  	v63 =	vld [tilespmem:$0x14A80];
	[tilespmem:$0x19800] =	vst v61  }
0x425: {  	[tilespmem:$0x19600] =	vst v1;
	v1 =	vld [tilespmem:$0x14880]  }
0x426: {  	[tilespmem:$0x19680] =	vst v2;
	v2 =	vld [tilespmem:$0x14900]  }
0x427: {  	[tilespmem:$0x19700] =	vst v3;
	v3 =	vld [tilespmem:$0x14980]  }
0x428: {  	v8 =	vld [tilespmem:$0x14C80];
	[tilespmem:$0x19A00] =	vst v62  }
0x429: {  	v9 =	vld [tilespmem:$0x14D00];
	[tilespmem:$0x19A80] =	vst v63  }
0x42a: {  	[tilespmem:$0x19880] =	vst v1;
	v1 =	vld [tilespmem:$0x14B00]  }
0x42b: {  	[tilespmem:$0x19900] =	vst v2;
	v2 =	vld [tilespmem:$0x14B80]  }
0x42c: {  	[tilespmem:$0x19980] =	vst v3;
	v3 =	vld [tilespmem:$0x14C00]  }
0x42d: {  	v10 =	vld [tilespmem:$0x14F00];
	[tilespmem:$0x19C80] =	vst v8  }
0x42e: {  	v11 =	vld [tilespmem:$0x14F80];
	[tilespmem:$0x19D00] =	vst v9  }
0x42f: {  	[tilespmem:$0x19B00] =	vst v1;
	v1 =	vld [tilespmem:$0x14D80]  }
0x430: {  	[tilespmem:$0x19B80] =	vst v2;
	v2 =	vld [tilespmem:$0x14E00]  }
0x431: {  	[tilespmem:$0x19C00] =	vst v3;
	v3 =	vld [tilespmem:$0x14E80]  }
0x432: {  	v12 =	vld [tilespmem:$0x15180];
	[tilespmem:$0x19F00] =	vst v10  }
0x433: {  	v13 =	vld [tilespmem:$0x15200];
	[tilespmem:$0x19F80] =	vst v11  }
0x434: {  	[tilespmem:$0x19D80] =	vst v1;
	v1 =	vld [tilespmem:$0x15000]  }
0x435: {  	[tilespmem:$0x19E00] =	vst v2;
	v2 =	vld [tilespmem:$0x15080]  }
0x436: {  	[tilespmem:$0x19E80] =	vst v3;
	v3 =	vld [tilespmem:$0x15100]  }
0x437: {  	v14 =	vld [tilespmem:$0x15400];
	[tilespmem:$0x1A180] =	vst v12  }
0x438: {  	v15 =	vld [tilespmem:$0x15480];
	[tilespmem:$0x1A200] =	vst v13  }
0x439: {  	[tilespmem:$0x1A000] =	vst v1;
	v1 =	vld [tilespmem:$0x15280]  }
0x43a: {  	[tilespmem:$0x1A080] =	vst v2;
	v2 =	vld [tilespmem:$0x15300]  }
0x43b: {  	[tilespmem:$0x1A100] =	vst v3;
	v3 =	vld [tilespmem:$0x15380]  }
0x43c: {  	v16 =	vld [tilespmem:$0x15680];
	[tilespmem:$0x1A400] =	vst v14  }
0x43d: {  	v17 =	vld [tilespmem:$0x15700];
	[tilespmem:$0x1A480] =	vst v15  }
0x43e: {  	[tilespmem:$0x1A280] =	vst v1;
	v1 =	vld [tilespmem:$0x15500]  }
0x43f: {  	[tilespmem:$0x1A300] =	vst v2;
	v2 =	vld [tilespmem:$0x15580]  }
0x440: {  	[tilespmem:$0x1A380] =	vst v3;
	v3 =	vld [tilespmem:$0x15600]  }
0x441: {  	v18 =	vld [tilespmem:$0x15900];
	[tilespmem:$0x1A680] =	vst v16  }
0x442: {  	v19 =	vld [tilespmem:$0x15980];
	[tilespmem:$0x1A700] =	vst v17  }
0x443: {  	[tilespmem:$0x1A500] =	vst v1;
	v1 =	vld [tilespmem:$0x15780]  }
0x444: {  	[tilespmem:$0x1A580] =	vst v2;
	v2 =	vld [tilespmem:$0x15800]  }
0x445: {  	[tilespmem:$0x1A600] =	vst v3;
	v3 =	vld [tilespmem:$0x15880]  }
0x446: {  	v20 =	vld [tilespmem:$0x15B80];
	[tilespmem:$0x1A900] =	vst v18  }
0x447: {  	v21 =	vld [tilespmem:$0x15C00];
	[tilespmem:$0x1A980] =	vst v19  }
0x448: {  	[tilespmem:$0x1A780] =	vst v1;
	v1 =	vld [tilespmem:$0x15A00]  }
0x449: {  	[tilespmem:$0x1A800] =	vst v2;
	v2 =	vld [tilespmem:$0x15A80]  }
0x44a: {  	[tilespmem:$0x1A880] =	vst v3;
	v3 =	vld [tilespmem:$0x15B00]  }
0x44b: {  	v22 =	vld [tilespmem:$0x15E00];
	[tilespmem:$0x1AB80] =	vst v20  }
0x44c: {  	v23 =	vld [tilespmem:$0x15E80];
	[tilespmem:$0x1AC00] =	vst v21  }
0x44d: {  	[tilespmem:$0x1AA00] =	vst v1;
	v1 =	vld [tilespmem:$0x15C80]  }
0x44e: {  	[tilespmem:$0x1AA80] =	vst v2;
	v2 =	vld [tilespmem:$0x15D00]  }
0x44f: {  	[tilespmem:$0x1AB00] =	vst v3;
	v3 =	vld [tilespmem:$0x15D80]  }
0x450: {  	v24 =	vld [tilespmem:$0x16080];
	[tilespmem:$0x1AE00] =	vst v22  }
0x451: {  	v25 =	vld [tilespmem:$0x16100];
	[tilespmem:$0x1AE80] =	vst v23  }
0x452: {  	[tilespmem:$0x1AC80] =	vst v1;
	v1 =	vld [tilespmem:$0x15F00]  }
0x453: {  	[tilespmem:$0x1AD00] =	vst v2;
	v2 =	vld [tilespmem:$0x15F80]  }
0x454: {  	[tilespmem:$0x1AD80] =	vst v3;
	v3 =	vld [tilespmem:$0x16000]  }
0x455: {  	v26 =	vld [tilespmem:$0x16300];
	[tilespmem:$0x1B080] =	vst v24  }
0x456: {  	v27 =	vld [tilespmem:$0x16380];
	[tilespmem:$0x1B100] =	vst v25  }
0x457: {  	[tilespmem:$0x1AF00] =	vst v1;
	v1 =	vld [tilespmem:$0x16180]  }
0x458: {  	[tilespmem:$0x1AF80] =	vst v2;
	v2 =	vld [tilespmem:$0x16200]  }
0x459: {  	[tilespmem:$0x1B000] =	vst v3;
	v3 =	vld [tilespmem:$0x16280]  }
0x45a: {  	v28 =	vld [tilespmem:$0x16580];
	[tilespmem:$0x1B300] =	vst v26  }
0x45b: {  	v29 =	vld [tilespmem:$0x16600];
	[tilespmem:$0x1B380] =	vst v27  }
0x45c: {  	[tilespmem:$0x1B180] =	vst v1;
	v1 =	vld [tilespmem:$0x16400]  }
0x45d: {  	[tilespmem:$0x1B200] =	vst v2;
	v2 =	vld [tilespmem:$0x16480]  }
0x45e: {  	[tilespmem:$0x1B280] =	vst v3;
	v3 =	vld [tilespmem:$0x16500]  }
0x45f: {  	v30 =	vld [tilespmem:$0x16800];
	[tilespmem:$0x1B580] =	vst v28  }
0x460: {  	v31 =	vld [tilespmem:$0x16880];
	[tilespmem:$0x1B600] =	vst v29  }
0x461: {  	[tilespmem:$0x1B400] =	vst v1;
	v1 =	vld [tilespmem:$0x16680]  }
0x462: {  	[tilespmem:$0x1B480] =	vst v2;
	v2 =	vld [tilespmem:$0x16700]  }
0x463: {  	[tilespmem:$0x1B500] =	vst v3;
	v3 =	vld [tilespmem:$0x16780]  }
0x464: {  	[tilespmem:$0x1B800] =	vst v30  }
0x465: {  	[tilespmem:$0x1B880] =	vst v31  }
0x466: {  	[tilespmem:$0x1B680] =	vst v1  }
0x467: {  	[tilespmem:$0x1B700] =	vst v2  }
0x468: {  	[tilespmem:$0x1B780] =	vst v3  }
0x469: {  	[spmem:s29] =	stream.indirect.scatter.add.f32 [tilespmem:s7], [sflag:$0x3], $0x80, s10, s14, $0xb8;
	[tilespmem:$0x1E100] =	vst v63  }
0x46a: {  	_ =	swait.ge [sflag:s8], $0x2800  }
0x46b: {  	s21 =	sadd.s32 $0xFFFFFFB0, s20;
	[sflag:s8] =	ssyncset.done $0x0  }
0x46c: {  	s22 =	sadd.s32 s19, s2;
	s21 =	sshrl.u32 s21, $0x3;
	[sflag:s8] =	ssyncadd.s32 $0xFFFFD800  }
0x46d: {  	[tilespmem:s9], [sflag:$0x1] =	stream.linear.gather [hbm4b:s22+s25], $0x2800, $0x38;
	[tilespmem:$0x1E100] =	vst v63  }
0x46e: {  	s21 =	sadd.s32 s4, s21  }
0x46f: {  	[tilespmem:s10], [sflag:$0x1] =	stream.linear.gather [hbm4b:s21+s25], $0x50, $0x38;
	[tilespmem:$0x1E100] =	vst v63  }
0x470: {  	_ =	swait.ge [sflag:s15], $0x2800  }
0x471: {  	[sflag:s15] =	ssyncset.done $0x0  }
0x472: {  	[sflag:s15] =	ssyncadd.s32 $0xFFFFD800  }
0x473: {  	_ =	swait.ge [sflag:s15], $0x50  }
0x474: {  	[sflag:s15] =	ssyncset.done $0x0  }
0x475: {  	[sflag:s15] =	ssyncadd.s32 $0xFFFFFFB0  }
0x476: {  	v1 =	vld [tilespmem:$0x16900]  }
0x477: {  	v2 =	vld [tilespmem:$0x16980]  }
0x478: {  	v3 =	vld [tilespmem:$0x16A00]  }
0x479: {  	v32 =	vld [tilespmem:$0x16A80]  }
0x47a: {  	v33 =	vld [tilespmem:$0x16B00]  }
0x47b: {  	v34 =	vld [tilespmem:$0x16D00];
	[tilespmem:$0x1B900] =	vst v1  }
0x47c: {  	v35 =	vld [tilespmem:$0x16D80];
	[tilespmem:$0x1B980] =	vst v2  }
0x47d: {  	v1 =	vld [tilespmem:$0x16B80];
	[tilespmem:$0x1BA00] =	vst v3  }
0x47e: {  	v2 =	vld [tilespmem:$0x16C00];
	[tilespmem:$0x1BA80] =	vst v32  }
0x47f: {  	v3 =	vld [tilespmem:$0x16C80];
	[tilespmem:$0x1BB00] =	vst v33  }
0x480: {  	v36 =	vld [tilespmem:$0x16F80];
	[tilespmem:$0x1BD00] =	vst v34  }
0x481: {  	v37 =	vld [tilespmem:$0x17000];
	[tilespmem:$0x1BD80] =	vst v35  }
0x482: {  	[tilespmem:$0x1BB80] =	vst v1;
	v1 =	vld [tilespmem:$0x16E00]  }
0x483: {  	[tilespmem:$0x1BC00] =	vst v2;
	v2 =	vld [tilespmem:$0x16E80]  }
0x484: {  	[tilespmem:$0x1BC80] =	vst v3;
	v3 =	vld [tilespmem:$0x16F00]  }
0x485: {  	v38 =	vld [tilespmem:$0x17200];
	[tilespmem:$0x1BF80] =	vst v36  }
0x486: {  	v39 =	vld [tilespmem:$0x17280];
	[tilespmem:$0x1C000] =	vst v37  }
0x487: {  	[tilespmem:$0x1BE00] =	vst v1;
	v1 =	vld [tilespmem:$0x17080]  }
0x488: {  	[tilespmem:$0x1BE80] =	vst v2;
	v2 =	vld [tilespmem:$0x17100]  }
0x489: {  	[tilespmem:$0x1BF00] =	vst v3;
	v3 =	vld [tilespmem:$0x17180]  }
0x48a: {  	v40 =	vld [tilespmem:$0x17480];
	[tilespmem:$0x1C200] =	vst v38  }
0x48b: {  	v41 =	vld [tilespmem:$0x17500];
	[tilespmem:$0x1C280] =	vst v39  }
0x48c: {  	[tilespmem:$0x1C080] =	vst v1;
	v1 =	vld [tilespmem:$0x17300]  }
0x48d: {  	[tilespmem:$0x1C100] =	vst v2;
	v2 =	vld [tilespmem:$0x17380]  }
0x48e: {  	[tilespmem:$0x1C180] =	vst v3;
	v3 =	vld [tilespmem:$0x17400]  }
0x48f: {  	v42 =	vld [tilespmem:$0x17700];
	[tilespmem:$0x1C480] =	vst v40  }
0x490: {  	v43 =	vld [tilespmem:$0x17780];
	[tilespmem:$0x1C500] =	vst v41  }
0x491: {  	[tilespmem:$0x1C300] =	vst v1;
	v1 =	vld [tilespmem:$0x17580]  }
0x492: {  	[tilespmem:$0x1C380] =	vst v2;
	v2 =	vld [tilespmem:$0x17600]  }
0x493: {  	[tilespmem:$0x1C400] =	vst v3;
	v3 =	vld [tilespmem:$0x17680]  }
0x494: {  	v44 =	vld [tilespmem:$0x17980];
	[tilespmem:$0x1C700] =	vst v42  }
0x495: {  	v45 =	vld [tilespmem:$0x17A00];
	[tilespmem:$0x1C780] =	vst v43  }
0x496: {  	[tilespmem:$0x1C580] =	vst v1;
	v1 =	vld [tilespmem:$0x17800]  }
0x497: {  	[tilespmem:$0x1C600] =	vst v2;
	v2 =	vld [tilespmem:$0x17880]  }
0x498: {  	[tilespmem:$0x1C680] =	vst v3;
	v3 =	vld [tilespmem:$0x17900]  }
0x499: {  	v46 =	vld [tilespmem:$0x17C00];
	[tilespmem:$0x1C980] =	vst v44  }
0x49a: {  	v47 =	vld [tilespmem:$0x17C80];
	[tilespmem:$0x1CA00] =	vst v45  }
0x49b: {  	[tilespmem:$0x1C800] =	vst v1;
	v1 =	vld [tilespmem:$0x17A80]  }
0x49c: {  	[tilespmem:$0x1C880] =	vst v2;
	v2 =	vld [tilespmem:$0x17B00]  }
0x49d: {  	[tilespmem:$0x1C900] =	vst v3;
	v3 =	vld [tilespmem:$0x17B80]  }
0x49e: {  	v48 =	vld [tilespmem:$0x17E80];
	[tilespmem:$0x1CC00] =	vst v46  }
0x49f: {  	v49 =	vld [tilespmem:$0x17F00];
	[tilespmem:$0x1CC80] =	vst v47  }
0x4a0: {  	[tilespmem:$0x1CA80] =	vst v1;
	v1 =	vld [tilespmem:$0x17D00]  }
0x4a1: {  	[tilespmem:$0x1CB00] =	vst v2;
	v2 =	vld [tilespmem:$0x17D80]  }
0x4a2: {  	[tilespmem:$0x1CB80] =	vst v3;
	v3 =	vld [tilespmem:$0x17E00]  }
0x4a3: {  	v50 =	vld [tilespmem:$0x18100];
	[tilespmem:$0x1CE80] =	vst v48  }
0x4a4: {  	v51 =	vld [tilespmem:$0x18180];
	[tilespmem:$0x1CF00] =	vst v49  }
0x4a5: {  	[tilespmem:$0x1CD00] =	vst v1;
	v1 =	vld [tilespmem:$0x17F80]  }
0x4a6: {  	[tilespmem:$0x1CD80] =	vst v2;
	v2 =	vld [tilespmem:$0x18000]  }
0x4a7: {  	[tilespmem:$0x1CE00] =	vst v3;
	v3 =	vld [tilespmem:$0x18080]  }
0x4a8: {  	v52 =	vld [tilespmem:$0x18380];
	[tilespmem:$0x1D100] =	vst v50  }
0x4a9: {  	v53 =	vld [tilespmem:$0x18400];
	[tilespmem:$0x1D180] =	vst v51  }
0x4aa: {  	[tilespmem:$0x1CF80] =	vst v1;
	v1 =	vld [tilespmem:$0x18200]  }
0x4ab: {  	[tilespmem:$0x1D000] =	vst v2;
	v2 =	vld [tilespmem:$0x18280]  }
0x4ac: {  	[tilespmem:$0x1D080] =	vst v3;
	v3 =	vld [tilespmem:$0x18300]  }
0x4ad: {  	v54 =	vld [tilespmem:$0x18600];
	[tilespmem:$0x1D380] =	vst v52  }
0x4ae: {  	v55 =	vld [tilespmem:$0x18680];
	[tilespmem:$0x1D400] =	vst v53  }
0x4af: {  	[tilespmem:$0x1D200] =	vst v1;
	v1 =	vld [tilespmem:$0x18480]  }
0x4b0: {  	[tilespmem:$0x1D280] =	vst v2;
	v2 =	vld [tilespmem:$0x18500]  }
0x4b1: {  	[tilespmem:$0x1D300] =	vst v3;
	v3 =	vld [tilespmem:$0x18580]  }
0x4b2: {  	v56 =	vld [tilespmem:$0x18880];
	[tilespmem:$0x1D600] =	vst v54  }
0x4b3: {  	v57 =	vld [tilespmem:$0x18900];
	[tilespmem:$0x1D680] =	vst v55  }
0x4b4: {  	[tilespmem:$0x1D480] =	vst v1;
	v1 =	vld [tilespmem:$0x18700]  }
0x4b5: {  	[tilespmem:$0x1D500] =	vst v2;
	v2 =	vld [tilespmem:$0x18780]  }
0x4b6: {  	[tilespmem:$0x1D580] =	vst v3;
	v3 =	vld [tilespmem:$0x18800]  }
0x4b7: {  	v58 =	vld [tilespmem:$0x18B00];
	[tilespmem:$0x1D880] =	vst v56  }
0x4b8: {  	v59 =	vld [tilespmem:$0x18B80];
	[tilespmem:$0x1D900] =	vst v57  }
0x4b9: {  	[tilespmem:$0x1D700] =	vst v1;
	v1 =	vld [tilespmem:$0x18980]  }
0x4ba: {  	[tilespmem:$0x1D780] =	vst v2;
	v2 =	vld [tilespmem:$0x18A00]  }
0x4bb: {  	[tilespmem:$0x1D800] =	vst v3;
	v3 =	vld [tilespmem:$0x18A80]  }
0x4bc: {  	v60 =	vld [tilespmem:$0x18D80];
	[tilespmem:$0x1DB00] =	vst v58  }
0x4bd: {  	v61 =	vld [tilespmem:$0x18E00];
	[tilespmem:$0x1DB80] =	vst v59  }
0x4be: {  	[tilespmem:$0x1D980] =	vst v1;
	v1 =	vld [tilespmem:$0x18C00]  }
0x4bf: {  	[tilespmem:$0x1DA00] =	vst v2;
	v2 =	vld [tilespmem:$0x18C80]  }
0x4c0: {  	[tilespmem:$0x1DA80] =	vst v3;
	v3 =	vld [tilespmem:$0x18D00]  }
0x4c1: {  	v62 =	vld [tilespmem:$0x19000];
	[tilespmem:$0x1DD80] =	vst v60  }
0x4c2: {  	v63 =	vld [tilespmem:$0x19080];
	[tilespmem:$0x1DE00] =	vst v61  }
0x4c3: {  	[tilespmem:$0x1DC00] =	vst v1;
	v1 =	vld [tilespmem:$0x18E80]  }
0x4c4: {  	[tilespmem:$0x1DC80] =	vst v2;
	v2 =	vld [tilespmem:$0x18F00]  }
0x4c5: {  	[tilespmem:$0x1DD00] =	vst v3;
	v3 =	vld [tilespmem:$0x18F80]  }
0x4c6: {  	[tilespmem:$0x1E000] =	vst v62  }
0x4c7: {  	[tilespmem:$0x1E080] =	vst v63  }
0x4c8: {  	[tilespmem:$0x1DE80] =	vst v1  }
0x4c9: {  	[tilespmem:$0x1DF00] =	vst v2  }
0x4ca: {  	p0 =	slt.s32 s20, $0x4E1B0;
	s21 =	sadd.s32 $0xA0, s20;
	[tilespmem:$0x1DF80] =	vst v3  }
0x4cb: {  	[spmem:s29] =	stream.indirect.scatter.add.f32 [tilespmem:s16], [sflag:$0x3], $0x80, s12, s14, $0xb8;
	[tilespmem:$0x1E100] =	vst v63  }
0x4cc: {  	s20 =	simm.s32 @!p0 $0x4E1B0;
	p0 =	sne.s32 s19, $0x26C00;
	_ =	swait.ge [sflag:s8], $0x2800  }
0x4cd: {  	s22 =	sshll.u32 s20, $0x4;
	s20 =	sshrl.u32 s20, $0x3;
	[sflag:s8] =	ssyncset.done $0x0  }
.Ltmp5:
0x4ce: {  	s22 =	sadd.s32 s0, s22;
	[sflag:s8] =	ssyncadd.s32 $0xFFFFD800;
	(pc) =	sbr.rel @p0 .LBB2_12-.Ltmp5, $4  }
0x4cf: {  	[tilespmem:s11], [sflag:$0x2] =	stream.linear.gather [hbm4b:s22+s25], $0x2800, $0x38;
	[tilespmem:$0x1E100] =	vst v63  }
0x4d0: {  	s20 =	sadd.s32 s4, s20  }
0x4d1: {  	[tilespmem:s12], [sflag:$0x2] =	stream.linear.gather [hbm4b:s20+s25], $0x50, $0x38;
	[tilespmem:$0x1E100] =	vst v63  }
0x4d2: {  	s19 =	sadd.s32 $0xA00, s19;
	s20 =	smov.u32 s21  }
0x4d3: {  	_ =	swait.ge [sflag:s13], $0x2800  }
0x4d4: {  	[sflag:s13] =	ssyncset.done $0x0  }
0x4d5: {  	[sflag:s13] =	ssyncadd.s32 $0xFFFFD800  }
0x4d6: {  	_ =	swait.ge [sflag:s13], $0x50  }
0x4d7: {  	[sflag:s13] =	ssyncset.done $0x0  }
0x4d8: {  	[sflag:s13] =	ssyncadd.s32 $0xFFFFFFB0  }
0x4d9: {  	v1 =	vld [tilespmem:$0x14100]  }
0x4da: {  	v2 =	vld [tilespmem:$0x14180]  }
0x4db: {  	v3 =	vld [tilespmem:$0x14200]  }
0x4dc: {  	v4 =	vld [tilespmem:$0x14280]  }
0x4dd: {  	v5 =	vld [tilespmem:$0x14300]  }
0x4de: {  	v34 =	vld [tilespmem:$0x14500];
	[tilespmem:$0x19100] =	vst v1  }
0x4df: {  	v35 =	vld [tilespmem:$0x14580];
	[tilespmem:$0x19180] =	vst v2  }
0x4e0: {  	v1 =	vld [tilespmem:$0x14380];
	[tilespmem:$0x19200] =	vst v3  }
0x4e1: {  	v2 =	vld [tilespmem:$0x14400];
	[tilespmem:$0x19280] =	vst v4  }
0x4e2: {  	v3 =	vld [tilespmem:$0x14480];
	[tilespmem:$0x19300] =	vst v5  }
0x4e3: {  	v36 =	vld [tilespmem:$0x14780];
	[tilespmem:$0x19500] =	vst v34  }
0x4e4: {  	v37 =	vld [tilespmem:$0x14800];
	[tilespmem:$0x19580] =	vst v35  }
0x4e5: {  	[tilespmem:$0x19380] =	vst v1;
	v1 =	vld [tilespmem:$0x14600]  }
0x4e6: {  	[tilespmem:$0x19400] =	vst v2;
	v2 =	vld [tilespmem:$0x14680]  }
0x4e7: {  	[tilespmem:$0x19480] =	vst v3;
	v3 =	vld [tilespmem:$0x14700]  }
0x4e8: {  	v38 =	vld [tilespmem:$0x14A00];
	[tilespmem:$0x19780] =	vst v36  }
0x4e9: {  	v39 =	vld [tilespmem:$0x14A80];
	[tilespmem:$0x19800] =	vst v37  }
0x4ea: {  	[tilespmem:$0x19600] =	vst v1;
	v1 =	vld [tilespmem:$0x14880]  }
0x4eb: {  	[tilespmem:$0x19680] =	vst v2;
	v2 =	vld [tilespmem:$0x14900]  }
0x4ec: {  	[tilespmem:$0x19700] =	vst v3;
	v3 =	vld [tilespmem:$0x14980]  }
0x4ed: {  	v40 =	vld [tilespmem:$0x14C80];
	[tilespmem:$0x19A00] =	vst v38  }
0x4ee: {  	v41 =	vld [tilespmem:$0x14D00];
	[tilespmem:$0x19A80] =	vst v39  }
0x4ef: {  	[tilespmem:$0x19880] =	vst v1;
	v1 =	vld [tilespmem:$0x14B00]  }
0x4f0: {  	[tilespmem:$0x19900] =	vst v2;
	v2 =	vld [tilespmem:$0x14B80]  }
0x4f1: {  	[tilespmem:$0x19980] =	vst v3;
	v3 =	vld [tilespmem:$0x14C00]  }
0x4f2: {  	v42 =	vld [tilespmem:$0x14F00];
	[tilespmem:$0x19C80] =	vst v40  }
0x4f3: {  	v43 =	vld [tilespmem:$0x14F80];
	[tilespmem:$0x19D00] =	vst v41  }
0x4f4: {  	[tilespmem:$0x19B00] =	vst v1;
	v1 =	vld [tilespmem:$0x14D80]  }
0x4f5: {  	[tilespmem:$0x19B80] =	vst v2;
	v2 =	vld [tilespmem:$0x14E00]  }
0x4f6: {  	[tilespmem:$0x19C00] =	vst v3;
	v3 =	vld [tilespmem:$0x14E80]  }
0x4f7: {  	v44 =	vld [tilespmem:$0x15180];
	[tilespmem:$0x19F00] =	vst v42  }
0x4f8: {  	v45 =	vld [tilespmem:$0x15200];
	[tilespmem:$0x19F80] =	vst v43  }
0x4f9: {  	[tilespmem:$0x19D80] =	vst v1;
	v1 =	vld [tilespmem:$0x15000]  }
0x4fa: {  	[tilespmem:$0x19E00] =	vst v2;
	v2 =	vld [tilespmem:$0x15080]  }
0x4fb: {  	[tilespmem:$0x19E80] =	vst v3;
	v3 =	vld [tilespmem:$0x15100]  }
0x4fc: {  	v46 =	vld [tilespmem:$0x15400];
	[tilespmem:$0x1A180] =	vst v44  }
0x4fd: {  	v47 =	vld [tilespmem:$0x15480];
	[tilespmem:$0x1A200] =	vst v45  }
0x4fe: {  	[tilespmem:$0x1A000] =	vst v1;
	v1 =	vld [tilespmem:$0x15280]  }
0x4ff: {  	[tilespmem:$0x1A080] =	vst v2;
	v2 =	vld [tilespmem:$0x15300]  }
0x500: {  	[tilespmem:$0x1A100] =	vst v3;
	v3 =	vld [tilespmem:$0x15380]  }
0x501: {  	v48 =	vld [tilespmem:$0x15680];
	[tilespmem:$0x1A400] =	vst v46  }
0x502: {  	v49 =	vld [tilespmem:$0x15700];
	[tilespmem:$0x1A480] =	vst v47  }
0x503: {  	[tilespmem:$0x1A280] =	vst v1;
	v1 =	vld [tilespmem:$0x15500]  }
0x504: {  	[tilespmem:$0x1A300] =	vst v2;
	v2 =	vld [tilespmem:$0x15580]  }
0x505: {  	[tilespmem:$0x1A380] =	vst v3;
	v3 =	vld [tilespmem:$0x15600]  }
0x506: {  	v50 =	vld [tilespmem:$0x15900];
	[tilespmem:$0x1A680] =	vst v48  }
0x507: {  	v51 =	vld [tilespmem:$0x15980];
	[tilespmem:$0x1A700] =	vst v49  }
0x508: {  	[tilespmem:$0x1A500] =	vst v1;
	v1 =	vld [tilespmem:$0x15780]  }
0x509: {  	[tilespmem:$0x1A580] =	vst v2;
	v2 =	vld [tilespmem:$0x15800]  }
0x50a: {  	[tilespmem:$0x1A600] =	vst v3;
	v3 =	vld [tilespmem:$0x15880]  }
0x50b: {  	v52 =	vld [tilespmem:$0x15B80];
	[tilespmem:$0x1A900] =	vst v50  }
0x50c: {  	v53 =	vld [tilespmem:$0x15C00];
	[tilespmem:$0x1A980] =	vst v51  }
0x50d: {  	[tilespmem:$0x1A780] =	vst v1;
	v1 =	vld [tilespmem:$0x15A00]  }
0x50e: {  	[tilespmem:$0x1A800] =	vst v2;
	v2 =	vld [tilespmem:$0x15A80]  }
0x50f: {  	[tilespmem:$0x1A880] =	vst v3;
	v3 =	vld [tilespmem:$0x15B00]  }
0x510: {  	v54 =	vld [tilespmem:$0x15E00];
	[tilespmem:$0x1AB80] =	vst v52  }
0x511: {  	v55 =	vld [tilespmem:$0x15E80];
	[tilespmem:$0x1AC00] =	vst v53  }
0x512: {  	[tilespmem:$0x1AA00] =	vst v1;
	v1 =	vld [tilespmem:$0x15C80]  }
0x513: {  	[tilespmem:$0x1AA80] =	vst v2;
	v2 =	vld [tilespmem:$0x15D00]  }
0x514: {  	[tilespmem:$0x1AB00] =	vst v3;
	v3 =	vld [tilespmem:$0x15D80]  }
0x515: {  	v56 =	vld [tilespmem:$0x16080];
	[tilespmem:$0x1AE00] =	vst v54  }
0x516: {  	v57 =	vld [tilespmem:$0x16100];
	[tilespmem:$0x1AE80] =	vst v55  }
0x517: {  	[tilespmem:$0x1AC80] =	vst v1;
	v1 =	vld [tilespmem:$0x15F00]  }
0x518: {  	[tilespmem:$0x1AD00] =	vst v2;
	v2 =	vld [tilespmem:$0x15F80]  }
0x519: {  	[tilespmem:$0x1AD80] =	vst v3;
	v3 =	vld [tilespmem:$0x16000]  }
0x51a: {  	v58 =	vld [tilespmem:$0x16300];
	[tilespmem:$0x1B080] =	vst v56  }
0x51b: {  	v59 =	vld [tilespmem:$0x16380];
	[tilespmem:$0x1B100] =	vst v57  }
0x51c: {  	[tilespmem:$0x1AF00] =	vst v1;
	v1 =	vld [tilespmem:$0x16180]  }
0x51d: {  	[tilespmem:$0x1AF80] =	vst v2;
	v2 =	vld [tilespmem:$0x16200]  }
0x51e: {  	[tilespmem:$0x1B000] =	vst v3;
	v3 =	vld [tilespmem:$0x16280]  }
0x51f: {  	v60 =	vld [tilespmem:$0x16580];
	[tilespmem:$0x1B300] =	vst v58  }
0x520: {  	v61 =	vld [tilespmem:$0x16600];
	[tilespmem:$0x1B380] =	vst v59  }
0x521: {  	[tilespmem:$0x1B180] =	vst v1;
	v1 =	vld [tilespmem:$0x16400]  }
0x522: {  	[tilespmem:$0x1B200] =	vst v2;
	v2 =	vld [tilespmem:$0x16480]  }
0x523: {  	[tilespmem:$0x1B280] =	vst v3;
	v3 =	vld [tilespmem:$0x16500]  }
0x524: {  	v62 =	vld [tilespmem:$0x16800];
	[tilespmem:$0x1B580] =	vst v60  }
0x525: {  	v63 =	vld [tilespmem:$0x16880];
	[tilespmem:$0x1B600] =	vst v61  }
0x526: {  	[tilespmem:$0x1B400] =	vst v1;
	v1 =	vld [tilespmem:$0x16680]  }
0x527: {  	[tilespmem:$0x1B480] =	vst v2;
	v2 =	vld [tilespmem:$0x16700]  }
0x528: {  	[tilespmem:$0x1B500] =	vst v3;
	v3 =	vld [tilespmem:$0x16780]  }
0x529: {  	[tilespmem:$0x1B800] =	vst v62  }
0x52a: {  	[tilespmem:$0x1B880] =	vst v63  }
0x52b: {  	[tilespmem:$0x1B680] =	vst v1  }
0x52c: {  	[tilespmem:$0x1B700] =	vst v2  }
0x52d: {  	[tilespmem:$0x1B780] =	vst v3  }
0x52e: {  	[spmem:s29] =	stream.indirect.scatter.add.f32 [tilespmem:s7], [sflag:$0x3], $0x80, s10, s14, $0xb8;
	[tilespmem:$0x1E100] =	vst v63  }
0x52f: {  	_ =	swait.ge [sflag:s8], $0x2800  }
0x530: {  	[sflag:s8] =	ssyncset.done $0x0  }
0x531: {  	[sflag:s8] =	ssyncadd.s32 $0xFFFFD800  }
0x532: {  	_ =	swait.ge [sflag:s15], $0x2800  }
0x533: {  	[sflag:s15] =	ssyncset.done $0x0  }
0x534: {  	[sflag:s15] =	ssyncadd.s32 $0xFFFFD800  }
0x535: {  	_ =	swait.ge [sflag:s15], $0x50  }
0x536: {  	[sflag:s15] =	ssyncset.done $0x0  }
0x537: {  	[sflag:s15] =	ssyncadd.s32 $0xFFFFFFB0  }
0x538: {  	[bflag:$0x0] =	sbarrier.arrive $0xFFFF  }
0x539: {  	s21 =	sld [smem:$0x7FC]  }
0x53a: {  	[tilespmem:s7], [sflag:$0x1] =	stream.linear.gather [spmem:s17], $0x2800, $0x38;
	[tilespmem:$0x1E100] =	vst v63  }
0x53b: {  	_ = 	snop  }
0x53c: {  	[tilespmem:s16], [sflag:$0x2] =	stream.linear.gather [spmem:s21], $0x2800, $0x38;
	[tilespmem:$0x1E100] =	vst v63  }
0x53d: {  	_ =	swait.ge [sflag:s13], $0x2800  }
0x53e: {  	[sflag:s13] =	ssyncset.done $0x0  }
0x53f: {  	s19 =	rddreg [dreg:$0x14];
	[sflag:s13] =	ssyncadd.s32 $0xFFFFD800  }
0x540: {  	[hbm4b:s19+s25] =	stream.linear.scatter [tilespmem:s7], [sflag:$0x3], $0x2800, $0x38;
	[tilespmem:$0x1E100] =	vst v63  }
0x541: {  	_ =	swait.ge [sflag:s15], $0x2800  }
0x542: {  	[sflag:s15] =	ssyncset.done $0x0  }
0x543: {  	s22 =	rddreg [dreg:$0x15];
	[sflag:s15] =	ssyncadd.s32 $0xFFFFD800  }
0x544: {  	[hbm4b:s22+s25] =	stream.linear.scatter [tilespmem:s16], [sflag:$0x3], $0x2800, $0x38;
	[tilespmem:$0x1E100] =	vst v63  }
0x545: {  	_ =	swait.ge [sflag:s8], $0x2800  }
0x546: {  	[sflag:s8] =	ssyncset.done $0x0  }
0x547: {  	[sflag:s8] =	ssyncadd.s32 $0xFFFFD800  }
0x548: {  	_ =	swait.ge [sflag:s8], $0x2800  }
0x549: {  	s22 =	sld [smem:$0x7FD]  }
0x54a: {  	[sflag:s8] =	ssyncset.done $0x0  }
0x54b: {  	s20 =	sld [smem:$0x7FB];
	[sflag:s8] =	ssyncadd.s32 $0xFFFFD800  }
0x54c: {  	[tilespmem:s7], [sflag:$0x1] =	stream.linear.gather [spmem:s22], $0x2800, $0x38;
	[tilespmem:$0x1E100] =	vst v63  }
0x54d: {  	_ = 	snop  }
0x54e: {  	[tilespmem:s16], [sflag:$0x2] =	stream.linear.gather [spmem:s20], $0x2800, $0x38;
	[tilespmem:$0x1E100] =	vst v63  }
0x54f: {  	_ =	swait.ge [sflag:s13], $0x2800  }
0x550: {  	[sflag:s13] =	ssyncset.done $0x0  }
0x551: {  	s20 =	rddreg [dreg:$0x16];
	[sflag:s13] =	ssyncadd.s32 $0xFFFFD800  }
0x552: {  	[hbm4b:s20+s25] =	stream.linear.scatter [tilespmem:s7], [sflag:$0x3], $0x2800, $0x38;
	[tilespmem:$0x1E100] =	vst v63  }
0x553: {  	_ =	swait.ge [sflag:s15], $0x2800  }
0x554: {  	[sflag:s15] =	ssyncset.done $0x0  }
0x555: {  	s20 =	rddreg [dreg:$0x17];
	[sflag:s15] =	ssyncadd.s32 $0xFFFFD800  }
0x556: {  	[hbm4b:s20+s25] =	stream.linear.scatter [tilespmem:s16], [sflag:$0x3], $0x2800, $0x38;
	[tilespmem:$0x1E100] =	vst v63  }
0x557: {  	_ =	swait.ge [sflag:s8], $0x2800  }
0x558: {  	[sflag:s8] =	ssyncset.done $0x0  }
0x559: {  	[sflag:s8] =	ssyncadd.s32 $0xFFFFD800  }
0x55a: {  	_ =	swait.ge [sflag:s8], $0x2800  }
0x55b: {  	[sflag:s8] =	ssyncset.done $0x0  }
0x55c: {  	[sflag:s8] =	ssyncadd.s32 $0xFFFFD800  }
0x55d: {  	[tilespmem:s7], [sflag:$0x1] =	stream.linear.gather [spmem:s23], $0x2800, $0x38;
	[tilespmem:$0x1E100] =	vst v63  }
0x55e: {  	_ = 	snop  }
0x55f: {  	[tilespmem:s16], [sflag:$0x2] =	stream.linear.gather [spmem:s24], $0x2800, $0x38;
	[tilespmem:$0x1E100] =	vst v63  }
0x560: {  	_ =	swait.ge [sflag:s13], $0x2800  }
0x561: {  	[sflag:s13] =	ssyncset.done $0x0  }
0x562: {  	s20 =	rddreg [dreg:$0x18];
	[sflag:s13] =	ssyncadd.s32 $0xFFFFD800  }
0x563: {  	[hbm4b:s20+s25] =	stream.linear.scatter [tilespmem:s7], [sflag:$0x3], $0x2800, $0x38;
	[tilespmem:$0x1E100] =	vst v63  }
0x564: {  	_ =	swait.ge [sflag:s15], $0x2800  }
0x565: {  	[sflag:s15] =	ssyncset.done $0x0  }
0x566: {  	s20 =	rddreg [dreg:$0x19];
	[sflag:s15] =	ssyncadd.s32 $0xFFFFD800  }
0x567: {  	[hbm4b:s20+s25] =	stream.linear.scatter [tilespmem:s16], [sflag:$0x3], $0x2800, $0x38;
	[tilespmem:$0x1E100] =	vst v63  }
0x568: {  	_ =	swait.ge [sflag:s8], $0x2800  }
0x569: {  	[sflag:s8] =	ssyncset.done $0x0  }
0x56a: {  	[sflag:s8] =	ssyncadd.s32 $0xFFFFD800  }
0x56b: {  	_ =	swait.ge [sflag:s8], $0x2800  }
0x56c: {  	[sflag:s8] =	ssyncset.done $0x0  }
0x56d: {  	[sflag:s8] =	ssyncadd.s32 $0xFFFFD800  }
0x56e: {  	[tilespmem:s7], [sflag:$0x1] =	stream.linear.gather [spmem:s5], $0x2800, $0x38;
	[tilespmem:$0x1E100] =	vst v63  }
0x56f: {  	_ = 	snop  }
0x570: {  	[tilespmem:s16], [sflag:$0x2] =	stream.linear.gather [spmem:s6], $0x2800, $0x38;
	[tilespmem:$0x1E100] =	vst v63  }
0x571: {  	_ =	swait.ge [sflag:s13], $0x2800  }
0x572: {  	[sflag:s13] =	ssyncset.done $0x0  }
0x573: {  	s20 =	rddreg [dreg:$0x1a];
	[sflag:s13] =	ssyncadd.s32 $0xFFFFD800  }
0x574: {  	[hbm4b:s20+s25] =	stream.linear.scatter [tilespmem:s7], [sflag:$0x3], $0x2800, $0x38;
	[tilespmem:$0x1E100] =	vst v63  }
0x575: {  	_ =	swait.ge [sflag:s15], $0x2800  }
0x576: {  	[sflag:s15] =	ssyncset.done $0x0  }
0x577: {  	s20 =	rddreg [dreg:$0x1b];
	[sflag:s15] =	ssyncadd.s32 $0xFFFFD800  }
0x578: {  	[hbm4b:s20+s25] =	stream.linear.scatter [tilespmem:s16], [sflag:$0x3], $0x2800, $0x38;
	[tilespmem:$0x1E100] =	vst v63  }
0x579: {  	_ =	swait.ge [sflag:s8], $0x2800  }
0x57a: {  	[sflag:s8] =	ssyncset.done $0x0  }
0x57b: {  	[sflag:s8] =	ssyncadd.s32 $0xFFFFD800  }
0x57c: {  	_ =	swait.ge [sflag:s8], $0x2800  }
0x57d: {  	s20 =	sld [smem:$0x7F9];
	_ =	sdelay $0x1  }
0x57e: {  	s18 =	sadd.s32 $0x1, s18  }
0x57f: {  	p0 =	sne.s32 s18, s20  }
.Ltmp6:
0x580: {  	_ = 	snop;
	(pc) =	sbr.rel @p0 .LBB2_1-.Ltmp6, $3  }
0x581: {  	[sflag:s8] =	ssyncset.done $0x0  }
0x582: {  	[sflag:s8] =	ssyncadd.s32 $0xFFFFD800  }
0x583: {  	[bflag:$0x0] =	sbarrier.arrive $0xFFFF;
	_ =	sdelay $0x1  }
0x584: {  	_ =	sfence.sel $0x180000  }
0x585: {  	[bflag:$0x0] =	sbarrier.arrive $0xFFFF  }
0x586: {  	_ =	strace $0x9000004A  }
0x587: {  	s0 =	stileid.u32;
	[bflag:$0x2] =	sbarrier.arrive $0xFFFF  }
0x588: {  	p0 =	sne.s32 s0, $0x0;
	s0 =	rddreg [dreg:$0x3]  }
0x589: {  	s0 =	sadd.s32 @!p0 $0x100000, s0  }
0x58a: {  	[sflag:s0] =	ssyncadd.tile.s32 @!p0 $0x1;
	_ =	shalt  }
.Lfunc_end2:
_tile_overlayer_lowered:
.L_overlay_start_2:
0x58b: {  	(tag) =	ssettag $0x2  }
0x58c: {  	s0 =	rddreg [dreg:$0x0];
	s2 =	stileid.u32  }
0x58d: {  	s1 =	rddreg [dreg:$0x1];
	p0 =	sne.s32 s2, $0x0  }
0x58e: {  	s3 =	rddreg [dreg:$0x2];
	[bflag:$0x3] =	sbarrier.arrive $0xFFFF;
	s2 =	simm.s32 @!p0 $0x1C04  }
0x58f: {  	[timem:s3], [sflag:s2] =	dma.local @!p0 [hbm:s0], s1  }
0x590: {  	s0 =	simm.s32 @!p0 $0x4  }
0x591: {  	_ =	swait.ge @!p0 [sflag:s0], s1  }
0x592: {  	s1 =	ssub.s32 @!p0 $0x0, s1;
	[sflag:s0] =	ssyncset.done @!p0 $0x0  }
0x593: {  	[sflag:s0] =	ssyncadd.s32 @!p0 s1  }
0x594: {  	[bflag:$0x3] =	sbarrier.arrive $0xFFFF  }
0x595: {  	_ =	shalt  }

// kernel: hetero_gnn_scx.3.cloned.1.call-start
scs
__scs_entry_jumppad:
0x0: {  	(pc) =	sbr.rel $0x88, $3  }
0x1: {  	(tag) =	ssettag $0x0;
	lr =	simm.s32 $0x1  }
0x2: {  	[smem:$0x3F8D] =	sst lr;
	_ =	strace $0xD0000000  }
0x3: {  	_ = 	snop  }
0x4: {  	_ = 	snop  }
0x5: {  	_ = 	snop  }
0x6: {  	_ = 	snop  }
0x7: {  	_ = 	snop  }
__scs_overlays_trampoline_lowered:
0x8: {  	[smem:$0x3F9C] =	sst s0  }
0x9: {  	[smem:$0x3F9D] =	sst s1  }
0xa: {  	[smem:$0x3F9E] =	sst s2  }
0xb: {  	[smem:$0x3F9F] =	sst s3  }
0xc: {  	[smem:$0x3FA0] =	sst s4  }
0xd: {  	[smem:$0x3FA1] =	sst s5  }
0xe: {  	[smem:$0x3FA2] =	sst s6  }
0xf: {  	[smem:$0x3FA3] =	sst s7  }
0x10: {  	[smem:$0x3FA4] =	sst s8  }
0x11: {  	[smem:$0x3FA5] =	sst s9;
	s0 =	simm.s32 @!p0 $0x0  }
0x12: {  	s1 =	sld [smem:$0x3F8B];
	s0 =	simm.s32 @p0 $0x1  }
0x13: {  	[smem:$0x3FA6] =	sst s0;
	s0 =	simm.s32 @!p1 $0x0  }
0x14: {  	s2 =	sld [smem:$0x3F8A];
	s0 =	simm.s32 @p1 $0x1  }
0x15: {  	[smem:$0x3FA7] =	sst s0;
	s0 =	simm.s32 @!p2 $0x0  }
0x16: {  	s3 =	sld [smem:$0x3FDB];
	s0 =	simm.s32 @p2 $0x1  }
0x17: {  	s4 =	simm.s32 $0x1BF5;
	[smem:$0x3FA9] =	sst s0  }
0x18: {  	s0 =	sld [smem:$0x3F8C];
	_ =	swait.ge [sflag:s4], $0x0  }
0x19: {  	s7 =	sld [smem:$0x3F8D]  }
0x1a: {  	s8 =	sadd.s32 $0xFFFFE003, lr  }
0x1b: {  	s9 =	sadd.s32 $0xFFFFFEF7, lr;
	s5 =	simm.s32 $0xFFFFFFFF;
	p2 =	slt.u32 s8, $0xFFFFF086  }
0x1c: {  	p1 =	slt.u32 s9, $0xF7A;
	s5 =	simm.s32 @!p2 $0x0  }
0x1d: {  	s5 =	simm.s32 @p1 $0x1;
	p0 =	seq.s32 s7, s2  }
0x1e: {  	s7 =	smul.u32 @!p0 $0xF7A, s2;
	p2 =	seq.s32 @!p0 s5, $0x0  }
0x1f: {  	s9 =	smul.u32 $0xF7A, s1;
	s8 =	simm.s32 @!p0 $0x1BF5;
	p2 =	por !p2, p0  }
0x20: {  	[sflag:s8] =	ssyncset.s32 @!p0 $0xFFFFF086;
	s6 =	sadd.s32 @!p0 s3, s7;
	s7 =	simm.s32 @!p0 $0x108  }
0x21: {  	s3 =	sadd.s32 s3, s9;
	s6 =	sadd.s32 @!p0 $0x88, s6;
	s7 =	simm.s32 @p2 $0x1082  }
0x22: {  	[simem:s7], [sflag:s8] =	dma.local @!p0 [hbm:s6], $0xF7A  }
0x23: {  	s9 =	sor.u32 $0xD0000000, s2;
	s6 =	simm.s32 $0x108;
	_ =	swait.ge @!p0 [sflag:s8], $0x0  }
0x24: {  	s3 =	sadd.s32 $0x88, s3;
	s6 =	simm.s32 @!p1 $0x1082;
	[sflag:s4] =	ssyncset.s32 $0xFFFFF086  }
0x25: {  	[simem:s6], [sflag:s4] =	dma.local [hbm:s3], $0xF7A  }
0x26: {  	[smem:$0x3F8D] =	sst s1;
	(tag) =	ssettag s2;
	_ =	strace s9  }
0x27: {  	s1 =	sld [smem:$0x3F9D]  }
0x28: {  	s2 =	sld [smem:$0x3F9E]  }
0x29: {  	s4 =	sld [smem:$0x3FA0]  }
0x2a: {  	p0 =	seq.s32 s5, $0x0;
	s5 =	sld [smem:$0x3FA1]  }
0x2b: {  	s6 =	sld [smem:$0x3FA2]  }
0x2c: {  	s7 =	sld [smem:$0x3FA3]  }
0x2d: {  	s3 =	simm.s32 $0x108;
	s8 =	sld [smem:$0x3FA4]  }
0x2e: {  	s3 =	simm.s32 @!p0 $0x1082;
	s9 =	sld [smem:$0x3FA5]  }
0x2f: {  	lr =	sadd.s32 s0, s3;
	s0 =	sld [smem:$0x3F9C]  }
0x30: {  	s3 =	sld [smem:$0x3F9F]  }
0x31: {  	[smem:$0x3FA8] =	sst s10  }
0x32: {  	s10 =	sld [smem:$0x3FA6];
	_ =	sdelay $0x3  }
0x33: {  	p0 =	seq.s32 s10, $0x1;
	s10 =	sld [smem:$0x3FA8];
	_ =	sdelay $0x3  }
0x34: {  	[smem:$0x3FA8] =	sst s10  }
0x35: {  	s10 =	sld [smem:$0x3FA7];
	_ =	sdelay $0x3  }
0x36: {  	p1 =	seq.s32 s10, $0x1;
	s10 =	sld [smem:$0x3FA8];
	_ =	sdelay $0x3  }
0x37: {  	[smem:$0x3FA8] =	sst s10  }
0x38: {  	s10 =	sld [smem:$0x3FA9]  }
0x39: {  	_ = 	snop;
	(pc) =	sbr.ind lr, $3  }
0x3a: {  	_ = 	snop  }
0x3b: {  	_ = 	snop  }
0x3c: {  	p2 =	seq.s32 s10, $0x1;
	s10 =	sld [smem:$0x3FA8]  }
0x3d: {  	_ =	shalt  }
0x3e: {  	_ =	shalt  }
0x3f: {  	_ =	shalt  }
0x40: {  	_ =	shalt  }
0x41: {  	_ =	shalt  }
0x42: {  	_ =	shalt  }
0x43: {  	_ =	shalt  }
0x44: {  	_ =	shalt  }
0x45: {  	_ =	shalt  }
0x46: {  	_ =	shalt  }
0x47: {  	_ =	shalt  }
0x48: {  	_ =	shalt  }
0x49: {  	_ =	shalt  }
0x4a: {  	_ =	shalt  }
0x4b: {  	_ =	shalt  }
0x4c: {  	_ =	shalt  }
0x4d: {  	_ =	shalt  }
0x4e: {  	_ =	shalt  }
0x4f: {  	_ =	shalt  }
0x50: {  	_ =	shalt  }
0x51: {  	_ =	shalt  }
0x52: {  	_ =	shalt  }
0x53: {  	_ =	shalt  }
0x54: {  	_ =	shalt  }
0x55: {  	_ =	shalt  }
0x56: {  	_ =	shalt  }
0x57: {  	_ =	shalt  }
0x58: {  	_ =	shalt  }
0x59: {  	_ =	shalt  }
0x5a: {  	_ =	shalt  }
0x5b: {  	_ =	shalt  }
0x5c: {  	_ =	shalt  }
0x5d: {  	_ =	shalt  }
0x5e: {  	_ =	shalt  }
0x5f: {  	_ =	shalt  }
0x60: {  	_ =	shalt  }
0x61: {  	_ =	shalt  }
0x62: {  	_ =	shalt  }
0x63: {  	_ =	shalt  }
0x64: {  	_ =	shalt  }
0x65: {  	_ =	shalt  }
0x66: {  	_ =	shalt  }
0x67: {  	_ =	shalt  }
0x68: {  	_ =	shalt  }
0x69: {  	_ =	shalt  }
0x6a: {  	_ =	shalt  }
0x6b: {  	_ =	shalt  }
0x6c: {  	_ =	shalt  }
0x6d: {  	_ =	shalt  }
0x6e: {  	_ =	shalt  }
0x6f: {  	_ =	shalt  }
0x70: {  	_ =	shalt  }
0x71: {  	_ =	shalt  }
0x72: {  	_ =	shalt  }
0x73: {  	_ =	shalt  }
0x74: {  	_ =	shalt  }
0x75: {  	_ =	shalt  }
0x76: {  	_ =	shalt  }
0x77: {  	_ =	shalt  }
0x78: {  	_ =	shalt  }
0x79: {  	_ =	shalt  }
0x7a: {  	_ =	shalt  }
0x7b: {  	_ =	shalt  }
0x7c: {  	_ =	shalt  }
0x7d: {  	_ =	shalt  }
0x7e: {  	_ =	shalt  }
0x7f: {  	_ =	shalt  }
0x80: {  	_ =	shalt  }
0x81: {  	_ =	shalt  }
0x82: {  	_ =	shalt  }
0x83: {  	_ =	shalt  }
0x84: {  	_ =	shalt  }
0x85: {  	_ =	shalt  }
0x86: {  	_ =	shalt  }
0x87: {  	_ =	shalt  }
.Lfunc_end0:
.L_simem_size_0:
called_computation_lowered:
.L_overlay_start_0:
0x88: {  	s2 =	sld [smem:$0x3FD9]  }
0x89: {  	s3 =	sld [smem:$0x3FFE];
	_ =	sdelay $0x1  }
0x8a: {  	s1 =	srdreg.scid  }
0x8b: {  	s0 =	sand.u32 $0x1, s1  }
0x8c: {  	s14 =	sshll.u32 s0, $0xA;
	s2 =	sadd.s32 s3, s2  }
0x8d: {  	s2 =	sadd.s32 s2, s14  }
0x8e: {  	[smem:$0x3FB4] =	sst s2  }
0x8f: {  	_ = 	snop  }
0x90: {  	s2 =	sld [smem:$0x3FD0];
	_ =	sdelay $0x1  }
0x91: {  	s15 =	sld [smem:$0x3FC9]  }
0x92: {  	s5 =	simm.s32 $0xB;
	s6 =	simm.s32 $0x10;
	s4 =	sld [smem:$0x3FC8]  }
0x93: {  	[smem:s6], [sflag:s5] =	dma.local [hbm:s2], $0x1  }
0x94: {  	_ =	swait.eq [sflag:s5], $0x1  }
0x95: {  	[sflag:s5] =	ssyncset.done $0x0  }
0x96: {  	s16 =	sld [smem:$0x10];
	[sflag:s5] =	ssyncadd.s32 $0xFFFFFFFF  }
0x97: {  	s17 =	sld [smem:$0x11];
	(tm) =	ssettm $0x1  }
0x98: {  	s18 =	sld [smem:$0x3FFB];
	_ =	sdelay $0x3  }
0x99: {  	_ =	strace s18  }
0x9a: {  	s6 =	sld [smem:$0x3FFC];
	_ =	sdelay $0x3  }
0x9b: {  	_ =	strace s6  }
0x9c: {  	s6 =	sld [smem:$0x3FFD];
	_ =	sdelay $0x3  }
0x9d: {  	_ =	strace s6  }
0x9e: {  	_ =	strace $0x8FFFFFFF  }
0x9f: {  	s19 =	sld [smem:$0x3FDB];
	_ =	sdelay $0x1  }
0xa0: {  	s7 =	simm.s32 $_scs_section_size  }
0xa1: {  	s8 =	simm.s32 $_size__tile_overlayer_lowered;
	s9 =	simm.s32 $_tile_overlayer_lowered  }
0xa2: {  	s22 =	simm.s32 $0x1BFF;
	s21 =	sshll.u32 s9, $0x1;
	s6 =	sadd.s32 s7, s19  }
0xa3: {  	s10 =	simm.s32 $0x0;
	s20 =	sshll.u32 s8, $0x1;
	s8 =	sadd.s32 s21, s6  }
0xa4: {  	[timem:s10], [sflag:s22] =	dma.local [hbm:s8], s20  }
0xa5: {  	_ =	swait.ge [sflag:s22], s20  }
0xa6: {  	s7 =	ssub.s32 $0x0, s20;
	[sflag:s22] =	ssyncset.done $0x0  }
0xa7: {  	[sflag:s22] =	ssyncadd.s32 s7;
	_ =	sdelay $0x1  }
0xa8: {  	s23 =	simm.s32 $0x1B8B  }
0xa9: {  	_ =	swait.ge [sflag:s23], $0x1  }
0xaa: {  	[sflag:s23] =	ssyncset.done $0x0  }
0xab: {  	s25 =	simm.s32 $0x1B8E;
	s24 =	sld [smem:$0x3FFE];
	[sflag:s23] =	ssyncadd.s32 $0xFFFFFFFF  }
0xac: {  	s26 =	simm.s32 $execute0_lowered;
	[smem:$0x3FD2] =	sst s25  }
0xad: {  	s8 =	sshll.u32 s26, $0x1;
	_ =	strace $0x80000046;
	[dreg:$0x1] =	wrdreg $0xFFFFFFFF  }
0xae: {  	s28 =	simm.s32 $_size_execute0_lowered;
	s6 =	sadd.s32 s6, s8;
	[dreg:$0x0] =	wrdreg $0x0  }
0xaf: {  	s8 =	sshll.u32 s28, $0x1;
	[dreg:$0x2] =	wrdreg s6  }
0xb0: {  	[dreg:$0x3] =	wrdreg s8  }
0xb1: {  	[dreg:$0x4] =	wrdreg $0xC0  }
0xb2: {  	_ =	task [dreg:s10], $0x5FFFF  }
0xb3: {  	[dreg:$0x1] =	wrdreg $0xFFFFFFFF  }
0xb4: {  	[dreg:$0x0] =	wrdreg $0x60  }
0xb5: {  	[dreg:$0x2] =	wrdreg s15  }
0xb6: {  	[dreg:$0x3] =	wrdreg s4  }
0xb7: {  	[dreg:$0x4] =	wrdreg s16  }
0xb8: {  	[dreg:$0x5] =	wrdreg s17  }
0xb9: {  	[dreg:$0x6] =	wrdreg s24  }
0xba: {  	[dreg:$0x7] =	wrdreg $0x0  }
0xbb: {  	[dreg:$0x8] =	wrdreg $0x9  }
0xbc: {  	_ =	task.clear_ibuf [dreg:s10], $0x9FFFF;
	_ =	strace $0x90000046  }
0xbd: {  	s29 =	simm.s32 $0x9;
	_ =	strace $0x80000048  }
0xbe: {  	_ =	swait.ge [sflag:s29], $0x1  }
0xbf: {  	[sflag:s29] =	ssyncadd.s32 $0xFFFFFFFF  }
0xc0: {  	_ =	strace $0x90000048  }
0xc1: {  	_ =	sfence  }
0xc2: {  	s30 =	sld [smem:$0x0];
	_ =	sdelay $0x2  }
0xc3: {  	s31 =	sshll.u32 s1, $0xD;
	s1 =	sshrl.u32 s1, $0x2  }
0xc4: {  	s3 =	sand.u32 $0x4000, s31;
	s1 =	sadd.s32 s1, s30  }
0xc5: {  	s0 =	sor.u32 s3, s0;
	s1 =	sshll.u32 s1, $0x11  }
0xc6: {  	s0 =	sor.u32 s1, s0  }
0xc7: {  	s0 =	sadd.s32 $0x8F2B, s0  }
0xc8: {  	[sflag:s0] =	ssyncadd.remote.s32 $0x1  }
0xc9: {  	_ =	sfence.sel $0xFFFF  }
0xca: {  	[dreg:$0x0] =	wrdreg $0xFFFFFFFF;
	(pc) =	sbr.abs _section_cstart, $3  }
0xcb: {  	[dreg:$0x1] =	wrdreg $0xFFFFFFFF  }
0xcc: {  	_ =	task.clear_ibuf [dreg:s10], $0x2FFFF;
	_ =	strace $0x9FFFFFFF  }
0xcd: {  	(tm) =	ssettm $0x7FFFFFFF  }
tec
execute0_lowered:
.L_overlay_start_1:
0x0: {  	(tag) =	ssettag $0x1  }
0x1: {  	s0 =	srdreg.scid;
	s17 =	stileid.u32  }
0x2: {  	s0 =	sand.u32 $0x1, s0;
	s3 =	smul.u32 $0x280, s17  }
0x3: {  	s1 =	rddreg [dreg:$0x0];
	s4 =	smul.u32 $0x2800, s0  }
0x4: {  	s6 =	rddreg [dreg:$0x4]  }
0x5: {  	s2 =	simm.s32 $0x0;
	s29 =	rddreg [dreg:$0x5];
	s3 =	sadd.s32 s3, s4  }
0x6: {  	[smem:$0x7FF] =	sst s2;
	s5 =	sadd.s32 $0x2AC00, s6;
	s3 =	sshll.u32 s3, $0x4  }
0x7: {  	s28 =	sadd.s32 $0x7AC00, s6;
	s7 =	ssub.s32 $0x2, s0;
	s11 =	sadd.s32 s5, s3  }
0x8: {  	s8 =	sshll.u32 s0, $0x4;
	s20 =	sadd.s32 s3, s28;
	[dreg:$0x7] =	wrdreg s11  }
0x9: {  	s9 =	sshrl.u32 s7, $0x1;
	s10 =	sor.u32 $0x500, s3;
	[dreg:$0xf] =	wrdreg s20  }
0xa: {  	s13 =	sadd.s32 $0x1400, s3;
	s16 =	sadd.s32 s5, s10;
	s20 =	rddreg [dreg:$0x1]  }
0xb: {  	s8 =	sor.u32 s17, s8;
	s18 =	sadd.s32 s5, s13;
	[dreg:$0x8] =	wrdreg s16  }
0xc: {  	s7 =	ssub.s32 s7, s9;
	s21 =	sadd.s32 s10, s28;
	[dreg:$0xb] =	wrdreg s18  }
0xd: {  	s19 =	sadd.s32 $0x1E00, s3;
	s24 =	sadd.s32 s13, s28;
	[dreg:$0x10] =	wrdreg s21  }
0xe: {  	s9 =	sadd.s32 $0xCAC00, s6;
	s26 =	sadd.s32 s19, s28;
	[dreg:$0x13] =	wrdreg s24  }
0xf: {  	s4 =	smul.u32 $0x2710, s8;
	s8 =	sadd.s32 s10, s9;
	[dreg:$0x15] =	wrdreg s26  }
0x10: {  	s11 =	sadd.s32 $0xA00, s3;
	[dreg:$0x18] =	wrdreg s8  }
0x11: {  	s12 =	sadd.s32 s5, s11;
	s26 =	rddreg [dreg:$0x3]  }
0x12: {  	s18 =	sadd.s32 s5, s19;
	[dreg:$0x9] =	wrdreg s12  }
0x13: {  	s22 =	sadd.s32 s11, s28;
	[dreg:$0xd] =	wrdreg s18  }
0x14: {  	s10 =	sadd.s32 s11, s9;
	[dreg:$0x11] =	wrdreg s22  }
0x15: {  	s16 =	sadd.s32 $0x2300, s3;
	s19 =	sadd.s32 s19, s9;
	[dreg:$0x19] =	wrdreg s10  }
0x16: {  	s12 =	sadd.s32 $0xF00, s3;
	[dreg:$0x1d] =	wrdreg s19;
	s21 =	sadd.s32 s16, s9  }
0x17: {  	s14 =	sadd.s32 s5, s12;
	[dreg:$0x1e] =	wrdreg s21  }
0x18: {  	s23 =	sadd.s32 s12, s28;
	[dreg:$0xa] =	wrdreg s14  }
0x19: {  	[dreg:$0x12] =	wrdreg s23  }
0x1a: {  	s11 =	sadd.s32 s12, s9;
	s23 =	rddreg [dreg:$0x2]  }
0x1b: {  	s12 =	sadd.s32 s13, s9;
	[dreg:$0x1a] =	wrdreg s11  }
0x1c: {  	s14 =	sadd.s32 $0x1900, s3;
	s3 =	sadd.s32 s3, s9;
	[dreg:$0x1b] =	wrdreg s12  }
0x1d: {  	s15 =	sadd.s32 s5, s14;
	[dreg:$0x17] =	wrdreg s3  }
0x1e: {  	s0 =	smul.u32 $0x27100, s0;
	s5 =	sadd.s32 s5, s16;
	[dreg:$0xc] =	wrdreg s15  }
0x1f: {  	s22 =	sshrl.u32 s4, $0x3;
	s25 =	sadd.s32 s14, s28;
	[dreg:$0xe] =	wrdreg s5  }
0x20: {  	s4 =	sadd.s32 $0x20E00, s6;
	s28 =	sadd.s32 s16, s28;
	[dreg:$0x14] =	wrdreg s25  }
0x21: {  	s13 =	smul.u32 $0x2710, s17;
	s18 =	sadd.s32 s14, s9;
	[dreg:$0x16] =	wrdreg s28  }
0x22: {  	s3 =	sadd.s32 $0xD200, s6;
	s24 =	sadd.s32 s23, s22;
	[dreg:$0x1c] =	wrdreg s18  }
0x23: {  	s25 =	sadd.s32 s26, s22;
	_ =	strace $0x80000047;
	[dreg:$0x1f] =	wrdreg s24  }
0x24: {  	s0 =	sadd.s32 s13, s0;
	s13 =	sadd.s32 s3, s22;
	[smem:$0x7ED] =	sst s25  }
0x25: {  	s14 =	sadd.s32 s4, s22;
	[smem:$0x7EE] =	sst s13  }
0x26: {  	s7 =	smax.u32 s7, $0x1;
	s5 =	sadd.s32 $0x3400, s6;
	[smem:$0x7EF] =	sst s14  }
0x27: {  	s6 =	sadd.s32 $0x17000, s6;
	s15 =	sadd.s32 s5, s22;
	[smem:$0x7F8] =	sst s7  }
0x28: {  	s28 =	sadd.s32 $0xA, s22;
	s8 =	sadd.s32 s6, s22;
	[smem:$0x7F0] =	sst s15  }
0x29: {  	s12 =	smul.u32 $0x50000, s17;
	s17 =	sadd.s32 s23, s28;
	[smem:$0x7F1] =	sst s8  }
0x2a: {  	s18 =	sadd.s32 s26, s28;
	[smem:$0x7F2] =	sst s17  }
0x2b: {  	s10 =	simm.s32 $0x14000;
	s19 =	sadd.s32 s3, s28;
	[smem:$0x7F3] =	sst s18  }
0x2c: {  	s11 =	simm.s32 $0x14080;
	s21 =	sadd.s32 s4, s28;
	[smem:$0x7F4] =	sst s19  }
0x2d: {  	s16 =	sshrl.u32 s12, $0x2;
	s22 =	sadd.s32 s5, s28;
	[smem:$0x7F5] =	sst s21  }
0x2e: {  	s12 =	simm.s32 $0x3;
	s9 =	sadd.s32 s6, s28;
	[smem:$0x7F6] =	sst s22  }
0x2f: {  	s13 =	simm.s32 $0x50;
	s14 =	simm.s32 $0x14100;
	[smem:$0x7F7] =	sst s9  }
0x30: {  	s19 =	sadd.s32 s16, s29;
	s8 =	simm.s32 $0x14200;
	s9 =	simm.s32 $0x5  }
0x31: {  	s15 =	simm.s32 $0x14180;
	s16 =	simm.s32 $0x4;
	s24 =	sadd.s32 $0x7800, s19  }
0x32: {  	s17 =	simm.s32 $0x16A00;
	s25 =	sadd.s32 $0xA000, s19;
	[smem:$0x7F9] =	sst s24  }
0x33: {  	s18 =	simm.s32 $0x1;
	s28 =	sadd.s32 $0xC800, s19;
	[smem:$0x7FA] =	sst s25  }
0x34: {  	s21 =	simm.s32 $0x2;
	s30 =	sadd.s32 $0x2800, s19;
	[smem:$0x7FB] =	sst s28  }
0x35: {  	s22 =	simm.s32 $0x0;
	s31 =	sadd.s32 $0x5000, s19;
	[smem:$0x7FC] =	sst s30  }
0x36: {  	v0 =	vimm.f32 $0.0e+00;
	s7 =	sadd.s32 $0x11800, s19;
	s25 =	sadd.s32 $0xF000, s19;
	[smem:$0x7FD] =	sst s31  }
.LBB2_1:
0x37: {  	s24 =	simm.s32 $0x0;
	s28 =	simm.s32 $0x200  }
.LBB2_2:
0x38: {  	p0 =	sne.s32 s28, $0x9E00;
	[tilespmem:s24+$0x14270] =	vst v0  }
0x39: {  	[tilespmem:s24+$0x14200] =	vst v0  }
0x3a: {  	[tilespmem:s24+$0x14210] =	vst v0  }
.Ltmp0:
0x3b: {  	[tilespmem:s24+$0x14220] =	vst v0;
	(pc) =	sbr.rel @p0 .LBB2_2-.Ltmp0, $4  }
0x3c: {  	[tilespmem:s24+$0x14230] =	vst v0  }
0x3d: {  	[tilespmem:s24+$0x14240] =	vst v0  }
0x3e: {  	[tilespmem:s24+$0x14250] =	vst v0  }
0x3f: {  	[tilespmem:s24+$0x14260] =	vst v0;
	s24 =	sshra.s32 s28, $0x2;
	s28 =	sadd.s32 $0x200, s28  }
0x40: {  	[tilespmem:s24+$0x14270] =	vst v0  }
0x41: {  	[tilespmem:s24+$0x14200] =	vst v0  }
0x42: {  	[tilespmem:s24+$0x14210] =	vst v0  }
0x43: {  	[tilespmem:s24+$0x14220] =	vst v0  }
0x44: {  	[tilespmem:s24+$0x14230] =	vst v0  }
0x45: {  	[tilespmem:s24+$0x14240] =	vst v0  }
0x46: {  	[tilespmem:s24+$0x14250] =	vst v0  }
0x47: {  	[tilespmem:s24+$0x14260] =	vst v0  }
0x48: {  	[spmem:s19] =	stream.linear.scatter [tilespmem:s8], [sflag:$0x5], $0x2800, $0x38;
	[tilespmem:$0x19200] =	vst v63  }
0x49: {  	_ = 	snop  }
0x4a: {  	[spmem:s30] =	stream.linear.scatter [tilespmem:s8], [sflag:$0x5], $0x2800, $0x38;
	[tilespmem:$0x19200] =	vst v63  }
0x4b: {  	s30 =	sld [smem:$0x7F9]  }
0x4c: {  	[spmem:s31] =	stream.linear.scatter [tilespmem:s8], [sflag:$0x5], $0x2800, $0x38;
	[tilespmem:$0x19200] =	vst v63  }
0x4d: {  	s31 =	sld [smem:$0x7FA]  }
0x4e: {  	[spmem:s30] =	stream.linear.scatter [tilespmem:s8], [sflag:$0x5], $0x2800, $0x38;
	[tilespmem:$0x19200] =	vst v63  }
0x4f: {  	s30 =	sld [smem:$0x7FB]  }
0x50: {  	[spmem:s31] =	stream.linear.scatter [tilespmem:s8], [sflag:$0x5], $0x2800, $0x38;
	[tilespmem:$0x19200] =	vst v63  }
0x51: {  	_ = 	snop  }
0x52: {  	[spmem:s30] =	stream.linear.scatter [tilespmem:s8], [sflag:$0x5], $0x2800, $0x38;
	[tilespmem:$0x19200] =	vst v63  }
0x53: {  	_ = 	snop  }
0x54: {  	[spmem:s25] =	stream.linear.scatter [tilespmem:s8], [sflag:$0x5], $0x2800, $0x38;
	[tilespmem:$0x19200] =	vst v63  }
0x55: {  	_ = 	snop  }
0x56: {  	[spmem:s7] =	stream.linear.scatter [tilespmem:s8], [sflag:$0x5], $0x2800, $0x38;
	[tilespmem:$0x19200] =	vst v63  }
0x57: {  	_ =	swait.ge [sflag:s9], $0x2800  }
0x58: {  	[sflag:s9] =	ssyncset.done $0x0  }
0x59: {  	[sflag:s9] =	ssyncadd.s32 $0xFFFFD800  }
0x5a: {  	_ =	swait.ge [sflag:s9], $0x2800  }
0x5b: {  	[sflag:s9] =	ssyncset.done $0x0  }
0x5c: {  	[sflag:s9] =	ssyncadd.s32 $0xFFFFD800  }
0x5d: {  	_ =	swait.ge [sflag:s9], $0x2800  }
0x5e: {  	[sflag:s9] =	ssyncset.done $0x0  }
0x5f: {  	[sflag:s9] =	ssyncadd.s32 $0xFFFFD800  }
0x60: {  	_ =	swait.ge [sflag:s9], $0x2800  }
0x61: {  	[sflag:s9] =	ssyncset.done $0x0  }
0x62: {  	[sflag:s9] =	ssyncadd.s32 $0xFFFFD800  }
0x63: {  	_ =	swait.ge [sflag:s9], $0x2800  }
0x64: {  	[sflag:s9] =	ssyncset.done $0x0  }
0x65: {  	[sflag:s9] =	ssyncadd.s32 $0xFFFFD800  }
0x66: {  	_ =	swait.ge [sflag:s9], $0x2800  }
0x67: {  	[sflag:s9] =	ssyncset.done $0x0  }
0x68: {  	[sflag:s9] =	ssyncadd.s32 $0xFFFFD800  }
0x69: {  	_ =	swait.ge [sflag:s9], $0x2800  }
0x6a: {  	[sflag:s9] =	ssyncset.done $0x0  }
0x6b: {  	[sflag:s9] =	ssyncadd.s32 $0xFFFFD800  }
0x6c: {  	_ =	swait.ge [sflag:s9], $0x2800  }
0x6d: {  	[sflag:s9] =	ssyncset.done $0x0  }
0x6e: {  	[sflag:s9] =	ssyncadd.s32 $0xFFFFD800  }
0x6f: {  	[bflag:$0x0] =	sbarrier.arrive $0xFFFF  }
0x70: {  	s31 =	rddreg [dreg:$0x1f]  }
0x71: {  	s30 =	sld [smem:$0x7ED]  }
0x72: {  	[tilespmem:s10], [sflag:$0x3] =	stream.linear.gather [hbm4b:s31+s2], $0x50, $0x38;
	[tilespmem:$0x19200] =	vst v63  }
0x73: {  	_ = 	snop  }
0x74: {  	[tilespmem:s11], [sflag:$0x3] =	stream.linear.gather [hbm4b:s30+s2], $0x50, $0x38;
	[tilespmem:$0x19200] =	vst v63  }
0x75: {  	_ =	swait.ge [sflag:s12], $0x50  }
0x76: {  	[sflag:s12] =	ssyncset.done $0x0  }
0x77: {  	[sflag:s12] =	ssyncadd.s32 $0xFFFFFFB0  }
0x78: {  	_ =	swait.ge [sflag:s12], $0x50  }
0x79: {  	[sflag:s12] =	ssyncset.done $0x0  }
0x7a: {  	s31 =	sld [smem:$0x7F2];
	[sflag:s12] =	ssyncadd.s32 $0xFFFFFFB0  }
0x7b: {  	[tilespmem:s8], [sflag:$0x1] =	stream.indirect.gather [hbm4b:s1+s13], $0x80, s10, s13, $0xb8;
	[tilespmem:$0x19200] =	vst v63  }
0x7c: {  	s30 =	sld [smem:$0x7F3]  }
0x7d: {  	[tilespmem:s14], [sflag:$0x4] =	stream.linear.gather [hbm4b:s31+s2], $0x50, $0x38;
	[tilespmem:$0x19200] =	vst v63  }
0x7e: {  	_ = 	snop  }
0x7f: {  	[tilespmem:s15], [sflag:$0x4] =	stream.linear.gather [hbm4b:s30+s2], $0x50, $0x38;
	[tilespmem:$0x19200] =	vst v63  }
0x80: {  	_ =	swait.ge [sflag:s16], $0x50  }
0x81: {  	[sflag:s16] =	ssyncset.done $0x0  }
0x82: {  	[sflag:s16] =	ssyncadd.s32 $0xFFFFFFB0  }
0x83: {  	_ =	swait.ge [sflag:s16], $0x50  }
0x84: {  	[sflag:s16] =	ssyncset.done $0x0  }
0x85: {  	[sflag:s16] =	ssyncadd.s32 $0xFFFFFFB0  }
0x86: {  	[tilespmem:s17], [sflag:$0x2] =	stream.indirect.gather [hbm4b:s1+s13], $0x80, s14, s13, $0xb8;
	[tilespmem:$0x19200] =	vst v63  }
0x87: {  	_ =	swait.ge [sflag:s18], $0x2800  }
0x88: {  	[sflag:s18] =	ssyncset.done $0x0  }
0x89: {  	s24 =	sadd.s32 $0xFFFFD940, s0;
	[sflag:s18] =	ssyncadd.s32 $0xFFFFD800  }
0x8a: {  	[spmem:s29] =	stream.indirect.scatter.add.f32 [tilespmem:s8], [sflag:$0x5], $0x80, s11, s13, $0xb8;
	[tilespmem:$0x19200] =	vst v63  }
0x8b: {  	s28 =	sadd.s32 $0x2760, s24;
	_ =	swait.ge [sflag:s9], $0x2800  }
0x8c: {  	s28 =	sshrl.u32 s28, $0x3;
	[sflag:s9] =	ssyncset.done $0x0  }
0x8d: {  	s31 =	sadd.s32 s23, s28;
	[sflag:s9] =	ssyncadd.s32 $0xFFFFD800  }
0x8e: {  	[tilespmem:s10], [sflag:$0x3] =	stream.linear.gather [hbm4b:s31+s2], $0x50, $0x38;
	[tilespmem:$0x19200] =	vst v63  }
0x8f: {  	s28 =	sadd.s32 s26, s28  }
0x90: {  	[tilespmem:s11], [sflag:$0x3] =	stream.linear.gather [hbm4b:s28+s2], $0x50, $0x38;
	[tilespmem:$0x19200] =	vst v63  }
0x91: {  	_ =	swait.ge [sflag:s21], $0x2800  }
0x92: {  	[sflag:s21] =	ssyncset.done $0x0  }
0x93: {  	[sflag:s21] =	ssyncadd.s32 $0xFFFFD800  }
0x94: {  	[spmem:s29] =	stream.indirect.scatter.add.f32 [tilespmem:s17], [sflag:$0x5], $0x80, s15, s13, $0xb8;
	[tilespmem:$0x19200] =	vst v63  }
0x95: {  	_ =	swait.ge [sflag:s9], $0x2800  }
0x96: {  	[sflag:s9] =	ssyncset.done $0x0  }
0x97: {  	[sflag:s9] =	ssyncadd.s32 $0xFFFFD800  }
0x98: {  	_ =	swait.ge [sflag:s12], $0x50  }
0x99: {  	[sflag:s12] =	ssyncset.done $0x0  }
0x9a: {  	s24 =	sadd.s32 $0x27B0, s24;
	[sflag:s12] =	ssyncadd.s32 $0xFFFFFFB0  }
0x9b: {  	p0 =	slt.s32 s24, $0x4E1B0;
	_ =	swait.ge [sflag:s12], $0x50  }
0x9c: {  	s24 =	simm.s32 @!p0 $0x4E1B0;
	[sflag:s12] =	ssyncset.done $0x0  }
0x9d: {  	s28 =	sshrl.u32 s24, $0x3;
	[sflag:s12] =	ssyncadd.s32 $0xFFFFFFB0  }
0x9e: {  	[tilespmem:s8], [sflag:$0x1] =	stream.indirect.gather [hbm4b:s1+s13], $0x80, s10, s13, $0xb8;
	[tilespmem:$0x19200] =	vst v63  }
0x9f: {  	s24 =	sadd.s32 s23, s28  }
0xa0: {  	[tilespmem:s14], [sflag:$0x4] =	stream.linear.gather [hbm4b:s24+s2], $0x50, $0x38;
	[tilespmem:$0x19200] =	vst v63  }
0xa1: {  	s28 =	sadd.s32 s26, s28;
	s24 =	simm.s32 $0xFFFFD9E0  }
.LBB2_4:
0xa2: {  	[tilespmem:s15], [sflag:$0x4] =	stream.linear.gather [hbm4b:s28+s2], $0x50, $0x38;
	[tilespmem:$0x19200] =	vst v63  }
0xa3: {  	s28 =	smov.u32 s24  }
0xa4: {  	p0 =	sne.s32 s24, $0xFFFFFF60;
	s24 =	sadd.s32 $0xA0, s24;
	_ =	swait.ge [sflag:s16], $0x50  }
0xa5: {  	[sflag:s16] =	ssyncset.done $0x0  }
0xa6: {  	[sflag:s16] =	ssyncadd.s32 $0xFFFFFFB0  }
0xa7: {  	_ =	swait.ge [sflag:s16], $0x50  }
0xa8: {  	[sflag:s16] =	ssyncset.done $0x0  }
0xa9: {  	[sflag:s16] =	ssyncadd.s32 $0xFFFFFFB0  }
0xaa: {  	[tilespmem:s17], [sflag:$0x2] =	stream.indirect.gather [hbm4b:s1+s13], $0x80, s14, s13, $0xb8;
	[tilespmem:$0x19200] =	vst v63  }
0xab: {  	_ =	swait.ge [sflag:s18], $0x2800  }
0xac: {  	[sflag:s18] =	ssyncset.done $0x0  }
0xad: {  	s28 =	sadd.s32 s28, s0;
	[sflag:s18] =	ssyncadd.s32 $0xFFFFD800  }
0xae: {  	[spmem:s29] =	stream.indirect.scatter.add.f32 [tilespmem:s8], [sflag:$0x5], $0x80, s11, s13, $0xb8;
	[tilespmem:$0x19200] =	vst v63  }
0xaf: {  	s30 =	sadd.s32 $0x2760, s28;
	s28 =	sadd.s32 $0x27B0, s28;
	_ =	swait.ge [sflag:s9], $0x2800  }
0xb0: {  	s30 =	sshrl.u32 s30, $0x3;
	p1 =	slt.s32 s28, $0x4E1B0;
	[sflag:s9] =	ssyncset.done $0x0  }
0xb1: {  	s31 =	sadd.s32 s23, s30;
	s28 =	simm.s32 @!p1 $0x4E1B0;
	[sflag:s9] =	ssyncadd.s32 $0xFFFFD800  }
0xb2: {  	[tilespmem:s10], [sflag:$0x3] =	stream.linear.gather [hbm4b:s31+s2], $0x50, $0x38;
	[tilespmem:$0x19200] =	vst v63  }
0xb3: {  	s30 =	sadd.s32 s26, s30;
	s28 =	sshrl.u32 s28, $0x3  }
0xb4: {  	[tilespmem:s11], [sflag:$0x3] =	stream.linear.gather [hbm4b:s30+s2], $0x50, $0x38;
	[tilespmem:$0x19200] =	vst v63  }
0xb5: {  	_ =	swait.ge [sflag:s21], $0x2800  }
0xb6: {  	[sflag:s21] =	ssyncset.done $0x0  }
0xb7: {  	[sflag:s21] =	ssyncadd.s32 $0xFFFFD800  }
0xb8: {  	[spmem:s29] =	stream.indirect.scatter.add.f32 [tilespmem:s17], [sflag:$0x5], $0x80, s15, s13, $0xb8;
	[tilespmem:$0x19200] =	vst v63  }
0xb9: {  	_ =	swait.ge [sflag:s9], $0x2800  }
0xba: {  	[sflag:s9] =	ssyncset.done $0x0  }
0xbb: {  	[sflag:s9] =	ssyncadd.s32 $0xFFFFD800  }
0xbc: {  	_ =	swait.ge [sflag:s12], $0x50  }
0xbd: {  	[sflag:s12] =	ssyncset.done $0x0  }
0xbe: {  	[sflag:s12] =	ssyncadd.s32 $0xFFFFFFB0  }
0xbf: {  	_ =	swait.ge [sflag:s12], $0x50  }
0xc0: {  	[sflag:s12] =	ssyncset.done $0x0  }
.Ltmp1:
0xc1: {  	[sflag:s12] =	ssyncadd.s32 $0xFFFFFFB0;
	(pc) =	sbr.rel @p0 .LBB2_4-.Ltmp1, $4  }
0xc2: {  	[tilespmem:s8], [sflag:$0x1] =	stream.indirect.gather [hbm4b:s1+s13], $0x80, s10, s13, $0xb8;
	[tilespmem:$0x19200] =	vst v63  }
0xc3: {  	s30 =	sadd.s32 s23, s28  }
0xc4: {  	[tilespmem:s14], [sflag:$0x4] =	stream.linear.gather [hbm4b:s30+s2], $0x50, $0x38;
	[tilespmem:$0x19200] =	vst v63  }
0xc5: {  	s28 =	sadd.s32 s26, s28  }
0xc6: {  	[tilespmem:s15], [sflag:$0x4] =	stream.linear.gather [hbm4b:s28+s2], $0x50, $0x38;
	[tilespmem:$0x19200] =	vst v63  }
0xc7: {  	_ =	swait.ge [sflag:s18], $0x2800  }
0xc8: {  	[sflag:s18] =	ssyncset.done $0x0  }
0xc9: {  	[sflag:s18] =	ssyncadd.s32 $0xFFFFD800  }
0xca: {  	[spmem:s29] =	stream.indirect.scatter.add.f32 [tilespmem:s8], [sflag:$0x5], $0x80, s11, s13, $0xb8;
	[tilespmem:$0x19200] =	vst v63  }
0xcb: {  	_ =	swait.ge [sflag:s9], $0x2800  }
0xcc: {  	[sflag:s9] =	ssyncset.done $0x0  }
0xcd: {  	[sflag:s9] =	ssyncadd.s32 $0xFFFFD800  }
0xce: {  	_ =	swait.ge [sflag:s16], $0x50  }
0xcf: {  	[sflag:s16] =	ssyncset.done $0x0  }
0xd0: {  	[sflag:s16] =	ssyncadd.s32 $0xFFFFFFB0  }
0xd1: {  	_ =	swait.ge [sflag:s16], $0x50  }
0xd2: {  	[sflag:s16] =	ssyncset.done $0x0  }
0xd3: {  	[sflag:s16] =	ssyncadd.s32 $0xFFFFFFB0  }
0xd4: {  	[bflag:$0x0] =	sbarrier.arrive $0xFFFF  }
0xd5: {  	s30 =	sld [smem:$0x7FC]  }
0xd6: {  	[tilespmem:s8], [sflag:$0x1] =	stream.linear.gather [spmem:s19], $0x2800, $0x38;
	[tilespmem:$0x19200] =	vst v63  }
0xd7: {  	_ = 	snop  }
0xd8: {  	[tilespmem:s17], [sflag:$0x2] =	stream.linear.gather [spmem:s30], $0x2800, $0x38;
	[tilespmem:$0x19200] =	vst v63  }
0xd9: {  	_ =	swait.ge [sflag:s18], $0x2800  }
0xda: {  	[sflag:s18] =	ssyncset.done $0x0  }
0xdb: {  	s24 =	simm.s32 $0x0;
	s28 =	rddreg [dreg:$0x7];
	[sflag:s18] =	ssyncadd.s32 $0xFFFFD800  }
0xdc: {  	[hbm4b:s28+s24] =	stream.linear.scatter [tilespmem:s8], [sflag:$0x3], $0x2800, $0x38;
	[tilespmem:$0x19200] =	vst v63  }
0xdd: {  	_ =	swait.ge [sflag:s21], $0x2800  }
0xde: {  	[sflag:s21] =	ssyncset.done $0x0  }
0xdf: {  	s28 =	rddreg [dreg:$0x8];
	[sflag:s21] =	ssyncadd.s32 $0xFFFFD800  }
0xe0: {  	[hbm4b:s28+s24] =	stream.linear.scatter [tilespmem:s17], [sflag:$0x4], $0x2800, $0x38;
	[tilespmem:$0x19200] =	vst v63  }
0xe1: {  	_ =	swait.ge [sflag:s12], $0x2800  }
0xe2: {  	[sflag:s12] =	ssyncset.done $0x0  }
0xe3: {  	[sflag:s12] =	ssyncadd.s32 $0xFFFFD800  }
0xe4: {  	_ =	swait.ge [sflag:s16], $0x2800  }
0xe5: {  	s31 =	sld [smem:$0x7FD]  }
0xe6: {  	[sflag:s16] =	ssyncset.done $0x0  }
0xe7: {  	s28 =	sld [smem:$0x7F9];
	[sflag:s16] =	ssyncadd.s32 $0xFFFFD800  }
0xe8: {  	[tilespmem:s8], [sflag:$0x1] =	stream.linear.gather [spmem:s31], $0x2800, $0x38;
	[tilespmem:$0x19200] =	vst v63  }
0xe9: {  	_ = 	snop  }
0xea: {  	[tilespmem:s17], [sflag:$0x2] =	stream.linear.gather [spmem:s28], $0x2800, $0x38;
	[tilespmem:$0x19200] =	vst v63  }
0xeb: {  	_ =	swait.ge [sflag:s18], $0x2800  }
0xec: {  	[sflag:s18] =	ssyncset.done $0x0  }
0xed: {  	s28 =	rddreg [dreg:$0x9];
	[sflag:s18] =	ssyncadd.s32 $0xFFFFD800  }
0xee: {  	[hbm4b:s28+s24] =	stream.linear.scatter [tilespmem:s8], [sflag:$0x3], $0x2800, $0x38;
	[tilespmem:$0x19200] =	vst v63  }
0xef: {  	_ =	swait.ge [sflag:s21], $0x2800  }
0xf0: {  	[sflag:s21] =	ssyncset.done $0x0  }
0xf1: {  	s28 =	rddreg [dreg:$0xa];
	[sflag:s21] =	ssyncadd.s32 $0xFFFFD800  }
0xf2: {  	[hbm4b:s28+s24] =	stream.linear.scatter [tilespmem:s17], [sflag:$0x4], $0x2800, $0x38;
	[tilespmem:$0x19200] =	vst v63  }
0xf3: {  	_ =	swait.ge [sflag:s12], $0x2800  }
0xf4: {  	[sflag:s12] =	ssyncset.done $0x0  }
0xf5: {  	[sflag:s12] =	ssyncadd.s32 $0xFFFFD800  }
0xf6: {  	_ =	swait.ge [sflag:s16], $0x2800  }
0xf7: {  	s28 =	sld [smem:$0x7FA]  }
0xf8: {  	[sflag:s16] =	ssyncset.done $0x0  }
0xf9: {  	[sflag:s16] =	ssyncadd.s32 $0xFFFFD800  }
0xfa: {  	[tilespmem:s8], [sflag:$0x1] =	stream.linear.gather [spmem:s28], $0x2800, $0x38;
	[tilespmem:$0x19200] =	vst v63  }
0xfb: {  	s28 =	sld [smem:$0x7FB];
	_ =	sdelay $0x2  }
0xfc: {  	[tilespmem:s17], [sflag:$0x2] =	stream.linear.gather [spmem:s28], $0x2800, $0x38;
	[tilespmem:$0x19200] =	vst v63  }
0xfd: {  	_ =	swait.ge [sflag:s18], $0x2800  }
0xfe: {  	[sflag:s18] =	ssyncset.done $0x0  }
0xff: {  	s28 =	rddreg [dreg:$0xb];
	[sflag:s18] =	ssyncadd.s32 $0xFFFFD800  }
0x100: {  	[hbm4b:s28+s24] =	stream.linear.scatter [tilespmem:s8], [sflag:$0x3], $0x2800, $0x38;
	[tilespmem:$0x19200] =	vst v63  }
0x101: {  	_ =	swait.ge [sflag:s21], $0x2800  }
0x102: {  	[sflag:s21] =	ssyncset.done $0x0  }
0x103: {  	s28 =	rddreg [dreg:$0xc];
	[sflag:s21] =	ssyncadd.s32 $0xFFFFD800  }
0x104: {  	[hbm4b:s28+s24] =	stream.linear.scatter [tilespmem:s17], [sflag:$0x4], $0x2800, $0x38;
	[tilespmem:$0x19200] =	vst v63  }
0x105: {  	_ =	swait.ge [sflag:s12], $0x2800  }
0x106: {  	[sflag:s12] =	ssyncset.done $0x0  }
0x107: {  	[sflag:s12] =	ssyncadd.s32 $0xFFFFD800  }
0x108: {  	_ =	swait.ge [sflag:s16], $0x2800  }
0x109: {  	[sflag:s16] =	ssyncset.done $0x0  }
0x10a: {  	[sflag:s16] =	ssyncadd.s32 $0xFFFFD800  }
0x10b: {  	[tilespmem:s8], [sflag:$0x1] =	stream.linear.gather [spmem:s25], $0x2800, $0x38;
	[tilespmem:$0x19200] =	vst v63  }
0x10c: {  	_ = 	snop  }
0x10d: {  	[tilespmem:s17], [sflag:$0x2] =	stream.linear.gather [spmem:s7], $0x2800, $0x38;
	[tilespmem:$0x19200] =	vst v63  }
0x10e: {  	_ =	swait.ge [sflag:s18], $0x2800  }
0x10f: {  	[sflag:s18] =	ssyncset.done $0x0  }
0x110: {  	s28 =	rddreg [dreg:$0xd];
	[sflag:s18] =	ssyncadd.s32 $0xFFFFD800  }
0x111: {  	[hbm4b:s28+s24] =	stream.linear.scatter [tilespmem:s8], [sflag:$0x3], $0x2800, $0x38;
	[tilespmem:$0x19200] =	vst v63  }
0x112: {  	_ =	swait.ge [sflag:s21], $0x2800  }
0x113: {  	[sflag:s21] =	ssyncset.done $0x0  }
0x114: {  	s28 =	rddreg [dreg:$0xe];
	[sflag:s21] =	ssyncadd.s32 $0xFFFFD800  }
0x115: {  	[hbm4b:s28+s24] =	stream.linear.scatter [tilespmem:s17], [sflag:$0x4], $0x2800, $0x38;
	[tilespmem:$0x19200] =	vst v63  }
0x116: {  	_ =	swait.ge [sflag:s12], $0x2800  }
0x117: {  	[sflag:s12] =	ssyncset.done $0x0  }
0x118: {  	[sflag:s12] =	ssyncadd.s32 $0xFFFFD800  }
0x119: {  	_ =	swait.ge [sflag:s16], $0x2800  }
0x11a: {  	[sflag:s16] =	ssyncset.done $0x0  }
0x11b: {  	[sflag:s16] =	ssyncadd.s32 $0xFFFFD800  }
0x11c: {  	s24 =	simm.s32 $0x0;
	s28 =	simm.s32 $0x200;
	[bflag:$0x0] =	sbarrier.arrive $0xFFFF  }
.LBB2_6:
0x11d: {  	p0 =	sne.s32 s28, $0x9E00;
	[tilespmem:s24+$0x14270] =	vst v0  }
0x11e: {  	[tilespmem:s24+$0x14200] =	vst v0  }
0x11f: {  	[tilespmem:s24+$0x14210] =	vst v0  }
.Ltmp2:
0x120: {  	[tilespmem:s24+$0x14220] =	vst v0;
	(pc) =	sbr.rel @p0 .LBB2_6-.Ltmp2, $4  }
0x121: {  	[tilespmem:s24+$0x14230] =	vst v0  }
0x122: {  	[tilespmem:s24+$0x14240] =	vst v0  }
0x123: {  	[tilespmem:s24+$0x14250] =	vst v0  }
0x124: {  	[tilespmem:s24+$0x14260] =	vst v0;
	s24 =	sshra.s32 s28, $0x2;
	s28 =	sadd.s32 $0x200, s28  }
0x125: {  	[tilespmem:s24+$0x14270] =	vst v0  }
0x126: {  	[tilespmem:s24+$0x14200] =	vst v0  }
0x127: {  	[tilespmem:s24+$0x14210] =	vst v0  }
0x128: {  	[tilespmem:s24+$0x14220] =	vst v0  }
0x129: {  	[tilespmem:s24+$0x14230] =	vst v0  }
0x12a: {  	[tilespmem:s24+$0x14240] =	vst v0  }
0x12b: {  	[tilespmem:s24+$0x14250] =	vst v0  }
0x12c: {  	[tilespmem:s24+$0x14260] =	vst v0  }
0x12d: {  	[spmem:s19] =	stream.linear.scatter [tilespmem:s8], [sflag:$0x5], $0x2800, $0x38;
	[tilespmem:$0x19200] =	vst v63  }
0x12e: {  	_ = 	snop  }
0x12f: {  	[spmem:s30] =	stream.linear.scatter [tilespmem:s8], [sflag:$0x5], $0x2800, $0x38;
	[tilespmem:$0x19200] =	vst v63  }
0x130: {  	s30 =	sld [smem:$0x7F9]  }
0x131: {  	[spmem:s31] =	stream.linear.scatter [tilespmem:s8], [sflag:$0x5], $0x2800, $0x38;
	[tilespmem:$0x19200] =	vst v63  }
0x132: {  	s31 =	sld [smem:$0x7FA]  }
0x133: {  	[spmem:s30] =	stream.linear.scatter [tilespmem:s8], [sflag:$0x5], $0x2800, $0x38;
	[tilespmem:$0x19200] =	vst v63  }
0x134: {  	s30 =	sld [smem:$0x7FB]  }
0x135: {  	[spmem:s31] =	stream.linear.scatter [tilespmem:s8], [sflag:$0x5], $0x2800, $0x38;
	[tilespmem:$0x19200] =	vst v63  }
0x136: {  	_ = 	snop  }
0x137: {  	[spmem:s30] =	stream.linear.scatter [tilespmem:s8], [sflag:$0x5], $0x2800, $0x38;
	[tilespmem:$0x19200] =	vst v63  }
0x138: {  	_ = 	snop  }
0x139: {  	[spmem:s25] =	stream.linear.scatter [tilespmem:s8], [sflag:$0x5], $0x2800, $0x38;
	[tilespmem:$0x19200] =	vst v63  }
0x13a: {  	_ = 	snop  }
0x13b: {  	[spmem:s7] =	stream.linear.scatter [tilespmem:s8], [sflag:$0x5], $0x2800, $0x38;
	[tilespmem:$0x19200] =	vst v63  }
0x13c: {  	_ =	swait.ge [sflag:s9], $0x2800  }
0x13d: {  	[sflag:s9] =	ssyncset.done $0x0  }
0x13e: {  	[sflag:s9] =	ssyncadd.s32 $0xFFFFD800  }
0x13f: {  	_ =	swait.ge [sflag:s9], $0x2800  }
0x140: {  	[sflag:s9] =	ssyncset.done $0x0  }
0x141: {  	[sflag:s9] =	ssyncadd.s32 $0xFFFFD800  }
0x142: {  	_ =	swait.ge [sflag:s9], $0x2800  }
0x143: {  	[sflag:s9] =	ssyncset.done $0x0  }
0x144: {  	[sflag:s9] =	ssyncadd.s32 $0xFFFFD800  }
0x145: {  	_ =	swait.ge [sflag:s9], $0x2800  }
0x146: {  	[sflag:s9] =	ssyncset.done $0x0  }
0x147: {  	[sflag:s9] =	ssyncadd.s32 $0xFFFFD800  }
0x148: {  	_ =	swait.ge [sflag:s9], $0x2800  }
0x149: {  	[sflag:s9] =	ssyncset.done $0x0  }
0x14a: {  	[sflag:s9] =	ssyncadd.s32 $0xFFFFD800  }
0x14b: {  	_ =	swait.ge [sflag:s9], $0x2800  }
0x14c: {  	[sflag:s9] =	ssyncset.done $0x0  }
0x14d: {  	[sflag:s9] =	ssyncadd.s32 $0xFFFFD800  }
0x14e: {  	_ =	swait.ge [sflag:s9], $0x2800  }
0x14f: {  	[sflag:s9] =	ssyncset.done $0x0  }
0x150: {  	[sflag:s9] =	ssyncadd.s32 $0xFFFFD800  }
0x151: {  	_ =	swait.ge [sflag:s9], $0x2800  }
0x152: {  	[sflag:s9] =	ssyncset.done $0x0  }
0x153: {  	[sflag:s9] =	ssyncadd.s32 $0xFFFFD800  }
0x154: {  	[bflag:$0x0] =	sbarrier.arrive $0xFFFF  }
0x155: {  	s31 =	sld [smem:$0x7EE];
	_ =	sdelay $0x1  }
0x156: {  	s30 =	sld [smem:$0x7EF]  }
0x157: {  	[tilespmem:s10], [sflag:$0x3] =	stream.linear.gather [hbm4b:s31+s2], $0x50, $0x38;
	[tilespmem:$0x19200] =	vst v63  }
0x158: {  	_ = 	snop  }
0x159: {  	[tilespmem:s11], [sflag:$0x3] =	stream.linear.gather [hbm4b:s30+s2], $0x50, $0x38;
	[tilespmem:$0x19200] =	vst v63  }
0x15a: {  	_ =	swait.ge [sflag:s12], $0x50  }
0x15b: {  	[sflag:s12] =	ssyncset.done $0x0  }
0x15c: {  	[sflag:s12] =	ssyncadd.s32 $0xFFFFFFB0  }
0x15d: {  	_ =	swait.ge [sflag:s12], $0x50  }
0x15e: {  	[sflag:s12] =	ssyncset.done $0x0  }
0x15f: {  	s31 =	sld [smem:$0x7F4];
	[sflag:s12] =	ssyncadd.s32 $0xFFFFFFB0  }
0x160: {  	[tilespmem:s8], [sflag:$0x1] =	stream.indirect.gather [hbm4b:s20+s13], $0x80, s10, s13, $0xb8;
	[tilespmem:$0x19200] =	vst v63  }
0x161: {  	s30 =	sld [smem:$0x7F5]  }
0x162: {  	[tilespmem:s14], [sflag:$0x4] =	stream.linear.gather [hbm4b:s31+s2], $0x50, $0x38;
	[tilespmem:$0x19200] =	vst v63  }
0x163: {  	_ = 	snop  }
0x164: {  	[tilespmem:s15], [sflag:$0x4] =	stream.linear.gather [hbm4b:s30+s2], $0x50, $0x38;
	[tilespmem:$0x19200] =	vst v63  }
0x165: {  	_ =	swait.ge [sflag:s16], $0x50  }
0x166: {  	[sflag:s16] =	ssyncset.done $0x0  }
0x167: {  	[sflag:s16] =	ssyncadd.s32 $0xFFFFFFB0  }
0x168: {  	_ =	swait.ge [sflag:s16], $0x50  }
0x169: {  	[sflag:s16] =	ssyncset.done $0x0  }
0x16a: {  	[sflag:s16] =	ssyncadd.s32 $0xFFFFFFB0  }
0x16b: {  	[tilespmem:s17], [sflag:$0x2] =	stream.indirect.gather [hbm4b:s20+s13], $0x80, s14, s13, $0xb8;
	[tilespmem:$0x19200] =	vst v63  }
0x16c: {  	_ =	swait.ge [sflag:s18], $0x2800  }
0x16d: {  	[sflag:s18] =	ssyncset.done $0x0  }
0x16e: {  	s24 =	sadd.s32 $0xFFFFD940, s0;
	[sflag:s18] =	ssyncadd.s32 $0xFFFFD800  }
0x16f: {  	[spmem:s29] =	stream.indirect.scatter.add.f32 [tilespmem:s8], [sflag:$0x5], $0x80, s11, s13, $0xb8;
	[tilespmem:$0x19200] =	vst v63  }
0x170: {  	s28 =	sadd.s32 $0x2760, s24;
	_ =	swait.ge [sflag:s9], $0x2800  }
0x171: {  	s28 =	sshrl.u32 s28, $0x3;
	[sflag:s9] =	ssyncset.done $0x0  }
0x172: {  	s31 =	sadd.s32 s3, s28;
	[sflag:s9] =	ssyncadd.s32 $0xFFFFD800  }
0x173: {  	[tilespmem:s10], [sflag:$0x3] =	stream.linear.gather [hbm4b:s31+s2], $0x50, $0x38;
	[tilespmem:$0x19200] =	vst v63  }
0x174: {  	s28 =	sadd.s32 s4, s28  }
0x175: {  	[tilespmem:s11], [sflag:$0x3] =	stream.linear.gather [hbm4b:s28+s2], $0x50, $0x38;
	[tilespmem:$0x19200] =	vst v63  }
0x176: {  	_ =	swait.ge [sflag:s21], $0x2800  }
0x177: {  	[sflag:s21] =	ssyncset.done $0x0  }
0x178: {  	[sflag:s21] =	ssyncadd.s32 $0xFFFFD800  }
0x179: {  	[spmem:s29] =	stream.indirect.scatter.add.f32 [tilespmem:s17], [sflag:$0x5], $0x80, s15, s13, $0xb8;
	[tilespmem:$0x19200] =	vst v63  }
0x17a: {  	_ =	swait.ge [sflag:s9], $0x2800  }
0x17b: {  	[sflag:s9] =	ssyncset.done $0x0  }
0x17c: {  	[sflag:s9] =	ssyncadd.s32 $0xFFFFD800  }
0x17d: {  	_ =	swait.ge [sflag:s12], $0x50  }
0x17e: {  	[sflag:s12] =	ssyncset.done $0x0  }
0x17f: {  	s24 =	sadd.s32 $0x27B0, s24;
	[sflag:s12] =	ssyncadd.s32 $0xFFFFFFB0  }
0x180: {  	p0 =	slt.s32 s24, $0x4E1B0;
	_ =	swait.ge [sflag:s12], $0x50  }
0x181: {  	s24 =	simm.s32 @!p0 $0x4E1B0;
	[sflag:s12] =	ssyncset.done $0x0  }
0x182: {  	s28 =	sshrl.u32 s24, $0x3;
	[sflag:s12] =	ssyncadd.s32 $0xFFFFFFB0  }
0x183: {  	[tilespmem:s8], [sflag:$0x1] =	stream.indirect.gather [hbm4b:s20+s13], $0x80, s10, s13, $0xb8;
	[tilespmem:$0x19200] =	vst v63  }
0x184: {  	s24 =	sadd.s32 s3, s28  }
0x185: {  	[tilespmem:s14], [sflag:$0x4] =	stream.linear.gather [hbm4b:s24+s2], $0x50, $0x38;
	[tilespmem:$0x19200] =	vst v63  }
0x186: {  	s28 =	sadd.s32 s4, s28;
	s24 =	simm.s32 $0xFFFFD9E0  }
.LBB2_8:
0x187: {  	[tilespmem:s15], [sflag:$0x4] =	stream.linear.gather [hbm4b:s28+s2], $0x50, $0x38;
	[tilespmem:$0x19200] =	vst v63  }
0x188: {  	s28 =	smov.u32 s24  }
0x189: {  	p0 =	sne.s32 s24, $0xFFFFFF60;
	s24 =	sadd.s32 $0xA0, s24;
	_ =	swait.ge [sflag:s16], $0x50  }
0x18a: {  	[sflag:s16] =	ssyncset.done $0x0  }
0x18b: {  	[sflag:s16] =	ssyncadd.s32 $0xFFFFFFB0  }
0x18c: {  	_ =	swait.ge [sflag:s16], $0x50  }
0x18d: {  	[sflag:s16] =	ssyncset.done $0x0  }
0x18e: {  	[sflag:s16] =	ssyncadd.s32 $0xFFFFFFB0  }
0x18f: {  	[tilespmem:s17], [sflag:$0x2] =	stream.indirect.gather [hbm4b:s20+s13], $0x80, s14, s13, $0xb8;
	[tilespmem:$0x19200] =	vst v63  }
0x190: {  	_ =	swait.ge [sflag:s18], $0x2800  }
0x191: {  	[sflag:s18] =	ssyncset.done $0x0  }
0x192: {  	s28 =	sadd.s32 s28, s0;
	[sflag:s18] =	ssyncadd.s32 $0xFFFFD800  }
0x193: {  	[spmem:s29] =	stream.indirect.scatter.add.f32 [tilespmem:s8], [sflag:$0x5], $0x80, s11, s13, $0xb8;
	[tilespmem:$0x19200] =	vst v63  }
0x194: {  	s30 =	sadd.s32 $0x2760, s28;
	s28 =	sadd.s32 $0x27B0, s28;
	_ =	swait.ge [sflag:s9], $0x2800  }
0x195: {  	s30 =	sshrl.u32 s30, $0x3;
	p1 =	slt.s32 s28, $0x4E1B0;
	[sflag:s9] =	ssyncset.done $0x0  }
0x196: {  	s31 =	sadd.s32 s3, s30;
	s28 =	simm.s32 @!p1 $0x4E1B0;
	[sflag:s9] =	ssyncadd.s32 $0xFFFFD800  }
0x197: {  	[tilespmem:s10], [sflag:$0x3] =	stream.linear.gather [hbm4b:s31+s2], $0x50, $0x38;
	[tilespmem:$0x19200] =	vst v63  }
0x198: {  	s30 =	sadd.s32 s4, s30;
	s28 =	sshrl.u32 s28, $0x3  }
0x199: {  	[tilespmem:s11], [sflag:$0x3] =	stream.linear.gather [hbm4b:s30+s2], $0x50, $0x38;
	[tilespmem:$0x19200] =	vst v63  }
0x19a: {  	_ =	swait.ge [sflag:s21], $0x2800  }
0x19b: {  	[sflag:s21] =	ssyncset.done $0x0  }
0x19c: {  	[sflag:s21] =	ssyncadd.s32 $0xFFFFD800  }
0x19d: {  	[spmem:s29] =	stream.indirect.scatter.add.f32 [tilespmem:s17], [sflag:$0x5], $0x80, s15, s13, $0xb8;
	[tilespmem:$0x19200] =	vst v63  }
0x19e: {  	_ =	swait.ge [sflag:s9], $0x2800  }
0x19f: {  	[sflag:s9] =	ssyncset.done $0x0  }
0x1a0: {  	[sflag:s9] =	ssyncadd.s32 $0xFFFFD800  }
0x1a1: {  	_ =	swait.ge [sflag:s12], $0x50  }
0x1a2: {  	[sflag:s12] =	ssyncset.done $0x0  }
0x1a3: {  	[sflag:s12] =	ssyncadd.s32 $0xFFFFFFB0  }
0x1a4: {  	_ =	swait.ge [sflag:s12], $0x50  }
0x1a5: {  	[sflag:s12] =	ssyncset.done $0x0  }
.Ltmp3:
0x1a6: {  	[sflag:s12] =	ssyncadd.s32 $0xFFFFFFB0;
	(pc) =	sbr.rel @p0 .LBB2_8-.Ltmp3, $4  }
0x1a7: {  	[tilespmem:s8], [sflag:$0x1] =	stream.indirect.gather [hbm4b:s20+s13], $0x80, s10, s13, $0xb8;
	[tilespmem:$0x19200] =	vst v63  }
0x1a8: {  	s30 =	sadd.s32 s3, s28  }
0x1a9: {  	[tilespmem:s14], [sflag:$0x4] =	stream.linear.gather [hbm4b:s30+s2], $0x50, $0x38;
	[tilespmem:$0x19200] =	vst v63  }
0x1aa: {  	s28 =	sadd.s32 s4, s28  }
0x1ab: {  	[tilespmem:s15], [sflag:$0x4] =	stream.linear.gather [hbm4b:s28+s2], $0x50, $0x38;
	[tilespmem:$0x19200] =	vst v63  }
0x1ac: {  	_ =	swait.ge [sflag:s18], $0x2800  }
0x1ad: {  	[sflag:s18] =	ssyncset.done $0x0  }
0x1ae: {  	[sflag:s18] =	ssyncadd.s32 $0xFFFFD800  }
0x1af: {  	[spmem:s29] =	stream.indirect.scatter.add.f32 [tilespmem:s8], [sflag:$0x5], $0x80, s11, s13, $0xb8;
	[tilespmem:$0x19200] =	vst v63  }
0x1b0: {  	_ =	swait.ge [sflag:s9], $0x2800  }
0x1b1: {  	[sflag:s9] =	ssyncset.done $0x0  }
0x1b2: {  	[sflag:s9] =	ssyncadd.s32 $0xFFFFD800  }
0x1b3: {  	_ =	swait.ge [sflag:s16], $0x50  }
0x1b4: {  	[sflag:s16] =	ssyncset.done $0x0  }
0x1b5: {  	[sflag:s16] =	ssyncadd.s32 $0xFFFFFFB0  }
0x1b6: {  	_ =	swait.ge [sflag:s16], $0x50  }
0x1b7: {  	[sflag:s16] =	ssyncset.done $0x0  }
0x1b8: {  	[sflag:s16] =	ssyncadd.s32 $0xFFFFFFB0  }
0x1b9: {  	[bflag:$0x0] =	sbarrier.arrive $0xFFFF  }
0x1ba: {  	s30 =	sld [smem:$0x7FC]  }
0x1bb: {  	[tilespmem:s8], [sflag:$0x1] =	stream.linear.gather [spmem:s19], $0x2800, $0x38;
	[tilespmem:$0x19200] =	vst v63  }
0x1bc: {  	_ = 	snop  }
0x1bd: {  	[tilespmem:s17], [sflag:$0x2] =	stream.linear.gather [spmem:s30], $0x2800, $0x38;
	[tilespmem:$0x19200] =	vst v63  }
0x1be: {  	_ =	swait.ge [sflag:s18], $0x2800  }
0x1bf: {  	[sflag:s18] =	ssyncset.done $0x0  }
0x1c0: {  	s24 =	simm.s32 $0x0;
	s28 =	rddreg [dreg:$0xf];
	[sflag:s18] =	ssyncadd.s32 $0xFFFFD800  }
0x1c1: {  	[hbm4b:s28+s24] =	stream.linear.scatter [tilespmem:s8], [sflag:$0x3], $0x2800, $0x38;
	[tilespmem:$0x19200] =	vst v63  }
0x1c2: {  	_ =	swait.ge [sflag:s21], $0x2800  }
0x1c3: {  	[sflag:s21] =	ssyncset.done $0x0  }
0x1c4: {  	s28 =	rddreg [dreg:$0x10];
	[sflag:s21] =	ssyncadd.s32 $0xFFFFD800  }
0x1c5: {  	[hbm4b:s28+s24] =	stream.linear.scatter [tilespmem:s17], [sflag:$0x4], $0x2800, $0x38;
	[tilespmem:$0x19200] =	vst v63  }
0x1c6: {  	_ =	swait.ge [sflag:s12], $0x2800  }
0x1c7: {  	[sflag:s12] =	ssyncset.done $0x0  }
0x1c8: {  	[sflag:s12] =	ssyncadd.s32 $0xFFFFD800  }
0x1c9: {  	_ =	swait.ge [sflag:s16], $0x2800  }
0x1ca: {  	s31 =	sld [smem:$0x7FD]  }
0x1cb: {  	[sflag:s16] =	ssyncset.done $0x0  }
0x1cc: {  	s28 =	sld [smem:$0x7F9];
	[sflag:s16] =	ssyncadd.s32 $0xFFFFD800  }
0x1cd: {  	[tilespmem:s8], [sflag:$0x1] =	stream.linear.gather [spmem:s31], $0x2800, $0x38;
	[tilespmem:$0x19200] =	vst v63  }
0x1ce: {  	_ = 	snop  }
0x1cf: {  	[tilespmem:s17], [sflag:$0x2] =	stream.linear.gather [spmem:s28], $0x2800, $0x38;
	[tilespmem:$0x19200] =	vst v63  }
0x1d0: {  	_ =	swait.ge [sflag:s18], $0x2800  }
0x1d1: {  	[sflag:s18] =	ssyncset.done $0x0  }
0x1d2: {  	s28 =	rddreg [dreg:$0x11];
	[sflag:s18] =	ssyncadd.s32 $0xFFFFD800  }
0x1d3: {  	[hbm4b:s28+s24] =	stream.linear.scatter [tilespmem:s8], [sflag:$0x3], $0x2800, $0x38;
	[tilespmem:$0x19200] =	vst v63  }
0x1d4: {  	_ =	swait.ge [sflag:s21], $0x2800  }
0x1d5: {  	[sflag:s21] =	ssyncset.done $0x0  }
0x1d6: {  	s28 =	rddreg [dreg:$0x12];
	[sflag:s21] =	ssyncadd.s32 $0xFFFFD800  }
0x1d7: {  	[hbm4b:s28+s24] =	stream.linear.scatter [tilespmem:s17], [sflag:$0x4], $0x2800, $0x38;
	[tilespmem:$0x19200] =	vst v63  }
0x1d8: {  	_ =	swait.ge [sflag:s12], $0x2800  }
0x1d9: {  	[sflag:s12] =	ssyncset.done $0x0  }
0x1da: {  	[sflag:s12] =	ssyncadd.s32 $0xFFFFD800  }
0x1db: {  	_ =	swait.ge [sflag:s16], $0x2800  }
0x1dc: {  	s28 =	sld [smem:$0x7FA]  }
0x1dd: {  	[sflag:s16] =	ssyncset.done $0x0  }
0x1de: {  	[sflag:s16] =	ssyncadd.s32 $0xFFFFD800  }
0x1df: {  	[tilespmem:s8], [sflag:$0x1] =	stream.linear.gather [spmem:s28], $0x2800, $0x38;
	[tilespmem:$0x19200] =	vst v63  }
0x1e0: {  	s28 =	sld [smem:$0x7FB];
	_ =	sdelay $0x2  }
0x1e1: {  	[tilespmem:s17], [sflag:$0x2] =	stream.linear.gather [spmem:s28], $0x2800, $0x38;
	[tilespmem:$0x19200] =	vst v63  }
0x1e2: {  	_ =	swait.ge [sflag:s18], $0x2800  }
0x1e3: {  	[sflag:s18] =	ssyncset.done $0x0  }
0x1e4: {  	s28 =	rddreg [dreg:$0x13];
	[sflag:s18] =	ssyncadd.s32 $0xFFFFD800  }
0x1e5: {  	[hbm4b:s28+s24] =	stream.linear.scatter [tilespmem:s8], [sflag:$0x3], $0x2800, $0x38;
	[tilespmem:$0x19200] =	vst v63  }
0x1e6: {  	_ =	swait.ge [sflag:s21], $0x2800  }
0x1e7: {  	[sflag:s21] =	ssyncset.done $0x0  }
0x1e8: {  	s28 =	rddreg [dreg:$0x14];
	[sflag:s21] =	ssyncadd.s32 $0xFFFFD800  }
0x1e9: {  	[hbm4b:s28+s24] =	stream.linear.scatter [tilespmem:s17], [sflag:$0x4], $0x2800, $0x38;
	[tilespmem:$0x19200] =	vst v63  }
0x1ea: {  	_ =	swait.ge [sflag:s12], $0x2800  }
0x1eb: {  	[sflag:s12] =	ssyncset.done $0x0  }
0x1ec: {  	[sflag:s12] =	ssyncadd.s32 $0xFFFFD800  }
0x1ed: {  	_ =	swait.ge [sflag:s16], $0x2800  }
0x1ee: {  	[sflag:s16] =	ssyncset.done $0x0  }
0x1ef: {  	[sflag:s16] =	ssyncadd.s32 $0xFFFFD800  }
0x1f0: {  	[tilespmem:s8], [sflag:$0x1] =	stream.linear.gather [spmem:s25], $0x2800, $0x38;
	[tilespmem:$0x19200] =	vst v63  }
0x1f1: {  	_ = 	snop  }
0x1f2: {  	[tilespmem:s17], [sflag:$0x2] =	stream.linear.gather [spmem:s7], $0x2800, $0x38;
	[tilespmem:$0x19200] =	vst v63  }
0x1f3: {  	_ =	swait.ge [sflag:s18], $0x2800  }
0x1f4: {  	[sflag:s18] =	ssyncset.done $0x0  }
0x1f5: {  	s28 =	rddreg [dreg:$0x15];
	[sflag:s18] =	ssyncadd.s32 $0xFFFFD800  }
0x1f6: {  	[hbm4b:s28+s24] =	stream.linear.scatter [tilespmem:s8], [sflag:$0x3], $0x2800, $0x38;
	[tilespmem:$0x19200] =	vst v63  }
0x1f7: {  	_ =	swait.ge [sflag:s21], $0x2800  }
0x1f8: {  	[sflag:s21] =	ssyncset.done $0x0  }
0x1f9: {  	s28 =	rddreg [dreg:$0x16];
	[sflag:s21] =	ssyncadd.s32 $0xFFFFD800  }
0x1fa: {  	[hbm4b:s28+s24] =	stream.linear.scatter [tilespmem:s17], [sflag:$0x4], $0x2800, $0x38;
	[tilespmem:$0x19200] =	vst v63  }
0x1fb: {  	_ =	swait.ge [sflag:s12], $0x2800  }
0x1fc: {  	[sflag:s12] =	ssyncset.done $0x0  }
0x1fd: {  	[sflag:s12] =	ssyncadd.s32 $0xFFFFD800  }
0x1fe: {  	_ =	swait.ge [sflag:s16], $0x2800  }
0x1ff: {  	[sflag:s16] =	ssyncset.done $0x0  }
0x200: {  	[sflag:s16] =	ssyncadd.s32 $0xFFFFD800  }
0x201: {  	s24 =	simm.s32 $0x0;
	s28 =	simm.s32 $0x200;
	[bflag:$0x0] =	sbarrier.arrive $0xFFFF  }
.LBB2_10:
0x202: {  	p0 =	sne.s32 s28, $0x9E00;
	[tilespmem:s24+$0x14270] =	vst v0  }
0x203: {  	[tilespmem:s24+$0x14200] =	vst v0  }
0x204: {  	[tilespmem:s24+$0x14210] =	vst v0  }
.Ltmp4:
0x205: {  	[tilespmem:s24+$0x14220] =	vst v0;
	(pc) =	sbr.rel @p0 .LBB2_10-.Ltmp4, $4  }
0x206: {  	[tilespmem:s24+$0x14230] =	vst v0  }
0x207: {  	[tilespmem:s24+$0x14240] =	vst v0  }
0x208: {  	[tilespmem:s24+$0x14250] =	vst v0  }
0x209: {  	[tilespmem:s24+$0x14260] =	vst v0;
	s24 =	sshra.s32 s28, $0x2;
	s28 =	sadd.s32 $0x200, s28  }
0x20a: {  	[tilespmem:s24+$0x14270] =	vst v0  }
0x20b: {  	[tilespmem:s24+$0x14200] =	vst v0  }
0x20c: {  	[tilespmem:s24+$0x14210] =	vst v0  }
0x20d: {  	[tilespmem:s24+$0x14220] =	vst v0  }
0x20e: {  	[tilespmem:s24+$0x14230] =	vst v0  }
0x20f: {  	[tilespmem:s24+$0x14240] =	vst v0  }
0x210: {  	[tilespmem:s24+$0x14250] =	vst v0  }
0x211: {  	[tilespmem:s24+$0x14260] =	vst v0  }
0x212: {  	[spmem:s19] =	stream.linear.scatter [tilespmem:s8], [sflag:$0x5], $0x2800, $0x38;
	[tilespmem:$0x19200] =	vst v63  }
0x213: {  	_ = 	snop  }
0x214: {  	[spmem:s30] =	stream.linear.scatter [tilespmem:s8], [sflag:$0x5], $0x2800, $0x38;
	[tilespmem:$0x19200] =	vst v63  }
0x215: {  	s30 =	sld [smem:$0x7F9]  }
0x216: {  	[spmem:s31] =	stream.linear.scatter [tilespmem:s8], [sflag:$0x5], $0x2800, $0x38;
	[tilespmem:$0x19200] =	vst v63  }
0x217: {  	s31 =	sld [smem:$0x7FA]  }
0x218: {  	[spmem:s30] =	stream.linear.scatter [tilespmem:s8], [sflag:$0x5], $0x2800, $0x38;
	[tilespmem:$0x19200] =	vst v63  }
0x219: {  	s30 =	sld [smem:$0x7FB]  }
0x21a: {  	[spmem:s31] =	stream.linear.scatter [tilespmem:s8], [sflag:$0x5], $0x2800, $0x38;
	[tilespmem:$0x19200] =	vst v63  }
0x21b: {  	_ = 	snop  }
0x21c: {  	[spmem:s30] =	stream.linear.scatter [tilespmem:s8], [sflag:$0x5], $0x2800, $0x38;
	[tilespmem:$0x19200] =	vst v63  }
0x21d: {  	_ = 	snop  }
0x21e: {  	[spmem:s25] =	stream.linear.scatter [tilespmem:s8], [sflag:$0x5], $0x2800, $0x38;
	[tilespmem:$0x19200] =	vst v63  }
0x21f: {  	_ = 	snop  }
0x220: {  	[spmem:s7] =	stream.linear.scatter [tilespmem:s8], [sflag:$0x5], $0x2800, $0x38;
	[tilespmem:$0x19200] =	vst v63  }
0x221: {  	_ =	swait.ge [sflag:s9], $0x2800  }
0x222: {  	[sflag:s9] =	ssyncset.done $0x0  }
0x223: {  	[sflag:s9] =	ssyncadd.s32 $0xFFFFD800  }
0x224: {  	_ =	swait.ge [sflag:s9], $0x2800  }
0x225: {  	[sflag:s9] =	ssyncset.done $0x0  }
0x226: {  	[sflag:s9] =	ssyncadd.s32 $0xFFFFD800  }
0x227: {  	_ =	swait.ge [sflag:s9], $0x2800  }
0x228: {  	[sflag:s9] =	ssyncset.done $0x0  }
0x229: {  	[sflag:s9] =	ssyncadd.s32 $0xFFFFD800  }
0x22a: {  	_ =	swait.ge [sflag:s9], $0x2800  }
0x22b: {  	[sflag:s9] =	ssyncset.done $0x0  }
0x22c: {  	[sflag:s9] =	ssyncadd.s32 $0xFFFFD800  }
0x22d: {  	_ =	swait.ge [sflag:s9], $0x2800  }
0x22e: {  	[sflag:s9] =	ssyncset.done $0x0  }
0x22f: {  	[sflag:s9] =	ssyncadd.s32 $0xFFFFD800  }
0x230: {  	_ =	swait.ge [sflag:s9], $0x2800  }
0x231: {  	[sflag:s9] =	ssyncset.done $0x0  }
0x232: {  	[sflag:s9] =	ssyncadd.s32 $0xFFFFD800  }
0x233: {  	_ =	swait.ge [sflag:s9], $0x2800  }
0x234: {  	[sflag:s9] =	ssyncset.done $0x0  }
0x235: {  	[sflag:s9] =	ssyncadd.s32 $0xFFFFD800  }
0x236: {  	_ =	swait.ge [sflag:s9], $0x2800  }
0x237: {  	[sflag:s9] =	ssyncset.done $0x0  }
0x238: {  	[sflag:s9] =	ssyncadd.s32 $0xFFFFD800  }
0x239: {  	[bflag:$0x0] =	sbarrier.arrive $0xFFFF  }
0x23a: {  	s31 =	sld [smem:$0x7F0];
	_ =	sdelay $0x1  }
0x23b: {  	s30 =	sld [smem:$0x7F1]  }
0x23c: {  	[tilespmem:s10], [sflag:$0x3] =	stream.linear.gather [hbm4b:s31+s2], $0x50, $0x38;
	[tilespmem:$0x19200] =	vst v63  }
0x23d: {  	_ = 	snop  }
0x23e: {  	[tilespmem:s11], [sflag:$0x3] =	stream.linear.gather [hbm4b:s30+s2], $0x50, $0x38;
	[tilespmem:$0x19200] =	vst v63  }
0x23f: {  	_ =	swait.ge [sflag:s12], $0x50  }
0x240: {  	[sflag:s12] =	ssyncset.done $0x0  }
0x241: {  	[sflag:s12] =	ssyncadd.s32 $0xFFFFFFB0  }
0x242: {  	_ =	swait.ge [sflag:s12], $0x50  }
0x243: {  	[sflag:s12] =	ssyncset.done $0x0  }
0x244: {  	s31 =	sld [smem:$0x7F6];
	[sflag:s12] =	ssyncadd.s32 $0xFFFFFFB0  }
0x245: {  	[tilespmem:s8], [sflag:$0x1] =	stream.indirect.gather [hbm4b:s20+s13], $0x80, s10, s13, $0xb8;
	[tilespmem:$0x19200] =	vst v63  }
0x246: {  	s30 =	sld [smem:$0x7F7]  }
0x247: {  	[tilespmem:s14], [sflag:$0x4] =	stream.linear.gather [hbm4b:s31+s2], $0x50, $0x38;
	[tilespmem:$0x19200] =	vst v63  }
0x248: {  	_ = 	snop  }
0x249: {  	[tilespmem:s15], [sflag:$0x4] =	stream.linear.gather [hbm4b:s30+s2], $0x50, $0x38;
	[tilespmem:$0x19200] =	vst v63  }
0x24a: {  	_ =	swait.ge [sflag:s16], $0x50  }
0x24b: {  	[sflag:s16] =	ssyncset.done $0x0  }
0x24c: {  	[sflag:s16] =	ssyncadd.s32 $0xFFFFFFB0  }
0x24d: {  	_ =	swait.ge [sflag:s16], $0x50  }
0x24e: {  	[sflag:s16] =	ssyncset.done $0x0  }
0x24f: {  	[sflag:s16] =	ssyncadd.s32 $0xFFFFFFB0  }
0x250: {  	[tilespmem:s17], [sflag:$0x2] =	stream.indirect.gather [hbm4b:s20+s13], $0x80, s14, s13, $0xb8;
	[tilespmem:$0x19200] =	vst v63  }
0x251: {  	_ =	swait.ge [sflag:s18], $0x2800  }
0x252: {  	[sflag:s18] =	ssyncset.done $0x0  }
0x253: {  	s24 =	sadd.s32 $0xFFFFD940, s0;
	[sflag:s18] =	ssyncadd.s32 $0xFFFFD800  }
0x254: {  	[spmem:s29] =	stream.indirect.scatter.add.f32 [tilespmem:s8], [sflag:$0x5], $0x80, s11, s13, $0xb8;
	[tilespmem:$0x19200] =	vst v63  }
0x255: {  	s28 =	sadd.s32 $0x2760, s24;
	_ =	swait.ge [sflag:s9], $0x2800  }
0x256: {  	s28 =	sshrl.u32 s28, $0x3;
	[sflag:s9] =	ssyncset.done $0x0  }
0x257: {  	s31 =	sadd.s32 s5, s28;
	[sflag:s9] =	ssyncadd.s32 $0xFFFFD800  }
0x258: {  	[tilespmem:s10], [sflag:$0x3] =	stream.linear.gather [hbm4b:s31+s2], $0x50, $0x38;
	[tilespmem:$0x19200] =	vst v63  }
0x259: {  	s28 =	sadd.s32 s6, s28  }
0x25a: {  	[tilespmem:s11], [sflag:$0x3] =	stream.linear.gather [hbm4b:s28+s2], $0x50, $0x38;
	[tilespmem:$0x19200] =	vst v63  }
0x25b: {  	_ =	swait.ge [sflag:s21], $0x2800  }
0x25c: {  	[sflag:s21] =	ssyncset.done $0x0  }
0x25d: {  	[sflag:s21] =	ssyncadd.s32 $0xFFFFD800  }
0x25e: {  	[spmem:s29] =	stream.indirect.scatter.add.f32 [tilespmem:s17], [sflag:$0x5], $0x80, s15, s13, $0xb8;
	[tilespmem:$0x19200] =	vst v63  }
0x25f: {  	_ =	swait.ge [sflag:s9], $0x2800  }
0x260: {  	[sflag:s9] =	ssyncset.done $0x0  }
0x261: {  	[sflag:s9] =	ssyncadd.s32 $0xFFFFD800  }
0x262: {  	_ =	swait.ge [sflag:s12], $0x50  }
0x263: {  	[sflag:s12] =	ssyncset.done $0x0  }
0x264: {  	s24 =	sadd.s32 $0x27B0, s24;
	[sflag:s12] =	ssyncadd.s32 $0xFFFFFFB0  }
0x265: {  	p0 =	slt.s32 s24, $0x4E1B0;
	_ =	swait.ge [sflag:s12], $0x50  }
0x266: {  	s24 =	simm.s32 @!p0 $0x4E1B0;
	[sflag:s12] =	ssyncset.done $0x0  }
0x267: {  	s28 =	sshrl.u32 s24, $0x3;
	[sflag:s12] =	ssyncadd.s32 $0xFFFFFFB0  }
0x268: {  	[tilespmem:s8], [sflag:$0x1] =	stream.indirect.gather [hbm4b:s20+s13], $0x80, s10, s13, $0xb8;
	[tilespmem:$0x19200] =	vst v63  }
0x269: {  	s24 =	sadd.s32 s5, s28  }
0x26a: {  	[tilespmem:s14], [sflag:$0x4] =	stream.linear.gather [hbm4b:s24+s2], $0x50, $0x38;
	[tilespmem:$0x19200] =	vst v63  }
0x26b: {  	s28 =	sadd.s32 s6, s28;
	s24 =	simm.s32 $0xFFFFD9E0  }
.LBB2_12:
0x26c: {  	[tilespmem:s15], [sflag:$0x4] =	stream.linear.gather [hbm4b:s28+s2], $0x50, $0x38;
	[tilespmem:$0x19200] =	vst v63  }
0x26d: {  	s28 =	smov.u32 s24  }
0x26e: {  	p0 =	sne.s32 s24, $0xFFFFFF60;
	s24 =	sadd.s32 $0xA0, s24;
	_ =	swait.ge [sflag:s16], $0x50  }
0x26f: {  	[sflag:s16] =	ssyncset.done $0x0  }
0x270: {  	[sflag:s16] =	ssyncadd.s32 $0xFFFFFFB0  }
0x271: {  	_ =	swait.ge [sflag:s16], $0x50  }
0x272: {  	[sflag:s16] =	ssyncset.done $0x0  }
0x273: {  	[sflag:s16] =	ssyncadd.s32 $0xFFFFFFB0  }
0x274: {  	[tilespmem:s17], [sflag:$0x2] =	stream.indirect.gather [hbm4b:s20+s13], $0x80, s14, s13, $0xb8;
	[tilespmem:$0x19200] =	vst v63  }
0x275: {  	_ =	swait.ge [sflag:s18], $0x2800  }
0x276: {  	[sflag:s18] =	ssyncset.done $0x0  }
0x277: {  	s28 =	sadd.s32 s28, s0;
	[sflag:s18] =	ssyncadd.s32 $0xFFFFD800  }
0x278: {  	[spmem:s29] =	stream.indirect.scatter.add.f32 [tilespmem:s8], [sflag:$0x5], $0x80, s11, s13, $0xb8;
	[tilespmem:$0x19200] =	vst v63  }
0x279: {  	s30 =	sadd.s32 $0x2760, s28;
	s28 =	sadd.s32 $0x27B0, s28;
	_ =	swait.ge [sflag:s9], $0x2800  }
0x27a: {  	s30 =	sshrl.u32 s30, $0x3;
	p1 =	slt.s32 s28, $0x4E1B0;
	[sflag:s9] =	ssyncset.done $0x0  }
0x27b: {  	s31 =	sadd.s32 s5, s30;
	s28 =	simm.s32 @!p1 $0x4E1B0;
	[sflag:s9] =	ssyncadd.s32 $0xFFFFD800  }
0x27c: {  	[tilespmem:s10], [sflag:$0x3] =	stream.linear.gather [hbm4b:s31+s2], $0x50, $0x38;
	[tilespmem:$0x19200] =	vst v63  }
0x27d: {  	s30 =	sadd.s32 s6, s30;
	s28 =	sshrl.u32 s28, $0x3  }
0x27e: {  	[tilespmem:s11], [sflag:$0x3] =	stream.linear.gather [hbm4b:s30+s2], $0x50, $0x38;
	[tilespmem:$0x19200] =	vst v63  }
0x27f: {  	_ =	swait.ge [sflag:s21], $0x2800  }
0x280: {  	[sflag:s21] =	ssyncset.done $0x0  }
0x281: {  	[sflag:s21] =	ssyncadd.s32 $0xFFFFD800  }
0x282: {  	[spmem:s29] =	stream.indirect.scatter.add.f32 [tilespmem:s17], [sflag:$0x5], $0x80, s15, s13, $0xb8;
	[tilespmem:$0x19200] =	vst v63  }
0x283: {  	_ =	swait.ge [sflag:s9], $0x2800  }
0x284: {  	[sflag:s9] =	ssyncset.done $0x0  }
0x285: {  	[sflag:s9] =	ssyncadd.s32 $0xFFFFD800  }
0x286: {  	_ =	swait.ge [sflag:s12], $0x50  }
0x287: {  	[sflag:s12] =	ssyncset.done $0x0  }
0x288: {  	[sflag:s12] =	ssyncadd.s32 $0xFFFFFFB0  }
0x289: {  	_ =	swait.ge [sflag:s12], $0x50  }
0x28a: {  	[sflag:s12] =	ssyncset.done $0x0  }
.Ltmp5:
0x28b: {  	[sflag:s12] =	ssyncadd.s32 $0xFFFFFFB0;
	(pc) =	sbr.rel @p0 .LBB2_12-.Ltmp5, $4  }
0x28c: {  	[tilespmem:s8], [sflag:$0x1] =	stream.indirect.gather [hbm4b:s20+s13], $0x80, s10, s13, $0xb8;
	[tilespmem:$0x19200] =	vst v63  }
0x28d: {  	s30 =	sadd.s32 s5, s28  }
0x28e: {  	[tilespmem:s14], [sflag:$0x4] =	stream.linear.gather [hbm4b:s30+s2], $0x50, $0x38;
	[tilespmem:$0x19200] =	vst v63  }
0x28f: {  	s28 =	sadd.s32 s6, s28  }
0x290: {  	[tilespmem:s15], [sflag:$0x4] =	stream.linear.gather [hbm4b:s28+s2], $0x50, $0x38;
	[tilespmem:$0x19200] =	vst v63  }
0x291: {  	_ =	swait.ge [sflag:s18], $0x2800  }
0x292: {  	[sflag:s18] =	ssyncset.done $0x0  }
0x293: {  	[sflag:s18] =	ssyncadd.s32 $0xFFFFD800  }
0x294: {  	[spmem:s29] =	stream.indirect.scatter.add.f32 [tilespmem:s8], [sflag:$0x5], $0x80, s11, s13, $0xb8;
	[tilespmem:$0x19200] =	vst v63  }
0x295: {  	_ =	swait.ge [sflag:s9], $0x2800  }
0x296: {  	[sflag:s9] =	ssyncset.done $0x0  }
0x297: {  	[sflag:s9] =	ssyncadd.s32 $0xFFFFD800  }
0x298: {  	_ =	swait.ge [sflag:s16], $0x50  }
0x299: {  	[sflag:s16] =	ssyncset.done $0x0  }
0x29a: {  	[sflag:s16] =	ssyncadd.s32 $0xFFFFFFB0  }
0x29b: {  	_ =	swait.ge [sflag:s16], $0x50  }
0x29c: {  	[sflag:s16] =	ssyncset.done $0x0  }
0x29d: {  	[sflag:s16] =	ssyncadd.s32 $0xFFFFFFB0  }
0x29e: {  	[bflag:$0x0] =	sbarrier.arrive $0xFFFF  }
0x29f: {  	s30 =	sld [smem:$0x7FC]  }
0x2a0: {  	[tilespmem:s8], [sflag:$0x1] =	stream.linear.gather [spmem:s19], $0x2800, $0x38;
	[tilespmem:$0x19200] =	vst v63  }
0x2a1: {  	_ = 	snop  }
0x2a2: {  	[tilespmem:s17], [sflag:$0x2] =	stream.linear.gather [spmem:s30], $0x2800, $0x38;
	[tilespmem:$0x19200] =	vst v63  }
0x2a3: {  	_ =	swait.ge [sflag:s18], $0x2800  }
0x2a4: {  	[sflag:s18] =	ssyncset.done $0x0  }
0x2a5: {  	s24 =	rddreg [dreg:$0x17];
	[sflag:s18] =	ssyncadd.s32 $0xFFFFD800  }
0x2a6: {  	[hbm4b:s24+s2] =	stream.linear.scatter [tilespmem:s8], [sflag:$0x3], $0x2800, $0x38;
	[tilespmem:$0x19200] =	vst v63  }
0x2a7: {  	_ =	swait.ge [sflag:s21], $0x2800  }
0x2a8: {  	[sflag:s21] =	ssyncset.done $0x0  }
0x2a9: {  	s28 =	rddreg [dreg:$0x18];
	[sflag:s21] =	ssyncadd.s32 $0xFFFFD800  }
0x2aa: {  	[hbm4b:s28+s2] =	stream.linear.scatter [tilespmem:s17], [sflag:$0x4], $0x2800, $0x38;
	[tilespmem:$0x19200] =	vst v63  }
0x2ab: {  	_ =	swait.ge [sflag:s12], $0x2800  }
0x2ac: {  	[sflag:s12] =	ssyncset.done $0x0  }
0x2ad: {  	[sflag:s12] =	ssyncadd.s32 $0xFFFFD800  }
0x2ae: {  	_ =	swait.ge [sflag:s16], $0x2800  }
0x2af: {  	s31 =	sld [smem:$0x7FD]  }
0x2b0: {  	[sflag:s16] =	ssyncset.done $0x0  }
0x2b1: {  	s28 =	sld [smem:$0x7F9];
	[sflag:s16] =	ssyncadd.s32 $0xFFFFD800  }
0x2b2: {  	[tilespmem:s8], [sflag:$0x1] =	stream.linear.gather [spmem:s31], $0x2800, $0x38;
	[tilespmem:$0x19200] =	vst v63  }
0x2b3: {  	_ = 	snop  }
0x2b4: {  	[tilespmem:s17], [sflag:$0x2] =	stream.linear.gather [spmem:s28], $0x2800, $0x38;
	[tilespmem:$0x19200] =	vst v63  }
0x2b5: {  	_ =	swait.ge [sflag:s18], $0x2800  }
0x2b6: {  	[sflag:s18] =	ssyncset.done $0x0  }
0x2b7: {  	s28 =	rddreg [dreg:$0x19];
	[sflag:s18] =	ssyncadd.s32 $0xFFFFD800  }
0x2b8: {  	[hbm4b:s28+s2] =	stream.linear.scatter [tilespmem:s8], [sflag:$0x3], $0x2800, $0x38;
	[tilespmem:$0x19200] =	vst v63  }
0x2b9: {  	_ =	swait.ge [sflag:s21], $0x2800  }
0x2ba: {  	[sflag:s21] =	ssyncset.done $0x0  }
0x2bb: {  	s28 =	rddreg [dreg:$0x1a];
	[sflag:s21] =	ssyncadd.s32 $0xFFFFD800  }
0x2bc: {  	[hbm4b:s28+s2] =	stream.linear.scatter [tilespmem:s17], [sflag:$0x4], $0x2800, $0x38;
	[tilespmem:$0x19200] =	vst v63  }
0x2bd: {  	_ =	swait.ge [sflag:s12], $0x2800  }
0x2be: {  	[sflag:s12] =	ssyncset.done $0x0  }
0x2bf: {  	[sflag:s12] =	ssyncadd.s32 $0xFFFFD800  }
0x2c0: {  	_ =	swait.ge [sflag:s16], $0x2800  }
0x2c1: {  	s28 =	sld [smem:$0x7FA]  }
0x2c2: {  	[sflag:s16] =	ssyncset.done $0x0  }
0x2c3: {  	[sflag:s16] =	ssyncadd.s32 $0xFFFFD800  }
0x2c4: {  	[tilespmem:s8], [sflag:$0x1] =	stream.linear.gather [spmem:s28], $0x2800, $0x38;
	[tilespmem:$0x19200] =	vst v63  }
0x2c5: {  	s28 =	sld [smem:$0x7FB];
	_ =	sdelay $0x2  }
0x2c6: {  	[tilespmem:s17], [sflag:$0x2] =	stream.linear.gather [spmem:s28], $0x2800, $0x38;
	[tilespmem:$0x19200] =	vst v63  }
0x2c7: {  	_ =	swait.ge [sflag:s18], $0x2800  }
0x2c8: {  	[sflag:s18] =	ssyncset.done $0x0  }
0x2c9: {  	s28 =	rddreg [dreg:$0x1b];
	[sflag:s18] =	ssyncadd.s32 $0xFFFFD800  }
0x2ca: {  	[hbm4b:s28+s2] =	stream.linear.scatter [tilespmem:s8], [sflag:$0x3], $0x2800, $0x38;
	[tilespmem:$0x19200] =	vst v63  }
0x2cb: {  	_ =	swait.ge [sflag:s21], $0x2800  }
0x2cc: {  	[sflag:s21] =	ssyncset.done $0x0  }
0x2cd: {  	s28 =	rddreg [dreg:$0x1c];
	[sflag:s21] =	ssyncadd.s32 $0xFFFFD800  }
0x2ce: {  	[hbm4b:s28+s2] =	stream.linear.scatter [tilespmem:s17], [sflag:$0x4], $0x2800, $0x38;
	[tilespmem:$0x19200] =	vst v63  }
0x2cf: {  	_ =	swait.ge [sflag:s12], $0x2800  }
0x2d0: {  	[sflag:s12] =	ssyncset.done $0x0  }
0x2d1: {  	[sflag:s12] =	ssyncadd.s32 $0xFFFFD800  }
0x2d2: {  	_ =	swait.ge [sflag:s16], $0x2800  }
0x2d3: {  	[sflag:s16] =	ssyncset.done $0x0  }
0x2d4: {  	[sflag:s16] =	ssyncadd.s32 $0xFFFFD800  }
0x2d5: {  	[tilespmem:s8], [sflag:$0x1] =	stream.linear.gather [spmem:s25], $0x2800, $0x38;
	[tilespmem:$0x19200] =	vst v63  }
0x2d6: {  	_ = 	snop  }
0x2d7: {  	[tilespmem:s17], [sflag:$0x2] =	stream.linear.gather [spmem:s7], $0x2800, $0x38;
	[tilespmem:$0x19200] =	vst v63  }
0x2d8: {  	_ =	swait.ge [sflag:s18], $0x2800  }
0x2d9: {  	[sflag:s18] =	ssyncset.done $0x0  }
0x2da: {  	s28 =	rddreg [dreg:$0x1d];
	[sflag:s18] =	ssyncadd.s32 $0xFFFFD800  }
0x2db: {  	[hbm4b:s28+s2] =	stream.linear.scatter [tilespmem:s8], [sflag:$0x3], $0x2800, $0x38;
	[tilespmem:$0x19200] =	vst v63  }
0x2dc: {  	_ =	swait.ge [sflag:s21], $0x2800  }
0x2dd: {  	[sflag:s21] =	ssyncset.done $0x0  }
0x2de: {  	s28 =	rddreg [dreg:$0x1e];
	[sflag:s21] =	ssyncadd.s32 $0xFFFFD800  }
0x2df: {  	[hbm4b:s28+s2] =	stream.linear.scatter [tilespmem:s17], [sflag:$0x4], $0x2800, $0x38;
	[tilespmem:$0x19200] =	vst v63  }
0x2e0: {  	_ =	swait.ge [sflag:s12], $0x2800  }
0x2e1: {  	[sflag:s12] =	ssyncset.done $0x0  }
0x2e2: {  	[sflag:s12] =	ssyncadd.s32 $0xFFFFD800  }
0x2e3: {  	_ =	swait.ge [sflag:s16], $0x2800  }
0x2e4: {  	s28 =	sld [smem:$0x7F8];
	_ =	sdelay $0x1  }
0x2e5: {  	s22 =	sadd.s32 $0x1, s22  }
0x2e6: {  	p0 =	sne.s32 s22, s28  }
.Ltmp6:
0x2e7: {  	_ = 	snop;
	(pc) =	sbr.rel @p0 .LBB2_1-.Ltmp6, $3  }
0x2e8: {  	[sflag:s16] =	ssyncset.done $0x0  }
0x2e9: {  	[sflag:s16] =	ssyncadd.s32 $0xFFFFD800  }
0x2ea: {  	[bflag:$0x0] =	sbarrier.arrive $0xFFFF;
	_ =	sdelay $0x1  }
0x2eb: {  	_ =	sfence.sel $0x180000  }
0x2ec: {  	[bflag:$0x0] =	sbarrier.arrive $0xFFFF  }
0x2ed: {  	_ =	strace $0x90000047  }
0x2ee: {  	s0 =	stileid.u32;
	[bflag:$0x2] =	sbarrier.arrive $0xFFFF  }
0x2ef: {  	p0 =	sne.s32 s0, $0x0;
	s0 =	rddreg [dreg:$0x6]  }
0x2f0: {  	s0 =	sadd.s32 @!p0 $0x100000, s0  }
0x2f1: {  	[sflag:s0] =	ssyncadd.tile.s32 @!p0 $0x1;
	_ =	shalt  }
.Lfunc_end2:
_tile_overlayer_lowered:
.L_overlay_start_2:
0x2f2: {  	(tag) =	ssettag $0x2  }
0x2f3: {  	s0 =	rddreg [dreg:$0x0];
	s2 =	stileid.u32  }
0x2f4: {  	s1 =	rddreg [dreg:$0x1];
	p0 =	sne.s32 s2, $0x0  }
0x2f5: {  	s3 =	rddreg [dreg:$0x2];
	[bflag:$0x3] =	sbarrier.arrive $0xFFFF;
	s2 =	simm.s32 @!p0 $0x1C06  }
0x2f6: {  	[timem:s3], [sflag:s2] =	dma.local @!p0 [hbm:s0], s1  }
0x2f7: {  	s0 =	simm.s32 @!p0 $0x6  }
0x2f8: {  	_ =	swait.ge @!p0 [sflag:s0], s1  }
0x2f9: {  	s1 =	ssub.s32 @!p0 $0x0, s1;
	[sflag:s0] =	ssyncset.done @!p0 $0x0  }
0x2fa: {  	[sflag:s0] =	ssyncadd.s32 @!p0 s1  }
0x2fb: {  	[bflag:$0x3] =	sbarrier.arrive $0xFFFF  }
0x2fc: {  	_ =	shalt  }

</sc_bundles>
